<compile_context>
chip_gen: v7x
topology: tpu7x:2x2x1
jax: 0.10.2.dev20260603
libtpu: 0.0.44.dev20260713+nightly
codegen_flags: <defaults>
</compile_context>

<pallas_src>
import functools

import jax
import jax.numpy as jnp
from jax import lax
from jax.experimental import pallas as pl
from jax.experimental.pallas import tpu as pltpu
from jax.experimental.pallas import tpu_sc as plsc

N = 10000
D = 128
H = 64
C = 10
G = 64
E = 320000

NCORE = 2
NSUB = 16
NW = NCORE * NSUB
CHUNK = 128
NCHUNK = 80
EW = NCHUNK * CHUNK
EP = EW * NW
NCHUNK0 = 80
NCHUNK1 = 80
NCMAX = max(NCHUNK0, NCHUNK1)
NROWS_STAGE = EP // CHUNK
NACC = 10112
RPS = NACC // NSUB
DEGW = 16
DEGWAVE = 8
NBUF = 4
HALF = H // 2

BLK = 1000
NBLK = N // BLK



def _sc_degree(dst_rows, ones_rows, zeros_deg):
    mesh = plsc.VectorSubcoreMesh(core_axis_name="c", subcore_axis_name="s")

    @functools.partial(
        pl.kernel,
        mesh=mesh,
        out_type=jax.ShapeDtypeStruct((NCORE * NACC, DEGW), jnp.float32),
        compiler_params=pltpu.CompilerParams(use_tc_tiling_on_sc=False),
        scratch_types=[
            pltpu.VMEM((NCHUNK, CHUNK), jnp.int32),
            pltpu.VMEM((CHUNK, DEGW), jnp.float32),
            pltpu.SemaphoreType.DMA,
            pltpu.VMEM_SHARED((NACC, DEGW), jnp.float32),
        ],
    )
    def k(dst_hbm, ones_hbm, zeros_hbm, out_hbm, dst_v, ones_v, dsem, acc):
        c = lax.axis_index("c")
        s = lax.axis_index("s")
        w = c * NSUB + s
        pltpu.sync_copy(zeros_hbm.at[pl.ds(s * RPS, RPS)],
                        acc.at[pl.ds(s * RPS, RPS)])
        pltpu.sync_copy(dst_hbm.at[pl.ds(w * NCHUNK, NCHUNK)], dst_v)
        pltpu.sync_copy(ones_hbm, ones_v)
        plsc.subcore_barrier()

        def body(wv, carry):
            j0 = wv * DEGWAVE
            for t in range(DEGWAVE):
                pltpu.async_copy(ones_v, acc.at[dst_v.at[j0 + t]], dsem,
                                 add=True)

            @pl.when(wv >= 1)
            def _drain_prev():
                for t in range(DEGWAVE):
                    pltpu.make_async_copy(
                        ones_v, acc.at[dst_v.at[j0 - DEGWAVE + t]],
                        dsem).wait()
            return carry

        lax.fori_loop(0, NCHUNK // DEGWAVE, body, 0)
        for t in range(DEGWAVE):
            pltpu.make_async_copy(
                ones_v, acc.at[dst_v.at[NCHUNK - DEGWAVE + t]], dsem).wait()
        plsc.subcore_barrier()
        pltpu.sync_copy(acc.at[pl.ds(s * RPS, RPS)],
                        out_hbm.at[pl.ds(c * NACC + s * RPS, RPS)])

    return k(dst_rows, ones_rows, zeros_deg)


def _sc_aggregate(g, src_rows, dst_rows):
    mesh = plsc.VectorSubcoreMesh(core_axis_name="c", subcore_axis_name="s")

    @functools.partial(
        pl.kernel,
        mesh=mesh,
        out_type=jax.ShapeDtypeStruct((NCORE * NACC, H), jnp.float32),
        compiler_params=pltpu.CompilerParams(use_tc_tiling_on_sc=False),
        scratch_types=[
            pltpu.VMEM((NCMAX, CHUNK), jnp.int32),
            pltpu.VMEM((NCMAX, CHUNK), jnp.int32),
            [pltpu.VMEM((CHUNK, HALF), jnp.float32) for _ in range(NBUF)],
            [pltpu.SemaphoreType.DMA for _ in range(NBUF)],
            [pltpu.SemaphoreType.DMA for _ in range(NBUF)],
            pltpu.VMEM_SHARED((NACC, HALF), jnp.float32),
            pltpu.VMEM_SHARED((N, HALF), jnp.float32),
        ],
    )
    def k(g_hbm, src_hbm, dst_hbm, out_hbm,
          src_v, dst_v, rows, sems, scsems, acc, g_spm):
        c = lax.axis_index("c")
        s = lax.axis_index("s")
        off = c * (NCHUNK0 * NSUB) + s * jnp.where(c == 0, NCHUNK0, NCHUNK1)
        nc = jnp.where(c == 0, NCHUNK0, NCHUNK1)
        pltpu.sync_copy(src_hbm.at[pl.ds(off, NCMAX)], src_v)
        pltpu.sync_copy(dst_hbm.at[pl.ds(off, NCMAX)], dst_v)

        for ph in range(2):
            if ph:
                plsc.subcore_barrier()

            @pl.when(s == 0)
            def _seed_acc():
                pltpu.sync_copy(g_hbm.at[pl.ds(0, N), pl.ds(ph * HALF, HALF)],
                                acc.at[pl.ds(0, N)])

            @pl.when(s == 1)
            def _stage_table():
                pltpu.sync_copy(g_hbm.at[pl.ds(0, N), pl.ds(ph * HALF, HALF)],
                                g_spm)

            plsc.subcore_barrier()
            for b in range(NBUF - 1):
                pltpu.async_copy(g_spm.at[src_v.at[b]], rows[b], sems[b])

            def body(q, carry):
                j = q * NBUF
                for b in range(NBUF):
                    jb = j + b
                    pltpu.make_async_copy(g_spm.at[src_v.at[jb]], rows[b],
                                          sems[b]).wait()
                    pltpu.async_copy(rows[b], acc.at[dst_v.at[jb]],
                                     scsems[b], add=True)
                    nxt = jb + NBUF - 1
                    bn = (b + NBUF - 1) % NBUF

                    @pl.when(nxt < nc)
                    def _prefetch():
                        @pl.when(jb >= 1)
                        def _drain_prev():
                            pltpu.make_async_copy(
                                rows[bn], acc.at[dst_v.at[jb - 1]],
                                scsems[bn]).wait()

                        pltpu.async_copy(g_spm.at[src_v.at[nxt]], rows[bn],
                                         sems[bn])
                return carry

            lax.fori_loop(0, nc // NBUF, body, 0)
            for t in range(NBUF):
                pltpu.make_async_copy(rows[t],
                                      acc.at[dst_v.at[nc - NBUF + t]],
                                      scsems[t]).wait()
            plsc.subcore_barrier()
            pltpu.sync_copy(acc.at[pl.ds(s * RPS, RPS)],
                            out_hbm.at[pl.ds(c * NACC + s * RPS, RPS),
                                       pl.ds(ph * HALF, HALF)])

    return k(g, src_rows, dst_rows)



def _dinv(d0_ref, d1_ref):
    return lax.rsqrt(d0_ref[:, 0:1] + d1_ref[:, 0:1] + 1.0)


def _s1_body(x_ref, d0_ref, d1_ref, w1_ref, g1_ref):
    h = jnp.dot(x_ref[...], w1_ref[...], preferred_element_type=jnp.float32)
    g1_ref[...] = h * _dinv(d0_ref, d1_ref)


def _tc_stage1(x, d0, d1, W1):
    return pl.pallas_call(
        _s1_body,
        grid=(NBLK,),
        in_specs=[
            pl.BlockSpec((BLK, D), lambda i: (i, 0)),
            pl.BlockSpec((BLK, DEGW), lambda i: (i, 0)),
            pl.BlockSpec((BLK, DEGW), lambda i: (i, 0)),
            pl.BlockSpec((D, H), lambda i: (0, 0)),
        ],
        out_specs=pl.BlockSpec((BLK, H), lambda i: (i, 0)),
        out_shape=jax.ShapeDtypeStruct((N, H), jnp.float32),
    )(x, d0, d1, W1)


def _s2_body(p0_ref, p1_ref, g1_ref, d0_ref, d1_ref, w2_ref, b1_ref, g2_ref):
    dinv = _dinv(d0_ref, d1_ref)
    h = dinv * (p0_ref[...] + p1_ref[...] - g1_ref[...]) + b1_ref[...]
    h = jnp.maximum(h, 0.0)
    g2 = jnp.dot(h, w2_ref[...], preferred_element_type=jnp.float32)
    g2_ref[...] = g2 * dinv


def _tc_stage2(p0, p1, g1, d0, d1, W2, b1):
    return pl.pallas_call(
        _s2_body,
        grid=(NBLK,),
        in_specs=[
            pl.BlockSpec((BLK, H), lambda i: (i, 0)),
            pl.BlockSpec((BLK, H), lambda i: (i, 0)),
            pl.BlockSpec((BLK, H), lambda i: (i, 0)),
            pl.BlockSpec((BLK, DEGW), lambda i: (i, 0)),
            pl.BlockSpec((BLK, DEGW), lambda i: (i, 0)),
            pl.BlockSpec((H, H), lambda i: (0, 0)),
            pl.BlockSpec((1, H), lambda i: (0, 0)),
        ],
        out_specs=pl.BlockSpec((BLK, H), lambda i: (i, 0)),
        out_shape=jax.ShapeDtypeStruct((N, H), jnp.float32),
    )(p0, p1, g1, d0, d1, W2, b1)


def _s3_body(q0_ref, q1_ref, g2_ref, d0_ref, d1_ref, b2_ref, batch_ref,
             wfc_ref, bfc_ref, out_ref, sums, counts):
    i = pl.program_id(0)

    @pl.when(i == 0)
    def _init():
        sums[...] = jnp.zeros_like(sums)
        counts[...] = jnp.zeros_like(counts)

    dinv = _dinv(d0_ref, d1_ref)
    h = dinv * (q0_ref[...] + q1_ref[...] - g2_ref[...]) + b2_ref[...]
    h = jnp.maximum(h, 0.0)
    b = batch_ref[0]
    gid = lax.broadcasted_iota(jnp.int32, (G, BLK), 0)
    onehot = jnp.where(gid == b, 1.0, 0.0)
    sums[...] += jnp.dot(onehot, h, preferred_element_type=jnp.float32)
    counts[...] += jnp.broadcast_to(
        jnp.sum(onehot, axis=1, keepdims=True), (G, 128))

    @pl.when(i == NBLK - 1)
    def _fin():
        cnt = counts[:, 0:1]
        pooled = sums[...] / jnp.maximum(cnt, 1.0)
        logits = jnp.dot(pooled, wfc_ref[...],
                         preferred_element_type=jnp.float32) + bfc_ref[...]
        m = jnp.max(logits, axis=1, keepdims=True)
        z = logits - m
        lse = jnp.log(jnp.sum(jnp.exp(z), axis=1, keepdims=True))
        out_ref[...] = z - lse


def _tc_stage3(q0, q1, g2, d0, d1, b2, batch_r, Wfc, bfc):
    return pl.pallas_call(
        _s3_body,
        grid=(NBLK,),
        in_specs=[
            pl.BlockSpec((BLK, H), lambda i: (i, 0)),
            pl.BlockSpec((BLK, H), lambda i: (i, 0)),
            pl.BlockSpec((BLK, H), lambda i: (i, 0)),
            pl.BlockSpec((BLK, DEGW), lambda i: (i, 0)),
            pl.BlockSpec((BLK, DEGW), lambda i: (i, 0)),
            pl.BlockSpec((1, H), lambda i: (0, 0)),
            pl.BlockSpec((1, 1, BLK), lambda i: (i, 0, 0)),
            pl.BlockSpec((H, C), lambda i: (0, 0)),
            pl.BlockSpec((1, C), lambda i: (0, 0)),
        ],
        out_specs=pl.BlockSpec((G, C), lambda i: (0, 0)),
        out_shape=jax.ShapeDtypeStruct((G, C), jnp.float32),
        scratch_shapes=[
            pltpu.VMEM((G, H), jnp.float32),
            pltpu.VMEM((G, 128), jnp.float32),
        ],
    )(q0, q1, g2, d0, d1, b2, batch_r, Wfc, bfc)



def kernel(x, edge_index, batch, W1, b1, W2, b2, Wfc, bfc):
    src = edge_index[0]
    dst = edge_index[1]
    pad = NROWS_STAGE * CHUNK - E
    src_p = jnp.concatenate(
        [src, jnp.zeros((pad,), jnp.int32)]).reshape(NROWS_STAGE, CHUNK)
    dst_p = jnp.concatenate(
        [dst, jnp.full((pad,), N, jnp.int32)]).reshape(NROWS_STAGE, CHUNK)
    ones_deg = jnp.ones((CHUNK, DEGW), jnp.float32)
    zeros_deg = jnp.zeros((NACC, DEGW), jnp.float32)

    deg2 = _sc_degree(dst_p, ones_deg, zeros_deg)
    d0 = deg2[:N]
    d1 = deg2[NACC:NACC + N]

    g1 = _tc_stage1(x, d0, d1, W1)
    agg1 = _sc_aggregate(g1, src_p, dst_p)
    g2 = _tc_stage2(agg1[:N], agg1[NACC:NACC + N], g1, d0, d1,
                    W2, b1.reshape(1, H))
    agg2 = _sc_aggregate(g2, src_p, dst_p)

    batch_r = batch.reshape(NBLK, 1, BLK)
    return _tc_stage3(agg2[:N], agg2[NACC:NACC + N], g2, d0, d1,
                      b2.reshape(1, H), batch_r, Wfc, bfc.reshape(1, C))

# --- scband reference (transcript-rebuilt; emitter-appended) ---
"""Pipeline reference for scband-gcn-36378372997641 (READ-ONLY COPY).

The authoritative reference and input builder live on the scoring server;
editing this copy changes nothing except your own understanding.
"""

import jax, jax.numpy as jnp
import numpy as np

N = 10000
E = 320000
D = 128
H = 64
C = 10
G = 64


def setup_inputs(seed: int = 0) -> dict:
    key = jax.random.key(seed)
    ks = jax.random.split(key, 9)
    x = jax.random.normal(ks[0], (N, D), dtype=jnp.float32)
    edge_index = jax.random.randint(ks[1], (2, E), 0, N, dtype=jnp.int32)
    batch = jnp.sort(jax.random.randint(ks[2], (N,), 0, G, dtype=jnp.int32))
    W1 = jax.random.normal(ks[3], (D, H), dtype=jnp.float32) * (1.0 / np.sqrt(D))
    b1 = jnp.zeros((H,), dtype=jnp.float32)
    W2 = jax.random.normal(ks[4], (H, H), dtype=jnp.float32) * (1.0 / np.sqrt(H))
    b2 = jnp.zeros((H,), dtype=jnp.float32)
    Wfc = jax.random.normal(ks[5], (H, C), dtype=jnp.float32) * (1.0 / np.sqrt(H))
    bfc = jnp.zeros((C,), dtype=jnp.float32)
    return {"x": x, "edge_index": edge_index, "batch": batch,
            "W1": W1, "b1": b1, "W2": W2, "b2": b2, "Wfc": Wfc, "bfc": bfc}


def _gcn_conv(x, edge_index, W, b):
    # GCNConv: add self-loops, linear transform, symmetric deg^-1/2 normalization, scatter-add
    h = x @ W
    src = edge_index[0]
    dst = edge_index[1]
    loop = jnp.arange(N, dtype=src.dtype)
    src = jnp.concatenate([src, loop])
    dst = jnp.concatenate([dst, loop])
    deg = jnp.zeros((N,), dtype=x.dtype).at[dst].add(1.0)
    dinv = 1.0 / jnp.sqrt(jnp.maximum(deg, 1.0))
    norm = dinv[src] * dinv[dst]
    msg = h[src] * norm[:, None]
    out = jnp.zeros((N, h.shape[1]), dtype=x.dtype).at[dst].add(msg)
    return out + b


def reference(x, edge_index, batch, W1, b1, W2, b2, Wfc, bfc):
    h = jax.nn.relu(_gcn_conv(x, edge_index, W1, b1))
    h = jax.nn.relu(_gcn_conv(h, edge_index, W2, b2))
    sums = jax.ops.segment_sum(h, batch, num_segments=G)
    counts = jax.ops.segment_sum(jnp.ones((N, 1), dtype=h.dtype), batch, num_segments=G)
    pooled = sums / jnp.maximum(counts, 1.0)
    logits = pooled @ Wfc + bfc
    return jax.nn.log_softmax(logits, axis=1)

if __name__ == "__main__":
    import jax
    _d = setup_inputs()
    print(jax.jit(kernel)(*tuple(_d.values())))

</pallas_src>

<mosaic_0001>
#map = affine_map<(d0, d1) -> (0, 0)>
module attributes {stable_mosaic.version = 14 : i64} {
  func.func @k(%arg0: i32, %arg1: i32, %arg2: memref<2560x128xi32, #tpu.memory_space<hbm>>, %arg3: memref<128x16xf32, #tpu.memory_space<hbm>>, %arg4: memref<10112x16xf32, #tpu.memory_space<hbm>>, %arg5: memref<20224x16xf32, #tpu.memory_space<hbm>>, %arg6: memref<80x128xi32, #tpu.memory_space<vmem>>, %arg7: memref<128x16xf32, #tpu.memory_space<vmem>>, %arg8: memref<!tpu.dma_semaphore, #tpu.memory_space<semaphore_mem>>, %arg9: memref<10112x16xf32, #tpu.memory_space<vmem_shared>>) attributes {dimension_semantics = [#tpu.dimension_semantics<core_parallel>, #tpu.dimension_semantics<subcore_parallel>], iteration_bounds = array<i64: 2, 16>, scalar_prefetch = 0 : i64, scratch_operands = 4 : i64, tpu.core_type = #tpu.core_type<sc_vector_subcore>, window_params = [{transform_indices = #map}, {transform_indices = #map}, {transform_indices = #map}, {transform_indices = #map}]} {
    %mul3A = arith.constant 16 : i32
    %mul3A_0 = arith.muli %arg0, %mul3A : i32
    %add3A = arith.addi %mul3A_0, %arg1 : i32
    %mul3A_1 = arith.constant 632 : i32
    %mul3A_2 = arith.muli %arg1, %mul3A_1 : i32
    %mul3A_3 = arith.constant 632 : i32
    %mul3A_4 = arith.muli %arg1, %mul3A_3 : i32
    "tpu.region"() ({
      %run_scoped3A = tpu.sem_alloc : memref<!tpu.dma_semaphore, #tpu.memory_space<semaphore_mem>>
      %dma_start3A = arith.constant 0 : i32
      %dma_start3A_75 = tpu.memref_slice %arg9[%mul3A_4, %dma_start3A] : memref<10112x16xf32, #tpu.memory_space<vmem_shared>> -> memref<632x16xf32, #tpu.memory_space<vmem_shared>>
      %dma_start3A_76 = arith.constant 0 : i32
      %dma_start3A_77 = tpu.memref_slice %arg4[%mul3A_2, %dma_start3A_76] : memref<10112x16xf32, #tpu.memory_space<hbm>> -> memref<632x16xf32, #tpu.memory_space<hbm>>
      tpu.enqueue_dma source(%dma_start3A_77 : memref<632x16xf32, #tpu.memory_space<hbm>>) target(%dma_start3A_75 : memref<632x16xf32, #tpu.memory_space<vmem_shared>>) target_semaphore(%run_scoped3A : memref<!tpu.dma_semaphore, #tpu.memory_space<semaphore_mem>>)
      %dma_wait3A_78 = arith.constant 0 : i32
      %dma_wait3A_79 = tpu.memref_slice %arg9[%mul3A_4, %dma_wait3A_78] : memref<10112x16xf32, #tpu.memory_space<vmem_shared>> -> memref<632x16xf32, #tpu.memory_space<vmem_shared>>
      %dma_wait3A_80 = arith.constant 0 : i32
      %dma_wait3A_81 = tpu.memref_slice %arg4[%mul3A_2, %dma_wait3A_80] : memref<10112x16xf32, #tpu.memory_space<hbm>> -> memref<632x16xf32, #tpu.memory_space<hbm>>
      tpu.wait_dma2 semaphore(%run_scoped3A : memref<!tpu.dma_semaphore, #tpu.memory_space<semaphore_mem>>) src(%dma_wait3A_81 : memref<632x16xf32, #tpu.memory_space<hbm>>) dst(%dma_wait3A_79 : memref<632x16xf32, #tpu.memory_space<vmem_shared>>)
      tpu.yield
    }) : () -> ()
    %mul3A_5 = arith.constant 80 : i32
    %mul3A_6 = arith.muli %add3A, %mul3A_5 : i32
    "tpu.region"() ({
      %run_scoped3A = tpu.sem_alloc : memref<!tpu.dma_semaphore, #tpu.memory_space<semaphore_mem>>
      %dma_start3A = arith.constant 0 : i32
      %dma_start3A_75 = tpu.memref_slice %arg2[%mul3A_6, %dma_start3A] : memref<2560x128xi32, #tpu.memory_space<hbm>> -> memref<80x128xi32, #tpu.memory_space<hbm>>
      %dma_start3A_76 = arith.constant 0 : i32
      %dma_start3A_77 = tpu.memref_slice %arg2[%mul3A_6, %dma_start3A_76] : memref<2560x128xi32, #tpu.memory_space<hbm>> -> memref<80x128xi32, #tpu.memory_space<hbm>>
      tpu.enqueue_dma source(%dma_start3A_77 : memref<80x128xi32, #tpu.memory_space<hbm>>) target(%arg6 : memref<80x128xi32, #tpu.memory_space<vmem>>) target_semaphore(%run_scoped3A : memref<!tpu.dma_semaphore, #tpu.memory_space<semaphore_mem>>)
      %dma_wait3A_78 = arith.constant 0 : i32
      %dma_wait3A_79 = tpu.memref_slice %arg2[%mul3A_6, %dma_wait3A_78] : memref<2560x128xi32, #tpu.memory_space<hbm>> -> memref<80x128xi32, #tpu.memory_space<hbm>>
      %dma_wait3A_80 = arith.constant 0 : i32
      %dma_wait3A_81 = tpu.memref_slice %arg2[%mul3A_6, %dma_wait3A_80] : memref<2560x128xi32, #tpu.memory_space<hbm>> -> memref<80x128xi32, #tpu.memory_space<hbm>>
      tpu.wait_dma2 semaphore(%run_scoped3A : memref<!tpu.dma_semaphore, #tpu.memory_space<semaphore_mem>>) src(%dma_wait3A_81 : memref<80x128xi32, #tpu.memory_space<hbm>>) dst(%arg6 : memref<80x128xi32, #tpu.memory_space<vmem>>)
      tpu.yield
    }) : () -> ()
    "tpu.region"() ({
      %run_scoped3A = tpu.sem_alloc : memref<!tpu.dma_semaphore, #tpu.memory_space<semaphore_mem>>
      tpu.enqueue_dma source(%arg3 : memref<128x16xf32, #tpu.memory_space<hbm>>) target(%arg7 : memref<128x16xf32, #tpu.memory_space<vmem>>) target_semaphore(%run_scoped3A : memref<!tpu.dma_semaphore, #tpu.memory_space<semaphore_mem>>)
      tpu.wait_dma2 semaphore(%run_scoped3A : memref<!tpu.dma_semaphore, #tpu.memory_space<semaphore_mem>>) src(%arg3 : memref<128x16xf32, #tpu.memory_space<hbm>>) dst(%arg7 : memref<128x16xf32, #tpu.memory_space<vmem>>)
      tpu.yield
    }) : () -> ()
    %barrier3A = arith.constant 0 : index
    tpu.barrier barrier_id(%barrier3A)
    %scan3A = arith.constant 0 : i32
    %scan3A_7 = arith.constant 0 : i32
    %scan3A_8 = arith.constant 10 : i32
    %scan3A_9 = arith.addi %scan3A_7, %scan3A_8 : i32
    %scan3A_10 = arith.constant 1 : i32
    scf.for %scan3A_75 = %scan3A_7 to %scan3A_9 step %scan3A_10  : i32 {
      %mul3A_76 = arith.constant 8 : i32
      %mul3A_77 = arith.muli %scan3A_75, %mul3A_76 : i32
      %add3A_78 = arith.constant 0 : i32
      %add3A_79 = arith.addi %mul3A_77, %add3A_78 : i32
      %dma_start3A = arith.constant 0 : i32
      %dma_start3A_80 = tpu.memref_slice %arg6[%add3A_79, %dma_start3A] : memref<80x128xi32, #tpu.memory_space<vmem>> -> memref<1x128xi32, #tpu.memory_space<vmem>>
      %dma_start3A_81 = tpu.memref_squeeze %dma_start3A_80 : memref<1x128xi32, #tpu.memory_space<vmem>> -> memref<128xi32, #tpu.memory_space<vmem>>
      %dma_start3A_82 = arith.constant 0 : i32
      %dma_start3A_83 = arith.constant 0 : i32
      %dma_start3A_84 = tpu.memref_slice %arg9[%dma_start3A_82, %dma_start3A_83] : memref<10112x16xf32, #tpu.memory_space<vmem_shared>> -> memref<10112x16xf32, #tpu.memory_space<vmem_shared>>
      tpu.enqueue_indirect_dma source(%arg7 : memref<128x16xf32, #tpu.memory_space<vmem>>) target(%dma_start3A_84 : memref<10112x16xf32, #tpu.memory_space<vmem_shared>>) offsets(%dma_start3A_81 : memref<128xi32, #tpu.memory_space<vmem>>) semaphore(%arg8 : memref<!tpu.dma_semaphore, #tpu.memory_space<semaphore_mem>>) {add = true}
      %add3A_85 = arith.constant 1 : i32
      %add3A_86 = arith.addi %mul3A_77, %add3A_85 : i32
      %dma_start3A_87 = arith.constant 0 : i32
      %dma_start3A_88 = tpu.memref_slice %arg6[%add3A_86, %dma_start3A_87] : memref<80x128xi32, #tpu.memory_space<vmem>> -> memref<1x128xi32, #tpu.memory_space<vmem>>
      %dma_start3A_89 = tpu.memref_squeeze %dma_start3A_88 : memref<1x128xi32, #tpu.memory_space<vmem>> -> memref<128xi32, #tpu.memory_space<vmem>>
      %dma_start3A_90 = arith.constant 0 : i32
      %dma_start3A_91 = arith.constant 0 : i32
      %dma_start3A_92 = tpu.memref_slice %arg9[%dma_start3A_90, %dma_start3A_91] : memref<10112x16xf32, #tpu.memory_space<vmem_shared>> -> memref<10112x16xf32, #tpu.memory_space<vmem_shared>>
      tpu.enqueue_indirect_dma source(%arg7 : memref<128x16xf32, #tpu.memory_space<vmem>>) target(%dma_start3A_92 : memref<10112x16xf32, #tpu.memory_space<vmem_shared>>) offsets(%dma_start3A_89 : memref<128xi32, #tpu.memory_space<vmem>>) semaphore(%arg8 : memref<!tpu.dma_semaphore, #tpu.memory_space<semaphore_mem>>) {add = true}
      %add3A_93 = arith.constant 2 : i32
      %add3A_94 = arith.addi %mul3A_77, %add3A_93 : i32
      %dma_start3A_95 = arith.constant 0 : i32
      %dma_start3A_96 = tpu.memref_slice %arg6[%add3A_94, %dma_start3A_95] : memref<80x128xi32, #tpu.memory_space<vmem>> -> memref<1x128xi32, #tpu.memory_space<vmem>>
      %dma_start3A_97 = tpu.memref_squeeze %dma_start3A_96 : memref<1x128xi32, #tpu.memory_space<vmem>> -> memref<128xi32, #tpu.memory_space<vmem>>
      %dma_start3A_98 = arith.constant 0 : i32
      %dma_start3A_99 = arith.constant 0 : i32
      %dma_start3A_100 = tpu.memref_slice %arg9[%dma_start3A_98, %dma_start3A_99] : memref<10112x16xf32, #tpu.memory_space<vmem_shared>> -> memref<10112x16xf32, #tpu.memory_space<vmem_shared>>
      tpu.enqueue_indirect_dma source(%arg7 : memref<128x16xf32, #tpu.memory_space<vmem>>) target(%dma_start3A_100 : memref<10112x16xf32, #tpu.memory_space<vmem_shared>>) offsets(%dma_start3A_97 : memref<128xi32, #tpu.memory_space<vmem>>) semaphore(%arg8 : memref<!tpu.dma_semaphore, #tpu.memory_space<semaphore_mem>>) {add = true}
      %add3A_101 = arith.constant 3 : i32
      %add3A_102 = arith.addi %mul3A_77, %add3A_101 : i32
      %dma_start3A_103 = arith.constant 0 : i32
      %dma_start3A_104 = tpu.memref_slice %arg6[%add3A_102, %dma_start3A_103] : memref<80x128xi32, #tpu.memory_space<vmem>> -> memref<1x128xi32, #tpu.memory_space<vmem>>
      %dma_start3A_105 = tpu.memref_squeeze %dma_start3A_104 : memref<1x128xi32, #tpu.memory_space<vmem>> -> memref<128xi32, #tpu.memory_space<vmem>>
      %dma_start3A_106 = arith.constant 0 : i32
      %dma_start3A_107 = arith.constant 0 : i32
      %dma_start3A_108 = tpu.memref_slice %arg9[%dma_start3A_106, %dma_start3A_107] : memref<10112x16xf32, #tpu.memory_space<vmem_shared>> -> memref<10112x16xf32, #tpu.memory_space<vmem_shared>>
      tpu.enqueue_indirect_dma source(%arg7 : memref<128x16xf32, #tpu.memory_space<vmem>>) target(%dma_start3A_108 : memref<10112x16xf32, #tpu.memory_space<vmem_shared>>) offsets(%dma_start3A_105 : memref<128xi32, #tpu.memory_space<vmem>>) semaphore(%arg8 : memref<!tpu.dma_semaphore, #tpu.memory_space<semaphore_mem>>) {add = true}
      %add3A_109 = arith.constant 4 : i32
      %add3A_110 = arith.addi %mul3A_77, %add3A_109 : i32
      %dma_start3A_111 = arith.constant 0 : i32
      %dma_start3A_112 = tpu.memref_slice %arg6[%add3A_110, %dma_start3A_111] : memref<80x128xi32, #tpu.memory_space<vmem>> -> memref<1x128xi32, #tpu.memory_space<vmem>>
      %dma_start3A_113 = tpu.memref_squeeze %dma_start3A_112 : memref<1x128xi32, #tpu.memory_space<vmem>> -> memref<128xi32, #tpu.memory_space<vmem>>
      %dma_start3A_114 = arith.constant 0 : i32
      %dma_start3A_115 = arith.constant 0 : i32
      %dma_start3A_116 = tpu.memref_slice %arg9[%dma_start3A_114, %dma_start3A_115] : memref<10112x16xf32, #tpu.memory_space<vmem_shared>> -> memref<10112x16xf32, #tpu.memory_space<vmem_shared>>
      tpu.enqueue_indirect_dma source(%arg7 : memref<128x16xf32, #tpu.memory_space<vmem>>) target(%dma_start3A_116 : memref<10112x16xf32, #tpu.memory_space<vmem_shared>>) offsets(%dma_start3A_113 : memref<128xi32, #tpu.memory_space<vmem>>) semaphore(%arg8 : memref<!tpu.dma_semaphore, #tpu.memory_space<semaphore_mem>>) {add = true}
      %add3A_117 = arith.constant 5 : i32
      %add3A_118 = arith.addi %mul3A_77, %add3A_117 : i32
      %dma_start3A_119 = arith.constant 0 : i32
      %dma_start3A_120 = tpu.memref_slice %arg6[%add3A_118, %dma_start3A_119] : memref<80x128xi32, #tpu.memory_space<vmem>> -> memref<1x128xi32, #tpu.memory_space<vmem>>
      %dma_start3A_121 = tpu.memref_squeeze %dma_start3A_120 : memref<1x128xi32, #tpu.memory_space<vmem>> -> memref<128xi32, #tpu.memory_space<vmem>>
      %dma_start3A_122 = arith.constant 0 : i32
      %dma_start3A_123 = arith.constant 0 : i32
      %dma_start3A_124 = tpu.memref_slice %arg9[%dma_start3A_122, %dma_start3A_123] : memref<10112x16xf32, #tpu.memory_space<vmem_shared>> -> memref<10112x16xf32, #tpu.memory_space<vmem_shared>>
      tpu.enqueue_indirect_dma source(%arg7 : memref<128x16xf32, #tpu.memory_space<vmem>>) target(%dma_start3A_124 : memref<10112x16xf32, #tpu.memory_space<vmem_shared>>) offsets(%dma_start3A_121 : memref<128xi32, #tpu.memory_space<vmem>>) semaphore(%arg8 : memref<!tpu.dma_semaphore, #tpu.memory_space<semaphore_mem>>) {add = true}
      %add3A_125 = arith.constant 6 : i32
      %add3A_126 = arith.addi %mul3A_77, %add3A_125 : i32
      %dma_start3A_127 = arith.constant 0 : i32
      %dma_start3A_128 = tpu.memref_slice %arg6[%add3A_126, %dma_start3A_127] : memref<80x128xi32, #tpu.memory_space<vmem>> -> memref<1x128xi32, #tpu.memory_space<vmem>>
      %dma_start3A_129 = tpu.memref_squeeze %dma_start3A_128 : memref<1x128xi32, #tpu.memory_space<vmem>> -> memref<128xi32, #tpu.memory_space<vmem>>
      %dma_start3A_130 = arith.constant 0 : i32
      %dma_start3A_131 = arith.constant 0 : i32
      %dma_start3A_132 = tpu.memref_slice %arg9[%dma_start3A_130, %dma_start3A_131] : memref<10112x16xf32, #tpu.memory_space<vmem_shared>> -> memref<10112x16xf32, #tpu.memory_space<vmem_shared>>
      tpu.enqueue_indirect_dma source(%arg7 : memref<128x16xf32, #tpu.memory_space<vmem>>) target(%dma_start3A_132 : memref<10112x16xf32, #tpu.memory_space<vmem_shared>>) offsets(%dma_start3A_129 : memref<128xi32, #tpu.memory_space<vmem>>) semaphore(%arg8 : memref<!tpu.dma_semaphore, #tpu.memory_space<semaphore_mem>>) {add = true}
      %add3A_133 = arith.constant 7 : i32
      %add3A_134 = arith.addi %mul3A_77, %add3A_133 : i32
      %dma_start3A_135 = arith.constant 0 : i32
      %dma_start3A_136 = tpu.memref_slice %arg6[%add3A_134, %dma_start3A_135] : memref<80x128xi32, #tpu.memory_space<vmem>> -> memref<1x128xi32, #tpu.memory_space<vmem>>
      %dma_start3A_137 = tpu.memref_squeeze %dma_start3A_136 : memref<1x128xi32, #tpu.memory_space<vmem>> -> memref<128xi32, #tpu.memory_space<vmem>>
      %dma_start3A_138 = arith.constant 0 : i32
      %dma_start3A_139 = arith.constant 0 : i32
      %dma_start3A_140 = tpu.memref_slice %arg9[%dma_start3A_138, %dma_start3A_139] : memref<10112x16xf32, #tpu.memory_space<vmem_shared>> -> memref<10112x16xf32, #tpu.memory_space<vmem_shared>>
      tpu.enqueue_indirect_dma source(%arg7 : memref<128x16xf32, #tpu.memory_space<vmem>>) target(%dma_start3A_140 : memref<10112x16xf32, #tpu.memory_space<vmem_shared>>) offsets(%dma_start3A_137 : memref<128xi32, #tpu.memory_space<vmem>>) semaphore(%arg8 : memref<!tpu.dma_semaphore, #tpu.memory_space<semaphore_mem>>) {add = true}
      %ge3A = arith.constant 1 : i32
      %ge3A_141 = arith.cmpi sge, %scan3A_75, %ge3A : i32
      %convert_element_type3A = arith.extui %ge3A_141 : i1 to i32
      %cond3A = arith.constant 0 : i32
      %cond3A_142 = arith.cmpi ne, %convert_element_type3A, %cond3A : i32
      scf.if %cond3A_142 {
        %sub3A = arith.constant 8 : i32
        %sub3A_143 = arith.subi %mul3A_77, %sub3A : i32
        %add3A_144 = arith.constant 0 : i32
        %add3A_145 = arith.addi %sub3A_143, %add3A_144 : i32
        %dma_wait3A_146 = arith.constant 0 : i32
        %dma_wait3A_147 = tpu.memref_slice %arg6[%add3A_145, %dma_wait3A_146] : memref<80x128xi32, #tpu.memory_space<vmem>> -> memref<1x128xi32, #tpu.memory_space<vmem>>
        %dma_wait3A_148 = tpu.memref_squeeze %dma_wait3A_147 : memref<1x128xi32, #tpu.memory_space<vmem>> -> memref<128xi32, #tpu.memory_space<vmem>>
        %dma_wait3A_149 = arith.constant 0 : i32
        %dma_wait3A_150 = arith.constant 0 : i32
        %dma_wait3A_151 = tpu.memref_slice %arg9[%dma_wait3A_149, %dma_wait3A_150] : memref<10112x16xf32, #tpu.memory_space<vmem_shared>> -> memref<10112x16xf32, #tpu.memory_space<vmem_shared>>
        tpu.wait_indirect_dma semaphore(%arg8 : memref<!tpu.dma_semaphore, #tpu.memory_space<semaphore_mem>>) src(%arg7 : memref<128x16xf32, #tpu.memory_space<vmem>>) dst(%dma_wait3A_151 : memref<10112x16xf32, #tpu.memory_space<vmem_shared>>)
        %sub3A_152 = arith.constant 8 : i32
        %sub3A_153 = arith.subi %mul3A_77, %sub3A_152 : i32
        %add3A_154 = arith.constant 1 : i32
        %add3A_155 = arith.addi %sub3A_153, %add3A_154 : i32
        %dma_wait3A_156 = arith.constant 0 : i32
        %dma_wait3A_157 = tpu.memref_slice %arg6[%add3A_155, %dma_wait3A_156] : memref<80x128xi32, #tpu.memory_space<vmem>> -> memref<1x128xi32, #tpu.memory_space<vmem>>
        %dma_wait3A_158 = tpu.memref_squeeze %dma_wait3A_157 : memref<1x128xi32, #tpu.memory_space<vmem>> -> memref<128xi32, #tpu.memory_space<vmem>>
        %dma_wait3A_159 = arith.constant 0 : i32
        %dma_wait3A_160 = arith.constant 0 : i32
        %dma_wait3A_161 = tpu.memref_slice %arg9[%dma_wait3A_159, %dma_wait3A_160] : memref<10112x16xf32, #tpu.memory_space<vmem_shared>> -> memref<10112x16xf32, #tpu.memory_space<vmem_shared>>
        tpu.wait_indirect_dma semaphore(%arg8 : memref<!tpu.dma_semaphore, #tpu.memory_space<semaphore_mem>>) src(%arg7 : memref<128x16xf32, #tpu.memory_space<vmem>>) dst(%dma_wait3A_161 : memref<10112x16xf32, #tpu.memory_space<vmem_shared>>)
        %sub3A_162 = arith.constant 8 : i32
        %sub3A_163 = arith.subi %mul3A_77, %sub3A_162 : i32
        %add3A_164 = arith.constant 2 : i32
        %add3A_165 = arith.addi %sub3A_163, %add3A_164 : i32
        %dma_wait3A_166 = arith.constant 0 : i32
        %dma_wait3A_167 = tpu.memref_slice %arg6[%add3A_165, %dma_wait3A_166] : memref<80x128xi32, #tpu.memory_space<vmem>> -> memref<1x128xi32, #tpu.memory_space<vmem>>
        %dma_wait3A_168 = tpu.memref_squeeze %dma_wait3A_167 : memref<1x128xi32, #tpu.memory_space<vmem>> -> memref<128xi32, #tpu.memory_space<vmem>>
        %dma_wait3A_169 = arith.constant 0 : i32
        %dma_wait3A_170 = arith.constant 0 : i32
        %dma_wait3A_171 = tpu.memref_slice %arg9[%dma_wait3A_169, %dma_wait3A_170] : memref<10112x16xf32, #tpu.memory_space<vmem_shared>> -> memref<10112x16xf32, #tpu.memory_space<vmem_shared>>
        tpu.wait_indirect_dma semaphore(%arg8 : memref<!tpu.dma_semaphore, #tpu.memory_space<semaphore_mem>>) src(%arg7 : memref<128x16xf32, #tpu.memory_space<vmem>>) dst(%dma_wait3A_171 : memref<10112x16xf32, #tpu.memory_space<vmem_shared>>)
        %sub3A_172 = arith.constant 8 : i32
        %sub3A_173 = arith.subi %mul3A_77, %sub3A_172 : i32
        %add3A_174 = arith.constant 3 : i32
        %add3A_175 = arith.addi %sub3A_173, %add3A_174 : i32
        %dma_wait3A_176 = arith.constant 0 : i32
        %dma_wait3A_177 = tpu.memref_slice %arg6[%add3A_175, %dma_wait3A_176] : memref<80x128xi32, #tpu.memory_space<vmem>> -> memref<1x128xi32, #tpu.memory_space<vmem>>
        %dma_wait3A_178 = tpu.memref_squeeze %dma_wait3A_177 : memref<1x128xi32, #tpu.memory_space<vmem>> -> memref<128xi32, #tpu.memory_space<vmem>>
        %dma_wait3A_179 = arith.constant 0 : i32
        %dma_wait3A_180 = arith.constant 0 : i32
        %dma_wait3A_181 = tpu.memref_slice %arg9[%dma_wait3A_179, %dma_wait3A_180] : memref<10112x16xf32, #tpu.memory_space<vmem_shared>> -> memref<10112x16xf32, #tpu.memory_space<vmem_shared>>
        tpu.wait_indirect_dma semaphore(%arg8 : memref<!tpu.dma_semaphore, #tpu.memory_space<semaphore_mem>>) src(%arg7 : memref<128x16xf32, #tpu.memory_space<vmem>>) dst(%dma_wait3A_181 : memref<10112x16xf32, #tpu.memory_space<vmem_shared>>)
        %sub3A_182 = arith.constant 8 : i32
        %sub3A_183 = arith.subi %mul3A_77, %sub3A_182 : i32
        %add3A_184 = arith.constant 4 : i32
        %add3A_185 = arith.addi %sub3A_183, %add3A_184 : i32
        %dma_wait3A_186 = arith.constant 0 : i32
        %dma_wait3A_187 = tpu.memref_slice %arg6[%add3A_185, %dma_wait3A_186] : memref<80x128xi32, #tpu.memory_space<vmem>> -> memref<1x128xi32, #tpu.memory_space<vmem>>
        %dma_wait3A_188 = tpu.memref_squeeze %dma_wait3A_187 : memref<1x128xi32, #tpu.memory_space<vmem>> -> memref<128xi32, #tpu.memory_space<vmem>>
        %dma_wait3A_189 = arith.constant 0 : i32
        %dma_wait3A_190 = arith.constant 0 : i32
        %dma_wait3A_191 = tpu.memref_slice %arg9[%dma_wait3A_189, %dma_wait3A_190] : memref<10112x16xf32, #tpu.memory_space<vmem_shared>> -> memref<10112x16xf32, #tpu.memory_space<vmem_shared>>
        tpu.wait_indirect_dma semaphore(%arg8 : memref<!tpu.dma_semaphore, #tpu.memory_space<semaphore_mem>>) src(%arg7 : memref<128x16xf32, #tpu.memory_space<vmem>>) dst(%dma_wait3A_191 : memref<10112x16xf32, #tpu.memory_space<vmem_shared>>)
        %sub3A_192 = arith.constant 8 : i32
        %sub3A_193 = arith.subi %mul3A_77, %sub3A_192 : i32
        %add3A_194 = arith.constant 5 : i32
        %add3A_195 = arith.addi %sub3A_193, %add3A_194 : i32
        %dma_wait3A_196 = arith.constant 0 : i32
        %dma_wait3A_197 = tpu.memref_slice %arg6[%add3A_195, %dma_wait3A_196] : memref<80x128xi32, #tpu.memory_space<vmem>> -> memref<1x128xi32, #tpu.memory_space<vmem>>
        %dma_wait3A_198 = tpu.memref_squeeze %dma_wait3A_197 : memref<1x128xi32, #tpu.memory_space<vmem>> -> memref<128xi32, #tpu.memory_space<vmem>>
        %dma_wait3A_199 = arith.constant 0 : i32
        %dma_wait3A_200 = arith.constant 0 : i32
        %dma_wait3A_201 = tpu.memref_slice %arg9[%dma_wait3A_199, %dma_wait3A_200] : memref<10112x16xf32, #tpu.memory_space<vmem_shared>> -> memref<10112x16xf32, #tpu.memory_space<vmem_shared>>
        tpu.wait_indirect_dma semaphore(%arg8 : memref<!tpu.dma_semaphore, #tpu.memory_space<semaphore_mem>>) src(%arg7 : memref<128x16xf32, #tpu.memory_space<vmem>>) dst(%dma_wait3A_201 : memref<10112x16xf32, #tpu.memory_space<vmem_shared>>)
        %sub3A_202 = arith.constant 8 : i32
        %sub3A_203 = arith.subi %mul3A_77, %sub3A_202 : i32
        %add3A_204 = arith.constant 6 : i32
        %add3A_205 = arith.addi %sub3A_203, %add3A_204 : i32
        %dma_wait3A_206 = arith.constant 0 : i32
        %dma_wait3A_207 = tpu.memref_slice %arg6[%add3A_205, %dma_wait3A_206] : memref<80x128xi32, #tpu.memory_space<vmem>> -> memref<1x128xi32, #tpu.memory_space<vmem>>
        %dma_wait3A_208 = tpu.memref_squeeze %dma_wait3A_207 : memref<1x128xi32, #tpu.memory_space<vmem>> -> memref<128xi32, #tpu.memory_space<vmem>>
        %dma_wait3A_209 = arith.constant 0 : i32
        %dma_wait3A_210 = arith.constant 0 : i32
        %dma_wait3A_211 = tpu.memref_slice %arg9[%dma_wait3A_209, %dma_wait3A_210] : memref<10112x16xf32, #tpu.memory_space<vmem_shared>> -> memref<10112x16xf32, #tpu.memory_space<vmem_shared>>
        tpu.wait_indirect_dma semaphore(%arg8 : memref<!tpu.dma_semaphore, #tpu.memory_space<semaphore_mem>>) src(%arg7 : memref<128x16xf32, #tpu.memory_space<vmem>>) dst(%dma_wait3A_211 : memref<10112x16xf32, #tpu.memory_space<vmem_shared>>)
        %sub3A_212 = arith.constant 8 : i32
        %sub3A_213 = arith.subi %mul3A_77, %sub3A_212 : i32
        %add3A_214 = arith.constant 7 : i32
        %add3A_215 = arith.addi %sub3A_213, %add3A_214 : i32
        %dma_wait3A_216 = arith.constant 0 : i32
        %dma_wait3A_217 = tpu.memref_slice %arg6[%add3A_215, %dma_wait3A_216] : memref<80x128xi32, #tpu.memory_space<vmem>> -> memref<1x128xi32, #tpu.memory_space<vmem>>
        %dma_wait3A_218 = tpu.memref_squeeze %dma_wait3A_217 : memref<1x128xi32, #tpu.memory_space<vmem>> -> memref<128xi32, #tpu.memory_space<vmem>>
        %dma_wait3A_219 = arith.constant 0 : i32
        %dma_wait3A_220 = arith.constant 0 : i32
        %dma_wait3A_221 = tpu.memref_slice %arg9[%dma_wait3A_219, %dma_wait3A_220] : memref<10112x16xf32, #tpu.memory_space<vmem_shared>> -> memref<10112x16xf32, #tpu.memory_space<vmem_shared>>
        tpu.wait_indirect_dma semaphore(%arg8 : memref<!tpu.dma_semaphore, #tpu.memory_space<semaphore_mem>>) src(%arg7 : memref<128x16xf32, #tpu.memory_space<vmem>>) dst(%dma_wait3A_221 : memref<10112x16xf32, #tpu.memory_space<vmem_shared>>)
      } else {
      }
    }
    %scan3A_11 = arith.constant 10 : i32
    %dma_wait3A = arith.constant 72 : i32
    %dma_wait3A_12 = arith.constant 0 : i32
    %dma_wait3A_13 = tpu.memref_slice %arg6[%dma_wait3A, %dma_wait3A_12] : memref<80x128xi32, #tpu.memory_space<vmem>> -> memref<1x128xi32, #tpu.memory_space<vmem>>
    %dma_wait3A_14 = tpu.memref_squeeze %dma_wait3A_13 : memref<1x128xi32, #tpu.memory_space<vmem>> -> memref<128xi32, #tpu.memory_space<vmem>>
    %dma_wait3A_15 = arith.constant 0 : i32
    %dma_wait3A_16 = arith.constant 0 : i32
    %dma_wait3A_17 = tpu.memref_slice %arg9[%dma_wait3A_15, %dma_wait3A_16] : memref<10112x16xf32, #tpu.memory_space<vmem_shared>> -> memref<10112x16xf32, #tpu.memory_space<vmem_shared>>
    tpu.wait_indirect_dma semaphore(%arg8 : memref<!tpu.dma_semaphore, #tpu.memory_space<semaphore_mem>>) src(%arg7 : memref<128x16xf32, #tpu.memory_space<vmem>>) dst(%dma_wait3A_17 : memref<10112x16xf32, #tpu.memory_space<vmem_shared>>)
    %dma_wait3A_18 = arith.constant 73 : i32
    %dma_wait3A_19 = arith.constant 0 : i32
    %dma_wait3A_20 = tpu.memref_slice %arg6[%dma_wait3A_18, %dma_wait3A_19] : memref<80x128xi32, #tpu.memory_space<vmem>> -> memref<1x128xi32, #tpu.memory_space<vmem>>
    %dma_wait3A_21 = tpu.memref_squeeze %dma_wait3A_20 : memref<1x128xi32, #tpu.memory_space<vmem>> -> memref<128xi32, #tpu.memory_space<vmem>>
    %dma_wait3A_22 = arith.constant 0 : i32
    %dma_wait3A_23 = arith.constant 0 : i32
    %dma_wait3A_24 = tpu.memref_slice %arg9[%dma_wait3A_22, %dma_wait3A_23] : memref<10112x16xf32, #tpu.memory_space<vmem_shared>> -> memref<10112x16xf32, #tpu.memory_space<vmem_shared>>
    tpu.wait_indirect_dma semaphore(%arg8 : memref<!tpu.dma_semaphore, #tpu.memory_space<semaphore_mem>>) src(%arg7 : memref<128x16xf32, #tpu.memory_space<vmem>>) dst(%dma_wait3A_24 : memref<10112x16xf32, #tpu.memory_space<vmem_shared>>)
    %dma_wait3A_25 = arith.constant 74 : i32
    %dma_wait3A_26 = arith.constant 0 : i32
    %dma_wait3A_27 = tpu.memref_slice %arg6[%dma_wait3A_25, %dma_wait3A_26] : memref<80x128xi32, #tpu.memory_space<vmem>> -> memref<1x128xi32, #tpu.memory_space<vmem>>
    %dma_wait3A_28 = tpu.memref_squeeze %dma_wait3A_27 : memref<1x128xi32, #tpu.memory_space<vmem>> -> memref<128xi32, #tpu.memory_space<vmem>>
    %dma_wait3A_29 = arith.constant 0 : i32
    %dma_wait3A_30 = arith.constant 0 : i32
    %dma_wait3A_31 = tpu.memref_slice %arg9[%dma_wait3A_29, %dma_wait3A_30] : memref<10112x16xf32, #tpu.memory_space<vmem_shared>> -> memref<10112x16xf32, #tpu.memory_space<vmem_shared>>
    tpu.wait_indirect_dma semaphore(%arg8 : memref<!tpu.dma_semaphore, #tpu.memory_space<semaphore_mem>>) src(%arg7 : memref<128x16xf32, #tpu.memory_space<vmem>>) dst(%dma_wait3A_31 : memref<10112x16xf32, #tpu.memory_space<vmem_shared>>)
    %dma_wait3A_32 = arith.constant 75 : i32
    %dma_wait3A_33 = arith.constant 0 : i32
    %dma_wait3A_34 = tpu.memref_slice %arg6[%dma_wait3A_32, %dma_wait3A_33] : memref<80x128xi32, #tpu.memory_space<vmem>> -> memref<1x128xi32, #tpu.memory_space<vmem>>
    %dma_wait3A_35 = tpu.memref_squeeze %dma_wait3A_34 : memref<1x128xi32, #tpu.memory_space<vmem>> -> memref<128xi32, #tpu.memory_space<vmem>>
    %dma_wait3A_36 = arith.constant 0 : i32
    %dma_wait3A_37 = arith.constant 0 : i32
    %dma_wait3A_38 = tpu.memref_slice %arg9[%dma_wait3A_36, %dma_wait3A_37] : memref<10112x16xf32, #tpu.memory_space<vmem_shared>> -> memref<10112x16xf32, #tpu.memory_space<vmem_shared>>
    tpu.wait_indirect_dma semaphore(%arg8 : memref<!tpu.dma_semaphore, #tpu.memory_space<semaphore_mem>>) src(%arg7 : memref<128x16xf32, #tpu.memory_space<vmem>>) dst(%dma_wait3A_38 : memref<10112x16xf32, #tpu.memory_space<vmem_shared>>)
    %dma_wait3A_39 = arith.constant 76 : i32
    %dma_wait3A_40 = arith.constant 0 : i32
    %dma_wait3A_41 = tpu.memref_slice %arg6[%dma_wait3A_39, %dma_wait3A_40] : memref<80x128xi32, #tpu.memory_space<vmem>> -> memref<1x128xi32, #tpu.memory_space<vmem>>
    %dma_wait3A_42 = tpu.memref_squeeze %dma_wait3A_41 : memref<1x128xi32, #tpu.memory_space<vmem>> -> memref<128xi32, #tpu.memory_space<vmem>>
    %dma_wait3A_43 = arith.constant 0 : i32
    %dma_wait3A_44 = arith.constant 0 : i32
    %dma_wait3A_45 = tpu.memref_slice %arg9[%dma_wait3A_43, %dma_wait3A_44] : memref<10112x16xf32, #tpu.memory_space<vmem_shared>> -> memref<10112x16xf32, #tpu.memory_space<vmem_shared>>
    tpu.wait_indirect_dma semaphore(%arg8 : memref<!tpu.dma_semaphore, #tpu.memory_space<semaphore_mem>>) src(%arg7 : memref<128x16xf32, #tpu.memory_space<vmem>>) dst(%dma_wait3A_45 : memref<10112x16xf32, #tpu.memory_space<vmem_shared>>)
    %dma_wait3A_46 = arith.constant 77 : i32
    %dma_wait3A_47 = arith.constant 0 : i32
    %dma_wait3A_48 = tpu.memref_slice %arg6[%dma_wait3A_46, %dma_wait3A_47] : memref<80x128xi32, #tpu.memory_space<vmem>> -> memref<1x128xi32, #tpu.memory_space<vmem>>
    %dma_wait3A_49 = tpu.memref_squeeze %dma_wait3A_48 : memref<1x128xi32, #tpu.memory_space<vmem>> -> memref<128xi32, #tpu.memory_space<vmem>>
    %dma_wait3A_50 = arith.constant 0 : i32
    %dma_wait3A_51 = arith.constant 0 : i32
    %dma_wait3A_52 = tpu.memref_slice %arg9[%dma_wait3A_50, %dma_wait3A_51] : memref<10112x16xf32, #tpu.memory_space<vmem_shared>> -> memref<10112x16xf32, #tpu.memory_space<vmem_shared>>
    tpu.wait_indirect_dma semaphore(%arg8 : memref<!tpu.dma_semaphore, #tpu.memory_space<semaphore_mem>>) src(%arg7 : memref<128x16xf32, #tpu.memory_space<vmem>>) dst(%dma_wait3A_52 : memref<10112x16xf32, #tpu.memory_space<vmem_shared>>)
    %dma_wait3A_53 = arith.constant 78 : i32
    %dma_wait3A_54 = arith.constant 0 : i32
    %dma_wait3A_55 = tpu.memref_slice %arg6[%dma_wait3A_53, %dma_wait3A_54] : memref<80x128xi32, #tpu.memory_space<vmem>> -> memref<1x128xi32, #tpu.memory_space<vmem>>
    %dma_wait3A_56 = tpu.memref_squeeze %dma_wait3A_55 : memref<1x128xi32, #tpu.memory_space<vmem>> -> memref<128xi32, #tpu.memory_space<vmem>>
    %dma_wait3A_57 = arith.constant 0 : i32
    %dma_wait3A_58 = arith.constant 0 : i32
    %dma_wait3A_59 = tpu.memref_slice %arg9[%dma_wait3A_57, %dma_wait3A_58] : memref<10112x16xf32, #tpu.memory_space<vmem_shared>> -> memref<10112x16xf32, #tpu.memory_space<vmem_shared>>
    tpu.wait_indirect_dma semaphore(%arg8 : memref<!tpu.dma_semaphore, #tpu.memory_space<semaphore_mem>>) src(%arg7 : memref<128x16xf32, #tpu.memory_space<vmem>>) dst(%dma_wait3A_59 : memref<10112x16xf32, #tpu.memory_space<vmem_shared>>)
    %dma_wait3A_60 = arith.constant 79 : i32
    %dma_wait3A_61 = arith.constant 0 : i32
    %dma_wait3A_62 = tpu.memref_slice %arg6[%dma_wait3A_60, %dma_wait3A_61] : memref<80x128xi32, #tpu.memory_space<vmem>> -> memref<1x128xi32, #tpu.memory_space<vmem>>
    %dma_wait3A_63 = tpu.memref_squeeze %dma_wait3A_62 : memref<1x128xi32, #tpu.memory_space<vmem>> -> memref<128xi32, #tpu.memory_space<vmem>>
    %dma_wait3A_64 = arith.constant 0 : i32
    %dma_wait3A_65 = arith.constant 0 : i32
    %dma_wait3A_66 = tpu.memref_slice %arg9[%dma_wait3A_64, %dma_wait3A_65] : memref<10112x16xf32, #tpu.memory_space<vmem_shared>> -> memref<10112x16xf32, #tpu.memory_space<vmem_shared>>
    tpu.wait_indirect_dma semaphore(%arg8 : memref<!tpu.dma_semaphore, #tpu.memory_space<semaphore_mem>>) src(%arg7 : memref<128x16xf32, #tpu.memory_space<vmem>>) dst(%dma_wait3A_66 : memref<10112x16xf32, #tpu.memory_space<vmem_shared>>)
    %barrier3A_67 = arith.constant 0 : index
    tpu.barrier barrier_id(%barrier3A_67)
    %mul3A_68 = arith.constant 632 : i32
    %mul3A_69 = arith.muli %arg1, %mul3A_68 : i32
    %mul3A_70 = arith.constant 10112 : i32
    %mul3A_71 = arith.muli %arg0, %mul3A_70 : i32
    %mul3A_72 = arith.constant 632 : i32
    %mul3A_73 = arith.muli %arg1, %mul3A_72 : i32
    %add3A_74 = arith.addi %mul3A_71, %mul3A_73 : i32
    "tpu.region"() ({
      %run_scoped3A = tpu.sem_alloc : memref<!tpu.dma_semaphore, #tpu.memory_space<semaphore_mem>>
      %dma_start3A = arith.constant 0 : i32
      %dma_start3A_75 = tpu.memref_slice %arg5[%add3A_74, %dma_start3A] : memref<20224x16xf32, #tpu.memory_space<hbm>> -> memref<632x16xf32, #tpu.memory_space<hbm>>
      %dma_start3A_76 = arith.constant 0 : i32
      %dma_start3A_77 = tpu.memref_slice %arg9[%mul3A_69, %dma_start3A_76] : memref<10112x16xf32, #tpu.memory_space<vmem_shared>> -> memref<632x16xf32, #tpu.memory_space<vmem_shared>>
      tpu.enqueue_dma source(%dma_start3A_77 : memref<632x16xf32, #tpu.memory_space<vmem_shared>>) target(%dma_start3A_75 : memref<632x16xf32, #tpu.memory_space<hbm>>) target_semaphore(%run_scoped3A : memref<!tpu.dma_semaphore, #tpu.memory_space<semaphore_mem>>)
      %dma_wait3A_78 = arith.constant 0 : i32
      %dma_wait3A_79 = tpu.memref_slice %arg5[%add3A_74, %dma_wait3A_78] : memref<20224x16xf32, #tpu.memory_space<hbm>> -> memref<632x16xf32, #tpu.memory_space<hbm>>
      %dma_wait3A_80 = arith.constant 0 : i32
      %dma_wait3A_81 = tpu.memref_slice %arg9[%mul3A_69, %dma_wait3A_80] : memref<10112x16xf32, #tpu.memory_space<vmem_shared>> -> memref<632x16xf32, #tpu.memory_space<vmem_shared>>
      tpu.wait_dma2 semaphore(%run_scoped3A : memref<!tpu.dma_semaphore, #tpu.memory_space<semaphore_mem>>) src(%dma_wait3A_81 : memref<632x16xf32, #tpu.memory_space<vmem_shared>>) dst(%dma_wait3A_79 : memref<632x16xf32, #tpu.memory_space<hbm>>)
      tpu.yield
    }) : () -> ()
    return
  }
}

#map = affine_map<(d0, d1) -> (0, 0)>
module attributes {stable_mosaic.version = 14 : i64} {
  func.func @k(%arg0: i32, %arg1: i32, %arg2: memref<10000x64xf32, #tpu.memory_space<hbm>>, %arg3: memref<2560x128xi32, #tpu.memory_space<hbm>>, %arg4: memref<2560x128xi32, #tpu.memory_space<hbm>>, %arg5: memref<20224x64xf32, #tpu.memory_space<hbm>>, %arg6: memref<80x128xi32, #tpu.memory_space<vmem>>, %arg7: memref<80x128xi32, #tpu.memory_space<vmem>>, %arg8: memref<128x32xf32, #tpu.memory_space<vmem>>, %arg9: memref<128x32xf32, #tpu.memory_space<vmem>>, %arg10: memref<128x32xf32, #tpu.memory_space<vmem>>, %arg11: memref<128x32xf32, #tpu.memory_space<vmem>>, %arg12: memref<!tpu.dma_semaphore, #tpu.memory_space<semaphore_mem>>, %arg13: memref<!tpu.dma_semaphore, #tpu.memory_space<semaphore_mem>>, %arg14: memref<!tpu.dma_semaphore, #tpu.memory_space<semaphore_mem>>, %arg15: memref<!tpu.dma_semaphore, #tpu.memory_space<semaphore_mem>>, %arg16: memref<!tpu.dma_semaphore, #tpu.memory_space<semaphore_mem>>, %arg17: memref<!tpu.dma_semaphore, #tpu.memory_space<semaphore_mem>>, %arg18: memref<!tpu.dma_semaphore, #tpu.memory_space<semaphore_mem>>, %arg19: memref<!tpu.dma_semaphore, #tpu.memory_space<semaphore_mem>>, %arg20: memref<10112x32xf32, #tpu.memory_space<vmem_shared>>, %arg21: memref<10000x32xf32, #tpu.memory_space<vmem_shared>>) attributes {dimension_semantics = [#tpu.dimension_semantics<core_parallel>, #tpu.dimension_semantics<subcore_parallel>], iteration_bounds = array<i64: 2, 16>, scalar_prefetch = 0 : i64, scratch_operands = 16 : i64, tpu.core_type = #tpu.core_type<sc_vector_subcore>, window_params = [{transform_indices = #map}, {transform_indices = #map}, {transform_indices = #map}, {transform_indices = #map}]} {
    %mul3A = arith.constant 1280 : i32
    %mul3A_0 = arith.muli %arg0, %mul3A : i32
    %eq3A = arith.constant 0 : i32
    %eq3A_1 = arith.cmpi eq, %arg0, %eq3A : i32
    %jit3A = arith.constant 80 : i32
    %jit3A_2 = arith.constant 80 : i32
    %select_n3A = arith.select %eq3A_1, %jit3A, %jit3A_2 : i32
    %mul3A_3 = arith.muli %arg1, %select_n3A : i32
    %add3A = arith.addi %mul3A_0, %mul3A_3 : i32
    %eq3A_4 = arith.constant 0 : i32
    %eq3A_5 = arith.cmpi eq, %arg0, %eq3A_4 : i32
    %jit3A_6 = arith.constant 80 : i32
    %jit3A_7 = arith.constant 80 : i32
    %select_n3A_8 = arith.select %eq3A_5, %jit3A_6, %jit3A_7 : i32
    "tpu.region"() ({
      %run_scoped3A = tpu.sem_alloc : memref<!tpu.dma_semaphore, #tpu.memory_space<semaphore_mem>>
      %dma_start3A_226 = arith.constant 0 : i32
      %dma_start3A_227 = tpu.memref_slice %arg3[%add3A, %dma_start3A_226] : memref<2560x128xi32, #tpu.memory_space<hbm>> -> memref<80x128xi32, #tpu.memory_space<hbm>>
      %dma_start3A_228 = arith.constant 0 : i32
      %dma_start3A_229 = tpu.memref_slice %arg3[%add3A, %dma_start3A_228] : memref<2560x128xi32, #tpu.memory_space<hbm>> -> memref<80x128xi32, #tpu.memory_space<hbm>>
      tpu.enqueue_dma source(%dma_start3A_229 : memref<80x128xi32, #tpu.memory_space<hbm>>) target(%arg6 : memref<80x128xi32, #tpu.memory_space<vmem>>) target_semaphore(%run_scoped3A : memref<!tpu.dma_semaphore, #tpu.memory_space<semaphore_mem>>)
      %dma_wait3A_230 = arith.constant 0 : i32
      %dma_wait3A_231 = tpu.memref_slice %arg3[%add3A, %dma_wait3A_230] : memref<2560x128xi32, #tpu.memory_space<hbm>> -> memref<80x128xi32, #tpu.memory_space<hbm>>
      %dma_wait3A_232 = arith.constant 0 : i32
      %dma_wait3A_233 = tpu.memref_slice %arg3[%add3A, %dma_wait3A_232] : memref<2560x128xi32, #tpu.memory_space<hbm>> -> memref<80x128xi32, #tpu.memory_space<hbm>>
      tpu.wait_dma2 semaphore(%run_scoped3A : memref<!tpu.dma_semaphore, #tpu.memory_space<semaphore_mem>>) src(%dma_wait3A_233 : memref<80x128xi32, #tpu.memory_space<hbm>>) dst(%arg6 : memref<80x128xi32, #tpu.memory_space<vmem>>)
      tpu.yield
    }) : () -> ()
    "tpu.region"() ({
      %run_scoped3A = tpu.sem_alloc : memref<!tpu.dma_semaphore, #tpu.memory_space<semaphore_mem>>
      %dma_start3A_226 = arith.constant 0 : i32
      %dma_start3A_227 = tpu.memref_slice %arg4[%add3A, %dma_start3A_226] : memref<2560x128xi32, #tpu.memory_space<hbm>> -> memref<80x128xi32, #tpu.memory_space<hbm>>
      %dma_start3A_228 = arith.constant 0 : i32
      %dma_start3A_229 = tpu.memref_slice %arg4[%add3A, %dma_start3A_228] : memref<2560x128xi32, #tpu.memory_space<hbm>> -> memref<80x128xi32, #tpu.memory_space<hbm>>
      tpu.enqueue_dma source(%dma_start3A_229 : memref<80x128xi32, #tpu.memory_space<hbm>>) target(%arg7 : memref<80x128xi32, #tpu.memory_space<vmem>>) target_semaphore(%run_scoped3A : memref<!tpu.dma_semaphore, #tpu.memory_space<semaphore_mem>>)
      %dma_wait3A_230 = arith.constant 0 : i32
      %dma_wait3A_231 = tpu.memref_slice %arg4[%add3A, %dma_wait3A_230] : memref<2560x128xi32, #tpu.memory_space<hbm>> -> memref<80x128xi32, #tpu.memory_space<hbm>>
      %dma_wait3A_232 = arith.constant 0 : i32
      %dma_wait3A_233 = tpu.memref_slice %arg4[%add3A, %dma_wait3A_232] : memref<2560x128xi32, #tpu.memory_space<hbm>> -> memref<80x128xi32, #tpu.memory_space<hbm>>
      tpu.wait_dma2 semaphore(%run_scoped3A : memref<!tpu.dma_semaphore, #tpu.memory_space<semaphore_mem>>) src(%dma_wait3A_233 : memref<80x128xi32, #tpu.memory_space<hbm>>) dst(%arg7 : memref<80x128xi32, #tpu.memory_space<vmem>>)
      tpu.yield
    }) : () -> ()
    %eq3A_9 = arith.constant 0 : i32
    %eq3A_10 = arith.cmpi eq, %arg1, %eq3A_9 : i32
    %convert_element_type3A = arith.extui %eq3A_10 : i1 to i32
    %cond3A = arith.constant 0 : i32
    %cond3A_11 = arith.cmpi ne, %convert_element_type3A, %cond3A : i32
    scf.if %cond3A_11 {
      "tpu.region"() ({
        %run_scoped3A = tpu.sem_alloc : memref<!tpu.dma_semaphore, #tpu.memory_space<semaphore_mem>>
        %dma_start3A_226 = arith.constant 0 : i32
        %dma_start3A_227 = arith.constant 0 : i32
        %dma_start3A_228 = tpu.memref_slice %arg20[%dma_start3A_226, %dma_start3A_227] : memref<10112x32xf32, #tpu.memory_space<vmem_shared>> -> memref<10000x32xf32, #tpu.memory_space<vmem_shared>>
        %dma_start3A_229 = arith.constant 0 : i32
        %dma_start3A_230 = arith.constant 0 : i32
        %dma_start3A_231 = tpu.memref_slice %arg2[%dma_start3A_229, %dma_start3A_230] : memref<10000x64xf32, #tpu.memory_space<hbm>> -> memref<10000x32xf32, #tpu.memory_space<hbm>>
        tpu.enqueue_dma source(%dma_start3A_231 : memref<10000x32xf32, #tpu.memory_space<hbm>>) target(%dma_start3A_228 : memref<10000x32xf32, #tpu.memory_space<vmem_shared>>) target_semaphore(%run_scoped3A : memref<!tpu.dma_semaphore, #tpu.memory_space<semaphore_mem>>)
        %dma_wait3A_232 = arith.constant 0 : i32
        %dma_wait3A_233 = arith.constant 0 : i32
        %dma_wait3A_234 = tpu.memref_slice %arg20[%dma_wait3A_232, %dma_wait3A_233] : memref<10112x32xf32, #tpu.memory_space<vmem_shared>> -> memref<10000x32xf32, #tpu.memory_space<vmem_shared>>
        %dma_wait3A_235 = arith.constant 0 : i32
        %dma_wait3A_236 = arith.constant 0 : i32
        %dma_wait3A_237 = tpu.memref_slice %arg2[%dma_wait3A_235, %dma_wait3A_236] : memref<10000x64xf32, #tpu.memory_space<hbm>> -> memref<10000x32xf32, #tpu.memory_space<hbm>>
        tpu.wait_dma2 semaphore(%run_scoped3A : memref<!tpu.dma_semaphore, #tpu.memory_space<semaphore_mem>>) src(%dma_wait3A_237 : memref<10000x32xf32, #tpu.memory_space<hbm>>) dst(%dma_wait3A_234 : memref<10000x32xf32, #tpu.memory_space<vmem_shared>>)
        tpu.yield
      }) : () -> ()
    } else {
    }
    %eq3A_12 = arith.constant 1 : i32
    %eq3A_13 = arith.cmpi eq, %arg1, %eq3A_12 : i32
    %convert_element_type3A_14 = arith.extui %eq3A_13 : i1 to i32
    %cond3A_15 = arith.constant 0 : i32
    %cond3A_16 = arith.cmpi ne, %convert_element_type3A_14, %cond3A_15 : i32
    scf.if %cond3A_16 {
      "tpu.region"() ({
        %run_scoped3A = tpu.sem_alloc : memref<!tpu.dma_semaphore, #tpu.memory_space<semaphore_mem>>
        %dma_start3A_226 = arith.constant 0 : i32
        %dma_start3A_227 = arith.constant 0 : i32
        %dma_start3A_228 = tpu.memref_slice %arg2[%dma_start3A_226, %dma_start3A_227] : memref<10000x64xf32, #tpu.memory_space<hbm>> -> memref<10000x32xf32, #tpu.memory_space<hbm>>
        tpu.enqueue_dma source(%dma_start3A_228 : memref<10000x32xf32, #tpu.memory_space<hbm>>) target(%arg21 : memref<10000x32xf32, #tpu.memory_space<vmem_shared>>) target_semaphore(%run_scoped3A : memref<!tpu.dma_semaphore, #tpu.memory_space<semaphore_mem>>)
        %dma_wait3A_229 = arith.constant 0 : i32
        %dma_wait3A_230 = arith.constant 0 : i32
        %dma_wait3A_231 = tpu.memref_slice %arg2[%dma_wait3A_229, %dma_wait3A_230] : memref<10000x64xf32, #tpu.memory_space<hbm>> -> memref<10000x32xf32, #tpu.memory_space<hbm>>
        tpu.wait_dma2 semaphore(%run_scoped3A : memref<!tpu.dma_semaphore, #tpu.memory_space<semaphore_mem>>) src(%dma_wait3A_231 : memref<10000x32xf32, #tpu.memory_space<hbm>>) dst(%arg21 : memref<10000x32xf32, #tpu.memory_space<vmem_shared>>)
        tpu.yield
      }) : () -> ()
    } else {
    }
    %barrier3A = arith.constant 0 : index
    tpu.barrier barrier_id(%barrier3A)
    %dma_start3A = arith.constant 0 : i32
    %dma_start3A_17 = arith.constant 0 : i32
    %dma_start3A_18 = tpu.memref_slice %arg6[%dma_start3A, %dma_start3A_17] : memref<80x128xi32, #tpu.memory_space<vmem>> -> memref<1x128xi32, #tpu.memory_space<vmem>>
    %dma_start3A_19 = tpu.memref_squeeze %dma_start3A_18 : memref<1x128xi32, #tpu.memory_space<vmem>> -> memref<128xi32, #tpu.memory_space<vmem>>
    %dma_start3A_20 = arith.constant 0 : i32
    %dma_start3A_21 = arith.constant 0 : i32
    %dma_start3A_22 = tpu.memref_slice %arg21[%dma_start3A_20, %dma_start3A_21] : memref<10000x32xf32, #tpu.memory_space<vmem_shared>> -> memref<10000x32xf32, #tpu.memory_space<vmem_shared>>
    tpu.enqueue_indirect_dma source(%dma_start3A_22 : memref<10000x32xf32, #tpu.memory_space<vmem_shared>>) target(%arg8 : memref<128x32xf32, #tpu.memory_space<vmem>>) offsets(%dma_start3A_19 : memref<128xi32, #tpu.memory_space<vmem>>) semaphore(%arg12 : memref<!tpu.dma_semaphore, #tpu.memory_space<semaphore_mem>>)
    %dma_start3A_23 = arith.constant 1 : i32
    %dma_start3A_24 = arith.constant 0 : i32
    %dma_start3A_25 = tpu.memref_slice %arg6[%dma_start3A_23, %dma_start3A_24] : memref<80x128xi32, #tpu.memory_space<vmem>> -> memref<1x128xi32, #tpu.memory_space<vmem>>
    %dma_start3A_26 = tpu.memref_squeeze %dma_start3A_25 : memref<1x128xi32, #tpu.memory_space<vmem>> -> memref<128xi32, #tpu.memory_space<vmem>>
    %dma_start3A_27 = arith.constant 0 : i32
    %dma_start3A_28 = arith.constant 0 : i32
    %dma_start3A_29 = tpu.memref_slice %arg21[%dma_start3A_27, %dma_start3A_28] : memref<10000x32xf32, #tpu.memory_space<vmem_shared>> -> memref<10000x32xf32, #tpu.memory_space<vmem_shared>>
    tpu.enqueue_indirect_dma source(%dma_start3A_29 : memref<10000x32xf32, #tpu.memory_space<vmem_shared>>) target(%arg9 : memref<128x32xf32, #tpu.memory_space<vmem>>) offsets(%dma_start3A_26 : memref<128xi32, #tpu.memory_space<vmem>>) semaphore(%arg13 : memref<!tpu.dma_semaphore, #tpu.memory_space<semaphore_mem>>)
    %dma_start3A_30 = arith.constant 2 : i32
    %dma_start3A_31 = arith.constant 0 : i32
    %dma_start3A_32 = tpu.memref_slice %arg6[%dma_start3A_30, %dma_start3A_31] : memref<80x128xi32, #tpu.memory_space<vmem>> -> memref<1x128xi32, #tpu.memory_space<vmem>>
    %dma_start3A_33 = tpu.memref_squeeze %dma_start3A_32 : memref<1x128xi32, #tpu.memory_space<vmem>> -> memref<128xi32, #tpu.memory_space<vmem>>
    %dma_start3A_34 = arith.constant 0 : i32
    %dma_start3A_35 = arith.constant 0 : i32
    %dma_start3A_36 = tpu.memref_slice %arg21[%dma_start3A_34, %dma_start3A_35] : memref<10000x32xf32, #tpu.memory_space<vmem_shared>> -> memref<10000x32xf32, #tpu.memory_space<vmem_shared>>
    tpu.enqueue_indirect_dma source(%dma_start3A_36 : memref<10000x32xf32, #tpu.memory_space<vmem_shared>>) target(%arg10 : memref<128x32xf32, #tpu.memory_space<vmem>>) offsets(%dma_start3A_33 : memref<128xi32, #tpu.memory_space<vmem>>) semaphore(%arg14 : memref<!tpu.dma_semaphore, #tpu.memory_space<semaphore_mem>>)
    %jit3A_37 = arith.constant 4 : i32
    %div3A = arith.divsi %select_n3A_8, %jit3A_37 : i32
    %sign3A = arith.constant 0 : i32
    %sign3A_38 = arith.cmpi sgt, %select_n3A_8, %sign3A : i32
    %sign3A_39 = arith.extui %sign3A_38 : i1 to i32
    %sign3A_40 = arith.constant 0 : i32
    %sign3A_41 = arith.cmpi slt, %select_n3A_8, %sign3A_40 : i32
    %sign3A_42 = arith.extui %sign3A_41 : i1 to i32
    %sign3A_43 = arith.subi %sign3A_39, %sign3A_42 : i32
    %sign3A_44 = arith.constant 0 : i32
    %sign3A_45 = arith.cmpi sgt, %jit3A_37, %sign3A_44 : i32
    %sign3A_46 = arith.extui %sign3A_45 : i1 to i32
    %sign3A_47 = arith.constant 0 : i32
    %sign3A_48 = arith.cmpi slt, %jit3A_37, %sign3A_47 : i32
    %sign3A_49 = arith.extui %sign3A_48 : i1 to i32
    %sign3A_50 = arith.subi %sign3A_46, %sign3A_49 : i32
    %ne3A = arith.cmpi ne, %sign3A_43, %sign3A_50 : i32
    %rem3A = arith.remsi %select_n3A_8, %jit3A_37 : i32
    %ne3A_51 = arith.constant 0 : i32
    %ne3A_52 = arith.cmpi ne, %rem3A, %ne3A_51 : i32
    %and3A = arith.andi %ne3A, %ne3A_52 : i1
    %sub3A = arith.constant 1 : i32
    %sub3A_53 = arith.subi %div3A, %sub3A : i32
    %select_n3A_54 = arith.select %and3A, %sub3A_53, %div3A : i32
    %while3A = arith.constant 0 : i32
    %while3A_55 = arith.constant 0 : i32
    %while3A_56 = arith.subi %select_n3A_54, %while3A_55 : i32
    %while3A_57 = arith.addi %while3A_55, %while3A_56 : i32
    %while3A_58 = arith.constant 1 : i32
    %while3A_59 = arith.divsi %while3A_56, %while3A_58 : i32
    %while3A_60 = arith.muli %while3A_59, %while3A_58 : i32
    %while3A_61 = arith.addi %while3A_55, %while3A_60 : i32
    %while3A_62 = arith.constant 1 : i32
    scf.for %while3A_226 = %while3A_55 to %while3A_61 step %while3A_62  : i32 {
      %mul3A_227 = arith.constant 4 : i32
      %mul3A_228 = arith.muli %while3A_226, %mul3A_227 : i32
      %add3A_229 = arith.constant 0 : i32
      %add3A_230 = arith.addi %mul3A_228, %add3A_229 : i32
      %dma_wait3A_231 = arith.constant 0 : i32
      %dma_wait3A_232 = tpu.memref_slice %arg6[%add3A_230, %dma_wait3A_231] : memref<80x128xi32, #tpu.memory_space<vmem>> -> memref<1x128xi32, #tpu.memory_space<vmem>>
      %dma_wait3A_233 = tpu.memref_squeeze %dma_wait3A_232 : memref<1x128xi32, #tpu.memory_space<vmem>> -> memref<128xi32, #tpu.memory_space<vmem>>
      %dma_wait3A_234 = arith.constant 0 : i32
      %dma_wait3A_235 = arith.constant 0 : i32
      %dma_wait3A_236 = tpu.memref_slice %arg21[%dma_wait3A_234, %dma_wait3A_235] : memref<10000x32xf32, #tpu.memory_space<vmem_shared>> -> memref<10000x32xf32, #tpu.memory_space<vmem_shared>>
      tpu.wait_indirect_dma semaphore(%arg12 : memref<!tpu.dma_semaphore, #tpu.memory_space<semaphore_mem>>) src(%dma_wait3A_236 : memref<10000x32xf32, #tpu.memory_space<vmem_shared>>) dst(%arg8 : memref<128x32xf32, #tpu.memory_space<vmem>>)
      %dma_start3A_237 = arith.constant 0 : i32
      %dma_start3A_238 = tpu.memref_slice %arg7[%add3A_230, %dma_start3A_237] : memref<80x128xi32, #tpu.memory_space<vmem>> -> memref<1x128xi32, #tpu.memory_space<vmem>>
      %dma_start3A_239 = tpu.memref_squeeze %dma_start3A_238 : memref<1x128xi32, #tpu.memory_space<vmem>> -> memref<128xi32, #tpu.memory_space<vmem>>
      %dma_start3A_240 = arith.constant 0 : i32
      %dma_start3A_241 = arith.constant 0 : i32
      %dma_start3A_242 = tpu.memref_slice %arg20[%dma_start3A_240, %dma_start3A_241] : memref<10112x32xf32, #tpu.memory_space<vmem_shared>> -> memref<10112x32xf32, #tpu.memory_space<vmem_shared>>
      tpu.enqueue_indirect_dma source(%arg8 : memref<128x32xf32, #tpu.memory_space<vmem>>) target(%dma_start3A_242 : memref<10112x32xf32, #tpu.memory_space<vmem_shared>>) offsets(%dma_start3A_239 : memref<128xi32, #tpu.memory_space<vmem>>) semaphore(%arg16 : memref<!tpu.dma_semaphore, #tpu.memory_space<semaphore_mem>>) {add = true}
      %add3A_243 = arith.constant 4 : i32
      %add3A_244 = arith.addi %add3A_230, %add3A_243 : i32
      %sub3A_245 = arith.constant 1 : i32
      %sub3A_246 = arith.subi %add3A_244, %sub3A_245 : i32
      %lt3A = arith.cmpi slt, %sub3A_246, %select_n3A_8 : i32
      %convert_element_type3A_247 = arith.extui %lt3A : i1 to i32
      %cond3A_248 = arith.constant 0 : i32
      %cond3A_249 = arith.cmpi ne, %convert_element_type3A_247, %cond3A_248 : i32
      scf.if %cond3A_249 {
        %ge3A = arith.constant 1 : i32
        %ge3A_316 = arith.cmpi sge, %add3A_230, %ge3A : i32
        %convert_element_type3A_317 = arith.extui %ge3A_316 : i1 to i32
        %cond3A_318 = arith.constant 0 : i32
        %cond3A_319 = arith.cmpi ne, %convert_element_type3A_317, %cond3A_318 : i32
        scf.if %cond3A_319 {
          %sub3A_326 = arith.constant 1 : i32
          %sub3A_327 = arith.subi %add3A_230, %sub3A_326 : i32
          %dma_wait3A_328 = arith.constant 0 : i32
          %dma_wait3A_329 = tpu.memref_slice %arg7[%sub3A_327, %dma_wait3A_328] : memref<80x128xi32, #tpu.memory_space<vmem>> -> memref<1x128xi32, #tpu.memory_space<vmem>>
          %dma_wait3A_330 = tpu.memref_squeeze %dma_wait3A_329 : memref<1x128xi32, #tpu.memory_space<vmem>> -> memref<128xi32, #tpu.memory_space<vmem>>
          %dma_wait3A_331 = arith.constant 0 : i32
          %dma_wait3A_332 = arith.constant 0 : i32
          %dma_wait3A_333 = tpu.memref_slice %arg20[%dma_wait3A_331, %dma_wait3A_332] : memref<10112x32xf32, #tpu.memory_space<vmem_shared>> -> memref<10112x32xf32, #tpu.memory_space<vmem_shared>>
          tpu.wait_indirect_dma semaphore(%arg19 : memref<!tpu.dma_semaphore, #tpu.memory_space<semaphore_mem>>) src(%arg11 : memref<128x32xf32, #tpu.memory_space<vmem>>) dst(%dma_wait3A_333 : memref<10112x32xf32, #tpu.memory_space<vmem_shared>>)
        } else {
        }
        %dma_start3A_320 = arith.constant 0 : i32
        %dma_start3A_321 = tpu.memref_slice %arg6[%sub3A_246, %dma_start3A_320] : memref<80x128xi32, #tpu.memory_space<vmem>> -> memref<1x128xi32, #tpu.memory_space<vmem>>
        %dma_start3A_322 = tpu.memref_squeeze %dma_start3A_321 : memref<1x128xi32, #tpu.memory_space<vmem>> -> memref<128xi32, #tpu.memory_space<vmem>>
        %dma_start3A_323 = arith.constant 0 : i32
        %dma_start3A_324 = arith.constant 0 : i32
        %dma_start3A_325 = tpu.memref_slice %arg21[%dma_start3A_323, %dma_start3A_324] : memref<10000x32xf32, #tpu.memory_space<vmem_shared>> -> memref<10000x32xf32, #tpu.memory_space<vmem_shared>>
        tpu.enqueue_indirect_dma source(%dma_start3A_325 : memref<10000x32xf32, #tpu.memory_space<vmem_shared>>) target(%arg11 : memref<128x32xf32, #tpu.memory_space<vmem>>) offsets(%dma_start3A_322 : memref<128xi32, #tpu.memory_space<vmem>>) semaphore(%arg15 : memref<!tpu.dma_semaphore, #tpu.memory_space<semaphore_mem>>)
      } else {
      }
      %add3A_250 = arith.constant 1 : i32
      %add3A_251 = arith.addi %mul3A_228, %add3A_250 : i32
      %dma_wait3A_252 = arith.constant 0 : i32
      %dma_wait3A_253 = tpu.memref_slice %arg6[%add3A_251, %dma_wait3A_252] : memref<80x128xi32, #tpu.memory_space<vmem>> -> memref<1x128xi32, #tpu.memory_space<vmem>>
      %dma_wait3A_254 = tpu.memref_squeeze %dma_wait3A_253 : memref<1x128xi32, #tpu.memory_space<vmem>> -> memref<128xi32, #tpu.memory_space<vmem>>
      %dma_wait3A_255 = arith.constant 0 : i32
      %dma_wait3A_256 = arith.constant 0 : i32
      %dma_wait3A_257 = tpu.memref_slice %arg21[%dma_wait3A_255, %dma_wait3A_256] : memref<10000x32xf32, #tpu.memory_space<vmem_shared>> -> memref<10000x32xf32, #tpu.memory_space<vmem_shared>>
      tpu.wait_indirect_dma semaphore(%arg13 : memref<!tpu.dma_semaphore, #tpu.memory_space<semaphore_mem>>) src(%dma_wait3A_257 : memref<10000x32xf32, #tpu.memory_space<vmem_shared>>) dst(%arg9 : memref<128x32xf32, #tpu.memory_space<vmem>>)
      %dma_start3A_258 = arith.constant 0 : i32
      %dma_start3A_259 = tpu.memref_slice %arg7[%add3A_251, %dma_start3A_258] : memref<80x128xi32, #tpu.memory_space<vmem>> -> memref<1x128xi32, #tpu.memory_space<vmem>>
      %dma_start3A_260 = tpu.memref_squeeze %dma_start3A_259 : memref<1x128xi32, #tpu.memory_space<vmem>> -> memref<128xi32, #tpu.memory_space<vmem>>
      %dma_start3A_261 = arith.constant 0 : i32
      %dma_start3A_262 = arith.constant 0 : i32
      %dma_start3A_263 = tpu.memref_slice %arg20[%dma_start3A_261, %dma_start3A_262] : memref<10112x32xf32, #tpu.memory_space<vmem_shared>> -> memref<10112x32xf32, #tpu.memory_space<vmem_shared>>
      tpu.enqueue_indirect_dma source(%arg9 : memref<128x32xf32, #tpu.memory_space<vmem>>) target(%dma_start3A_263 : memref<10112x32xf32, #tpu.memory_space<vmem_shared>>) offsets(%dma_start3A_260 : memref<128xi32, #tpu.memory_space<vmem>>) semaphore(%arg17 : memref<!tpu.dma_semaphore, #tpu.memory_space<semaphore_mem>>) {add = true}
      %add3A_264 = arith.constant 4 : i32
      %add3A_265 = arith.addi %add3A_251, %add3A_264 : i32
      %sub3A_266 = arith.constant 1 : i32
      %sub3A_267 = arith.subi %add3A_265, %sub3A_266 : i32
      %lt3A_268 = arith.cmpi slt, %sub3A_267, %select_n3A_8 : i32
      %convert_element_type3A_269 = arith.extui %lt3A_268 : i1 to i32
      %cond3A_270 = arith.constant 0 : i32
      %cond3A_271 = arith.cmpi ne, %convert_element_type3A_269, %cond3A_270 : i32
      scf.if %cond3A_271 {
        %ge3A = arith.constant 1 : i32
        %ge3A_316 = arith.cmpi sge, %add3A_251, %ge3A : i32
        %convert_element_type3A_317 = arith.extui %ge3A_316 : i1 to i32
        %cond3A_318 = arith.constant 0 : i32
        %cond3A_319 = arith.cmpi ne, %convert_element_type3A_317, %cond3A_318 : i32
        scf.if %cond3A_319 {
          %sub3A_326 = arith.constant 1 : i32
          %sub3A_327 = arith.subi %add3A_251, %sub3A_326 : i32
          %dma_wait3A_328 = arith.constant 0 : i32
          %dma_wait3A_329 = tpu.memref_slice %arg7[%sub3A_327, %dma_wait3A_328] : memref<80x128xi32, #tpu.memory_space<vmem>> -> memref<1x128xi32, #tpu.memory_space<vmem>>
          %dma_wait3A_330 = tpu.memref_squeeze %dma_wait3A_329 : memref<1x128xi32, #tpu.memory_space<vmem>> -> memref<128xi32, #tpu.memory_space<vmem>>
          %dma_wait3A_331 = arith.constant 0 : i32
          %dma_wait3A_332 = arith.constant 0 : i32
          %dma_wait3A_333 = tpu.memref_slice %arg20[%dma_wait3A_331, %dma_wait3A_332] : memref<10112x32xf32, #tpu.memory_space<vmem_shared>> -> memref<10112x32xf32, #tpu.memory_space<vmem_shared>>
          tpu.wait_indirect_dma semaphore(%arg16 : memref<!tpu.dma_semaphore, #tpu.memory_space<semaphore_mem>>) src(%arg8 : memref<128x32xf32, #tpu.memory_space<vmem>>) dst(%dma_wait3A_333 : memref<10112x32xf32, #tpu.memory_space<vmem_shared>>)
        } else {
        }
        %dma_start3A_320 = arith.constant 0 : i32
        %dma_start3A_321 = tpu.memref_slice %arg6[%sub3A_267, %dma_start3A_320] : memref<80x128xi32, #tpu.memory_space<vmem>> -> memref<1x128xi32, #tpu.memory_space<vmem>>
        %dma_start3A_322 = tpu.memref_squeeze %dma_start3A_321 : memref<1x128xi32, #tpu.memory_space<vmem>> -> memref<128xi32, #tpu.memory_space<vmem>>
        %dma_start3A_323 = arith.constant 0 : i32
        %dma_start3A_324 = arith.constant 0 : i32
        %dma_start3A_325 = tpu.memref_slice %arg21[%dma_start3A_323, %dma_start3A_324] : memref<10000x32xf32, #tpu.memory_space<vmem_shared>> -> memref<10000x32xf32, #tpu.memory_space<vmem_shared>>
        tpu.enqueue_indirect_dma source(%dma_start3A_325 : memref<10000x32xf32, #tpu.memory_space<vmem_shared>>) target(%arg8 : memref<128x32xf32, #tpu.memory_space<vmem>>) offsets(%dma_start3A_322 : memref<128xi32, #tpu.memory_space<vmem>>) semaphore(%arg12 : memref<!tpu.dma_semaphore, #tpu.memory_space<semaphore_mem>>)
      } else {
      }
      %add3A_272 = arith.constant 2 : i32
      %add3A_273 = arith.addi %mul3A_228, %add3A_272 : i32
      %dma_wait3A_274 = arith.constant 0 : i32
      %dma_wait3A_275 = tpu.memref_slice %arg6[%add3A_273, %dma_wait3A_274] : memref<80x128xi32, #tpu.memory_space<vmem>> -> memref<1x128xi32, #tpu.memory_space<vmem>>
      %dma_wait3A_276 = tpu.memref_squeeze %dma_wait3A_275 : memref<1x128xi32, #tpu.memory_space<vmem>> -> memref<128xi32, #tpu.memory_space<vmem>>
      %dma_wait3A_277 = arith.constant 0 : i32
      %dma_wait3A_278 = arith.constant 0 : i32
      %dma_wait3A_279 = tpu.memref_slice %arg21[%dma_wait3A_277, %dma_wait3A_278] : memref<10000x32xf32, #tpu.memory_space<vmem_shared>> -> memref<10000x32xf32, #tpu.memory_space<vmem_shared>>
      tpu.wait_indirect_dma semaphore(%arg14 : memref<!tpu.dma_semaphore, #tpu.memory_space<semaphore_mem>>) src(%dma_wait3A_279 : memref<10000x32xf32, #tpu.memory_space<vmem_shared>>) dst(%arg10 : memref<128x32xf32, #tpu.memory_space<vmem>>)
      %dma_start3A_280 = arith.constant 0 : i32
      %dma_start3A_281 = tpu.memref_slice %arg7[%add3A_273, %dma_start3A_280] : memref<80x128xi32, #tpu.memory_space<vmem>> -> memref<1x128xi32, #tpu.memory_space<vmem>>
      %dma_start3A_282 = tpu.memref_squeeze %dma_start3A_281 : memref<1x128xi32, #tpu.memory_space<vmem>> -> memref<128xi32, #tpu.memory_space<vmem>>
      %dma_start3A_283 = arith.constant 0 : i32
      %dma_start3A_284 = arith.constant 0 : i32
      %dma_start3A_285 = tpu.memref_slice %arg20[%dma_start3A_283, %dma_start3A_284] : memref<10112x32xf32, #tpu.memory_space<vmem_shared>> -> memref<10112x32xf32, #tpu.memory_space<vmem_shared>>
      tpu.enqueue_indirect_dma source(%arg10 : memref<128x32xf32, #tpu.memory_space<vmem>>) target(%dma_start3A_285 : memref<10112x32xf32, #tpu.memory_space<vmem_shared>>) offsets(%dma_start3A_282 : memref<128xi32, #tpu.memory_space<vmem>>) semaphore(%arg18 : memref<!tpu.dma_semaphore, #tpu.memory_space<semaphore_mem>>) {add = true}
      %add3A_286 = arith.constant 4 : i32
      %add3A_287 = arith.addi %add3A_273, %add3A_286 : i32
      %sub3A_288 = arith.constant 1 : i32
      %sub3A_289 = arith.subi %add3A_287, %sub3A_288 : i32
      %lt3A_290 = arith.cmpi slt, %sub3A_289, %select_n3A_8 : i32
      %convert_element_type3A_291 = arith.extui %lt3A_290 : i1 to i32
      %cond3A_292 = arith.constant 0 : i32
      %cond3A_293 = arith.cmpi ne, %convert_element_type3A_291, %cond3A_292 : i32
      scf.if %cond3A_293 {
        %ge3A = arith.constant 1 : i32
        %ge3A_316 = arith.cmpi sge, %add3A_273, %ge3A : i32
        %convert_element_type3A_317 = arith.extui %ge3A_316 : i1 to i32
        %cond3A_318 = arith.constant 0 : i32
        %cond3A_319 = arith.cmpi ne, %convert_element_type3A_317, %cond3A_318 : i32
        scf.if %cond3A_319 {
          %sub3A_326 = arith.constant 1 : i32
          %sub3A_327 = arith.subi %add3A_273, %sub3A_326 : i32
          %dma_wait3A_328 = arith.constant 0 : i32
          %dma_wait3A_329 = tpu.memref_slice %arg7[%sub3A_327, %dma_wait3A_328] : memref<80x128xi32, #tpu.memory_space<vmem>> -> memref<1x128xi32, #tpu.memory_space<vmem>>
          %dma_wait3A_330 = tpu.memref_squeeze %dma_wait3A_329 : memref<1x128xi32, #tpu.memory_space<vmem>> -> memref<128xi32, #tpu.memory_space<vmem>>
          %dma_wait3A_331 = arith.constant 0 : i32
          %dma_wait3A_332 = arith.constant 0 : i32
          %dma_wait3A_333 = tpu.memref_slice %arg20[%dma_wait3A_331, %dma_wait3A_332] : memref<10112x32xf32, #tpu.memory_space<vmem_shared>> -> memref<10112x32xf32, #tpu.memory_space<vmem_shared>>
          tpu.wait_indirect_dma semaphore(%arg17 : memref<!tpu.dma_semaphore, #tpu.memory_space<semaphore_mem>>) src(%arg9 : memref<128x32xf32, #tpu.memory_space<vmem>>) dst(%dma_wait3A_333 : memref<10112x32xf32, #tpu.memory_space<vmem_shared>>)
        } else {
        }
        %dma_start3A_320 = arith.constant 0 : i32
        %dma_start3A_321 = tpu.memref_slice %arg6[%sub3A_289, %dma_start3A_320] : memref<80x128xi32, #tpu.memory_space<vmem>> -> memref<1x128xi32, #tpu.memory_space<vmem>>
        %dma_start3A_322 = tpu.memref_squeeze %dma_start3A_321 : memref<1x128xi32, #tpu.memory_space<vmem>> -> memref<128xi32, #tpu.memory_space<vmem>>
        %dma_start3A_323 = arith.constant 0 : i32
        %dma_start3A_324 = arith.constant 0 : i32
        %dma_start3A_325 = tpu.memref_slice %arg21[%dma_start3A_323, %dma_start3A_324] : memref<10000x32xf32, #tpu.memory_space<vmem_shared>> -> memref<10000x32xf32, #tpu.memory_space<vmem_shared>>
        tpu.enqueue_indirect_dma source(%dma_start3A_325 : memref<10000x32xf32, #tpu.memory_space<vmem_shared>>) target(%arg9 : memref<128x32xf32, #tpu.memory_space<vmem>>) offsets(%dma_start3A_322 : memref<128xi32, #tpu.memory_space<vmem>>) semaphore(%arg13 : memref<!tpu.dma_semaphore, #tpu.memory_space<semaphore_mem>>)
      } else {
      }
      %add3A_294 = arith.constant 3 : i32
      %add3A_295 = arith.addi %mul3A_228, %add3A_294 : i32
      %dma_wait3A_296 = arith.constant 0 : i32
      %dma_wait3A_297 = tpu.memref_slice %arg6[%add3A_295, %dma_wait3A_296] : memref<80x128xi32, #tpu.memory_space<vmem>> -> memref<1x128xi32, #tpu.memory_space<vmem>>
      %dma_wait3A_298 = tpu.memref_squeeze %dma_wait3A_297 : memref<1x128xi32, #tpu.memory_space<vmem>> -> memref<128xi32, #tpu.memory_space<vmem>>
      %dma_wait3A_299 = arith.constant 0 : i32
      %dma_wait3A_300 = arith.constant 0 : i32
      %dma_wait3A_301 = tpu.memref_slice %arg21[%dma_wait3A_299, %dma_wait3A_300] : memref<10000x32xf32, #tpu.memory_space<vmem_shared>> -> memref<10000x32xf32, #tpu.memory_space<vmem_shared>>
      tpu.wait_indirect_dma semaphore(%arg15 : memref<!tpu.dma_semaphore, #tpu.memory_space<semaphore_mem>>) src(%dma_wait3A_301 : memref<10000x32xf32, #tpu.memory_space<vmem_shared>>) dst(%arg11 : memref<128x32xf32, #tpu.memory_space<vmem>>)
      %dma_start3A_302 = arith.constant 0 : i32
      %dma_start3A_303 = tpu.memref_slice %arg7[%add3A_295, %dma_start3A_302] : memref<80x128xi32, #tpu.memory_space<vmem>> -> memref<1x128xi32, #tpu.memory_space<vmem>>
      %dma_start3A_304 = tpu.memref_squeeze %dma_start3A_303 : memref<1x128xi32, #tpu.memory_space<vmem>> -> memref<128xi32, #tpu.memory_space<vmem>>
      %dma_start3A_305 = arith.constant 0 : i32
      %dma_start3A_306 = arith.constant 0 : i32
      %dma_start3A_307 = tpu.memref_slice %arg20[%dma_start3A_305, %dma_start3A_306] : memref<10112x32xf32, #tpu.memory_space<vmem_shared>> -> memref<10112x32xf32, #tpu.memory_space<vmem_shared>>
      tpu.enqueue_indirect_dma source(%arg11 : memref<128x32xf32, #tpu.memory_space<vmem>>) target(%dma_start3A_307 : memref<10112x32xf32, #tpu.memory_space<vmem_shared>>) offsets(%dma_start3A_304 : memref<128xi32, #tpu.memory_space<vmem>>) semaphore(%arg19 : memref<!tpu.dma_semaphore, #tpu.memory_space<semaphore_mem>>) {add = true}
      %add3A_308 = arith.constant 4 : i32
      %add3A_309 = arith.addi %add3A_295, %add3A_308 : i32
      %sub3A_310 = arith.constant 1 : i32
      %sub3A_311 = arith.subi %add3A_309, %sub3A_310 : i32
      %lt3A_312 = arith.cmpi slt, %sub3A_311, %select_n3A_8 : i32
      %convert_element_type3A_313 = arith.extui %lt3A_312 : i1 to i32
      %cond3A_314 = arith.constant 0 : i32
      %cond3A_315 = arith.cmpi ne, %convert_element_type3A_313, %cond3A_314 : i32
      scf.if %cond3A_315 {
        %ge3A = arith.constant 1 : i32
        %ge3A_316 = arith.cmpi sge, %add3A_295, %ge3A : i32
        %convert_element_type3A_317 = arith.extui %ge3A_316 : i1 to i32
        %cond3A_318 = arith.constant 0 : i32
        %cond3A_319 = arith.cmpi ne, %convert_element_type3A_317, %cond3A_318 : i32
        scf.if %cond3A_319 {
          %sub3A_326 = arith.constant 1 : i32
          %sub3A_327 = arith.subi %add3A_295, %sub3A_326 : i32
          %dma_wait3A_328 = arith.constant 0 : i32
          %dma_wait3A_329 = tpu.memref_slice %arg7[%sub3A_327, %dma_wait3A_328] : memref<80x128xi32, #tpu.memory_space<vmem>> -> memref<1x128xi32, #tpu.memory_space<vmem>>
          %dma_wait3A_330 = tpu.memref_squeeze %dma_wait3A_329 : memref<1x128xi32, #tpu.memory_space<vmem>> -> memref<128xi32, #tpu.memory_space<vmem>>
          %dma_wait3A_331 = arith.constant 0 : i32
          %dma_wait3A_332 = arith.constant 0 : i32
          %dma_wait3A_333 = tpu.memref_slice %arg20[%dma_wait3A_331, %dma_wait3A_332] : memref<10112x32xf32, #tpu.memory_space<vmem_shared>> -> memref<10112x32xf32, #tpu.memory_space<vmem_shared>>
          tpu.wait_indirect_dma semaphore(%arg18 : memref<!tpu.dma_semaphore, #tpu.memory_space<semaphore_mem>>) src(%arg10 : memref<128x32xf32, #tpu.memory_space<vmem>>) dst(%dma_wait3A_333 : memref<10112x32xf32, #tpu.memory_space<vmem_shared>>)
        } else {
        }
        %dma_start3A_320 = arith.constant 0 : i32
        %dma_start3A_321 = tpu.memref_slice %arg6[%sub3A_311, %dma_start3A_320] : memref<80x128xi32, #tpu.memory_space<vmem>> -> memref<1x128xi32, #tpu.memory_space<vmem>>
        %dma_start3A_322 = tpu.memref_squeeze %dma_start3A_321 : memref<1x128xi32, #tpu.memory_space<vmem>> -> memref<128xi32, #tpu.memory_space<vmem>>
        %dma_start3A_323 = arith.constant 0 : i32
        %dma_start3A_324 = arith.constant 0 : i32
        %dma_start3A_325 = tpu.memref_slice %arg21[%dma_start3A_323, %dma_start3A_324] : memref<10000x32xf32, #tpu.memory_space<vmem_shared>> -> memref<10000x32xf32, #tpu.memory_space<vmem_shared>>
        tpu.enqueue_indirect_dma source(%dma_start3A_325 : memref<10000x32xf32, #tpu.memory_space<vmem_shared>>) target(%arg10 : memref<128x32xf32, #tpu.memory_space<vmem>>) offsets(%dma_start3A_322 : memref<128xi32, #tpu.memory_space<vmem>>) semaphore(%arg14 : memref<!tpu.dma_semaphore, #tpu.memory_space<semaphore_mem>>)
      } else {
      }
    }
    %while3A_63 = arith.constant 1 : i32
    scf.for %while3A_226 = %while3A_61 to %while3A_57 step %while3A_63  : i32 {
      %mul3A_227 = arith.constant 4 : i32
      %mul3A_228 = arith.muli %while3A_226, %mul3A_227 : i32
      %add3A_229 = arith.constant 0 : i32
      %add3A_230 = arith.addi %mul3A_228, %add3A_229 : i32
      %dma_wait3A_231 = arith.constant 0 : i32
      %dma_wait3A_232 = tpu.memref_slice %arg6[%add3A_230, %dma_wait3A_231] : memref<80x128xi32, #tpu.memory_space<vmem>> -> memref<1x128xi32, #tpu.memory_space<vmem>>
      %dma_wait3A_233 = tpu.memref_squeeze %dma_wait3A_232 : memref<1x128xi32, #tpu.memory_space<vmem>> -> memref<128xi32, #tpu.memory_space<vmem>>
      %dma_wait3A_234 = arith.constant 0 : i32
      %dma_wait3A_235 = arith.constant 0 : i32
      %dma_wait3A_236 = tpu.memref_slice %arg21[%dma_wait3A_234, %dma_wait3A_235] : memref<10000x32xf32, #tpu.memory_space<vmem_shared>> -> memref<10000x32xf32, #tpu.memory_space<vmem_shared>>
      tpu.wait_indirect_dma semaphore(%arg12 : memref<!tpu.dma_semaphore, #tpu.memory_space<semaphore_mem>>) src(%dma_wait3A_236 : memref<10000x32xf32, #tpu.memory_space<vmem_shared>>) dst(%arg8 : memref<128x32xf32, #tpu.memory_space<vmem>>)
      %dma_start3A_237 = arith.constant 0 : i32
      %dma_start3A_238 = tpu.memref_slice %arg7[%add3A_230, %dma_start3A_237] : memref<80x128xi32, #tpu.memory_space<vmem>> -> memref<1x128xi32, #tpu.memory_space<vmem>>
      %dma_start3A_239 = tpu.memref_squeeze %dma_start3A_238 : memref<1x128xi32, #tpu.memory_space<vmem>> -> memref<128xi32, #tpu.memory_space<vmem>>
      %dma_start3A_240 = arith.constant 0 : i32
      %dma_start3A_241 = arith.constant 0 : i32
      %dma_start3A_242 = tpu.memref_slice %arg20[%dma_start3A_240, %dma_start3A_241] : memref<10112x32xf32, #tpu.memory_space<vmem_shared>> -> memref<10112x32xf32, #tpu.memory_space<vmem_shared>>
      tpu.enqueue_indirect_dma source(%arg8 : memref<128x32xf32, #tpu.memory_space<vmem>>) target(%dma_start3A_242 : memref<10112x32xf32, #tpu.memory_space<vmem_shared>>) offsets(%dma_start3A_239 : memref<128xi32, #tpu.memory_space<vmem>>) semaphore(%arg16 : memref<!tpu.dma_semaphore, #tpu.memory_space<semaphore_mem>>) {add = true}
      %add3A_243 = arith.constant 4 : i32
      %add3A_244 = arith.addi %add3A_230, %add3A_243 : i32
      %sub3A_245 = arith.constant 1 : i32
      %sub3A_246 = arith.subi %add3A_244, %sub3A_245 : i32
      %lt3A = arith.cmpi slt, %sub3A_246, %select_n3A_8 : i32
      %convert_element_type3A_247 = arith.extui %lt3A : i1 to i32
      %cond3A_248 = arith.constant 0 : i32
      %cond3A_249 = arith.cmpi ne, %convert_element_type3A_247, %cond3A_248 : i32
      scf.if %cond3A_249 {
        %ge3A = arith.constant 1 : i32
        %ge3A_316 = arith.cmpi sge, %add3A_230, %ge3A : i32
        %convert_element_type3A_317 = arith.extui %ge3A_316 : i1 to i32
        %cond3A_318 = arith.constant 0 : i32
        %cond3A_319 = arith.cmpi ne, %convert_element_type3A_317, %cond3A_318 : i32
        scf.if %cond3A_319 {
          %sub3A_326 = arith.constant 1 : i32
          %sub3A_327 = arith.subi %add3A_230, %sub3A_326 : i32
          %dma_wait3A_328 = arith.constant 0 : i32
          %dma_wait3A_329 = tpu.memref_slice %arg7[%sub3A_327, %dma_wait3A_328] : memref<80x128xi32, #tpu.memory_space<vmem>> -> memref<1x128xi32, #tpu.memory_space<vmem>>
          %dma_wait3A_330 = tpu.memref_squeeze %dma_wait3A_329 : memref<1x128xi32, #tpu.memory_space<vmem>> -> memref<128xi32, #tpu.memory_space<vmem>>
          %dma_wait3A_331 = arith.constant 0 : i32
          %dma_wait3A_332 = arith.constant 0 : i32
          %dma_wait3A_333 = tpu.memref_slice %arg20[%dma_wait3A_331, %dma_wait3A_332] : memref<10112x32xf32, #tpu.memory_space<vmem_shared>> -> memref<10112x32xf32, #tpu.memory_space<vmem_shared>>
          tpu.wait_indirect_dma semaphore(%arg19 : memref<!tpu.dma_semaphore, #tpu.memory_space<semaphore_mem>>) src(%arg11 : memref<128x32xf32, #tpu.memory_space<vmem>>) dst(%dma_wait3A_333 : memref<10112x32xf32, #tpu.memory_space<vmem_shared>>)
        } else {
        }
        %dma_start3A_320 = arith.constant 0 : i32
        %dma_start3A_321 = tpu.memref_slice %arg6[%sub3A_246, %dma_start3A_320] : memref<80x128xi32, #tpu.memory_space<vmem>> -> memref<1x128xi32, #tpu.memory_space<vmem>>
        %dma_start3A_322 = tpu.memref_squeeze %dma_start3A_321 : memref<1x128xi32, #tpu.memory_space<vmem>> -> memref<128xi32, #tpu.memory_space<vmem>>
        %dma_start3A_323 = arith.constant 0 : i32
        %dma_start3A_324 = arith.constant 0 : i32
        %dma_start3A_325 = tpu.memref_slice %arg21[%dma_start3A_323, %dma_start3A_324] : memref<10000x32xf32, #tpu.memory_space<vmem_shared>> -> memref<10000x32xf32, #tpu.memory_space<vmem_shared>>
        tpu.enqueue_indirect_dma source(%dma_start3A_325 : memref<10000x32xf32, #tpu.memory_space<vmem_shared>>) target(%arg11 : memref<128x32xf32, #tpu.memory_space<vmem>>) offsets(%dma_start3A_322 : memref<128xi32, #tpu.memory_space<vmem>>) semaphore(%arg15 : memref<!tpu.dma_semaphore, #tpu.memory_space<semaphore_mem>>)
      } else {
      }
      %add3A_250 = arith.constant 1 : i32
      %add3A_251 = arith.addi %mul3A_228, %add3A_250 : i32
      %dma_wait3A_252 = arith.constant 0 : i32
      %dma_wait3A_253 = tpu.memref_slice %arg6[%add3A_251, %dma_wait3A_252] : memref<80x128xi32, #tpu.memory_space<vmem>> -> memref<1x128xi32, #tpu.memory_space<vmem>>
      %dma_wait3A_254 = tpu.memref_squeeze %dma_wait3A_253 : memref<1x128xi32, #tpu.memory_space<vmem>> -> memref<128xi32, #tpu.memory_space<vmem>>
      %dma_wait3A_255 = arith.constant 0 : i32
      %dma_wait3A_256 = arith.constant 0 : i32
      %dma_wait3A_257 = tpu.memref_slice %arg21[%dma_wait3A_255, %dma_wait3A_256] : memref<10000x32xf32, #tpu.memory_space<vmem_shared>> -> memref<10000x32xf32, #tpu.memory_space<vmem_shared>>
      tpu.wait_indirect_dma semaphore(%arg13 : memref<!tpu.dma_semaphore, #tpu.memory_space<semaphore_mem>>) src(%dma_wait3A_257 : memref<10000x32xf32, #tpu.memory_space<vmem_shared>>) dst(%arg9 : memref<128x32xf32, #tpu.memory_space<vmem>>)
      %dma_start3A_258 = arith.constant 0 : i32
      %dma_start3A_259 = tpu.memref_slice %arg7[%add3A_251, %dma_start3A_258] : memref<80x128xi32, #tpu.memory_space<vmem>> -> memref<1x128xi32, #tpu.memory_space<vmem>>
      %dma_start3A_260 = tpu.memref_squeeze %dma_start3A_259 : memref<1x128xi32, #tpu.memory_space<vmem>> -> memref<128xi32, #tpu.memory_space<vmem>>
      %dma_start3A_261 = arith.constant 0 : i32
      %dma_start3A_262 = arith.constant 0 : i32
      %dma_start3A_263 = tpu.memref_slice %arg20[%dma_start3A_261, %dma_start3A_262] : memref<10112x32xf32, #tpu.memory_space<vmem_shared>> -> memref<10112x32xf32, #tpu.memory_space<vmem_shared>>
      tpu.enqueue_indirect_dma source(%arg9 : memref<128x32xf32, #tpu.memory_space<vmem>>) target(%dma_start3A_263 : memref<10112x32xf32, #tpu.memory_space<vmem_shared>>) offsets(%dma_start3A_260 : memref<128xi32, #tpu.memory_space<vmem>>) semaphore(%arg17 : memref<!tpu.dma_semaphore, #tpu.memory_space<semaphore_mem>>) {add = true}
      %add3A_264 = arith.constant 4 : i32
      %add3A_265 = arith.addi %add3A_251, %add3A_264 : i32
      %sub3A_266 = arith.constant 1 : i32
      %sub3A_267 = arith.subi %add3A_265, %sub3A_266 : i32
      %lt3A_268 = arith.cmpi slt, %sub3A_267, %select_n3A_8 : i32
      %convert_element_type3A_269 = arith.extui %lt3A_268 : i1 to i32
      %cond3A_270 = arith.constant 0 : i32
      %cond3A_271 = arith.cmpi ne, %convert_element_type3A_269, %cond3A_270 : i32
      scf.if %cond3A_271 {
        %ge3A = arith.constant 1 : i32
        %ge3A_316 = arith.cmpi sge, %add3A_251, %ge3A : i32
        %convert_element_type3A_317 = arith.extui %ge3A_316 : i1 to i32
        %cond3A_318 = arith.constant 0 : i32
        %cond3A_319 = arith.cmpi ne, %convert_element_type3A_317, %cond3A_318 : i32
        scf.if %cond3A_319 {
          %sub3A_326 = arith.constant 1 : i32
          %sub3A_327 = arith.subi %add3A_251, %sub3A_326 : i32
          %dma_wait3A_328 = arith.constant 0 : i32
          %dma_wait3A_329 = tpu.memref_slice %arg7[%sub3A_327, %dma_wait3A_328] : memref<80x128xi32, #tpu.memory_space<vmem>> -> memref<1x128xi32, #tpu.memory_space<vmem>>
          %dma_wait3A_330 = tpu.memref_squeeze %dma_wait3A_329 : memref<1x128xi32, #tpu.memory_space<vmem>> -> memref<128xi32, #tpu.memory_space<vmem>>
          %dma_wait3A_331 = arith.constant 0 : i32
          %dma_wait3A_332 = arith.constant 0 : i32
          %dma_wait3A_333 = tpu.memref_slice %arg20[%dma_wait3A_331, %dma_wait3A_332] : memref<10112x32xf32, #tpu.memory_space<vmem_shared>> -> memref<10112x32xf32, #tpu.memory_space<vmem_shared>>
          tpu.wait_indirect_dma semaphore(%arg16 : memref<!tpu.dma_semaphore, #tpu.memory_space<semaphore_mem>>) src(%arg8 : memref<128x32xf32, #tpu.memory_space<vmem>>) dst(%dma_wait3A_333 : memref<10112x32xf32, #tpu.memory_space<vmem_shared>>)
        } else {
        }
        %dma_start3A_320 = arith.constant 0 : i32
        %dma_start3A_321 = tpu.memref_slice %arg6[%sub3A_267, %dma_start3A_320] : memref<80x128xi32, #tpu.memory_space<vmem>> -> memref<1x128xi32, #tpu.memory_space<vmem>>
        %dma_start3A_322 = tpu.memref_squeeze %dma_start3A_321 : memref<1x128xi32, #tpu.memory_space<vmem>> -> memref<128xi32, #tpu.memory_space<vmem>>
        %dma_start3A_323 = arith.constant 0 : i32
        %dma_start3A_324 = arith.constant 0 : i32
        %dma_start3A_325 = tpu.memref_slice %arg21[%dma_start3A_323, %dma_start3A_324] : memref<10000x32xf32, #tpu.memory_space<vmem_shared>> -> memref<10000x32xf32, #tpu.memory_space<vmem_shared>>
        tpu.enqueue_indirect_dma source(%dma_start3A_325 : memref<10000x32xf32, #tpu.memory_space<vmem_shared>>) target(%arg8 : memref<128x32xf32, #tpu.memory_space<vmem>>) offsets(%dma_start3A_322 : memref<128xi32, #tpu.memory_space<vmem>>) semaphore(%arg12 : memref<!tpu.dma_semaphore, #tpu.memory_space<semaphore_mem>>)
      } else {
      }
      %add3A_272 = arith.constant 2 : i32
      %add3A_273 = arith.addi %mul3A_228, %add3A_272 : i32
      %dma_wait3A_274 = arith.constant 0 : i32
      %dma_wait3A_275 = tpu.memref_slice %arg6[%add3A_273, %dma_wait3A_274] : memref<80x128xi32, #tpu.memory_space<vmem>> -> memref<1x128xi32, #tpu.memory_space<vmem>>
      %dma_wait3A_276 = tpu.memref_squeeze %dma_wait3A_275 : memref<1x128xi32, #tpu.memory_space<vmem>> -> memref<128xi32, #tpu.memory_space<vmem>>
      %dma_wait3A_277 = arith.constant 0 : i32
      %dma_wait3A_278 = arith.constant 0 : i32
      %dma_wait3A_279 = tpu.memref_slice %arg21[%dma_wait3A_277, %dma_wait3A_278] : memref<10000x32xf32, #tpu.memory_space<vmem_shared>> -> memref<10000x32xf32, #tpu.memory_space<vmem_shared>>
      tpu.wait_indirect_dma semaphore(%arg14 : memref<!tpu.dma_semaphore, #tpu.memory_space<semaphore_mem>>) src(%dma_wait3A_279 : memref<10000x32xf32, #tpu.memory_space<vmem_shared>>) dst(%arg10 : memref<128x32xf32, #tpu.memory_space<vmem>>)
      %dma_start3A_280 = arith.constant 0 : i32
      %dma_start3A_281 = tpu.memref_slice %arg7[%add3A_273, %dma_start3A_280] : memref<80x128xi32, #tpu.memory_space<vmem>> -> memref<1x128xi32, #tpu.memory_space<vmem>>
      %dma_start3A_282 = tpu.memref_squeeze %dma_start3A_281 : memref<1x128xi32, #tpu.memory_space<vmem>> -> memref<128xi32, #tpu.memory_space<vmem>>
      %dma_start3A_283 = arith.constant 0 : i32
      %dma_start3A_284 = arith.constant 0 : i32
      %dma_start3A_285 = tpu.memref_slice %arg20[%dma_start3A_283, %dma_start3A_284] : memref<10112x32xf32, #tpu.memory_space<vmem_shared>> -> memref<10112x32xf32, #tpu.memory_space<vmem_shared>>
      tpu.enqueue_indirect_dma source(%arg10 : memref<128x32xf32, #tpu.memory_space<vmem>>) target(%dma_start3A_285 : memref<10112x32xf32, #tpu.memory_space<vmem_shared>>) offsets(%dma_start3A_282 : memref<128xi32, #tpu.memory_space<vmem>>) semaphore(%arg18 : memref<!tpu.dma_semaphore, #tpu.memory_space<semaphore_mem>>) {add = true}
      %add3A_286 = arith.constant 4 : i32
      %add3A_287 = arith.addi %add3A_273, %add3A_286 : i32
      %sub3A_288 = arith.constant 1 : i32
      %sub3A_289 = arith.subi %add3A_287, %sub3A_288 : i32
      %lt3A_290 = arith.cmpi slt, %sub3A_289, %select_n3A_8 : i32
      %convert_element_type3A_291 = arith.extui %lt3A_290 : i1 to i32
      %cond3A_292 = arith.constant 0 : i32
      %cond3A_293 = arith.cmpi ne, %convert_element_type3A_291, %cond3A_292 : i32
      scf.if %cond3A_293 {
        %ge3A = arith.constant 1 : i32
        %ge3A_316 = arith.cmpi sge, %add3A_273, %ge3A : i32
        %convert_element_type3A_317 = arith.extui %ge3A_316 : i1 to i32
        %cond3A_318 = arith.constant 0 : i32
        %cond3A_319 = arith.cmpi ne, %convert_element_type3A_317, %cond3A_318 : i32
        scf.if %cond3A_319 {
          %sub3A_326 = arith.constant 1 : i32
          %sub3A_327 = arith.subi %add3A_273, %sub3A_326 : i32
          %dma_wait3A_328 = arith.constant 0 : i32
          %dma_wait3A_329 = tpu.memref_slice %arg7[%sub3A_327, %dma_wait3A_328] : memref<80x128xi32, #tpu.memory_space<vmem>> -> memref<1x128xi32, #tpu.memory_space<vmem>>
          %dma_wait3A_330 = tpu.memref_squeeze %dma_wait3A_329 : memref<1x128xi32, #tpu.memory_space<vmem>> -> memref<128xi32, #tpu.memory_space<vmem>>
          %dma_wait3A_331 = arith.constant 0 : i32
          %dma_wait3A_332 = arith.constant 0 : i32
          %dma_wait3A_333 = tpu.memref_slice %arg20[%dma_wait3A_331, %dma_wait3A_332] : memref<10112x32xf32, #tpu.memory_space<vmem_shared>> -> memref<10112x32xf32, #tpu.memory_space<vmem_shared>>
          tpu.wait_indirect_dma semaphore(%arg17 : memref<!tpu.dma_semaphore, #tpu.memory_space<semaphore_mem>>) src(%arg9 : memref<128x32xf32, #tpu.memory_space<vmem>>) dst(%dma_wait3A_333 : memref<10112x32xf32, #tpu.memory_space<vmem_shared>>)
        } else {
        }
        %dma_start3A_320 = arith.constant 0 : i32
        %dma_start3A_321 = tpu.memref_slice %arg6[%sub3A_289, %dma_start3A_320] : memref<80x128xi32, #tpu.memory_space<vmem>> -> memref<1x128xi32, #tpu.memory_space<vmem>>
        %dma_start3A_322 = tpu.memref_squeeze %dma_start3A_321 : memref<1x128xi32, #tpu.memory_space<vmem>> -> memref<128xi32, #tpu.memory_space<vmem>>
        %dma_start3A_323 = arith.constant 0 : i32
        %dma_start3A_324 = arith.constant 0 : i32
        %dma_start3A_325 = tpu.memref_slice %arg21[%dma_start3A_323, %dma_start3A_324] : memref<10000x32xf32, #tpu.memory_space<vmem_shared>> -> memref<10000x32xf32, #tpu.memory_space<vmem_shared>>
        tpu.enqueue_indirect_dma source(%dma_start3A_325 : memref<10000x32xf32, #tpu.memory_space<vmem_shared>>) target(%arg9 : memref<128x32xf32, #tpu.memory_space<vmem>>) offsets(%dma_start3A_322 : memref<128xi32, #tpu.memory_space<vmem>>) semaphore(%arg13 : memref<!tpu.dma_semaphore, #tpu.memory_space<semaphore_mem>>)
      } else {
      }
      %add3A_294 = arith.constant 3 : i32
      %add3A_295 = arith.addi %mul3A_228, %add3A_294 : i32
      %dma_wait3A_296 = arith.constant 0 : i32
      %dma_wait3A_297 = tpu.memref_slice %arg6[%add3A_295, %dma_wait3A_296] : memref<80x128xi32, #tpu.memory_space<vmem>> -> memref<1x128xi32, #tpu.memory_space<vmem>>
      %dma_wait3A_298 = tpu.memref_squeeze %dma_wait3A_297 : memref<1x128xi32, #tpu.memory_space<vmem>> -> memref<128xi32, #tpu.memory_space<vmem>>
      %dma_wait3A_299 = arith.constant 0 : i32
      %dma_wait3A_300 = arith.constant 0 : i32
      %dma_wait3A_301 = tpu.memref_slice %arg21[%dma_wait3A_299, %dma_wait3A_300] : memref<10000x32xf32, #tpu.memory_space<vmem_shared>> -> memref<10000x32xf32, #tpu.memory_space<vmem_shared>>
      tpu.wait_indirect_dma semaphore(%arg15 : memref<!tpu.dma_semaphore, #tpu.memory_space<semaphore_mem>>) src(%dma_wait3A_301 : memref<10000x32xf32, #tpu.memory_space<vmem_shared>>) dst(%arg11 : memref<128x32xf32, #tpu.memory_space<vmem>>)
      %dma_start3A_302 = arith.constant 0 : i32
      %dma_start3A_303 = tpu.memref_slice %arg7[%add3A_295, %dma_start3A_302] : memref<80x128xi32, #tpu.memory_space<vmem>> -> memref<1x128xi32, #tpu.memory_space<vmem>>
      %dma_start3A_304 = tpu.memref_squeeze %dma_start3A_303 : memref<1x128xi32, #tpu.memory_space<vmem>> -> memref<128xi32, #tpu.memory_space<vmem>>
      %dma_start3A_305 = arith.constant 0 : i32
      %dma_start3A_306 = arith.constant 0 : i32
      %dma_start3A_307 = tpu.memref_slice %arg20[%dma_start3A_305, %dma_start3A_306] : memref<10112x32xf32, #tpu.memory_space<vmem_shared>> -> memref<10112x32xf32, #tpu.memory_space<vmem_shared>>
      tpu.enqueue_indirect_dma source(%arg11 : memref<128x32xf32, #tpu.memory_space<vmem>>) target(%dma_start3A_307 : memref<10112x32xf32, #tpu.memory_space<vmem_shared>>) offsets(%dma_start3A_304 : memref<128xi32, #tpu.memory_space<vmem>>) semaphore(%arg19 : memref<!tpu.dma_semaphore, #tpu.memory_space<semaphore_mem>>) {add = true}
      %add3A_308 = arith.constant 4 : i32
      %add3A_309 = arith.addi %add3A_295, %add3A_308 : i32
      %sub3A_310 = arith.constant 1 : i32
      %sub3A_311 = arith.subi %add3A_309, %sub3A_310 : i32
      %lt3A_312 = arith.cmpi slt, %sub3A_311, %select_n3A_8 : i32
      %convert_element_type3A_313 = arith.extui %lt3A_312 : i1 to i32
      %cond3A_314 = arith.constant 0 : i32
      %cond3A_315 = arith.cmpi ne, %convert_element_type3A_313, %cond3A_314 : i32
      scf.if %cond3A_315 {
        %ge3A = arith.constant 1 : i32
        %ge3A_316 = arith.cmpi sge, %add3A_295, %ge3A : i32
        %convert_element_type3A_317 = arith.extui %ge3A_316 : i1 to i32
        %cond3A_318 = arith.constant 0 : i32
        %cond3A_319 = arith.cmpi ne, %convert_element_type3A_317, %cond3A_318 : i32
        scf.if %cond3A_319 {
          %sub3A_326 = arith.constant 1 : i32
          %sub3A_327 = arith.subi %add3A_295, %sub3A_326 : i32
          %dma_wait3A_328 = arith.constant 0 : i32
          %dma_wait3A_329 = tpu.memref_slice %arg7[%sub3A_327, %dma_wait3A_328] : memref<80x128xi32, #tpu.memory_space<vmem>> -> memref<1x128xi32, #tpu.memory_space<vmem>>
          %dma_wait3A_330 = tpu.memref_squeeze %dma_wait3A_329 : memref<1x128xi32, #tpu.memory_space<vmem>> -> memref<128xi32, #tpu.memory_space<vmem>>
          %dma_wait3A_331 = arith.constant 0 : i32
          %dma_wait3A_332 = arith.constant 0 : i32
          %dma_wait3A_333 = tpu.memref_slice %arg20[%dma_wait3A_331, %dma_wait3A_332] : memref<10112x32xf32, #tpu.memory_space<vmem_shared>> -> memref<10112x32xf32, #tpu.memory_space<vmem_shared>>
          tpu.wait_indirect_dma semaphore(%arg18 : memref<!tpu.dma_semaphore, #tpu.memory_space<semaphore_mem>>) src(%arg10 : memref<128x32xf32, #tpu.memory_space<vmem>>) dst(%dma_wait3A_333 : memref<10112x32xf32, #tpu.memory_space<vmem_shared>>)
        } else {
        }
        %dma_start3A_320 = arith.constant 0 : i32
        %dma_start3A_321 = tpu.memref_slice %arg6[%sub3A_311, %dma_start3A_320] : memref<80x128xi32, #tpu.memory_space<vmem>> -> memref<1x128xi32, #tpu.memory_space<vmem>>
        %dma_start3A_322 = tpu.memref_squeeze %dma_start3A_321 : memref<1x128xi32, #tpu.memory_space<vmem>> -> memref<128xi32, #tpu.memory_space<vmem>>
        %dma_start3A_323 = arith.constant 0 : i32
        %dma_start3A_324 = arith.constant 0 : i32
        %dma_start3A_325 = tpu.memref_slice %arg21[%dma_start3A_323, %dma_start3A_324] : memref<10000x32xf32, #tpu.memory_space<vmem_shared>> -> memref<10000x32xf32, #tpu.memory_space<vmem_shared>>
        tpu.enqueue_indirect_dma source(%dma_start3A_325 : memref<10000x32xf32, #tpu.memory_space<vmem_shared>>) target(%arg10 : memref<128x32xf32, #tpu.memory_space<vmem>>) offsets(%dma_start3A_322 : memref<128xi32, #tpu.memory_space<vmem>>) semaphore(%arg14 : memref<!tpu.dma_semaphore, #tpu.memory_space<semaphore_mem>>)
      } else {
      }
    }
    %sub3A_64 = arith.constant 4 : i32
    %sub3A_65 = arith.subi %select_n3A_8, %sub3A_64 : i32
    %add3A_66 = arith.constant 0 : i32
    %add3A_67 = arith.addi %sub3A_65, %add3A_66 : i32
    %dma_wait3A = arith.constant 0 : i32
    %dma_wait3A_68 = tpu.memref_slice %arg7[%add3A_67, %dma_wait3A] : memref<80x128xi32, #tpu.memory_space<vmem>> -> memref<1x128xi32, #tpu.memory_space<vmem>>
    %dma_wait3A_69 = tpu.memref_squeeze %dma_wait3A_68 : memref<1x128xi32, #tpu.memory_space<vmem>> -> memref<128xi32, #tpu.memory_space<vmem>>
    %dma_wait3A_70 = arith.constant 0 : i32
    %dma_wait3A_71 = arith.constant 0 : i32
    %dma_wait3A_72 = tpu.memref_slice %arg20[%dma_wait3A_70, %dma_wait3A_71] : memref<10112x32xf32, #tpu.memory_space<vmem_shared>> -> memref<10112x32xf32, #tpu.memory_space<vmem_shared>>
    tpu.wait_indirect_dma semaphore(%arg16 : memref<!tpu.dma_semaphore, #tpu.memory_space<semaphore_mem>>) src(%arg8 : memref<128x32xf32, #tpu.memory_space<vmem>>) dst(%dma_wait3A_72 : memref<10112x32xf32, #tpu.memory_space<vmem_shared>>)
    %sub3A_73 = arith.constant 4 : i32
    %sub3A_74 = arith.subi %select_n3A_8, %sub3A_73 : i32
    %add3A_75 = arith.constant 1 : i32
    %add3A_76 = arith.addi %sub3A_74, %add3A_75 : i32
    %dma_wait3A_77 = arith.constant 0 : i32
    %dma_wait3A_78 = tpu.memref_slice %arg7[%add3A_76, %dma_wait3A_77] : memref<80x128xi32, #tpu.memory_space<vmem>> -> memref<1x128xi32, #tpu.memory_space<vmem>>
    %dma_wait3A_79 = tpu.memref_squeeze %dma_wait3A_78 : memref<1x128xi32, #tpu.memory_space<vmem>> -> memref<128xi32, #tpu.memory_space<vmem>>
    %dma_wait3A_80 = arith.constant 0 : i32
    %dma_wait3A_81 = arith.constant 0 : i32
    %dma_wait3A_82 = tpu.memref_slice %arg20[%dma_wait3A_80, %dma_wait3A_81] : memref<10112x32xf32, #tpu.memory_space<vmem_shared>> -> memref<10112x32xf32, #tpu.memory_space<vmem_shared>>
    tpu.wait_indirect_dma semaphore(%arg17 : memref<!tpu.dma_semaphore, #tpu.memory_space<semaphore_mem>>) src(%arg9 : memref<128x32xf32, #tpu.memory_space<vmem>>) dst(%dma_wait3A_82 : memref<10112x32xf32, #tpu.memory_space<vmem_shared>>)
    %sub3A_83 = arith.constant 4 : i32
    %sub3A_84 = arith.subi %select_n3A_8, %sub3A_83 : i32
    %add3A_85 = arith.constant 2 : i32
    %add3A_86 = arith.addi %sub3A_84, %add3A_85 : i32
    %dma_wait3A_87 = arith.constant 0 : i32
    %dma_wait3A_88 = tpu.memref_slice %arg7[%add3A_86, %dma_wait3A_87] : memref<80x128xi32, #tpu.memory_space<vmem>> -> memref<1x128xi32, #tpu.memory_space<vmem>>
    %dma_wait3A_89 = tpu.memref_squeeze %dma_wait3A_88 : memref<1x128xi32, #tpu.memory_space<vmem>> -> memref<128xi32, #tpu.memory_space<vmem>>
    %dma_wait3A_90 = arith.constant 0 : i32
    %dma_wait3A_91 = arith.constant 0 : i32
    %dma_wait3A_92 = tpu.memref_slice %arg20[%dma_wait3A_90, %dma_wait3A_91] : memref<10112x32xf32, #tpu.memory_space<vmem_shared>> -> memref<10112x32xf32, #tpu.memory_space<vmem_shared>>
    tpu.wait_indirect_dma semaphore(%arg18 : memref<!tpu.dma_semaphore, #tpu.memory_space<semaphore_mem>>) src(%arg10 : memref<128x32xf32, #tpu.memory_space<vmem>>) dst(%dma_wait3A_92 : memref<10112x32xf32, #tpu.memory_space<vmem_shared>>)
    %sub3A_93 = arith.constant 4 : i32
    %sub3A_94 = arith.subi %select_n3A_8, %sub3A_93 : i32
    %add3A_95 = arith.constant 3 : i32
    %add3A_96 = arith.addi %sub3A_94, %add3A_95 : i32
    %dma_wait3A_97 = arith.constant 0 : i32
    %dma_wait3A_98 = tpu.memref_slice %arg7[%add3A_96, %dma_wait3A_97] : memref<80x128xi32, #tpu.memory_space<vmem>> -> memref<1x128xi32, #tpu.memory_space<vmem>>
    %dma_wait3A_99 = tpu.memref_squeeze %dma_wait3A_98 : memref<1x128xi32, #tpu.memory_space<vmem>> -> memref<128xi32, #tpu.memory_space<vmem>>
    %dma_wait3A_100 = arith.constant 0 : i32
    %dma_wait3A_101 = arith.constant 0 : i32
    %dma_wait3A_102 = tpu.memref_slice %arg20[%dma_wait3A_100, %dma_wait3A_101] : memref<10112x32xf32, #tpu.memory_space<vmem_shared>> -> memref<10112x32xf32, #tpu.memory_space<vmem_shared>>
    tpu.wait_indirect_dma semaphore(%arg19 : memref<!tpu.dma_semaphore, #tpu.memory_space<semaphore_mem>>) src(%arg11 : memref<128x32xf32, #tpu.memory_space<vmem>>) dst(%dma_wait3A_102 : memref<10112x32xf32, #tpu.memory_space<vmem_shared>>)
    %barrier3A_103 = arith.constant 0 : index
    tpu.barrier barrier_id(%barrier3A_103)
    %mul3A_104 = arith.constant 632 : i32
    %mul3A_105 = arith.muli %arg1, %mul3A_104 : i32
    %mul3A_106 = arith.constant 10112 : i32
    %mul3A_107 = arith.muli %arg0, %mul3A_106 : i32
    %mul3A_108 = arith.constant 632 : i32
    %mul3A_109 = arith.muli %arg1, %mul3A_108 : i32
    %add3A_110 = arith.addi %mul3A_107, %mul3A_109 : i32
    "tpu.region"() ({
      %run_scoped3A = tpu.sem_alloc : memref<!tpu.dma_semaphore, #tpu.memory_space<semaphore_mem>>
      %dma_start3A_226 = arith.constant 0 : i32
      %dma_start3A_227 = tpu.memref_slice %arg5[%add3A_110, %dma_start3A_226] : memref<20224x64xf32, #tpu.memory_space<hbm>> -> memref<632x32xf32, #tpu.memory_space<hbm>>
      %dma_start3A_228 = arith.constant 0 : i32
      %dma_start3A_229 = tpu.memref_slice %arg20[%mul3A_105, %dma_start3A_228] : memref<10112x32xf32, #tpu.memory_space<vmem_shared>> -> memref<632x32xf32, #tpu.memory_space<vmem_shared>>
      tpu.enqueue_dma source(%dma_start3A_229 : memref<632x32xf32, #tpu.memory_space<vmem_shared>>) target(%dma_start3A_227 : memref<632x32xf32, #tpu.memory_space<hbm>>) target_semaphore(%run_scoped3A : memref<!tpu.dma_semaphore, #tpu.memory_space<semaphore_mem>>)
      %dma_wait3A_230 = arith.constant 0 : i32
      %dma_wait3A_231 = tpu.memref_slice %arg5[%add3A_110, %dma_wait3A_230] : memref<20224x64xf32, #tpu.memory_space<hbm>> -> memref<632x32xf32, #tpu.memory_space<hbm>>
      %dma_wait3A_232 = arith.constant 0 : i32
      %dma_wait3A_233 = tpu.memref_slice %arg20[%mul3A_105, %dma_wait3A_232] : memref<10112x32xf32, #tpu.memory_space<vmem_shared>> -> memref<632x32xf32, #tpu.memory_space<vmem_shared>>
      tpu.wait_dma2 semaphore(%run_scoped3A : memref<!tpu.dma_semaphore, #tpu.memory_space<semaphore_mem>>) src(%dma_wait3A_233 : memref<632x32xf32, #tpu.memory_space<vmem_shared>>) dst(%dma_wait3A_231 : memref<632x32xf32, #tpu.memory_space<hbm>>)
      tpu.yield
    }) : () -> ()
    %barrier3A_111 = arith.constant 0 : index
    tpu.barrier barrier_id(%barrier3A_111)
    %eq3A_112 = arith.constant 0 : i32
    %eq3A_113 = arith.cmpi eq, %arg1, %eq3A_112 : i32
    %convert_element_type3A_114 = arith.extui %eq3A_113 : i1 to i32
    %cond3A_115 = arith.constant 0 : i32
    %cond3A_116 = arith.cmpi ne, %convert_element_type3A_114, %cond3A_115 : i32
    scf.if %cond3A_116 {
      "tpu.region"() ({
        %run_scoped3A = tpu.sem_alloc : memref<!tpu.dma_semaphore, #tpu.memory_space<semaphore_mem>>
        %dma_start3A_226 = arith.constant 0 : i32
        %dma_start3A_227 = arith.constant 0 : i32
        %dma_start3A_228 = tpu.memref_slice %arg20[%dma_start3A_226, %dma_start3A_227] : memref<10112x32xf32, #tpu.memory_space<vmem_shared>> -> memref<10000x32xf32, #tpu.memory_space<vmem_shared>>
        %dma_start3A_229 = arith.constant 0 : i32
        %dma_start3A_230 = arith.constant 32 : i32
        %dma_start3A_231 = tpu.memref_slice %arg2[%dma_start3A_229, %dma_start3A_230] : memref<10000x64xf32, #tpu.memory_space<hbm>> -> memref<10000x32xf32, #tpu.memory_space<hbm>>
        tpu.enqueue_dma source(%dma_start3A_231 : memref<10000x32xf32, #tpu.memory_space<hbm>>) target(%dma_start3A_228 : memref<10000x32xf32, #tpu.memory_space<vmem_shared>>) target_semaphore(%run_scoped3A : memref<!tpu.dma_semaphore, #tpu.memory_space<semaphore_mem>>)
        %dma_wait3A_232 = arith.constant 0 : i32
        %dma_wait3A_233 = arith.constant 0 : i32
        %dma_wait3A_234 = tpu.memref_slice %arg20[%dma_wait3A_232, %dma_wait3A_233] : memref<10112x32xf32, #tpu.memory_space<vmem_shared>> -> memref<10000x32xf32, #tpu.memory_space<vmem_shared>>
        %dma_wait3A_235 = arith.constant 0 : i32
        %dma_wait3A_236 = arith.constant 32 : i32
        %dma_wait3A_237 = tpu.memref_slice %arg2[%dma_wait3A_235, %dma_wait3A_236] : memref<10000x64xf32, #tpu.memory_space<hbm>> -> memref<10000x32xf32, #tpu.memory_space<hbm>>
        tpu.wait_dma2 semaphore(%run_scoped3A : memref<!tpu.dma_semaphore, #tpu.memory_space<semaphore_mem>>) src(%dma_wait3A_237 : memref<10000x32xf32, #tpu.memory_space<hbm>>) dst(%dma_wait3A_234 : memref<10000x32xf32, #tpu.memory_space<vmem_shared>>)
        tpu.yield
      }) : () -> ()
    } else {
    }
    %eq3A_117 = arith.constant 1 : i32
    %eq3A_118 = arith.cmpi eq, %arg1, %eq3A_117 : i32
    %convert_element_type3A_119 = arith.extui %eq3A_118 : i1 to i32
    %cond3A_120 = arith.constant 0 : i32
    %cond3A_121 = arith.cmpi ne, %convert_element_type3A_119, %cond3A_120 : i32
    scf.if %cond3A_121 {
      "tpu.region"() ({
        %run_scoped3A = tpu.sem_alloc : memref<!tpu.dma_semaphore, #tpu.memory_space<semaphore_mem>>
        %dma_start3A_226 = arith.constant 0 : i32
        %dma_start3A_227 = arith.constant 32 : i32
        %dma_start3A_228 = tpu.memref_slice %arg2[%dma_start3A_226, %dma_start3A_227] : memref<10000x64xf32, #tpu.memory_space<hbm>> -> memref<10000x32xf32, #tpu.memory_space<hbm>>
        tpu.enqueue_dma source(%dma_start3A_228 : memref<10000x32xf32, #tpu.memory_space<hbm>>) target(%arg21 : memref<10000x32xf32, #tpu.memory_space<vmem_shared>>) target_semaphore(%run_scoped3A : memref<!tpu.dma_semaphore, #tpu.memory_space<semaphore_mem>>)
        %dma_wait3A_229 = arith.constant 0 : i32
        %dma_wait3A_230 = arith.constant 32 : i32
        %dma_wait3A_231 = tpu.memref_slice %arg2[%dma_wait3A_229, %dma_wait3A_230] : memref<10000x64xf32, #tpu.memory_space<hbm>> -> memref<10000x32xf32, #tpu.memory_space<hbm>>
        tpu.wait_dma2 semaphore(%run_scoped3A : memref<!tpu.dma_semaphore, #tpu.memory_space<semaphore_mem>>) src(%dma_wait3A_231 : memref<10000x32xf32, #tpu.memory_space<hbm>>) dst(%arg21 : memref<10000x32xf32, #tpu.memory_space<vmem_shared>>)
        tpu.yield
      }) : () -> ()
    } else {
    }
    %barrier3A_122 = arith.constant 0 : index
    tpu.barrier barrier_id(%barrier3A_122)
    %dma_start3A_123 = arith.constant 0 : i32
    %dma_start3A_124 = arith.constant 0 : i32
    %dma_start3A_125 = tpu.memref_slice %arg6[%dma_start3A_123, %dma_start3A_124] : memref<80x128xi32, #tpu.memory_space<vmem>> -> memref<1x128xi32, #tpu.memory_space<vmem>>
    %dma_start3A_126 = tpu.memref_squeeze %dma_start3A_125 : memref<1x128xi32, #tpu.memory_space<vmem>> -> memref<128xi32, #tpu.memory_space<vmem>>
    %dma_start3A_127 = arith.constant 0 : i32
    %dma_start3A_128 = arith.constant 0 : i32
    %dma_start3A_129 = tpu.memref_slice %arg21[%dma_start3A_127, %dma_start3A_128] : memref<10000x32xf32, #tpu.memory_space<vmem_shared>> -> memref<10000x32xf32, #tpu.memory_space<vmem_shared>>
    tpu.enqueue_indirect_dma source(%dma_start3A_129 : memref<10000x32xf32, #tpu.memory_space<vmem_shared>>) target(%arg8 : memref<128x32xf32, #tpu.memory_space<vmem>>) offsets(%dma_start3A_126 : memref<128xi32, #tpu.memory_space<vmem>>) semaphore(%arg12 : memref<!tpu.dma_semaphore, #tpu.memory_space<semaphore_mem>>)
    %dma_start3A_130 = arith.constant 1 : i32
    %dma_start3A_131 = arith.constant 0 : i32
    %dma_start3A_132 = tpu.memref_slice %arg6[%dma_start3A_130, %dma_start3A_131] : memref<80x128xi32, #tpu.memory_space<vmem>> -> memref<1x128xi32, #tpu.memory_space<vmem>>
    %dma_start3A_133 = tpu.memref_squeeze %dma_start3A_132 : memref<1x128xi32, #tpu.memory_space<vmem>> -> memref<128xi32, #tpu.memory_space<vmem>>
    %dma_start3A_134 = arith.constant 0 : i32
    %dma_start3A_135 = arith.constant 0 : i32
    %dma_start3A_136 = tpu.memref_slice %arg21[%dma_start3A_134, %dma_start3A_135] : memref<10000x32xf32, #tpu.memory_space<vmem_shared>> -> memref<10000x32xf32, #tpu.memory_space<vmem_shared>>
    tpu.enqueue_indirect_dma source(%dma_start3A_136 : memref<10000x32xf32, #tpu.memory_space<vmem_shared>>) target(%arg9 : memref<128x32xf32, #tpu.memory_space<vmem>>) offsets(%dma_start3A_133 : memref<128xi32, #tpu.memory_space<vmem>>) semaphore(%arg13 : memref<!tpu.dma_semaphore, #tpu.memory_space<semaphore_mem>>)
    %dma_start3A_137 = arith.constant 2 : i32
    %dma_start3A_138 = arith.constant 0 : i32
    %dma_start3A_139 = tpu.memref_slice %arg6[%dma_start3A_137, %dma_start3A_138] : memref<80x128xi32, #tpu.memory_space<vmem>> -> memref<1x128xi32, #tpu.memory_space<vmem>>
    %dma_start3A_140 = tpu.memref_squeeze %dma_start3A_139 : memref<1x128xi32, #tpu.memory_space<vmem>> -> memref<128xi32, #tpu.memory_space<vmem>>
    %dma_start3A_141 = arith.constant 0 : i32
    %dma_start3A_142 = arith.constant 0 : i32
    %dma_start3A_143 = tpu.memref_slice %arg21[%dma_start3A_141, %dma_start3A_142] : memref<10000x32xf32, #tpu.memory_space<vmem_shared>> -> memref<10000x32xf32, #tpu.memory_space<vmem_shared>>
    tpu.enqueue_indirect_dma source(%dma_start3A_143 : memref<10000x32xf32, #tpu.memory_space<vmem_shared>>) target(%arg10 : memref<128x32xf32, #tpu.memory_space<vmem>>) offsets(%dma_start3A_140 : memref<128xi32, #tpu.memory_space<vmem>>) semaphore(%arg14 : memref<!tpu.dma_semaphore, #tpu.memory_space<semaphore_mem>>)
    %jit3A_144 = arith.constant 4 : i32
    %div3A_145 = arith.divsi %select_n3A_8, %jit3A_144 : i32
    %sign3A_146 = arith.constant 0 : i32
    %sign3A_147 = arith.cmpi sgt, %select_n3A_8, %sign3A_146 : i32
    %sign3A_148 = arith.extui %sign3A_147 : i1 to i32
    %sign3A_149 = arith.constant 0 : i32
    %sign3A_150 = arith.cmpi slt, %select_n3A_8, %sign3A_149 : i32
    %sign3A_151 = arith.extui %sign3A_150 : i1 to i32
    %sign3A_152 = arith.subi %sign3A_148, %sign3A_151 : i32
    %sign3A_153 = arith.constant 0 : i32
    %sign3A_154 = arith.cmpi sgt, %jit3A_144, %sign3A_153 : i32
    %sign3A_155 = arith.extui %sign3A_154 : i1 to i32
    %sign3A_156 = arith.constant 0 : i32
    %sign3A_157 = arith.cmpi slt, %jit3A_144, %sign3A_156 : i32
    %sign3A_158 = arith.extui %sign3A_157 : i1 to i32
    %sign3A_159 = arith.subi %sign3A_155, %sign3A_158 : i32
    %ne3A_160 = arith.cmpi ne, %sign3A_152, %sign3A_159 : i32
    %rem3A_161 = arith.remsi %select_n3A_8, %jit3A_144 : i32
    %ne3A_162 = arith.constant 0 : i32
    %ne3A_163 = arith.cmpi ne, %rem3A_161, %ne3A_162 : i32
    %and3A_164 = arith.andi %ne3A_160, %ne3A_163 : i1
    %sub3A_165 = arith.constant 1 : i32
    %sub3A_166 = arith.subi %div3A_145, %sub3A_165 : i32
    %select_n3A_167 = arith.select %and3A_164, %sub3A_166, %div3A_145 : i32
    %while3A_168 = arith.constant 0 : i32
    %while3A_169 = arith.constant 0 : i32
    %while3A_170 = arith.subi %select_n3A_167, %while3A_169 : i32
    %while3A_171 = arith.addi %while3A_169, %while3A_170 : i32
    %while3A_172 = arith.constant 1 : i32
    %while3A_173 = arith.divsi %while3A_170, %while3A_172 : i32
    %while3A_174 = arith.muli %while3A_173, %while3A_172 : i32
    %while3A_175 = arith.addi %while3A_169, %while3A_174 : i32
    %while3A_176 = arith.constant 1 : i32
    scf.for %while3A_226 = %while3A_169 to %while3A_175 step %while3A_176  : i32 {
      %mul3A_227 = arith.constant 4 : i32
      %mul3A_228 = arith.muli %while3A_226, %mul3A_227 : i32
      %add3A_229 = arith.constant 0 : i32
      %add3A_230 = arith.addi %mul3A_228, %add3A_229 : i32
      %dma_wait3A_231 = arith.constant 0 : i32
      %dma_wait3A_232 = tpu.memref_slice %arg6[%add3A_230, %dma_wait3A_231] : memref<80x128xi32, #tpu.memory_space<vmem>> -> memref<1x128xi32, #tpu.memory_space<vmem>>
      %dma_wait3A_233 = tpu.memref_squeeze %dma_wait3A_232 : memref<1x128xi32, #tpu.memory_space<vmem>> -> memref<128xi32, #tpu.memory_space<vmem>>
      %dma_wait3A_234 = arith.constant 0 : i32
      %dma_wait3A_235 = arith.constant 0 : i32
      %dma_wait3A_236 = tpu.memref_slice %arg21[%dma_wait3A_234, %dma_wait3A_235] : memref<10000x32xf32, #tpu.memory_space<vmem_shared>> -> memref<10000x32xf32, #tpu.memory_space<vmem_shared>>
      tpu.wait_indirect_dma semaphore(%arg12 : memref<!tpu.dma_semaphore, #tpu.memory_space<semaphore_mem>>) src(%dma_wait3A_236 : memref<10000x32xf32, #tpu.memory_space<vmem_shared>>) dst(%arg8 : memref<128x32xf32, #tpu.memory_space<vmem>>)
      %dma_start3A_237 = arith.constant 0 : i32
      %dma_start3A_238 = tpu.memref_slice %arg7[%add3A_230, %dma_start3A_237] : memref<80x128xi32, #tpu.memory_space<vmem>> -> memref<1x128xi32, #tpu.memory_space<vmem>>
      %dma_start3A_239 = tpu.memref_squeeze %dma_start3A_238 : memref<1x128xi32, #tpu.memory_space<vmem>> -> memref<128xi32, #tpu.memory_space<vmem>>
      %dma_start3A_240 = arith.constant 0 : i32
      %dma_start3A_241 = arith.constant 0 : i32
      %dma_start3A_242 = tpu.memref_slice %arg20[%dma_start3A_240, %dma_start3A_241] : memref<10112x32xf32, #tpu.memory_space<vmem_shared>> -> memref<10112x32xf32, #tpu.memory_space<vmem_shared>>
      tpu.enqueue_indirect_dma source(%arg8 : memref<128x32xf32, #tpu.memory_space<vmem>>) target(%dma_start3A_242 : memref<10112x32xf32, #tpu.memory_space<vmem_shared>>) offsets(%dma_start3A_239 : memref<128xi32, #tpu.memory_space<vmem>>) semaphore(%arg16 : memref<!tpu.dma_semaphore, #tpu.memory_space<semaphore_mem>>) {add = true}
      %add3A_243 = arith.constant 4 : i32
      %add3A_244 = arith.addi %add3A_230, %add3A_243 : i32
      %sub3A_245 = arith.constant 1 : i32
      %sub3A_246 = arith.subi %add3A_244, %sub3A_245 : i32
      %lt3A = arith.cmpi slt, %sub3A_246, %select_n3A_8 : i32
      %convert_element_type3A_247 = arith.extui %lt3A : i1 to i32
      %cond3A_248 = arith.constant 0 : i32
      %cond3A_249 = arith.cmpi ne, %convert_element_type3A_247, %cond3A_248 : i32
      scf.if %cond3A_249 {
        %ge3A = arith.constant 1 : i32
        %ge3A_316 = arith.cmpi sge, %add3A_230, %ge3A : i32
        %convert_element_type3A_317 = arith.extui %ge3A_316 : i1 to i32
        %cond3A_318 = arith.constant 0 : i32
        %cond3A_319 = arith.cmpi ne, %convert_element_type3A_317, %cond3A_318 : i32
        scf.if %cond3A_319 {
          %sub3A_326 = arith.constant 1 : i32
          %sub3A_327 = arith.subi %add3A_230, %sub3A_326 : i32
          %dma_wait3A_328 = arith.constant 0 : i32
          %dma_wait3A_329 = tpu.memref_slice %arg7[%sub3A_327, %dma_wait3A_328] : memref<80x128xi32, #tpu.memory_space<vmem>> -> memref<1x128xi32, #tpu.memory_space<vmem>>
          %dma_wait3A_330 = tpu.memref_squeeze %dma_wait3A_329 : memref<1x128xi32, #tpu.memory_space<vmem>> -> memref<128xi32, #tpu.memory_space<vmem>>
          %dma_wait3A_331 = arith.constant 0 : i32
          %dma_wait3A_332 = arith.constant 0 : i32
          %dma_wait3A_333 = tpu.memref_slice %arg20[%dma_wait3A_331, %dma_wait3A_332] : memref<10112x32xf32, #tpu.memory_space<vmem_shared>> -> memref<10112x32xf32, #tpu.memory_space<vmem_shared>>
          tpu.wait_indirect_dma semaphore(%arg19 : memref<!tpu.dma_semaphore, #tpu.memory_space<semaphore_mem>>) src(%arg11 : memref<128x32xf32, #tpu.memory_space<vmem>>) dst(%dma_wait3A_333 : memref<10112x32xf32, #tpu.memory_space<vmem_shared>>)
        } else {
        }
        %dma_start3A_320 = arith.constant 0 : i32
        %dma_start3A_321 = tpu.memref_slice %arg6[%sub3A_246, %dma_start3A_320] : memref<80x128xi32, #tpu.memory_space<vmem>> -> memref<1x128xi32, #tpu.memory_space<vmem>>
        %dma_start3A_322 = tpu.memref_squeeze %dma_start3A_321 : memref<1x128xi32, #tpu.memory_space<vmem>> -> memref<128xi32, #tpu.memory_space<vmem>>
        %dma_start3A_323 = arith.constant 0 : i32
        %dma_start3A_324 = arith.constant 0 : i32
        %dma_start3A_325 = tpu.memref_slice %arg21[%dma_start3A_323, %dma_start3A_324] : memref<10000x32xf32, #tpu.memory_space<vmem_shared>> -> memref<10000x32xf32, #tpu.memory_space<vmem_shared>>
        tpu.enqueue_indirect_dma source(%dma_start3A_325 : memref<10000x32xf32, #tpu.memory_space<vmem_shared>>) target(%arg11 : memref<128x32xf32, #tpu.memory_space<vmem>>) offsets(%dma_start3A_322 : memref<128xi32, #tpu.memory_space<vmem>>) semaphore(%arg15 : memref<!tpu.dma_semaphore, #tpu.memory_space<semaphore_mem>>)
      } else {
      }
      %add3A_250 = arith.constant 1 : i32
      %add3A_251 = arith.addi %mul3A_228, %add3A_250 : i32
      %dma_wait3A_252 = arith.constant 0 : i32
      %dma_wait3A_253 = tpu.memref_slice %arg6[%add3A_251, %dma_wait3A_252] : memref<80x128xi32, #tpu.memory_space<vmem>> -> memref<1x128xi32, #tpu.memory_space<vmem>>
      %dma_wait3A_254 = tpu.memref_squeeze %dma_wait3A_253 : memref<1x128xi32, #tpu.memory_space<vmem>> -> memref<128xi32, #tpu.memory_space<vmem>>
      %dma_wait3A_255 = arith.constant 0 : i32
      %dma_wait3A_256 = arith.constant 0 : i32
      %dma_wait3A_257 = tpu.memref_slice %arg21[%dma_wait3A_255, %dma_wait3A_256] : memref<10000x32xf32, #tpu.memory_space<vmem_shared>> -> memref<10000x32xf32, #tpu.memory_space<vmem_shared>>
      tpu.wait_indirect_dma semaphore(%arg13 : memref<!tpu.dma_semaphore, #tpu.memory_space<semaphore_mem>>) src(%dma_wait3A_257 : memref<10000x32xf32, #tpu.memory_space<vmem_shared>>) dst(%arg9 : memref<128x32xf32, #tpu.memory_space<vmem>>)
      %dma_start3A_258 = arith.constant 0 : i32
      %dma_start3A_259 = tpu.memref_slice %arg7[%add3A_251, %dma_start3A_258] : memref<80x128xi32, #tpu.memory_space<vmem>> -> memref<1x128xi32, #tpu.memory_space<vmem>>
      %dma_start3A_260 = tpu.memref_squeeze %dma_start3A_259 : memref<1x128xi32, #tpu.memory_space<vmem>> -> memref<128xi32, #tpu.memory_space<vmem>>
      %dma_start3A_261 = arith.constant 0 : i32
      %dma_start3A_262 = arith.constant 0 : i32
      %dma_start3A_263 = tpu.memref_slice %arg20[%dma_start3A_261, %dma_start3A_262] : memref<10112x32xf32, #tpu.memory_space<vmem_shared>> -> memref<10112x32xf32, #tpu.memory_space<vmem_shared>>
      tpu.enqueue_indirect_dma source(%arg9 : memref<128x32xf32, #tpu.memory_space<vmem>>) target(%dma_start3A_263 : memref<10112x32xf32, #tpu.memory_space<vmem_shared>>) offsets(%dma_start3A_260 : memref<128xi32, #tpu.memory_space<vmem>>) semaphore(%arg17 : memref<!tpu.dma_semaphore, #tpu.memory_space<semaphore_mem>>) {add = true}
      %add3A_264 = arith.constant 4 : i32
      %add3A_265 = arith.addi %add3A_251, %add3A_264 : i32
      %sub3A_266 = arith.constant 1 : i32
      %sub3A_267 = arith.subi %add3A_265, %sub3A_266 : i32
      %lt3A_268 = arith.cmpi slt, %sub3A_267, %select_n3A_8 : i32
      %convert_element_type3A_269 = arith.extui %lt3A_268 : i1 to i32
      %cond3A_270 = arith.constant 0 : i32
      %cond3A_271 = arith.cmpi ne, %convert_element_type3A_269, %cond3A_270 : i32
      scf.if %cond3A_271 {
        %ge3A = arith.constant 1 : i32
        %ge3A_316 = arith.cmpi sge, %add3A_251, %ge3A : i32
        %convert_element_type3A_317 = arith.extui %ge3A_316 : i1 to i32
        %cond3A_318 = arith.constant 0 : i32
        %cond3A_319 = arith.cmpi ne, %convert_element_type3A_317, %cond3A_318 : i32
        scf.if %cond3A_319 {
          %sub3A_326 = arith.constant 1 : i32
          %sub3A_327 = arith.subi %add3A_251, %sub3A_326 : i32
          %dma_wait3A_328 = arith.constant 0 : i32
          %dma_wait3A_329 = tpu.memref_slice %arg7[%sub3A_327, %dma_wait3A_328] : memref<80x128xi32, #tpu.memory_space<vmem>> -> memref<1x128xi32, #tpu.memory_space<vmem>>
          %dma_wait3A_330 = tpu.memref_squeeze %dma_wait3A_329 : memref<1x128xi32, #tpu.memory_space<vmem>> -> memref<128xi32, #tpu.memory_space<vmem>>
          %dma_wait3A_331 = arith.constant 0 : i32
          %dma_wait3A_332 = arith.constant 0 : i32
          %dma_wait3A_333 = tpu.memref_slice %arg20[%dma_wait3A_331, %dma_wait3A_332] : memref<10112x32xf32, #tpu.memory_space<vmem_shared>> -> memref<10112x32xf32, #tpu.memory_space<vmem_shared>>
          tpu.wait_indirect_dma semaphore(%arg16 : memref<!tpu.dma_semaphore, #tpu.memory_space<semaphore_mem>>) src(%arg8 : memref<128x32xf32, #tpu.memory_space<vmem>>) dst(%dma_wait3A_333 : memref<10112x32xf32, #tpu.memory_space<vmem_shared>>)
        } else {
        }
        %dma_start3A_320 = arith.constant 0 : i32
        %dma_start3A_321 = tpu.memref_slice %arg6[%sub3A_267, %dma_start3A_320] : memref<80x128xi32, #tpu.memory_space<vmem>> -> memref<1x128xi32, #tpu.memory_space<vmem>>
        %dma_start3A_322 = tpu.memref_squeeze %dma_start3A_321 : memref<1x128xi32, #tpu.memory_space<vmem>> -> memref<128xi32, #tpu.memory_space<vmem>>
        %dma_start3A_323 = arith.constant 0 : i32
        %dma_start3A_324 = arith.constant 0 : i32
        %dma_start3A_325 = tpu.memref_slice %arg21[%dma_start3A_323, %dma_start3A_324] : memref<10000x32xf32, #tpu.memory_space<vmem_shared>> -> memref<10000x32xf32, #tpu.memory_space<vmem_shared>>
        tpu.enqueue_indirect_dma source(%dma_start3A_325 : memref<10000x32xf32, #tpu.memory_space<vmem_shared>>) target(%arg8 : memref<128x32xf32, #tpu.memory_space<vmem>>) offsets(%dma_start3A_322 : memref<128xi32, #tpu.memory_space<vmem>>) semaphore(%arg12 : memref<!tpu.dma_semaphore, #tpu.memory_space<semaphore_mem>>)
      } else {
      }
      %add3A_272 = arith.constant 2 : i32
      %add3A_273 = arith.addi %mul3A_228, %add3A_272 : i32
      %dma_wait3A_274 = arith.constant 0 : i32
      %dma_wait3A_275 = tpu.memref_slice %arg6[%add3A_273, %dma_wait3A_274] : memref<80x128xi32, #tpu.memory_space<vmem>> -> memref<1x128xi32, #tpu.memory_space<vmem>>
      %dma_wait3A_276 = tpu.memref_squeeze %dma_wait3A_275 : memref<1x128xi32, #tpu.memory_space<vmem>> -> memref<128xi32, #tpu.memory_space<vmem>>
      %dma_wait3A_277 = arith.constant 0 : i32
      %dma_wait3A_278 = arith.constant 0 : i32
      %dma_wait3A_279 = tpu.memref_slice %arg21[%dma_wait3A_277, %dma_wait3A_278] : memref<10000x32xf32, #tpu.memory_space<vmem_shared>> -> memref<10000x32xf32, #tpu.memory_space<vmem_shared>>
      tpu.wait_indirect_dma semaphore(%arg14 : memref<!tpu.dma_semaphore, #tpu.memory_space<semaphore_mem>>) src(%dma_wait3A_279 : memref<10000x32xf32, #tpu.memory_space<vmem_shared>>) dst(%arg10 : memref<128x32xf32, #tpu.memory_space<vmem>>)
      %dma_start3A_280 = arith.constant 0 : i32
      %dma_start3A_281 = tpu.memref_slice %arg7[%add3A_273, %dma_start3A_280] : memref<80x128xi32, #tpu.memory_space<vmem>> -> memref<1x128xi32, #tpu.memory_space<vmem>>
      %dma_start3A_282 = tpu.memref_squeeze %dma_start3A_281 : memref<1x128xi32, #tpu.memory_space<vmem>> -> memref<128xi32, #tpu.memory_space<vmem>>
      %dma_start3A_283 = arith.constant 0 : i32
      %dma_start3A_284 = arith.constant 0 : i32
      %dma_start3A_285 = tpu.memref_slice %arg20[%dma_start3A_283, %dma_start3A_284] : memref<10112x32xf32, #tpu.memory_space<vmem_shared>> -> memref<10112x32xf32, #tpu.memory_space<vmem_shared>>
      tpu.enqueue_indirect_dma source(%arg10 : memref<128x32xf32, #tpu.memory_space<vmem>>) target(%dma_start3A_285 : memref<10112x32xf32, #tpu.memory_space<vmem_shared>>) offsets(%dma_start3A_282 : memref<128xi32, #tpu.memory_space<vmem>>) semaphore(%arg18 : memref<!tpu.dma_semaphore, #tpu.memory_space<semaphore_mem>>) {add = true}
      %add3A_286 = arith.constant 4 : i32
      %add3A_287 = arith.addi %add3A_273, %add3A_286 : i32
      %sub3A_288 = arith.constant 1 : i32
      %sub3A_289 = arith.subi %add3A_287, %sub3A_288 : i32
      %lt3A_290 = arith.cmpi slt, %sub3A_289, %select_n3A_8 : i32
      %convert_element_type3A_291 = arith.extui %lt3A_290 : i1 to i32
      %cond3A_292 = arith.constant 0 : i32
      %cond3A_293 = arith.cmpi ne, %convert_element_type3A_291, %cond3A_292 : i32
      scf.if %cond3A_293 {
        %ge3A = arith.constant 1 : i32
        %ge3A_316 = arith.cmpi sge, %add3A_273, %ge3A : i32
        %convert_element_type3A_317 = arith.extui %ge3A_316 : i1 to i32
        %cond3A_318 = arith.constant 0 : i32
        %cond3A_319 = arith.cmpi ne, %convert_element_type3A_317, %cond3A_318 : i32
        scf.if %cond3A_319 {
          %sub3A_326 = arith.constant 1 : i32
          %sub3A_327 = arith.subi %add3A_273, %sub3A_326 : i32
          %dma_wait3A_328 = arith.constant 0 : i32
          %dma_wait3A_329 = tpu.memref_slice %arg7[%sub3A_327, %dma_wait3A_328] : memref<80x128xi32, #tpu.memory_space<vmem>> -> memref<1x128xi32, #tpu.memory_space<vmem>>
          %dma_wait3A_330 = tpu.memref_squeeze %dma_wait3A_329 : memref<1x128xi32, #tpu.memory_space<vmem>> -> memref<128xi32, #tpu.memory_space<vmem>>
          %dma_wait3A_331 = arith.constant 0 : i32
          %dma_wait3A_332 = arith.constant 0 : i32
          %dma_wait3A_333 = tpu.memref_slice %arg20[%dma_wait3A_331, %dma_wait3A_332] : memref<10112x32xf32, #tpu.memory_space<vmem_shared>> -> memref<10112x32xf32, #tpu.memory_space<vmem_shared>>
          tpu.wait_indirect_dma semaphore(%arg17 : memref<!tpu.dma_semaphore, #tpu.memory_space<semaphore_mem>>) src(%arg9 : memref<128x32xf32, #tpu.memory_space<vmem>>) dst(%dma_wait3A_333 : memref<10112x32xf32, #tpu.memory_space<vmem_shared>>)
        } else {
        }
        %dma_start3A_320 = arith.constant 0 : i32
        %dma_start3A_321 = tpu.memref_slice %arg6[%sub3A_289, %dma_start3A_320] : memref<80x128xi32, #tpu.memory_space<vmem>> -> memref<1x128xi32, #tpu.memory_space<vmem>>
        %dma_start3A_322 = tpu.memref_squeeze %dma_start3A_321 : memref<1x128xi32, #tpu.memory_space<vmem>> -> memref<128xi32, #tpu.memory_space<vmem>>
        %dma_start3A_323 = arith.constant 0 : i32
        %dma_start3A_324 = arith.constant 0 : i32
        %dma_start3A_325 = tpu.memref_slice %arg21[%dma_start3A_323, %dma_start3A_324] : memref<10000x32xf32, #tpu.memory_space<vmem_shared>> -> memref<10000x32xf32, #tpu.memory_space<vmem_shared>>
        tpu.enqueue_indirect_dma source(%dma_start3A_325 : memref<10000x32xf32, #tpu.memory_space<vmem_shared>>) target(%arg9 : memref<128x32xf32, #tpu.memory_space<vmem>>) offsets(%dma_start3A_322 : memref<128xi32, #tpu.memory_space<vmem>>) semaphore(%arg13 : memref<!tpu.dma_semaphore, #tpu.memory_space<semaphore_mem>>)
      } else {
      }
      %add3A_294 = arith.constant 3 : i32
      %add3A_295 = arith.addi %mul3A_228, %add3A_294 : i32
      %dma_wait3A_296 = arith.constant 0 : i32
      %dma_wait3A_297 = tpu.memref_slice %arg6[%add3A_295, %dma_wait3A_296] : memref<80x128xi32, #tpu.memory_space<vmem>> -> memref<1x128xi32, #tpu.memory_space<vmem>>
      %dma_wait3A_298 = tpu.memref_squeeze %dma_wait3A_297 : memref<1x128xi32, #tpu.memory_space<vmem>> -> memref<128xi32, #tpu.memory_space<vmem>>
      %dma_wait3A_299 = arith.constant 0 : i32
      %dma_wait3A_300 = arith.constant 0 : i32
      %dma_wait3A_301 = tpu.memref_slice %arg21[%dma_wait3A_299, %dma_wait3A_300] : memref<10000x32xf32, #tpu.memory_space<vmem_shared>> -> memref<10000x32xf32, #tpu.memory_space<vmem_shared>>
      tpu.wait_indirect_dma semaphore(%arg15 : memref<!tpu.dma_semaphore, #tpu.memory_space<semaphore_mem>>) src(%dma_wait3A_301 : memref<10000x32xf32, #tpu.memory_space<vmem_shared>>) dst(%arg11 : memref<128x32xf32, #tpu.memory_space<vmem>>)
      %dma_start3A_302 = arith.constant 0 : i32
      %dma_start3A_303 = tpu.memref_slice %arg7[%add3A_295, %dma_start3A_302] : memref<80x128xi32, #tpu.memory_space<vmem>> -> memref<1x128xi32, #tpu.memory_space<vmem>>
      %dma_start3A_304 = tpu.memref_squeeze %dma_start3A_303 : memref<1x128xi32, #tpu.memory_space<vmem>> -> memref<128xi32, #tpu.memory_space<vmem>>
      %dma_start3A_305 = arith.constant 0 : i32
      %dma_start3A_306 = arith.constant 0 : i32
      %dma_start3A_307 = tpu.memref_slice %arg20[%dma_start3A_305, %dma_start3A_306] : memref<10112x32xf32, #tpu.memory_space<vmem_shared>> -> memref<10112x32xf32, #tpu.memory_space<vmem_shared>>
      tpu.enqueue_indirect_dma source(%arg11 : memref<128x32xf32, #tpu.memory_space<vmem>>) target(%dma_start3A_307 : memref<10112x32xf32, #tpu.memory_space<vmem_shared>>) offsets(%dma_start3A_304 : memref<128xi32, #tpu.memory_space<vmem>>) semaphore(%arg19 : memref<!tpu.dma_semaphore, #tpu.memory_space<semaphore_mem>>) {add = true}
      %add3A_308 = arith.constant 4 : i32
      %add3A_309 = arith.addi %add3A_295, %add3A_308 : i32
      %sub3A_310 = arith.constant 1 : i32
      %sub3A_311 = arith.subi %add3A_309, %sub3A_310 : i32
      %lt3A_312 = arith.cmpi slt, %sub3A_311, %select_n3A_8 : i32
      %convert_element_type3A_313 = arith.extui %lt3A_312 : i1 to i32
      %cond3A_314 = arith.constant 0 : i32
      %cond3A_315 = arith.cmpi ne, %convert_element_type3A_313, %cond3A_314 : i32
      scf.if %cond3A_315 {
        %ge3A = arith.constant 1 : i32
        %ge3A_316 = arith.cmpi sge, %add3A_295, %ge3A : i32
        %convert_element_type3A_317 = arith.extui %ge3A_316 : i1 to i32
        %cond3A_318 = arith.constant 0 : i32
        %cond3A_319 = arith.cmpi ne, %convert_element_type3A_317, %cond3A_318 : i32
        scf.if %cond3A_319 {
          %sub3A_326 = arith.constant 1 : i32
          %sub3A_327 = arith.subi %add3A_295, %sub3A_326 : i32
          %dma_wait3A_328 = arith.constant 0 : i32
          %dma_wait3A_329 = tpu.memref_slice %arg7[%sub3A_327, %dma_wait3A_328] : memref<80x128xi32, #tpu.memory_space<vmem>> -> memref<1x128xi32, #tpu.memory_space<vmem>>
          %dma_wait3A_330 = tpu.memref_squeeze %dma_wait3A_329 : memref<1x128xi32, #tpu.memory_space<vmem>> -> memref<128xi32, #tpu.memory_space<vmem>>
          %dma_wait3A_331 = arith.constant 0 : i32
          %dma_wait3A_332 = arith.constant 0 : i32
          %dma_wait3A_333 = tpu.memref_slice %arg20[%dma_wait3A_331, %dma_wait3A_332] : memref<10112x32xf32, #tpu.memory_space<vmem_shared>> -> memref<10112x32xf32, #tpu.memory_space<vmem_shared>>
          tpu.wait_indirect_dma semaphore(%arg18 : memref<!tpu.dma_semaphore, #tpu.memory_space<semaphore_mem>>) src(%arg10 : memref<128x32xf32, #tpu.memory_space<vmem>>) dst(%dma_wait3A_333 : memref<10112x32xf32, #tpu.memory_space<vmem_shared>>)
        } else {
        }
        %dma_start3A_320 = arith.constant 0 : i32
        %dma_start3A_321 = tpu.memref_slice %arg6[%sub3A_311, %dma_start3A_320] : memref<80x128xi32, #tpu.memory_space<vmem>> -> memref<1x128xi32, #tpu.memory_space<vmem>>
        %dma_start3A_322 = tpu.memref_squeeze %dma_start3A_321 : memref<1x128xi32, #tpu.memory_space<vmem>> -> memref<128xi32, #tpu.memory_space<vmem>>
        %dma_start3A_323 = arith.constant 0 : i32
        %dma_start3A_324 = arith.constant 0 : i32
        %dma_start3A_325 = tpu.memref_slice %arg21[%dma_start3A_323, %dma_start3A_324] : memref<10000x32xf32, #tpu.memory_space<vmem_shared>> -> memref<10000x32xf32, #tpu.memory_space<vmem_shared>>
        tpu.enqueue_indirect_dma source(%dma_start3A_325 : memref<10000x32xf32, #tpu.memory_space<vmem_shared>>) target(%arg10 : memref<128x32xf32, #tpu.memory_space<vmem>>) offsets(%dma_start3A_322 : memref<128xi32, #tpu.memory_space<vmem>>) semaphore(%arg14 : memref<!tpu.dma_semaphore, #tpu.memory_space<semaphore_mem>>)
      } else {
      }
    }
    %while3A_177 = arith.constant 1 : i32
    scf.for %while3A_226 = %while3A_175 to %while3A_171 step %while3A_177  : i32 {
      %mul3A_227 = arith.constant 4 : i32
      %mul3A_228 = arith.muli %while3A_226, %mul3A_227 : i32
      %add3A_229 = arith.constant 0 : i32
      %add3A_230 = arith.addi %mul3A_228, %add3A_229 : i32
      %dma_wait3A_231 = arith.constant 0 : i32
      %dma_wait3A_232 = tpu.memref_slice %arg6[%add3A_230, %dma_wait3A_231] : memref<80x128xi32, #tpu.memory_space<vmem>> -> memref<1x128xi32, #tpu.memory_space<vmem>>
      %dma_wait3A_233 = tpu.memref_squeeze %dma_wait3A_232 : memref<1x128xi32, #tpu.memory_space<vmem>> -> memref<128xi32, #tpu.memory_space<vmem>>
      %dma_wait3A_234 = arith.constant 0 : i32
      %dma_wait3A_235 = arith.constant 0 : i32
      %dma_wait3A_236 = tpu.memref_slice %arg21[%dma_wait3A_234, %dma_wait3A_235] : memref<10000x32xf32, #tpu.memory_space<vmem_shared>> -> memref<10000x32xf32, #tpu.memory_space<vmem_shared>>
      tpu.wait_indirect_dma semaphore(%arg12 : memref<!tpu.dma_semaphore, #tpu.memory_space<semaphore_mem>>) src(%dma_wait3A_236 : memref<10000x32xf32, #tpu.memory_space<vmem_shared>>) dst(%arg8 : memref<128x32xf32, #tpu.memory_space<vmem>>)
      %dma_start3A_237 = arith.constant 0 : i32
      %dma_start3A_238 = tpu.memref_slice %arg7[%add3A_230, %dma_start3A_237] : memref<80x128xi32, #tpu.memory_space<vmem>> -> memref<1x128xi32, #tpu.memory_space<vmem>>
      %dma_start3A_239 = tpu.memref_squeeze %dma_start3A_238 : memref<1x128xi32, #tpu.memory_space<vmem>> -> memref<128xi32, #tpu.memory_space<vmem>>
      %dma_start3A_240 = arith.constant 0 : i32
      %dma_start3A_241 = arith.constant 0 : i32
      %dma_start3A_242 = tpu.memref_slice %arg20[%dma_start3A_240, %dma_start3A_241] : memref<10112x32xf32, #tpu.memory_space<vmem_shared>> -> memref<10112x32xf32, #tpu.memory_space<vmem_shared>>
      tpu.enqueue_indirect_dma source(%arg8 : memref<128x32xf32, #tpu.memory_space<vmem>>) target(%dma_start3A_242 : memref<10112x32xf32, #tpu.memory_space<vmem_shared>>) offsets(%dma_start3A_239 : memref<128xi32, #tpu.memory_space<vmem>>) semaphore(%arg16 : memref<!tpu.dma_semaphore, #tpu.memory_space<semaphore_mem>>) {add = true}
      %add3A_243 = arith.constant 4 : i32
      %add3A_244 = arith.addi %add3A_230, %add3A_243 : i32
      %sub3A_245 = arith.constant 1 : i32
      %sub3A_246 = arith.subi %add3A_244, %sub3A_245 : i32
      %lt3A = arith.cmpi slt, %sub3A_246, %select_n3A_8 : i32
      %convert_element_type3A_247 = arith.extui %lt3A : i1 to i32
      %cond3A_248 = arith.constant 0 : i32
      %cond3A_249 = arith.cmpi ne, %convert_element_type3A_247, %cond3A_248 : i32
      scf.if %cond3A_249 {
        %ge3A = arith.constant 1 : i32
        %ge3A_316 = arith.cmpi sge, %add3A_230, %ge3A : i32
        %convert_element_type3A_317 = arith.extui %ge3A_316 : i1 to i32
        %cond3A_318 = arith.constant 0 : i32
        %cond3A_319 = arith.cmpi ne, %convert_element_type3A_317, %cond3A_318 : i32
        scf.if %cond3A_319 {
          %sub3A_326 = arith.constant 1 : i32
          %sub3A_327 = arith.subi %add3A_230, %sub3A_326 : i32
          %dma_wait3A_328 = arith.constant 0 : i32
          %dma_wait3A_329 = tpu.memref_slice %arg7[%sub3A_327, %dma_wait3A_328] : memref<80x128xi32, #tpu.memory_space<vmem>> -> memref<1x128xi32, #tpu.memory_space<vmem>>
          %dma_wait3A_330 = tpu.memref_squeeze %dma_wait3A_329 : memref<1x128xi32, #tpu.memory_space<vmem>> -> memref<128xi32, #tpu.memory_space<vmem>>
          %dma_wait3A_331 = arith.constant 0 : i32
          %dma_wait3A_332 = arith.constant 0 : i32
          %dma_wait3A_333 = tpu.memref_slice %arg20[%dma_wait3A_331, %dma_wait3A_332] : memref<10112x32xf32, #tpu.memory_space<vmem_shared>> -> memref<10112x32xf32, #tpu.memory_space<vmem_shared>>
          tpu.wait_indirect_dma semaphore(%arg19 : memref<!tpu.dma_semaphore, #tpu.memory_space<semaphore_mem>>) src(%arg11 : memref<128x32xf32, #tpu.memory_space<vmem>>) dst(%dma_wait3A_333 : memref<10112x32xf32, #tpu.memory_space<vmem_shared>>)
        } else {
        }
        %dma_start3A_320 = arith.constant 0 : i32
        %dma_start3A_321 = tpu.memref_slice %arg6[%sub3A_246, %dma_start3A_320] : memref<80x128xi32, #tpu.memory_space<vmem>> -> memref<1x128xi32, #tpu.memory_space<vmem>>
        %dma_start3A_322 = tpu.memref_squeeze %dma_start3A_321 : memref<1x128xi32, #tpu.memory_space<vmem>> -> memref<128xi32, #tpu.memory_space<vmem>>
        %dma_start3A_323 = arith.constant 0 : i32
        %dma_start3A_324 = arith.constant 0 : i32
        %dma_start3A_325 = tpu.memref_slice %arg21[%dma_start3A_323, %dma_start3A_324] : memref<10000x32xf32, #tpu.memory_space<vmem_shared>> -> memref<10000x32xf32, #tpu.memory_space<vmem_shared>>
        tpu.enqueue_indirect_dma source(%dma_start3A_325 : memref<10000x32xf32, #tpu.memory_space<vmem_shared>>) target(%arg11 : memref<128x32xf32, #tpu.memory_space<vmem>>) offsets(%dma_start3A_322 : memref<128xi32, #tpu.memory_space<vmem>>) semaphore(%arg15 : memref<!tpu.dma_semaphore, #tpu.memory_space<semaphore_mem>>)
      } else {
      }
      %add3A_250 = arith.constant 1 : i32
      %add3A_251 = arith.addi %mul3A_228, %add3A_250 : i32
      %dma_wait3A_252 = arith.constant 0 : i32
      %dma_wait3A_253 = tpu.memref_slice %arg6[%add3A_251, %dma_wait3A_252] : memref<80x128xi32, #tpu.memory_space<vmem>> -> memref<1x128xi32, #tpu.memory_space<vmem>>
      %dma_wait3A_254 = tpu.memref_squeeze %dma_wait3A_253 : memref<1x128xi32, #tpu.memory_space<vmem>> -> memref<128xi32, #tpu.memory_space<vmem>>
      %dma_wait3A_255 = arith.constant 0 : i32
      %dma_wait3A_256 = arith.constant 0 : i32
      %dma_wait3A_257 = tpu.memref_slice %arg21[%dma_wait3A_255, %dma_wait3A_256] : memref<10000x32xf32, #tpu.memory_space<vmem_shared>> -> memref<10000x32xf32, #tpu.memory_space<vmem_shared>>
      tpu.wait_indirect_dma semaphore(%arg13 : memref<!tpu.dma_semaphore, #tpu.memory_space<semaphore_mem>>) src(%dma_wait3A_257 : memref<10000x32xf32, #tpu.memory_space<vmem_shared>>) dst(%arg9 : memref<128x32xf32, #tpu.memory_space<vmem>>)
      %dma_start3A_258 = arith.constant 0 : i32
      %dma_start3A_259 = tpu.memref_slice %arg7[%add3A_251, %dma_start3A_258] : memref<80x128xi32, #tpu.memory_space<vmem>> -> memref<1x128xi32, #tpu.memory_space<vmem>>
      %dma_start3A_260 = tpu.memref_squeeze %dma_start3A_259 : memref<1x128xi32, #tpu.memory_space<vmem>> -> memref<128xi32, #tpu.memory_space<vmem>>
      %dma_start3A_261 = arith.constant 0 : i32
      %dma_start3A_262 = arith.constant 0 : i32
      %dma_start3A_263 = tpu.memref_slice %arg20[%dma_start3A_261, %dma_start3A_262] : memref<10112x32xf32, #tpu.memory_space<vmem_shared>> -> memref<10112x32xf32, #tpu.memory_space<vmem_shared>>
      tpu.enqueue_indirect_dma source(%arg9 : memref<128x32xf32, #tpu.memory_space<vmem>>) target(%dma_start3A_263 : memref<10112x32xf32, #tpu.memory_space<vmem_shared>>) offsets(%dma_start3A_260 : memref<128xi32, #tpu.memory_space<vmem>>) semaphore(%arg17 : memref<!tpu.dma_semaphore, #tpu.memory_space<semaphore_mem>>) {add = true}
      %add3A_264 = arith.constant 4 : i32
      %add3A_265 = arith.addi %add3A_251, %add3A_264 : i32
      %sub3A_266 = arith.constant 1 : i32
      %sub3A_267 = arith.subi %add3A_265, %sub3A_266 : i32
      %lt3A_268 = arith.cmpi slt, %sub3A_267, %select_n3A_8 : i32
      %convert_element_type3A_269 = arith.extui %lt3A_268 : i1 to i32
      %cond3A_270 = arith.constant 0 : i32
      %cond3A_271 = arith.cmpi ne, %convert_element_type3A_269, %cond3A_270 : i32
      scf.if %cond3A_271 {
        %ge3A = arith.constant 1 : i32
        %ge3A_316 = arith.cmpi sge, %add3A_251, %ge3A : i32
        %convert_element_type3A_317 = arith.extui %ge3A_316 : i1 to i32
        %cond3A_318 = arith.constant 0 : i32
        %cond3A_319 = arith.cmpi ne, %convert_element_type3A_317, %cond3A_318 : i32
        scf.if %cond3A_319 {
          %sub3A_326 = arith.constant 1 : i32
          %sub3A_327 = arith.subi %add3A_251, %sub3A_326 : i32
          %dma_wait3A_328 = arith.constant 0 : i32
          %dma_wait3A_329 = tpu.memref_slice %arg7[%sub3A_327, %dma_wait3A_328] : memref<80x128xi32, #tpu.memory_space<vmem>> -> memref<1x128xi32, #tpu.memory_space<vmem>>
          %dma_wait3A_330 = tpu.memref_squeeze %dma_wait3A_329 : memref<1x128xi32, #tpu.memory_space<vmem>> -> memref<128xi32, #tpu.memory_space<vmem>>
          %dma_wait3A_331 = arith.constant 0 : i32
          %dma_wait3A_332 = arith.constant 0 : i32
          %dma_wait3A_333 = tpu.memref_slice %arg20[%dma_wait3A_331, %dma_wait3A_332] : memref<10112x32xf32, #tpu.memory_space<vmem_shared>> -> memref<10112x32xf32, #tpu.memory_space<vmem_shared>>
          tpu.wait_indirect_dma semaphore(%arg16 : memref<!tpu.dma_semaphore, #tpu.memory_space<semaphore_mem>>) src(%arg8 : memref<128x32xf32, #tpu.memory_space<vmem>>) dst(%dma_wait3A_333 : memref<10112x32xf32, #tpu.memory_space<vmem_shared>>)
        } else {
        }
        %dma_start3A_320 = arith.constant 0 : i32
        %dma_start3A_321 = tpu.memref_slice %arg6[%sub3A_267, %dma_start3A_320] : memref<80x128xi32, #tpu.memory_space<vmem>> -> memref<1x128xi32, #tpu.memory_space<vmem>>
        %dma_start3A_322 = tpu.memref_squeeze %dma_start3A_321 : memref<1x128xi32, #tpu.memory_space<vmem>> -> memref<128xi32, #tpu.memory_space<vmem>>
        %dma_start3A_323 = arith.constant 0 : i32
        %dma_start3A_324 = arith.constant 0 : i32
        %dma_start3A_325 = tpu.memref_slice %arg21[%dma_start3A_323, %dma_start3A_324] : memref<10000x32xf32, #tpu.memory_space<vmem_shared>> -> memref<10000x32xf32, #tpu.memory_space<vmem_shared>>
        tpu.enqueue_indirect_dma source(%dma_start3A_325 : memref<10000x32xf32, #tpu.memory_space<vmem_shared>>) target(%arg8 : memref<128x32xf32, #tpu.memory_space<vmem>>) offsets(%dma_start3A_322 : memref<128xi32, #tpu.memory_space<vmem>>) semaphore(%arg12 : memref<!tpu.dma_semaphore, #tpu.memory_space<semaphore_mem>>)
      } else {
      }
      %add3A_272 = arith.constant 2 : i32
      %add3A_273 = arith.addi %mul3A_228, %add3A_272 : i32
      %dma_wait3A_274 = arith.constant 0 : i32
      %dma_wait3A_275 = tpu.memref_slice %arg6[%add3A_273, %dma_wait3A_274] : memref<80x128xi32, #tpu.memory_space<vmem>> -> memref<1x128xi32, #tpu.memory_space<vmem>>
      %dma_wait3A_276 = tpu.memref_squeeze %dma_wait3A_275 : memref<1x128xi32, #tpu.memory_space<vmem>> -> memref<128xi32, #tpu.memory_space<vmem>>
      %dma_wait3A_277 = arith.constant 0 : i32
      %dma_wait3A_278 = arith.constant 0 : i32
      %dma_wait3A_279 = tpu.memref_slice %arg21[%dma_wait3A_277, %dma_wait3A_278] : memref<10000x32xf32, #tpu.memory_space<vmem_shared>> -> memref<10000x32xf32, #tpu.memory_space<vmem_shared>>
      tpu.wait_indirect_dma semaphore(%arg14 : memref<!tpu.dma_semaphore, #tpu.memory_space<semaphore_mem>>) src(%dma_wait3A_279 : memref<10000x32xf32, #tpu.memory_space<vmem_shared>>) dst(%arg10 : memref<128x32xf32, #tpu.memory_space<vmem>>)
      %dma_start3A_280 = arith.constant 0 : i32
      %dma_start3A_281 = tpu.memref_slice %arg7[%add3A_273, %dma_start3A_280] : memref<80x128xi32, #tpu.memory_space<vmem>> -> memref<1x128xi32, #tpu.memory_space<vmem>>
      %dma_start3A_282 = tpu.memref_squeeze %dma_start3A_281 : memref<1x128xi32, #tpu.memory_space<vmem>> -> memref<128xi32, #tpu.memory_space<vmem>>
      %dma_start3A_283 = arith.constant 0 : i32
      %dma_start3A_284 = arith.constant 0 : i32
      %dma_start3A_285 = tpu.memref_slice %arg20[%dma_start3A_283, %dma_start3A_284] : memref<10112x32xf32, #tpu.memory_space<vmem_shared>> -> memref<10112x32xf32, #tpu.memory_space<vmem_shared>>
      tpu.enqueue_indirect_dma source(%arg10 : memref<128x32xf32, #tpu.memory_space<vmem>>) target(%dma_start3A_285 : memref<10112x32xf32, #tpu.memory_space<vmem_shared>>) offsets(%dma_start3A_282 : memref<128xi32, #tpu.memory_space<vmem>>) semaphore(%arg18 : memref<!tpu.dma_semaphore, #tpu.memory_space<semaphore_mem>>) {add = true}
      %add3A_286 = arith.constant 4 : i32
      %add3A_287 = arith.addi %add3A_273, %add3A_286 : i32
      %sub3A_288 = arith.constant 1 : i32
      %sub3A_289 = arith.subi %add3A_287, %sub3A_288 : i32
      %lt3A_290 = arith.cmpi slt, %sub3A_289, %select_n3A_8 : i32
      %convert_element_type3A_291 = arith.extui %lt3A_290 : i1 to i32
      %cond3A_292 = arith.constant 0 : i32
      %cond3A_293 = arith.cmpi ne, %convert_element_type3A_291, %cond3A_292 : i32
      scf.if %cond3A_293 {
        %ge3A = arith.constant 1 : i32
        %ge3A_316 = arith.cmpi sge, %add3A_273, %ge3A : i32
        %convert_element_type3A_317 = arith.extui %ge3A_316 : i1 to i32
        %cond3A_318 = arith.constant 0 : i32
        %cond3A_319 = arith.cmpi ne, %convert_element_type3A_317, %cond3A_318 : i32
        scf.if %cond3A_319 {
          %sub3A_326 = arith.constant 1 : i32
          %sub3A_327 = arith.subi %add3A_273, %sub3A_326 : i32
          %dma_wait3A_328 = arith.constant 0 : i32
          %dma_wait3A_329 = tpu.memref_slice %arg7[%sub3A_327, %dma_wait3A_328] : memref<80x128xi32, #tpu.memory_space<vmem>> -> memref<1x128xi32, #tpu.memory_space<vmem>>
          %dma_wait3A_330 = tpu.memref_squeeze %dma_wait3A_329 : memref<1x128xi32, #tpu.memory_space<vmem>> -> memref<128xi32, #tpu.memory_space<vmem>>
          %dma_wait3A_331 = arith.constant 0 : i32
          %dma_wait3A_332 = arith.constant 0 : i32
          %dma_wait3A_333 = tpu.memref_slice %arg20[%dma_wait3A_331, %dma_wait3A_332] : memref<10112x32xf32, #tpu.memory_space<vmem_shared>> -> memref<10112x32xf32, #tpu.memory_space<vmem_shared>>
          tpu.wait_indirect_dma semaphore(%arg17 : memref<!tpu.dma_semaphore, #tpu.memory_space<semaphore_mem>>) src(%arg9 : memref<128x32xf32, #tpu.memory_space<vmem>>) dst(%dma_wait3A_333 : memref<10112x32xf32, #tpu.memory_space<vmem_shared>>)
        } else {
        }
        %dma_start3A_320 = arith.constant 0 : i32
        %dma_start3A_321 = tpu.memref_slice %arg6[%sub3A_289, %dma_start3A_320] : memref<80x128xi32, #tpu.memory_space<vmem>> -> memref<1x128xi32, #tpu.memory_space<vmem>>
        %dma_start3A_322 = tpu.memref_squeeze %dma_start3A_321 : memref<1x128xi32, #tpu.memory_space<vmem>> -> memref<128xi32, #tpu.memory_space<vmem>>
        %dma_start3A_323 = arith.constant 0 : i32
        %dma_start3A_324 = arith.constant 0 : i32
        %dma_start3A_325 = tpu.memref_slice %arg21[%dma_start3A_323, %dma_start3A_324] : memref<10000x32xf32, #tpu.memory_space<vmem_shared>> -> memref<10000x32xf32, #tpu.memory_space<vmem_shared>>
        tpu.enqueue_indirect_dma source(%dma_start3A_325 : memref<10000x32xf32, #tpu.memory_space<vmem_shared>>) target(%arg9 : memref<128x32xf32, #tpu.memory_space<vmem>>) offsets(%dma_start3A_322 : memref<128xi32, #tpu.memory_space<vmem>>) semaphore(%arg13 : memref<!tpu.dma_semaphore, #tpu.memory_space<semaphore_mem>>)
      } else {
      }
      %add3A_294 = arith.constant 3 : i32
      %add3A_295 = arith.addi %mul3A_228, %add3A_294 : i32
      %dma_wait3A_296 = arith.constant 0 : i32
      %dma_wait3A_297 = tpu.memref_slice %arg6[%add3A_295, %dma_wait3A_296] : memref<80x128xi32, #tpu.memory_space<vmem>> -> memref<1x128xi32, #tpu.memory_space<vmem>>
      %dma_wait3A_298 = tpu.memref_squeeze %dma_wait3A_297 : memref<1x128xi32, #tpu.memory_space<vmem>> -> memref<128xi32, #tpu.memory_space<vmem>>
      %dma_wait3A_299 = arith.constant 0 : i32
      %dma_wait3A_300 = arith.constant 0 : i32
      %dma_wait3A_301 = tpu.memref_slice %arg21[%dma_wait3A_299, %dma_wait3A_300] : memref<10000x32xf32, #tpu.memory_space<vmem_shared>> -> memref<10000x32xf32, #tpu.memory_space<vmem_shared>>
      tpu.wait_indirect_dma semaphore(%arg15 : memref<!tpu.dma_semaphore, #tpu.memory_space<semaphore_mem>>) src(%dma_wait3A_301 : memref<10000x32xf32, #tpu.memory_space<vmem_shared>>) dst(%arg11 : memref<128x32xf32, #tpu.memory_space<vmem>>)
      %dma_start3A_302 = arith.constant 0 : i32
      %dma_start3A_303 = tpu.memref_slice %arg7[%add3A_295, %dma_start3A_302] : memref<80x128xi32, #tpu.memory_space<vmem>> -> memref<1x128xi32, #tpu.memory_space<vmem>>
      %dma_start3A_304 = tpu.memref_squeeze %dma_start3A_303 : memref<1x128xi32, #tpu.memory_space<vmem>> -> memref<128xi32, #tpu.memory_space<vmem>>
      %dma_start3A_305 = arith.constant 0 : i32
      %dma_start3A_306 = arith.constant 0 : i32
      %dma_start3A_307 = tpu.memref_slice %arg20[%dma_start3A_305, %dma_start3A_306] : memref<10112x32xf32, #tpu.memory_space<vmem_shared>> -> memref<10112x32xf32, #tpu.memory_space<vmem_shared>>
      tpu.enqueue_indirect_dma source(%arg11 : memref<128x32xf32, #tpu.memory_space<vmem>>) target(%dma_start3A_307 : memref<10112x32xf32, #tpu.memory_space<vmem_shared>>) offsets(%dma_start3A_304 : memref<128xi32, #tpu.memory_space<vmem>>) semaphore(%arg19 : memref<!tpu.dma_semaphore, #tpu.memory_space<semaphore_mem>>) {add = true}
      %add3A_308 = arith.constant 4 : i32
      %add3A_309 = arith.addi %add3A_295, %add3A_308 : i32
      %sub3A_310 = arith.constant 1 : i32
      %sub3A_311 = arith.subi %add3A_309, %sub3A_310 : i32
      %lt3A_312 = arith.cmpi slt, %sub3A_311, %select_n3A_8 : i32
      %convert_element_type3A_313 = arith.extui %lt3A_312 : i1 to i32
      %cond3A_314 = arith.constant 0 : i32
      %cond3A_315 = arith.cmpi ne, %convert_element_type3A_313, %cond3A_314 : i32
      scf.if %cond3A_315 {
        %ge3A = arith.constant 1 : i32
        %ge3A_316 = arith.cmpi sge, %add3A_295, %ge3A : i32
        %convert_element_type3A_317 = arith.extui %ge3A_316 : i1 to i32
        %cond3A_318 = arith.constant 0 : i32
        %cond3A_319 = arith.cmpi ne, %convert_element_type3A_317, %cond3A_318 : i32
        scf.if %cond3A_319 {
          %sub3A_326 = arith.constant 1 : i32
          %sub3A_327 = arith.subi %add3A_295, %sub3A_326 : i32
          %dma_wait3A_328 = arith.constant 0 : i32
          %dma_wait3A_329 = tpu.memref_slice %arg7[%sub3A_327, %dma_wait3A_328] : memref<80x128xi32, #tpu.memory_space<vmem>> -> memref<1x128xi32, #tpu.memory_space<vmem>>
          %dma_wait3A_330 = tpu.memref_squeeze %dma_wait3A_329 : memref<1x128xi32, #tpu.memory_space<vmem>> -> memref<128xi32, #tpu.memory_space<vmem>>
          %dma_wait3A_331 = arith.constant 0 : i32
          %dma_wait3A_332 = arith.constant 0 : i32
          %dma_wait3A_333 = tpu.memref_slice %arg20[%dma_wait3A_331, %dma_wait3A_332] : memref<10112x32xf32, #tpu.memory_space<vmem_shared>> -> memref<10112x32xf32, #tpu.memory_space<vmem_shared>>
          tpu.wait_indirect_dma semaphore(%arg18 : memref<!tpu.dma_semaphore, #tpu.memory_space<semaphore_mem>>) src(%arg10 : memref<128x32xf32, #tpu.memory_space<vmem>>) dst(%dma_wait3A_333 : memref<10112x32xf32, #tpu.memory_space<vmem_shared>>)
        } else {
        }
        %dma_start3A_320 = arith.constant 0 : i32
        %dma_start3A_321 = tpu.memref_slice %arg6[%sub3A_311, %dma_start3A_320] : memref<80x128xi32, #tpu.memory_space<vmem>> -> memref<1x128xi32, #tpu.memory_space<vmem>>
        %dma_start3A_322 = tpu.memref_squeeze %dma_start3A_321 : memref<1x128xi32, #tpu.memory_space<vmem>> -> memref<128xi32, #tpu.memory_space<vmem>>
        %dma_start3A_323 = arith.constant 0 : i32
        %dma_start3A_324 = arith.constant 0 : i32
        %dma_start3A_325 = tpu.memref_slice %arg21[%dma_start3A_323, %dma_start3A_324] : memref<10000x32xf32, #tpu.memory_space<vmem_shared>> -> memref<10000x32xf32, #tpu.memory_space<vmem_shared>>
        tpu.enqueue_indirect_dma source(%dma_start3A_325 : memref<10000x32xf32, #tpu.memory_space<vmem_shared>>) target(%arg10 : memref<128x32xf32, #tpu.memory_space<vmem>>) offsets(%dma_start3A_322 : memref<128xi32, #tpu.memory_space<vmem>>) semaphore(%arg14 : memref<!tpu.dma_semaphore, #tpu.memory_space<semaphore_mem>>)
      } else {
      }
    }
    %sub3A_178 = arith.constant 4 : i32
    %sub3A_179 = arith.subi %select_n3A_8, %sub3A_178 : i32
    %add3A_180 = arith.constant 0 : i32
    %add3A_181 = arith.addi %sub3A_179, %add3A_180 : i32
    %dma_wait3A_182 = arith.constant 0 : i32
    %dma_wait3A_183 = tpu.memref_slice %arg7[%add3A_181, %dma_wait3A_182] : memref<80x128xi32, #tpu.memory_space<vmem>> -> memref<1x128xi32, #tpu.memory_space<vmem>>
    %dma_wait3A_184 = tpu.memref_squeeze %dma_wait3A_183 : memref<1x128xi32, #tpu.memory_space<vmem>> -> memref<128xi32, #tpu.memory_space<vmem>>
    %dma_wait3A_185 = arith.constant 0 : i32
    %dma_wait3A_186 = arith.constant 0 : i32
    %dma_wait3A_187 = tpu.memref_slice %arg20[%dma_wait3A_185, %dma_wait3A_186] : memref<10112x32xf32, #tpu.memory_space<vmem_shared>> -> memref<10112x32xf32, #tpu.memory_space<vmem_shared>>
    tpu.wait_indirect_dma semaphore(%arg16 : memref<!tpu.dma_semaphore, #tpu.memory_space<semaphore_mem>>) src(%arg8 : memref<128x32xf32, #tpu.memory_space<vmem>>) dst(%dma_wait3A_187 : memref<10112x32xf32, #tpu.memory_space<vmem_shared>>)
    %sub3A_188 = arith.constant 4 : i32
    %sub3A_189 = arith.subi %select_n3A_8, %sub3A_188 : i32
    %add3A_190 = arith.constant 1 : i32
    %add3A_191 = arith.addi %sub3A_189, %add3A_190 : i32
    %dma_wait3A_192 = arith.constant 0 : i32
    %dma_wait3A_193 = tpu.memref_slice %arg7[%add3A_191, %dma_wait3A_192] : memref<80x128xi32, #tpu.memory_space<vmem>> -> memref<1x128xi32, #tpu.memory_space<vmem>>
    %dma_wait3A_194 = tpu.memref_squeeze %dma_wait3A_193 : memref<1x128xi32, #tpu.memory_space<vmem>> -> memref<128xi32, #tpu.memory_space<vmem>>
    %dma_wait3A_195 = arith.constant 0 : i32
    %dma_wait3A_196 = arith.constant 0 : i32
    %dma_wait3A_197 = tpu.memref_slice %arg20[%dma_wait3A_195, %dma_wait3A_196] : memref<10112x32xf32, #tpu.memory_space<vmem_shared>> -> memref<10112x32xf32, #tpu.memory_space<vmem_shared>>
    tpu.wait_indirect_dma semaphore(%arg17 : memref<!tpu.dma_semaphore, #tpu.memory_space<semaphore_mem>>) src(%arg9 : memref<128x32xf32, #tpu.memory_space<vmem>>) dst(%dma_wait3A_197 : memref<10112x32xf32, #tpu.memory_space<vmem_shared>>)
    %sub3A_198 = arith.constant 4 : i32
    %sub3A_199 = arith.subi %select_n3A_8, %sub3A_198 : i32
    %add3A_200 = arith.constant 2 : i32
    %add3A_201 = arith.addi %sub3A_199, %add3A_200 : i32
    %dma_wait3A_202 = arith.constant 0 : i32
    %dma_wait3A_203 = tpu.memref_slice %arg7[%add3A_201, %dma_wait3A_202] : memref<80x128xi32, #tpu.memory_space<vmem>> -> memref<1x128xi32, #tpu.memory_space<vmem>>
    %dma_wait3A_204 = tpu.memref_squeeze %dma_wait3A_203 : memref<1x128xi32, #tpu.memory_space<vmem>> -> memref<128xi32, #tpu.memory_space<vmem>>
    %dma_wait3A_205 = arith.constant 0 : i32
    %dma_wait3A_206 = arith.constant 0 : i32
    %dma_wait3A_207 = tpu.memref_slice %arg20[%dma_wait3A_205, %dma_wait3A_206] : memref<10112x32xf32, #tpu.memory_space<vmem_shared>> -> memref<10112x32xf32, #tpu.memory_space<vmem_shared>>
    tpu.wait_indirect_dma semaphore(%arg18 : memref<!tpu.dma_semaphore, #tpu.memory_space<semaphore_mem>>) src(%arg10 : memref<128x32xf32, #tpu.memory_space<vmem>>) dst(%dma_wait3A_207 : memref<10112x32xf32, #tpu.memory_space<vmem_shared>>)
    %sub3A_208 = arith.constant 4 : i32
    %sub3A_209 = arith.subi %select_n3A_8, %sub3A_208 : i32
    %add3A_210 = arith.constant 3 : i32
    %add3A_211 = arith.addi %sub3A_209, %add3A_210 : i32
    %dma_wait3A_212 = arith.constant 0 : i32
    %dma_wait3A_213 = tpu.memref_slice %arg7[%add3A_211, %dma_wait3A_212] : memref<80x128xi32, #tpu.memory_space<vmem>> -> memref<1x128xi32, #tpu.memory_space<vmem>>
    %dma_wait3A_214 = tpu.memref_squeeze %dma_wait3A_213 : memref<1x128xi32, #tpu.memory_space<vmem>> -> memref<128xi32, #tpu.memory_space<vmem>>
    %dma_wait3A_215 = arith.constant 0 : i32
    %dma_wait3A_216 = arith.constant 0 : i32
    %dma_wait3A_217 = tpu.memref_slice %arg20[%dma_wait3A_215, %dma_wait3A_216] : memref<10112x32xf32, #tpu.memory_space<vmem_shared>> -> memref<10112x32xf32, #tpu.memory_space<vmem_shared>>
    tpu.wait_indirect_dma semaphore(%arg19 : memref<!tpu.dma_semaphore, #tpu.memory_space<semaphore_mem>>) src(%arg11 : memref<128x32xf32, #tpu.memory_space<vmem>>) dst(%dma_wait3A_217 : memref<10112x32xf32, #tpu.memory_space<vmem_shared>>)
    %barrier3A_218 = arith.constant 0 : index
    tpu.barrier barrier_id(%barrier3A_218)
    %mul3A_219 = arith.constant 632 : i32
    %mul3A_220 = arith.muli %arg1, %mul3A_219 : i32
    %mul3A_221 = arith.constant 10112 : i32
    %mul3A_222 = arith.muli %arg0, %mul3A_221 : i32
    %mul3A_223 = arith.constant 632 : i32
    %mul3A_224 = arith.muli %arg1, %mul3A_223 : i32
    %add3A_225 = arith.addi %mul3A_222, %mul3A_224 : i32
    "tpu.region"() ({
      %run_scoped3A = tpu.sem_alloc : memref<!tpu.dma_semaphore, #tpu.memory_space<semaphore_mem>>
      %dma_start3A_226 = arith.constant 32 : i32
      %dma_start3A_227 = tpu.memref_slice %arg5[%add3A_225, %dma_start3A_226] : memref<20224x64xf32, #tpu.memory_space<hbm>> -> memref<632x32xf32, #tpu.memory_space<hbm>>
      %dma_start3A_228 = arith.constant 0 : i32
      %dma_start3A_229 = tpu.memref_slice %arg20[%mul3A_220, %dma_start3A_228] : memref<10112x32xf32, #tpu.memory_space<vmem_shared>> -> memref<632x32xf32, #tpu.memory_space<vmem_shared>>
      tpu.enqueue_dma source(%dma_start3A_229 : memref<632x32xf32, #tpu.memory_space<vmem_shared>>) target(%dma_start3A_227 : memref<632x32xf32, #tpu.memory_space<hbm>>) target_semaphore(%run_scoped3A : memref<!tpu.dma_semaphore, #tpu.memory_space<semaphore_mem>>)
      %dma_wait3A_230 = arith.constant 32 : i32
      %dma_wait3A_231 = tpu.memref_slice %arg5[%add3A_225, %dma_wait3A_230] : memref<20224x64xf32, #tpu.memory_space<hbm>> -> memref<632x32xf32, #tpu.memory_space<hbm>>
      %dma_wait3A_232 = arith.constant 0 : i32
      %dma_wait3A_233 = tpu.memref_slice %arg20[%mul3A_220, %dma_wait3A_232] : memref<10112x32xf32, #tpu.memory_space<vmem_shared>> -> memref<632x32xf32, #tpu.memory_space<vmem_shared>>
      tpu.wait_dma2 semaphore(%run_scoped3A : memref<!tpu.dma_semaphore, #tpu.memory_space<semaphore_mem>>) src(%dma_wait3A_233 : memref<632x32xf32, #tpu.memory_space<vmem_shared>>) dst(%dma_wait3A_231 : memref<632x32xf32, #tpu.memory_space<hbm>>)
      tpu.yield
    }) : () -> ()
    return
  }
}

#map = affine_map<(d0, d1) -> (0, 0)>
module attributes {stable_mosaic.version = 14 : i64} {
  func.func @k(%arg0: i32, %arg1: i32, %arg2: memref<10000x64xf32, #tpu.memory_space<hbm>>, %arg3: memref<2560x128xi32, #tpu.memory_space<hbm>>, %arg4: memref<2560x128xi32, #tpu.memory_space<hbm>>, %arg5: memref<20224x64xf32, #tpu.memory_space<hbm>>, %arg6: memref<80x128xi32, #tpu.memory_space<vmem>>, %arg7: memref<80x128xi32, #tpu.memory_space<vmem>>, %arg8: memref<128x32xf32, #tpu.memory_space<vmem>>, %arg9: memref<128x32xf32, #tpu.memory_space<vmem>>, %arg10: memref<128x32xf32, #tpu.memory_space<vmem>>, %arg11: memref<128x32xf32, #tpu.memory_space<vmem>>, %arg12: memref<!tpu.dma_semaphore, #tpu.memory_space<semaphore_mem>>, %arg13: memref<!tpu.dma_semaphore, #tpu.memory_space<semaphore_mem>>, %arg14: memref<!tpu.dma_semaphore, #tpu.memory_space<semaphore_mem>>, %arg15: memref<!tpu.dma_semaphore, #tpu.memory_space<semaphore_mem>>, %arg16: memref<!tpu.dma_semaphore, #tpu.memory_space<semaphore_mem>>, %arg17: memref<!tpu.dma_semaphore, #tpu.memory_space<semaphore_mem>>, %arg18: memref<!tpu.dma_semaphore, #tpu.memory_space<semaphore_mem>>, %arg19: memref<!tpu.dma_semaphore, #tpu.memory_space<semaphore_mem>>, %arg20: memref<10112x32xf32, #tpu.memory_space<vmem_shared>>, %arg21: memref<10000x32xf32, #tpu.memory_space<vmem_shared>>) attributes {dimension_semantics = [#tpu.dimension_semantics<core_parallel>, #tpu.dimension_semantics<subcore_parallel>], iteration_bounds = array<i64: 2, 16>, scalar_prefetch = 0 : i64, scratch_operands = 16 : i64, tpu.core_type = #tpu.core_type<sc_vector_subcore>, window_params = [{transform_indices = #map}, {transform_indices = #map}, {transform_indices = #map}, {transform_indices = #map}]} {
    %mul3A = arith.constant 1280 : i32
    %mul3A_0 = arith.muli %arg0, %mul3A : i32
    %eq3A = arith.constant 0 : i32
    %eq3A_1 = arith.cmpi eq, %arg0, %eq3A : i32
    %jit3A = arith.constant 80 : i32
    %jit3A_2 = arith.constant 80 : i32
    %select_n3A = arith.select %eq3A_1, %jit3A, %jit3A_2 : i32
    %mul3A_3 = arith.muli %arg1, %select_n3A : i32
    %add3A = arith.addi %mul3A_0, %mul3A_3 : i32
    %eq3A_4 = arith.constant 0 : i32
    %eq3A_5 = arith.cmpi eq, %arg0, %eq3A_4 : i32
    %jit3A_6 = arith.constant 80 : i32
    %jit3A_7 = arith.constant 80 : i32
    %select_n3A_8 = arith.select %eq3A_5, %jit3A_6, %jit3A_7 : i32
    "tpu.region"() ({
      %run_scoped3A = tpu.sem_alloc : memref<!tpu.dma_semaphore, #tpu.memory_space<semaphore_mem>>
      %dma_start3A_226 = arith.constant 0 : i32
      %dma_start3A_227 = tpu.memref_slice %arg3[%add3A, %dma_start3A_226] : memref<2560x128xi32, #tpu.memory_space<hbm>> -> memref<80x128xi32, #tpu.memory_space<hbm>>
      %dma_start3A_228 = arith.constant 0 : i32
      %dma_start3A_229 = tpu.memref_slice %arg3[%add3A, %dma_start3A_228] : memref<2560x128xi32, #tpu.memory_space<hbm>> -> memref<80x128xi32, #tpu.memory_space<hbm>>
      tpu.enqueue_dma source(%dma_start3A_229 : memref<80x128xi32, #tpu.memory_space<hbm>>) target(%arg6 : memref<80x128xi32, #tpu.memory_space<vmem>>) target_semaphore(%run_scoped3A : memref<!tpu.dma_semaphore, #tpu.memory_space<semaphore_mem>>)
      %dma_wait3A_230 = arith.constant 0 : i32
      %dma_wait3A_231 = tpu.memref_slice %arg3[%add3A, %dma_wait3A_230] : memref<2560x128xi32, #tpu.memory_space<hbm>> -> memref<80x128xi32, #tpu.memory_space<hbm>>
      %dma_wait3A_232 = arith.constant 0 : i32
      %dma_wait3A_233 = tpu.memref_slice %arg3[%add3A, %dma_wait3A_232] : memref<2560x128xi32, #tpu.memory_space<hbm>> -> memref<80x128xi32, #tpu.memory_space<hbm>>
      tpu.wait_dma2 semaphore(%run_scoped3A : memref<!tpu.dma_semaphore, #tpu.memory_space<semaphore_mem>>) src(%dma_wait3A_233 : memref<80x128xi32, #tpu.memory_space<hbm>>) dst(%arg6 : memref<80x128xi32, #tpu.memory_space<vmem>>)
      tpu.yield
    }) : () -> ()
    "tpu.region"() ({
      %run_scoped3A = tpu.sem_alloc : memref<!tpu.dma_semaphore, #tpu.memory_space<semaphore_mem>>
      %dma_start3A_226 = arith.constant 0 : i32
      %dma_start3A_227 = tpu.memref_slice %arg4[%add3A, %dma_start3A_226] : memref<2560x128xi32, #tpu.memory_space<hbm>> -> memref<80x128xi32, #tpu.memory_space<hbm>>
      %dma_start3A_228 = arith.constant 0 : i32
      %dma_start3A_229 = tpu.memref_slice %arg4[%add3A, %dma_start3A_228] : memref<2560x128xi32, #tpu.memory_space<hbm>> -> memref<80x128xi32, #tpu.memory_space<hbm>>
      tpu.enqueue_dma source(%dma_start3A_229 : memref<80x128xi32, #tpu.memory_space<hbm>>) target(%arg7 : memref<80x128xi32, #tpu.memory_space<vmem>>) target_semaphore(%run_scoped3A : memref<!tpu.dma_semaphore, #tpu.memory_space<semaphore_mem>>)
      %dma_wait3A_230 = arith.constant 0 : i32
      %dma_wait3A_231 = tpu.memref_slice %arg4[%add3A, %dma_wait3A_230] : memref<2560x128xi32, #tpu.memory_space<hbm>> -> memref<80x128xi32, #tpu.memory_space<hbm>>
      %dma_wait3A_232 = arith.constant 0 : i32
      %dma_wait3A_233 = tpu.memref_slice %arg4[%add3A, %dma_wait3A_232] : memref<2560x128xi32, #tpu.memory_space<hbm>> -> memref<80x128xi32, #tpu.memory_space<hbm>>
      tpu.wait_dma2 semaphore(%run_scoped3A : memref<!tpu.dma_semaphore, #tpu.memory_space<semaphore_mem>>) src(%dma_wait3A_233 : memref<80x128xi32, #tpu.memory_space<hbm>>) dst(%arg7 : memref<80x128xi32, #tpu.memory_space<vmem>>)
      tpu.yield
    }) : () -> ()
    %eq3A_9 = arith.constant 0 : i32
    %eq3A_10 = arith.cmpi eq, %arg1, %eq3A_9 : i32
    %convert_element_type3A = arith.extui %eq3A_10 : i1 to i32
    %cond3A = arith.constant 0 : i32
    %cond3A_11 = arith.cmpi ne, %convert_element_type3A, %cond3A : i32
    scf.if %cond3A_11 {
      "tpu.region"() ({
        %run_scoped3A = tpu.sem_alloc : memref<!tpu.dma_semaphore, #tpu.memory_space<semaphore_mem>>
        %dma_start3A_226 = arith.constant 0 : i32
        %dma_start3A_227 = arith.constant 0 : i32
        %dma_start3A_228 = tpu.memref_slice %arg20[%dma_start3A_226, %dma_start3A_227] : memref<10112x32xf32, #tpu.memory_space<vmem_shared>> -> memref<10000x32xf32, #tpu.memory_space<vmem_shared>>
        %dma_start3A_229 = arith.constant 0 : i32
        %dma_start3A_230 = arith.constant 0 : i32
        %dma_start3A_231 = tpu.memref_slice %arg2[%dma_start3A_229, %dma_start3A_230] : memref<10000x64xf32, #tpu.memory_space<hbm>> -> memref<10000x32xf32, #tpu.memory_space<hbm>>
        tpu.enqueue_dma source(%dma_start3A_231 : memref<10000x32xf32, #tpu.memory_space<hbm>>) target(%dma_start3A_228 : memref<10000x32xf32, #tpu.memory_space<vmem_shared>>) target_semaphore(%run_scoped3A : memref<!tpu.dma_semaphore, #tpu.memory_space<semaphore_mem>>)
        %dma_wait3A_232 = arith.constant 0 : i32
        %dma_wait3A_233 = arith.constant 0 : i32
        %dma_wait3A_234 = tpu.memref_slice %arg20[%dma_wait3A_232, %dma_wait3A_233] : memref<10112x32xf32, #tpu.memory_space<vmem_shared>> -> memref<10000x32xf32, #tpu.memory_space<vmem_shared>>
        %dma_wait3A_235 = arith.constant 0 : i32
        %dma_wait3A_236 = arith.constant 0 : i32
        %dma_wait3A_237 = tpu.memref_slice %arg2[%dma_wait3A_235, %dma_wait3A_236] : memref<10000x64xf32, #tpu.memory_space<hbm>> -> memref<10000x32xf32, #tpu.memory_space<hbm>>
        tpu.wait_dma2 semaphore(%run_scoped3A : memref<!tpu.dma_semaphore, #tpu.memory_space<semaphore_mem>>) src(%dma_wait3A_237 : memref<10000x32xf32, #tpu.memory_space<hbm>>) dst(%dma_wait3A_234 : memref<10000x32xf32, #tpu.memory_space<vmem_shared>>)
        tpu.yield
      }) : () -> ()
    } else {
    }
    %eq3A_12 = arith.constant 1 : i32
    %eq3A_13 = arith.cmpi eq, %arg1, %eq3A_12 : i32
    %convert_element_type3A_14 = arith.extui %eq3A_13 : i1 to i32
    %cond3A_15 = arith.constant 0 : i32
    %cond3A_16 = arith.cmpi ne, %convert_element_type3A_14, %cond3A_15 : i32
    scf.if %cond3A_16 {
      "tpu.region"() ({
        %run_scoped3A = tpu.sem_alloc : memref<!tpu.dma_semaphore, #tpu.memory_space<semaphore_mem>>
        %dma_start3A_226 = arith.constant 0 : i32
        %dma_start3A_227 = arith.constant 0 : i32
        %dma_start3A_228 = tpu.memref_slice %arg2[%dma_start3A_226, %dma_start3A_227] : memref<10000x64xf32, #tpu.memory_space<hbm>> -> memref<10000x32xf32, #tpu.memory_space<hbm>>
        tpu.enqueue_dma source(%dma_start3A_228 : memref<10000x32xf32, #tpu.memory_space<hbm>>) target(%arg21 : memref<10000x32xf32, #tpu.memory_space<vmem_shared>>) target_semaphore(%run_scoped3A : memref<!tpu.dma_semaphore, #tpu.memory_space<semaphore_mem>>)
        %dma_wait3A_229 = arith.constant 0 : i32
        %dma_wait3A_230 = arith.constant 0 : i32
        %dma_wait3A_231 = tpu.memref_slice %arg2[%dma_wait3A_229, %dma_wait3A_230] : memref<10000x64xf32, #tpu.memory_space<hbm>> -> memref<10000x32xf32, #tpu.memory_space<hbm>>
        tpu.wait_dma2 semaphore(%run_scoped3A : memref<!tpu.dma_semaphore, #tpu.memory_space<semaphore_mem>>) src(%dma_wait3A_231 : memref<10000x32xf32, #tpu.memory_space<hbm>>) dst(%arg21 : memref<10000x32xf32, #tpu.memory_space<vmem_shared>>)
        tpu.yield
      }) : () -> ()
    } else {
    }
    %barrier3A = arith.constant 0 : index
    tpu.barrier barrier_id(%barrier3A)
    %dma_start3A = arith.constant 0 : i32
    %dma_start3A_17 = arith.constant 0 : i32
    %dma_start3A_18 = tpu.memref_slice %arg6[%dma_start3A, %dma_start3A_17] : memref<80x128xi32, #tpu.memory_space<vmem>> -> memref<1x128xi32, #tpu.memory_space<vmem>>
    %dma_start3A_19 = tpu.memref_squeeze %dma_start3A_18 : memref<1x128xi32, #tpu.memory_space<vmem>> -> memref<128xi32, #tpu.memory_space<vmem>>
    %dma_start3A_20 = arith.constant 0 : i32
    %dma_start3A_21 = arith.constant 0 : i32
    %dma_start3A_22 = tpu.memref_slice %arg21[%dma_start3A_20, %dma_start3A_21] : memref<10000x32xf32, #tpu.memory_space<vmem_shared>> -> memref<10000x32xf32, #tpu.memory_space<vmem_shared>>
    tpu.enqueue_indirect_dma source(%dma_start3A_22 : memref<10000x32xf32, #tpu.memory_space<vmem_shared>>) target(%arg8 : memref<128x32xf32, #tpu.memory_space<vmem>>) offsets(%dma_start3A_19 : memref<128xi32, #tpu.memory_space<vmem>>) semaphore(%arg12 : memref<!tpu.dma_semaphore, #tpu.memory_space<semaphore_mem>>)
    %dma_start3A_23 = arith.constant 1 : i32
    %dma_start3A_24 = arith.constant 0 : i32
    %dma_start3A_25 = tpu.memref_slice %arg6[%dma_start3A_23, %dma_start3A_24] : memref<80x128xi32, #tpu.memory_space<vmem>> -> memref<1x128xi32, #tpu.memory_space<vmem>>
    %dma_start3A_26 = tpu.memref_squeeze %dma_start3A_25 : memref<1x128xi32, #tpu.memory_space<vmem>> -> memref<128xi32, #tpu.memory_space<vmem>>
    %dma_start3A_27 = arith.constant 0 : i32
    %dma_start3A_28 = arith.constant 0 : i32
    %dma_start3A_29 = tpu.memref_slice %arg21[%dma_start3A_27, %dma_start3A_28] : memref<10000x32xf32, #tpu.memory_space<vmem_shared>> -> memref<10000x32xf32, #tpu.memory_space<vmem_shared>>
    tpu.enqueue_indirect_dma source(%dma_start3A_29 : memref<10000x32xf32, #tpu.memory_space<vmem_shared>>) target(%arg9 : memref<128x32xf32, #tpu.memory_space<vmem>>) offsets(%dma_start3A_26 : memref<128xi32, #tpu.memory_space<vmem>>) semaphore(%arg13 : memref<!tpu.dma_semaphore, #tpu.memory_space<semaphore_mem>>)
    %dma_start3A_30 = arith.constant 2 : i32
    %dma_start3A_31 = arith.constant 0 : i32
    %dma_start3A_32 = tpu.memref_slice %arg6[%dma_start3A_30, %dma_start3A_31] : memref<80x128xi32, #tpu.memory_space<vmem>> -> memref<1x128xi32, #tpu.memory_space<vmem>>
    %dma_start3A_33 = tpu.memref_squeeze %dma_start3A_32 : memref<1x128xi32, #tpu.memory_space<vmem>> -> memref<128xi32, #tpu.memory_space<vmem>>
    %dma_start3A_34 = arith.constant 0 : i32
    %dma_start3A_35 = arith.constant 0 : i32
    %dma_start3A_36 = tpu.memref_slice %arg21[%dma_start3A_34, %dma_start3A_35] : memref<10000x32xf32, #tpu.memory_space<vmem_shared>> -> memref<10000x32xf32, #tpu.memory_space<vmem_shared>>
    tpu.enqueue_indirect_dma source(%dma_start3A_36 : memref<10000x32xf32, #tpu.memory_space<vmem_shared>>) target(%arg10 : memref<128x32xf32, #tpu.memory_space<vmem>>) offsets(%dma_start3A_33 : memref<128xi32, #tpu.memory_space<vmem>>) semaphore(%arg14 : memref<!tpu.dma_semaphore, #tpu.memory_space<semaphore_mem>>)
    %jit3A_37 = arith.constant 4 : i32
    %div3A = arith.divsi %select_n3A_8, %jit3A_37 : i32
    %sign3A = arith.constant 0 : i32
    %sign3A_38 = arith.cmpi sgt, %select_n3A_8, %sign3A : i32
    %sign3A_39 = arith.extui %sign3A_38 : i1 to i32
    %sign3A_40 = arith.constant 0 : i32
    %sign3A_41 = arith.cmpi slt, %select_n3A_8, %sign3A_40 : i32
    %sign3A_42 = arith.extui %sign3A_41 : i1 to i32
    %sign3A_43 = arith.subi %sign3A_39, %sign3A_42 : i32
    %sign3A_44 = arith.constant 0 : i32
    %sign3A_45 = arith.cmpi sgt, %jit3A_37, %sign3A_44 : i32
    %sign3A_46 = arith.extui %sign3A_45 : i1 to i32
    %sign3A_47 = arith.constant 0 : i32
    %sign3A_48 = arith.cmpi slt, %jit3A_37, %sign3A_47 : i32
    %sign3A_49 = arith.extui %sign3A_48 : i1 to i32
    %sign3A_50 = arith.subi %sign3A_46, %sign3A_49 : i32
    %ne3A = arith.cmpi ne, %sign3A_43, %sign3A_50 : i32
    %rem3A = arith.remsi %select_n3A_8, %jit3A_37 : i32
    %ne3A_51 = arith.constant 0 : i32
    %ne3A_52 = arith.cmpi ne, %rem3A, %ne3A_51 : i32
    %and3A = arith.andi %ne3A, %ne3A_52 : i1
    %sub3A = arith.constant 1 : i32
    %sub3A_53 = arith.subi %div3A, %sub3A : i32
    %select_n3A_54 = arith.select %and3A, %sub3A_53, %div3A : i32
    %while3A = arith.constant 0 : i32
    %while3A_55 = arith.constant 0 : i32
    %while3A_56 = arith.subi %select_n3A_54, %while3A_55 : i32
    %while3A_57 = arith.addi %while3A_55, %while3A_56 : i32
    %while3A_58 = arith.constant 1 : i32
    %while3A_59 = arith.divsi %while3A_56, %while3A_58 : i32
    %while3A_60 = arith.muli %while3A_59, %while3A_58 : i32
    %while3A_61 = arith.addi %while3A_55, %while3A_60 : i32
    %while3A_62 = arith.constant 1 : i32
    scf.for %while3A_226 = %while3A_55 to %while3A_61 step %while3A_62  : i32 {
      %mul3A_227 = arith.constant 4 : i32
      %mul3A_228 = arith.muli %while3A_226, %mul3A_227 : i32
      %add3A_229 = arith.constant 0 : i32
      %add3A_230 = arith.addi %mul3A_228, %add3A_229 : i32
      %dma_wait3A_231 = arith.constant 0 : i32
      %dma_wait3A_232 = tpu.memref_slice %arg6[%add3A_230, %dma_wait3A_231] : memref<80x128xi32, #tpu.memory_space<vmem>> -> memref<1x128xi32, #tpu.memory_space<vmem>>
      %dma_wait3A_233 = tpu.memref_squeeze %dma_wait3A_232 : memref<1x128xi32, #tpu.memory_space<vmem>> -> memref<128xi32, #tpu.memory_space<vmem>>
      %dma_wait3A_234 = arith.constant 0 : i32
      %dma_wait3A_235 = arith.constant 0 : i32
      %dma_wait3A_236 = tpu.memref_slice %arg21[%dma_wait3A_234, %dma_wait3A_235] : memref<10000x32xf32, #tpu.memory_space<vmem_shared>> -> memref<10000x32xf32, #tpu.memory_space<vmem_shared>>
      tpu.wait_indirect_dma semaphore(%arg12 : memref<!tpu.dma_semaphore, #tpu.memory_space<semaphore_mem>>) src(%dma_wait3A_236 : memref<10000x32xf32, #tpu.memory_space<vmem_shared>>) dst(%arg8 : memref<128x32xf32, #tpu.memory_space<vmem>>)
      %dma_start3A_237 = arith.constant 0 : i32
      %dma_start3A_238 = tpu.memref_slice %arg7[%add3A_230, %dma_start3A_237] : memref<80x128xi32, #tpu.memory_space<vmem>> -> memref<1x128xi32, #tpu.memory_space<vmem>>
      %dma_start3A_239 = tpu.memref_squeeze %dma_start3A_238 : memref<1x128xi32, #tpu.memory_space<vmem>> -> memref<128xi32, #tpu.memory_space<vmem>>
      %dma_start3A_240 = arith.constant 0 : i32
      %dma_start3A_241 = arith.constant 0 : i32
      %dma_start3A_242 = tpu.memref_slice %arg20[%dma_start3A_240, %dma_start3A_241] : memref<10112x32xf32, #tpu.memory_space<vmem_shared>> -> memref<10112x32xf32, #tpu.memory_space<vmem_shared>>
      tpu.enqueue_indirect_dma source(%arg8 : memref<128x32xf32, #tpu.memory_space<vmem>>) target(%dma_start3A_242 : memref<10112x32xf32, #tpu.memory_space<vmem_shared>>) offsets(%dma_start3A_239 : memref<128xi32, #tpu.memory_space<vmem>>) semaphore(%arg16 : memref<!tpu.dma_semaphore, #tpu.memory_space<semaphore_mem>>) {add = true}
      %add3A_243 = arith.constant 4 : i32
      %add3A_244 = arith.addi %add3A_230, %add3A_243 : i32
      %sub3A_245 = arith.constant 1 : i32
      %sub3A_246 = arith.subi %add3A_244, %sub3A_245 : i32
      %lt3A = arith.cmpi slt, %sub3A_246, %select_n3A_8 : i32
      %convert_element_type3A_247 = arith.extui %lt3A : i1 to i32
      %cond3A_248 = arith.constant 0 : i32
      %cond3A_249 = arith.cmpi ne, %convert_element_type3A_247, %cond3A_248 : i32
      scf.if %cond3A_249 {
        %ge3A = arith.constant 1 : i32
        %ge3A_316 = arith.cmpi sge, %add3A_230, %ge3A : i32
        %convert_element_type3A_317 = arith.extui %ge3A_316 : i1 to i32
        %cond3A_318 = arith.constant 0 : i32
        %cond3A_319 = arith.cmpi ne, %convert_element_type3A_317, %cond3A_318 : i32
        scf.if %cond3A_319 {
          %sub3A_326 = arith.constant 1 : i32
          %sub3A_327 = arith.subi %add3A_230, %sub3A_326 : i32
          %dma_wait3A_328 = arith.constant 0 : i32
          %dma_wait3A_329 = tpu.memref_slice %arg7[%sub3A_327, %dma_wait3A_328] : memref<80x128xi32, #tpu.memory_space<vmem>> -> memref<1x128xi32, #tpu.memory_space<vmem>>
          %dma_wait3A_330 = tpu.memref_squeeze %dma_wait3A_329 : memref<1x128xi32, #tpu.memory_space<vmem>> -> memref<128xi32, #tpu.memory_space<vmem>>
          %dma_wait3A_331 = arith.constant 0 : i32
          %dma_wait3A_332 = arith.constant 0 : i32
          %dma_wait3A_333 = tpu.memref_slice %arg20[%dma_wait3A_331, %dma_wait3A_332] : memref<10112x32xf32, #tpu.memory_space<vmem_shared>> -> memref<10112x32xf32, #tpu.memory_space<vmem_shared>>
          tpu.wait_indirect_dma semaphore(%arg19 : memref<!tpu.dma_semaphore, #tpu.memory_space<semaphore_mem>>) src(%arg11 : memref<128x32xf32, #tpu.memory_space<vmem>>) dst(%dma_wait3A_333 : memref<10112x32xf32, #tpu.memory_space<vmem_shared>>)
        } else {
        }
        %dma_start3A_320 = arith.constant 0 : i32
        %dma_start3A_321 = tpu.memref_slice %arg6[%sub3A_246, %dma_start3A_320] : memref<80x128xi32, #tpu.memory_space<vmem>> -> memref<1x128xi32, #tpu.memory_space<vmem>>
        %dma_start3A_322 = tpu.memref_squeeze %dma_start3A_321 : memref<1x128xi32, #tpu.memory_space<vmem>> -> memref<128xi32, #tpu.memory_space<vmem>>
        %dma_start3A_323 = arith.constant 0 : i32
        %dma_start3A_324 = arith.constant 0 : i32
        %dma_start3A_325 = tpu.memref_slice %arg21[%dma_start3A_323, %dma_start3A_324] : memref<10000x32xf32, #tpu.memory_space<vmem_shared>> -> memref<10000x32xf32, #tpu.memory_space<vmem_shared>>
        tpu.enqueue_indirect_dma source(%dma_start3A_325 : memref<10000x32xf32, #tpu.memory_space<vmem_shared>>) target(%arg11 : memref<128x32xf32, #tpu.memory_space<vmem>>) offsets(%dma_start3A_322 : memref<128xi32, #tpu.memory_space<vmem>>) semaphore(%arg15 : memref<!tpu.dma_semaphore, #tpu.memory_space<semaphore_mem>>)
      } else {
      }
      %add3A_250 = arith.constant 1 : i32
      %add3A_251 = arith.addi %mul3A_228, %add3A_250 : i32
      %dma_wait3A_252 = arith.constant 0 : i32
      %dma_wait3A_253 = tpu.memref_slice %arg6[%add3A_251, %dma_wait3A_252] : memref<80x128xi32, #tpu.memory_space<vmem>> -> memref<1x128xi32, #tpu.memory_space<vmem>>
      %dma_wait3A_254 = tpu.memref_squeeze %dma_wait3A_253 : memref<1x128xi32, #tpu.memory_space<vmem>> -> memref<128xi32, #tpu.memory_space<vmem>>
      %dma_wait3A_255 = arith.constant 0 : i32
      %dma_wait3A_256 = arith.constant 0 : i32
      %dma_wait3A_257 = tpu.memref_slice %arg21[%dma_wait3A_255, %dma_wait3A_256] : memref<10000x32xf32, #tpu.memory_space<vmem_shared>> -> memref<10000x32xf32, #tpu.memory_space<vmem_shared>>
      tpu.wait_indirect_dma semaphore(%arg13 : memref<!tpu.dma_semaphore, #tpu.memory_space<semaphore_mem>>) src(%dma_wait3A_257 : memref<10000x32xf32, #tpu.memory_space<vmem_shared>>) dst(%arg9 : memref<128x32xf32, #tpu.memory_space<vmem>>)
      %dma_start3A_258 = arith.constant 0 : i32
      %dma_start3A_259 = tpu.memref_slice %arg7[%add3A_251, %dma_start3A_258] : memref<80x128xi32, #tpu.memory_space<vmem>> -> memref<1x128xi32, #tpu.memory_space<vmem>>
      %dma_start3A_260 = tpu.memref_squeeze %dma_start3A_259 : memref<1x128xi32, #tpu.memory_space<vmem>> -> memref<128xi32, #tpu.memory_space<vmem>>
      %dma_start3A_261 = arith.constant 0 : i32
      %dma_start3A_262 = arith.constant 0 : i32
      %dma_start3A_263 = tpu.memref_slice %arg20[%dma_start3A_261, %dma_start3A_262] : memref<10112x32xf32, #tpu.memory_space<vmem_shared>> -> memref<10112x32xf32, #tpu.memory_space<vmem_shared>>
      tpu.enqueue_indirect_dma source(%arg9 : memref<128x32xf32, #tpu.memory_space<vmem>>) target(%dma_start3A_263 : memref<10112x32xf32, #tpu.memory_space<vmem_shared>>) offsets(%dma_start3A_260 : memref<128xi32, #tpu.memory_space<vmem>>) semaphore(%arg17 : memref<!tpu.dma_semaphore, #tpu.memory_space<semaphore_mem>>) {add = true}
      %add3A_264 = arith.constant 4 : i32
      %add3A_265 = arith.addi %add3A_251, %add3A_264 : i32
      %sub3A_266 = arith.constant 1 : i32
      %sub3A_267 = arith.subi %add3A_265, %sub3A_266 : i32
      %lt3A_268 = arith.cmpi slt, %sub3A_267, %select_n3A_8 : i32
      %convert_element_type3A_269 = arith.extui %lt3A_268 : i1 to i32
      %cond3A_270 = arith.constant 0 : i32
      %cond3A_271 = arith.cmpi ne, %convert_element_type3A_269, %cond3A_270 : i32
      scf.if %cond3A_271 {
        %ge3A = arith.constant 1 : i32
        %ge3A_316 = arith.cmpi sge, %add3A_251, %ge3A : i32
        %convert_element_type3A_317 = arith.extui %ge3A_316 : i1 to i32
        %cond3A_318 = arith.constant 0 : i32
        %cond3A_319 = arith.cmpi ne, %convert_element_type3A_317, %cond3A_318 : i32
        scf.if %cond3A_319 {
          %sub3A_326 = arith.constant 1 : i32
          %sub3A_327 = arith.subi %add3A_251, %sub3A_326 : i32
          %dma_wait3A_328 = arith.constant 0 : i32
          %dma_wait3A_329 = tpu.memref_slice %arg7[%sub3A_327, %dma_wait3A_328] : memref<80x128xi32, #tpu.memory_space<vmem>> -> memref<1x128xi32, #tpu.memory_space<vmem>>
          %dma_wait3A_330 = tpu.memref_squeeze %dma_wait3A_329 : memref<1x128xi32, #tpu.memory_space<vmem>> -> memref<128xi32, #tpu.memory_space<vmem>>
          %dma_wait3A_331 = arith.constant 0 : i32
          %dma_wait3A_332 = arith.constant 0 : i32
          %dma_wait3A_333 = tpu.memref_slice %arg20[%dma_wait3A_331, %dma_wait3A_332] : memref<10112x32xf32, #tpu.memory_space<vmem_shared>> -> memref<10112x32xf32, #tpu.memory_space<vmem_shared>>
          tpu.wait_indirect_dma semaphore(%arg16 : memref<!tpu.dma_semaphore, #tpu.memory_space<semaphore_mem>>) src(%arg8 : memref<128x32xf32, #tpu.memory_space<vmem>>) dst(%dma_wait3A_333 : memref<10112x32xf32, #tpu.memory_space<vmem_shared>>)
        } else {
        }
        %dma_start3A_320 = arith.constant 0 : i32
        %dma_start3A_321 = tpu.memref_slice %arg6[%sub3A_267, %dma_start3A_320] : memref<80x128xi32, #tpu.memory_space<vmem>> -> memref<1x128xi32, #tpu.memory_space<vmem>>
        %dma_start3A_322 = tpu.memref_squeeze %dma_start3A_321 : memref<1x128xi32, #tpu.memory_space<vmem>> -> memref<128xi32, #tpu.memory_space<vmem>>
        %dma_start3A_323 = arith.constant 0 : i32
        %dma_start3A_324 = arith.constant 0 : i32
        %dma_start3A_325 = tpu.memref_slice %arg21[%dma_start3A_323, %dma_start3A_324] : memref<10000x32xf32, #tpu.memory_space<vmem_shared>> -> memref<10000x32xf32, #tpu.memory_space<vmem_shared>>
        tpu.enqueue_indirect_dma source(%dma_start3A_325 : memref<10000x32xf32, #tpu.memory_space<vmem_shared>>) target(%arg8 : memref<128x32xf32, #tpu.memory_space<vmem>>) offsets(%dma_start3A_322 : memref<128xi32, #tpu.memory_space<vmem>>) semaphore(%arg12 : memref<!tpu.dma_semaphore, #tpu.memory_space<semaphore_mem>>)
      } else {
      }
      %add3A_272 = arith.constant 2 : i32
      %add3A_273 = arith.addi %mul3A_228, %add3A_272 : i32
      %dma_wait3A_274 = arith.constant 0 : i32
      %dma_wait3A_275 = tpu.memref_slice %arg6[%add3A_273, %dma_wait3A_274] : memref<80x128xi32, #tpu.memory_space<vmem>> -> memref<1x128xi32, #tpu.memory_space<vmem>>
      %dma_wait3A_276 = tpu.memref_squeeze %dma_wait3A_275 : memref<1x128xi32, #tpu.memory_space<vmem>> -> memref<128xi32, #tpu.memory_space<vmem>>
      %dma_wait3A_277 = arith.constant 0 : i32
      %dma_wait3A_278 = arith.constant 0 : i32
      %dma_wait3A_279 = tpu.memref_slice %arg21[%dma_wait3A_277, %dma_wait3A_278] : memref<10000x32xf32, #tpu.memory_space<vmem_shared>> -> memref<10000x32xf32, #tpu.memory_space<vmem_shared>>
      tpu.wait_indirect_dma semaphore(%arg14 : memref<!tpu.dma_semaphore, #tpu.memory_space<semaphore_mem>>) src(%dma_wait3A_279 : memref<10000x32xf32, #tpu.memory_space<vmem_shared>>) dst(%arg10 : memref<128x32xf32, #tpu.memory_space<vmem>>)
      %dma_start3A_280 = arith.constant 0 : i32
      %dma_start3A_281 = tpu.memref_slice %arg7[%add3A_273, %dma_start3A_280] : memref<80x128xi32, #tpu.memory_space<vmem>> -> memref<1x128xi32, #tpu.memory_space<vmem>>
      %dma_start3A_282 = tpu.memref_squeeze %dma_start3A_281 : memref<1x128xi32, #tpu.memory_space<vmem>> -> memref<128xi32, #tpu.memory_space<vmem>>
      %dma_start3A_283 = arith.constant 0 : i32
      %dma_start3A_284 = arith.constant 0 : i32
      %dma_start3A_285 = tpu.memref_slice %arg20[%dma_start3A_283, %dma_start3A_284] : memref<10112x32xf32, #tpu.memory_space<vmem_shared>> -> memref<10112x32xf32, #tpu.memory_space<vmem_shared>>
      tpu.enqueue_indirect_dma source(%arg10 : memref<128x32xf32, #tpu.memory_space<vmem>>) target(%dma_start3A_285 : memref<10112x32xf32, #tpu.memory_space<vmem_shared>>) offsets(%dma_start3A_282 : memref<128xi32, #tpu.memory_space<vmem>>) semaphore(%arg18 : memref<!tpu.dma_semaphore, #tpu.memory_space<semaphore_mem>>) {add = true}
      %add3A_286 = arith.constant 4 : i32
      %add3A_287 = arith.addi %add3A_273, %add3A_286 : i32
      %sub3A_288 = arith.constant 1 : i32
      %sub3A_289 = arith.subi %add3A_287, %sub3A_288 : i32
      %lt3A_290 = arith.cmpi slt, %sub3A_289, %select_n3A_8 : i32
      %convert_element_type3A_291 = arith.extui %lt3A_290 : i1 to i32
      %cond3A_292 = arith.constant 0 : i32
      %cond3A_293 = arith.cmpi ne, %convert_element_type3A_291, %cond3A_292 : i32
      scf.if %cond3A_293 {
        %ge3A = arith.constant 1 : i32
        %ge3A_316 = arith.cmpi sge, %add3A_273, %ge3A : i32
        %convert_element_type3A_317 = arith.extui %ge3A_316 : i1 to i32
        %cond3A_318 = arith.constant 0 : i32
        %cond3A_319 = arith.cmpi ne, %convert_element_type3A_317, %cond3A_318 : i32
        scf.if %cond3A_319 {
          %sub3A_326 = arith.constant 1 : i32
          %sub3A_327 = arith.subi %add3A_273, %sub3A_326 : i32
          %dma_wait3A_328 = arith.constant 0 : i32
          %dma_wait3A_329 = tpu.memref_slice %arg7[%sub3A_327, %dma_wait3A_328] : memref<80x128xi32, #tpu.memory_space<vmem>> -> memref<1x128xi32, #tpu.memory_space<vmem>>
          %dma_wait3A_330 = tpu.memref_squeeze %dma_wait3A_329 : memref<1x128xi32, #tpu.memory_space<vmem>> -> memref<128xi32, #tpu.memory_space<vmem>>
          %dma_wait3A_331 = arith.constant 0 : i32
          %dma_wait3A_332 = arith.constant 0 : i32
          %dma_wait3A_333 = tpu.memref_slice %arg20[%dma_wait3A_331, %dma_wait3A_332] : memref<10112x32xf32, #tpu.memory_space<vmem_shared>> -> memref<10112x32xf32, #tpu.memory_space<vmem_shared>>
          tpu.wait_indirect_dma semaphore(%arg17 : memref<!tpu.dma_semaphore, #tpu.memory_space<semaphore_mem>>) src(%arg9 : memref<128x32xf32, #tpu.memory_space<vmem>>) dst(%dma_wait3A_333 : memref<10112x32xf32, #tpu.memory_space<vmem_shared>>)
        } else {
        }
        %dma_start3A_320 = arith.constant 0 : i32
        %dma_start3A_321 = tpu.memref_slice %arg6[%sub3A_289, %dma_start3A_320] : memref<80x128xi32, #tpu.memory_space<vmem>> -> memref<1x128xi32, #tpu.memory_space<vmem>>
        %dma_start3A_322 = tpu.memref_squeeze %dma_start3A_321 : memref<1x128xi32, #tpu.memory_space<vmem>> -> memref<128xi32, #tpu.memory_space<vmem>>
        %dma_start3A_323 = arith.constant 0 : i32
        %dma_start3A_324 = arith.constant 0 : i32
        %dma_start3A_325 = tpu.memref_slice %arg21[%dma_start3A_323, %dma_start3A_324] : memref<10000x32xf32, #tpu.memory_space<vmem_shared>> -> memref<10000x32xf32, #tpu.memory_space<vmem_shared>>
        tpu.enqueue_indirect_dma source(%dma_start3A_325 : memref<10000x32xf32, #tpu.memory_space<vmem_shared>>) target(%arg9 : memref<128x32xf32, #tpu.memory_space<vmem>>) offsets(%dma_start3A_322 : memref<128xi32, #tpu.memory_space<vmem>>) semaphore(%arg13 : memref<!tpu.dma_semaphore, #tpu.memory_space<semaphore_mem>>)
      } else {
      }
      %add3A_294 = arith.constant 3 : i32
      %add3A_295 = arith.addi %mul3A_228, %add3A_294 : i32
      %dma_wait3A_296 = arith.constant 0 : i32
      %dma_wait3A_297 = tpu.memref_slice %arg6[%add3A_295, %dma_wait3A_296] : memref<80x128xi32, #tpu.memory_space<vmem>> -> memref<1x128xi32, #tpu.memory_space<vmem>>
      %dma_wait3A_298 = tpu.memref_squeeze %dma_wait3A_297 : memref<1x128xi32, #tpu.memory_space<vmem>> -> memref<128xi32, #tpu.memory_space<vmem>>
      %dma_wait3A_299 = arith.constant 0 : i32
      %dma_wait3A_300 = arith.constant 0 : i32
      %dma_wait3A_301 = tpu.memref_slice %arg21[%dma_wait3A_299, %dma_wait3A_300] : memref<10000x32xf32, #tpu.memory_space<vmem_shared>> -> memref<10000x32xf32, #tpu.memory_space<vmem_shared>>
      tpu.wait_indirect_dma semaphore(%arg15 : memref<!tpu.dma_semaphore, #tpu.memory_space<semaphore_mem>>) src(%dma_wait3A_301 : memref<10000x32xf32, #tpu.memory_space<vmem_shared>>) dst(%arg11 : memref<128x32xf32, #tpu.memory_space<vmem>>)
      %dma_start3A_302 = arith.constant 0 : i32
      %dma_start3A_303 = tpu.memref_slice %arg7[%add3A_295, %dma_start3A_302] : memref<80x128xi32, #tpu.memory_space<vmem>> -> memref<1x128xi32, #tpu.memory_space<vmem>>
      %dma_start3A_304 = tpu.memref_squeeze %dma_start3A_303 : memref<1x128xi32, #tpu.memory_space<vmem>> -> memref<128xi32, #tpu.memory_space<vmem>>
      %dma_start3A_305 = arith.constant 0 : i32
      %dma_start3A_306 = arith.constant 0 : i32
      %dma_start3A_307 = tpu.memref_slice %arg20[%dma_start3A_305, %dma_start3A_306] : memref<10112x32xf32, #tpu.memory_space<vmem_shared>> -> memref<10112x32xf32, #tpu.memory_space<vmem_shared>>
      tpu.enqueue_indirect_dma source(%arg11 : memref<128x32xf32, #tpu.memory_space<vmem>>) target(%dma_start3A_307 : memref<10112x32xf32, #tpu.memory_space<vmem_shared>>) offsets(%dma_start3A_304 : memref<128xi32, #tpu.memory_space<vmem>>) semaphore(%arg19 : memref<!tpu.dma_semaphore, #tpu.memory_space<semaphore_mem>>) {add = true}
      %add3A_308 = arith.constant 4 : i32
      %add3A_309 = arith.addi %add3A_295, %add3A_308 : i32
      %sub3A_310 = arith.constant 1 : i32
      %sub3A_311 = arith.subi %add3A_309, %sub3A_310 : i32
      %lt3A_312 = arith.cmpi slt, %sub3A_311, %select_n3A_8 : i32
      %convert_element_type3A_313 = arith.extui %lt3A_312 : i1 to i32
      %cond3A_314 = arith.constant 0 : i32
      %cond3A_315 = arith.cmpi ne, %convert_element_type3A_313, %cond3A_314 : i32
      scf.if %cond3A_315 {
        %ge3A = arith.constant 1 : i32
        %ge3A_316 = arith.cmpi sge, %add3A_295, %ge3A : i32
        %convert_element_type3A_317 = arith.extui %ge3A_316 : i1 to i32
        %cond3A_318 = arith.constant 0 : i32
        %cond3A_319 = arith.cmpi ne, %convert_element_type3A_317, %cond3A_318 : i32
        scf.if %cond3A_319 {
          %sub3A_326 = arith.constant 1 : i32
          %sub3A_327 = arith.subi %add3A_295, %sub3A_326 : i32
          %dma_wait3A_328 = arith.constant 0 : i32
          %dma_wait3A_329 = tpu.memref_slice %arg7[%sub3A_327, %dma_wait3A_328] : memref<80x128xi32, #tpu.memory_space<vmem>> -> memref<1x128xi32, #tpu.memory_space<vmem>>
          %dma_wait3A_330 = tpu.memref_squeeze %dma_wait3A_329 : memref<1x128xi32, #tpu.memory_space<vmem>> -> memref<128xi32, #tpu.memory_space<vmem>>
          %dma_wait3A_331 = arith.constant 0 : i32
          %dma_wait3A_332 = arith.constant 0 : i32
          %dma_wait3A_333 = tpu.memref_slice %arg20[%dma_wait3A_331, %dma_wait3A_332] : memref<10112x32xf32, #tpu.memory_space<vmem_shared>> -> memref<10112x32xf32, #tpu.memory_space<vmem_shared>>
          tpu.wait_indirect_dma semaphore(%arg18 : memref<!tpu.dma_semaphore, #tpu.memory_space<semaphore_mem>>) src(%arg10 : memref<128x32xf32, #tpu.memory_space<vmem>>) dst(%dma_wait3A_333 : memref<10112x32xf32, #tpu.memory_space<vmem_shared>>)
        } else {
        }
        %dma_start3A_320 = arith.constant 0 : i32
        %dma_start3A_321 = tpu.memref_slice %arg6[%sub3A_311, %dma_start3A_320] : memref<80x128xi32, #tpu.memory_space<vmem>> -> memref<1x128xi32, #tpu.memory_space<vmem>>
        %dma_start3A_322 = tpu.memref_squeeze %dma_start3A_321 : memref<1x128xi32, #tpu.memory_space<vmem>> -> memref<128xi32, #tpu.memory_space<vmem>>
        %dma_start3A_323 = arith.constant 0 : i32
        %dma_start3A_324 = arith.constant 0 : i32
        %dma_start3A_325 = tpu.memref_slice %arg21[%dma_start3A_323, %dma_start3A_324] : memref<10000x32xf32, #tpu.memory_space<vmem_shared>> -> memref<10000x32xf32, #tpu.memory_space<vmem_shared>>
        tpu.enqueue_indirect_dma source(%dma_start3A_325 : memref<10000x32xf32, #tpu.memory_space<vmem_shared>>) target(%arg10 : memref<128x32xf32, #tpu.memory_space<vmem>>) offsets(%dma_start3A_322 : memref<128xi32, #tpu.memory_space<vmem>>) semaphore(%arg14 : memref<!tpu.dma_semaphore, #tpu.memory_space<semaphore_mem>>)
      } else {
      }
    }
    %while3A_63 = arith.constant 1 : i32
    scf.for %while3A_226 = %while3A_61 to %while3A_57 step %while3A_63  : i32 {
      %mul3A_227 = arith.constant 4 : i32
      %mul3A_228 = arith.muli %while3A_226, %mul3A_227 : i32
      %add3A_229 = arith.constant 0 : i32
      %add3A_230 = arith.addi %mul3A_228, %add3A_229 : i32
      %dma_wait3A_231 = arith.constant 0 : i32
      %dma_wait3A_232 = tpu.memref_slice %arg6[%add3A_230, %dma_wait3A_231] : memref<80x128xi32, #tpu.memory_space<vmem>> -> memref<1x128xi32, #tpu.memory_space<vmem>>
      %dma_wait3A_233 = tpu.memref_squeeze %dma_wait3A_232 : memref<1x128xi32, #tpu.memory_space<vmem>> -> memref<128xi32, #tpu.memory_space<vmem>>
      %dma_wait3A_234 = arith.constant 0 : i32
      %dma_wait3A_235 = arith.constant 0 : i32
      %dma_wait3A_236 = tpu.memref_slice %arg21[%dma_wait3A_234, %dma_wait3A_235] : memref<10000x32xf32, #tpu.memory_space<vmem_shared>> -> memref<10000x32xf32, #tpu.memory_space<vmem_shared>>
      tpu.wait_indirect_dma semaphore(%arg12 : memref<!tpu.dma_semaphore, #tpu.memory_space<semaphore_mem>>) src(%dma_wait3A_236 : memref<10000x32xf32, #tpu.memory_space<vmem_shared>>) dst(%arg8 : memref<128x32xf32, #tpu.memory_space<vmem>>)
      %dma_start3A_237 = arith.constant 0 : i32
      %dma_start3A_238 = tpu.memref_slice %arg7[%add3A_230, %dma_start3A_237] : memref<80x128xi32, #tpu.memory_space<vmem>> -> memref<1x128xi32, #tpu.memory_space<vmem>>
      %dma_start3A_239 = tpu.memref_squeeze %dma_start3A_238 : memref<1x128xi32, #tpu.memory_space<vmem>> -> memref<128xi32, #tpu.memory_space<vmem>>
      %dma_start3A_240 = arith.constant 0 : i32
      %dma_start3A_241 = arith.constant 0 : i32
      %dma_start3A_242 = tpu.memref_slice %arg20[%dma_start3A_240, %dma_start3A_241] : memref<10112x32xf32, #tpu.memory_space<vmem_shared>> -> memref<10112x32xf32, #tpu.memory_space<vmem_shared>>
      tpu.enqueue_indirect_dma source(%arg8 : memref<128x32xf32, #tpu.memory_space<vmem>>) target(%dma_start3A_242 : memref<10112x32xf32, #tpu.memory_space<vmem_shared>>) offsets(%dma_start3A_239 : memref<128xi32, #tpu.memory_space<vmem>>) semaphore(%arg16 : memref<!tpu.dma_semaphore, #tpu.memory_space<semaphore_mem>>) {add = true}
      %add3A_243 = arith.constant 4 : i32
      %add3A_244 = arith.addi %add3A_230, %add3A_243 : i32
      %sub3A_245 = arith.constant 1 : i32
      %sub3A_246 = arith.subi %add3A_244, %sub3A_245 : i32
      %lt3A = arith.cmpi slt, %sub3A_246, %select_n3A_8 : i32
      %convert_element_type3A_247 = arith.extui %lt3A : i1 to i32
      %cond3A_248 = arith.constant 0 : i32
      %cond3A_249 = arith.cmpi ne, %convert_element_type3A_247, %cond3A_248 : i32
      scf.if %cond3A_249 {
        %ge3A = arith.constant 1 : i32
        %ge3A_316 = arith.cmpi sge, %add3A_230, %ge3A : i32
        %convert_element_type3A_317 = arith.extui %ge3A_316 : i1 to i32
        %cond3A_318 = arith.constant 0 : i32
        %cond3A_319 = arith.cmpi ne, %convert_element_type3A_317, %cond3A_318 : i32
        scf.if %cond3A_319 {
          %sub3A_326 = arith.constant 1 : i32
          %sub3A_327 = arith.subi %add3A_230, %sub3A_326 : i32
          %dma_wait3A_328 = arith.constant 0 : i32
          %dma_wait3A_329 = tpu.memref_slice %arg7[%sub3A_327, %dma_wait3A_328] : memref<80x128xi32, #tpu.memory_space<vmem>> -> memref<1x128xi32, #tpu.memory_space<vmem>>
          %dma_wait3A_330 = tpu.memref_squeeze %dma_wait3A_329 : memref<1x128xi32, #tpu.memory_space<vmem>> -> memref<128xi32, #tpu.memory_space<vmem>>
          %dma_wait3A_331 = arith.constant 0 : i32
          %dma_wait3A_332 = arith.constant 0 : i32
          %dma_wait3A_333 = tpu.memref_slice %arg20[%dma_wait3A_331, %dma_wait3A_332] : memref<10112x32xf32, #tpu.memory_space<vmem_shared>> -> memref<10112x32xf32, #tpu.memory_space<vmem_shared>>
          tpu.wait_indirect_dma semaphore(%arg19 : memref<!tpu.dma_semaphore, #tpu.memory_space<semaphore_mem>>) src(%arg11 : memref<128x32xf32, #tpu.memory_space<vmem>>) dst(%dma_wait3A_333 : memref<10112x32xf32, #tpu.memory_space<vmem_shared>>)
        } else {
        }
        %dma_start3A_320 = arith.constant 0 : i32
        %dma_start3A_321 = tpu.memref_slice %arg6[%sub3A_246, %dma_start3A_320] : memref<80x128xi32, #tpu.memory_space<vmem>> -> memref<1x128xi32, #tpu.memory_space<vmem>>
        %dma_start3A_322 = tpu.memref_squeeze %dma_start3A_321 : memref<1x128xi32, #tpu.memory_space<vmem>> -> memref<128xi32, #tpu.memory_space<vmem>>
        %dma_start3A_323 = arith.constant 0 : i32
        %dma_start3A_324 = arith.constant 0 : i32
        %dma_start3A_325 = tpu.memref_slice %arg21[%dma_start3A_323, %dma_start3A_324] : memref<10000x32xf32, #tpu.memory_space<vmem_shared>> -> memref<10000x32xf32, #tpu.memory_space<vmem_shared>>
        tpu.enqueue_indirect_dma source(%dma_start3A_325 : memref<10000x32xf32, #tpu.memory_space<vmem_shared>>) target(%arg11 : memref<128x32xf32, #tpu.memory_space<vmem>>) offsets(%dma_start3A_322 : memref<128xi32, #tpu.memory_space<vmem>>) semaphore(%arg15 : memref<!tpu.dma_semaphore, #tpu.memory_space<semaphore_mem>>)
      } else {
      }
      %add3A_250 = arith.constant 1 : i32
      %add3A_251 = arith.addi %mul3A_228, %add3A_250 : i32
      %dma_wait3A_252 = arith.constant 0 : i32
      %dma_wait3A_253 = tpu.memref_slice %arg6[%add3A_251, %dma_wait3A_252] : memref<80x128xi32, #tpu.memory_space<vmem>> -> memref<1x128xi32, #tpu.memory_space<vmem>>
      %dma_wait3A_254 = tpu.memref_squeeze %dma_wait3A_253 : memref<1x128xi32, #tpu.memory_space<vmem>> -> memref<128xi32, #tpu.memory_space<vmem>>
      %dma_wait3A_255 = arith.constant 0 : i32
      %dma_wait3A_256 = arith.constant 0 : i32
      %dma_wait3A_257 = tpu.memref_slice %arg21[%dma_wait3A_255, %dma_wait3A_256] : memref<10000x32xf32, #tpu.memory_space<vmem_shared>> -> memref<10000x32xf32, #tpu.memory_space<vmem_shared>>
      tpu.wait_indirect_dma semaphore(%arg13 : memref<!tpu.dma_semaphore, #tpu.memory_space<semaphore_mem>>) src(%dma_wait3A_257 : memref<10000x32xf32, #tpu.memory_space<vmem_shared>>) dst(%arg9 : memref<128x32xf32, #tpu.memory_space<vmem>>)
      %dma_start3A_258 = arith.constant 0 : i32
      %dma_start3A_259 = tpu.memref_slice %arg7[%add3A_251, %dma_start3A_258] : memref<80x128xi32, #tpu.memory_space<vmem>> -> memref<1x128xi32, #tpu.memory_space<vmem>>
      %dma_start3A_260 = tpu.memref_squeeze %dma_start3A_259 : memref<1x128xi32, #tpu.memory_space<vmem>> -> memref<128xi32, #tpu.memory_space<vmem>>
      %dma_start3A_261 = arith.constant 0 : i32
      %dma_start3A_262 = arith.constant 0 : i32
      %dma_start3A_263 = tpu.memref_slice %arg20[%dma_start3A_261, %dma_start3A_262] : memref<10112x32xf32, #tpu.memory_space<vmem_shared>> -> memref<10112x32xf32, #tpu.memory_space<vmem_shared>>
      tpu.enqueue_indirect_dma source(%arg9 : memref<128x32xf32, #tpu.memory_space<vmem>>) target(%dma_start3A_263 : memref<10112x32xf32, #tpu.memory_space<vmem_shared>>) offsets(%dma_start3A_260 : memref<128xi32, #tpu.memory_space<vmem>>) semaphore(%arg17 : memref<!tpu.dma_semaphore, #tpu.memory_space<semaphore_mem>>) {add = true}
      %add3A_264 = arith.constant 4 : i32
      %add3A_265 = arith.addi %add3A_251, %add3A_264 : i32
      %sub3A_266 = arith.constant 1 : i32
      %sub3A_267 = arith.subi %add3A_265, %sub3A_266 : i32
      %lt3A_268 = arith.cmpi slt, %sub3A_267, %select_n3A_8 : i32
      %convert_element_type3A_269 = arith.extui %lt3A_268 : i1 to i32
      %cond3A_270 = arith.constant 0 : i32
      %cond3A_271 = arith.cmpi ne, %convert_element_type3A_269, %cond3A_270 : i32
      scf.if %cond3A_271 {
        %ge3A = arith.constant 1 : i32
        %ge3A_316 = arith.cmpi sge, %add3A_251, %ge3A : i32
        %convert_element_type3A_317 = arith.extui %ge3A_316 : i1 to i32
        %cond3A_318 = arith.constant 0 : i32
        %cond3A_319 = arith.cmpi ne, %convert_element_type3A_317, %cond3A_318 : i32
        scf.if %cond3A_319 {
          %sub3A_326 = arith.constant 1 : i32
          %sub3A_327 = arith.subi %add3A_251, %sub3A_326 : i32
          %dma_wait3A_328 = arith.constant 0 : i32
          %dma_wait3A_329 = tpu.memref_slice %arg7[%sub3A_327, %dma_wait3A_328] : memref<80x128xi32, #tpu.memory_space<vmem>> -> memref<1x128xi32, #tpu.memory_space<vmem>>
          %dma_wait3A_330 = tpu.memref_squeeze %dma_wait3A_329 : memref<1x128xi32, #tpu.memory_space<vmem>> -> memref<128xi32, #tpu.memory_space<vmem>>
          %dma_wait3A_331 = arith.constant 0 : i32
          %dma_wait3A_332 = arith.constant 0 : i32
          %dma_wait3A_333 = tpu.memref_slice %arg20[%dma_wait3A_331, %dma_wait3A_332] : memref<10112x32xf32, #tpu.memory_space<vmem_shared>> -> memref<10112x32xf32, #tpu.memory_space<vmem_shared>>
          tpu.wait_indirect_dma semaphore(%arg16 : memref<!tpu.dma_semaphore, #tpu.memory_space<semaphore_mem>>) src(%arg8 : memref<128x32xf32, #tpu.memory_space<vmem>>) dst(%dma_wait3A_333 : memref<10112x32xf32, #tpu.memory_space<vmem_shared>>)
        } else {
        }
        %dma_start3A_320 = arith.constant 0 : i32
        %dma_start3A_321 = tpu.memref_slice %arg6[%sub3A_267, %dma_start3A_320] : memref<80x128xi32, #tpu.memory_space<vmem>> -> memref<1x128xi32, #tpu.memory_space<vmem>>
        %dma_start3A_322 = tpu.memref_squeeze %dma_start3A_321 : memref<1x128xi32, #tpu.memory_space<vmem>> -> memref<128xi32, #tpu.memory_space<vmem>>
        %dma_start3A_323 = arith.constant 0 : i32
        %dma_start3A_324 = arith.constant 0 : i32
        %dma_start3A_325 = tpu.memref_slice %arg21[%dma_start3A_323, %dma_start3A_324] : memref<10000x32xf32, #tpu.memory_space<vmem_shared>> -> memref<10000x32xf32, #tpu.memory_space<vmem_shared>>
        tpu.enqueue_indirect_dma source(%dma_start3A_325 : memref<10000x32xf32, #tpu.memory_space<vmem_shared>>) target(%arg8 : memref<128x32xf32, #tpu.memory_space<vmem>>) offsets(%dma_start3A_322 : memref<128xi32, #tpu.memory_space<vmem>>) semaphore(%arg12 : memref<!tpu.dma_semaphore, #tpu.memory_space<semaphore_mem>>)
      } else {
      }
      %add3A_272 = arith.constant 2 : i32
      %add3A_273 = arith.addi %mul3A_228, %add3A_272 : i32
      %dma_wait3A_274 = arith.constant 0 : i32
      %dma_wait3A_275 = tpu.memref_slice %arg6[%add3A_273, %dma_wait3A_274] : memref<80x128xi32, #tpu.memory_space<vmem>> -> memref<1x128xi32, #tpu.memory_space<vmem>>
      %dma_wait3A_276 = tpu.memref_squeeze %dma_wait3A_275 : memref<1x128xi32, #tpu.memory_space<vmem>> -> memref<128xi32, #tpu.memory_space<vmem>>
      %dma_wait3A_277 = arith.constant 0 : i32
      %dma_wait3A_278 = arith.constant 0 : i32
      %dma_wait3A_279 = tpu.memref_slice %arg21[%dma_wait3A_277, %dma_wait3A_278] : memref<10000x32xf32, #tpu.memory_space<vmem_shared>> -> memref<10000x32xf32, #tpu.memory_space<vmem_shared>>
      tpu.wait_indirect_dma semaphore(%arg14 : memref<!tpu.dma_semaphore, #tpu.memory_space<semaphore_mem>>) src(%dma_wait3A_279 : memref<10000x32xf32, #tpu.memory_space<vmem_shared>>) dst(%arg10 : memref<128x32xf32, #tpu.memory_space<vmem>>)
      %dma_start3A_280 = arith.constant 0 : i32
      %dma_start3A_281 = tpu.memref_slice %arg7[%add3A_273, %dma_start3A_280] : memref<80x128xi32, #tpu.memory_space<vmem>> -> memref<1x128xi32, #tpu.memory_space<vmem>>
      %dma_start3A_282 = tpu.memref_squeeze %dma_start3A_281 : memref<1x128xi32, #tpu.memory_space<vmem>> -> memref<128xi32, #tpu.memory_space<vmem>>
      %dma_start3A_283 = arith.constant 0 : i32
      %dma_start3A_284 = arith.constant 0 : i32
      %dma_start3A_285 = tpu.memref_slice %arg20[%dma_start3A_283, %dma_start3A_284] : memref<10112x32xf32, #tpu.memory_space<vmem_shared>> -> memref<10112x32xf32, #tpu.memory_space<vmem_shared>>
      tpu.enqueue_indirect_dma source(%arg10 : memref<128x32xf32, #tpu.memory_space<vmem>>) target(%dma_start3A_285 : memref<10112x32xf32, #tpu.memory_space<vmem_shared>>) offsets(%dma_start3A_282 : memref<128xi32, #tpu.memory_space<vmem>>) semaphore(%arg18 : memref<!tpu.dma_semaphore, #tpu.memory_space<semaphore_mem>>) {add = true}
      %add3A_286 = arith.constant 4 : i32
      %add3A_287 = arith.addi %add3A_273, %add3A_286 : i32
      %sub3A_288 = arith.constant 1 : i32
      %sub3A_289 = arith.subi %add3A_287, %sub3A_288 : i32
      %lt3A_290 = arith.cmpi slt, %sub3A_289, %select_n3A_8 : i32
      %convert_element_type3A_291 = arith.extui %lt3A_290 : i1 to i32
      %cond3A_292 = arith.constant 0 : i32
      %cond3A_293 = arith.cmpi ne, %convert_element_type3A_291, %cond3A_292 : i32
      scf.if %cond3A_293 {
        %ge3A = arith.constant 1 : i32
        %ge3A_316 = arith.cmpi sge, %add3A_273, %ge3A : i32
        %convert_element_type3A_317 = arith.extui %ge3A_316 : i1 to i32
        %cond3A_318 = arith.constant 0 : i32
        %cond3A_319 = arith.cmpi ne, %convert_element_type3A_317, %cond3A_318 : i32
        scf.if %cond3A_319 {
          %sub3A_326 = arith.constant 1 : i32
          %sub3A_327 = arith.subi %add3A_273, %sub3A_326 : i32
          %dma_wait3A_328 = arith.constant 0 : i32
          %dma_wait3A_329 = tpu.memref_slice %arg7[%sub3A_327, %dma_wait3A_328] : memref<80x128xi32, #tpu.memory_space<vmem>> -> memref<1x128xi32, #tpu.memory_space<vmem>>
          %dma_wait3A_330 = tpu.memref_squeeze %dma_wait3A_329 : memref<1x128xi32, #tpu.memory_space<vmem>> -> memref<128xi32, #tpu.memory_space<vmem>>
          %dma_wait3A_331 = arith.constant 0 : i32
          %dma_wait3A_332 = arith.constant 0 : i32
          %dma_wait3A_333 = tpu.memref_slice %arg20[%dma_wait3A_331, %dma_wait3A_332] : memref<10112x32xf32, #tpu.memory_space<vmem_shared>> -> memref<10112x32xf32, #tpu.memory_space<vmem_shared>>
          tpu.wait_indirect_dma semaphore(%arg17 : memref<!tpu.dma_semaphore, #tpu.memory_space<semaphore_mem>>) src(%arg9 : memref<128x32xf32, #tpu.memory_space<vmem>>) dst(%dma_wait3A_333 : memref<10112x32xf32, #tpu.memory_space<vmem_shared>>)
        } else {
        }
        %dma_start3A_320 = arith.constant 0 : i32
        %dma_start3A_321 = tpu.memref_slice %arg6[%sub3A_289, %dma_start3A_320] : memref<80x128xi32, #tpu.memory_space<vmem>> -> memref<1x128xi32, #tpu.memory_space<vmem>>
        %dma_start3A_322 = tpu.memref_squeeze %dma_start3A_321 : memref<1x128xi32, #tpu.memory_space<vmem>> -> memref<128xi32, #tpu.memory_space<vmem>>
        %dma_start3A_323 = arith.constant 0 : i32
        %dma_start3A_324 = arith.constant 0 : i32
        %dma_start3A_325 = tpu.memref_slice %arg21[%dma_start3A_323, %dma_start3A_324] : memref<10000x32xf32, #tpu.memory_space<vmem_shared>> -> memref<10000x32xf32, #tpu.memory_space<vmem_shared>>
        tpu.enqueue_indirect_dma source(%dma_start3A_325 : memref<10000x32xf32, #tpu.memory_space<vmem_shared>>) target(%arg9 : memref<128x32xf32, #tpu.memory_space<vmem>>) offsets(%dma_start3A_322 : memref<128xi32, #tpu.memory_space<vmem>>) semaphore(%arg13 : memref<!tpu.dma_semaphore, #tpu.memory_space<semaphore_mem>>)
      } else {
      }
      %add3A_294 = arith.constant 3 : i32
      %add3A_295 = arith.addi %mul3A_228, %add3A_294 : i32
      %dma_wait3A_296 = arith.constant 0 : i32
      %dma_wait3A_297 = tpu.memref_slice %arg6[%add3A_295, %dma_wait3A_296] : memref<80x128xi32, #tpu.memory_space<vmem>> -> memref<1x128xi32, #tpu.memory_space<vmem>>
      %dma_wait3A_298 = tpu.memref_squeeze %dma_wait3A_297 : memref<1x128xi32, #tpu.memory_space<vmem>> -> memref<128xi32, #tpu.memory_space<vmem>>
      %dma_wait3A_299 = arith.constant 0 : i32
      %dma_wait3A_300 = arith.constant 0 : i32
      %dma_wait3A_301 = tpu.memref_slice %arg21[%dma_wait3A_299, %dma_wait3A_300] : memref<10000x32xf32, #tpu.memory_space<vmem_shared>> -> memref<10000x32xf32, #tpu.memory_space<vmem_shared>>
      tpu.wait_indirect_dma semaphore(%arg15 : memref<!tpu.dma_semaphore, #tpu.memory_space<semaphore_mem>>) src(%dma_wait3A_301 : memref<10000x32xf32, #tpu.memory_space<vmem_shared>>) dst(%arg11 : memref<128x32xf32, #tpu.memory_space<vmem>>)
      %dma_start3A_302 = arith.constant 0 : i32
      %dma_start3A_303 = tpu.memref_slice %arg7[%add3A_295, %dma_start3A_302] : memref<80x128xi32, #tpu.memory_space<vmem>> -> memref<1x128xi32, #tpu.memory_space<vmem>>
      %dma_start3A_304 = tpu.memref_squeeze %dma_start3A_303 : memref<1x128xi32, #tpu.memory_space<vmem>> -> memref<128xi32, #tpu.memory_space<vmem>>
      %dma_start3A_305 = arith.constant 0 : i32
      %dma_start3A_306 = arith.constant 0 : i32
      %dma_start3A_307 = tpu.memref_slice %arg20[%dma_start3A_305, %dma_start3A_306] : memref<10112x32xf32, #tpu.memory_space<vmem_shared>> -> memref<10112x32xf32, #tpu.memory_space<vmem_shared>>
      tpu.enqueue_indirect_dma source(%arg11 : memref<128x32xf32, #tpu.memory_space<vmem>>) target(%dma_start3A_307 : memref<10112x32xf32, #tpu.memory_space<vmem_shared>>) offsets(%dma_start3A_304 : memref<128xi32, #tpu.memory_space<vmem>>) semaphore(%arg19 : memref<!tpu.dma_semaphore, #tpu.memory_space<semaphore_mem>>) {add = true}
      %add3A_308 = arith.constant 4 : i32
      %add3A_309 = arith.addi %add3A_295, %add3A_308 : i32
      %sub3A_310 = arith.constant 1 : i32
      %sub3A_311 = arith.subi %add3A_309, %sub3A_310 : i32
      %lt3A_312 = arith.cmpi slt, %sub3A_311, %select_n3A_8 : i32
      %convert_element_type3A_313 = arith.extui %lt3A_312 : i1 to i32
      %cond3A_314 = arith.constant 0 : i32
      %cond3A_315 = arith.cmpi ne, %convert_element_type3A_313, %cond3A_314 : i32
      scf.if %cond3A_315 {
        %ge3A = arith.constant 1 : i32
        %ge3A_316 = arith.cmpi sge, %add3A_295, %ge3A : i32
        %convert_element_type3A_317 = arith.extui %ge3A_316 : i1 to i32
        %cond3A_318 = arith.constant 0 : i32
        %cond3A_319 = arith.cmpi ne, %convert_element_type3A_317, %cond3A_318 : i32
        scf.if %cond3A_319 {
          %sub3A_326 = arith.constant 1 : i32
          %sub3A_327 = arith.subi %add3A_295, %sub3A_326 : i32
          %dma_wait3A_328 = arith.constant 0 : i32
          %dma_wait3A_329 = tpu.memref_slice %arg7[%sub3A_327, %dma_wait3A_328] : memref<80x128xi32, #tpu.memory_space<vmem>> -> memref<1x128xi32, #tpu.memory_space<vmem>>
          %dma_wait3A_330 = tpu.memref_squeeze %dma_wait3A_329 : memref<1x128xi32, #tpu.memory_space<vmem>> -> memref<128xi32, #tpu.memory_space<vmem>>
          %dma_wait3A_331 = arith.constant 0 : i32
          %dma_wait3A_332 = arith.constant 0 : i32
          %dma_wait3A_333 = tpu.memref_slice %arg20[%dma_wait3A_331, %dma_wait3A_332] : memref<10112x32xf32, #tpu.memory_space<vmem_shared>> -> memref<10112x32xf32, #tpu.memory_space<vmem_shared>>
          tpu.wait_indirect_dma semaphore(%arg18 : memref<!tpu.dma_semaphore, #tpu.memory_space<semaphore_mem>>) src(%arg10 : memref<128x32xf32, #tpu.memory_space<vmem>>) dst(%dma_wait3A_333 : memref<10112x32xf32, #tpu.memory_space<vmem_shared>>)
        } else {
        }
        %dma_start3A_320 = arith.constant 0 : i32
        %dma_start3A_321 = tpu.memref_slice %arg6[%sub3A_311, %dma_start3A_320] : memref<80x128xi32, #tpu.memory_space<vmem>> -> memref<1x128xi32, #tpu.memory_space<vmem>>
        %dma_start3A_322 = tpu.memref_squeeze %dma_start3A_321 : memref<1x128xi32, #tpu.memory_space<vmem>> -> memref<128xi32, #tpu.memory_space<vmem>>
        %dma_start3A_323 = arith.constant 0 : i32
        %dma_start3A_324 = arith.constant 0 : i32
        %dma_start3A_325 = tpu.memref_slice %arg21[%dma_start3A_323, %dma_start3A_324] : memref<10000x32xf32, #tpu.memory_space<vmem_shared>> -> memref<10000x32xf32, #tpu.memory_space<vmem_shared>>
        tpu.enqueue_indirect_dma source(%dma_start3A_325 : memref<10000x32xf32, #tpu.memory_space<vmem_shared>>) target(%arg10 : memref<128x32xf32, #tpu.memory_space<vmem>>) offsets(%dma_start3A_322 : memref<128xi32, #tpu.memory_space<vmem>>) semaphore(%arg14 : memref<!tpu.dma_semaphore, #tpu.memory_space<semaphore_mem>>)
      } else {
      }
    }
    %sub3A_64 = arith.constant 4 : i32
    %sub3A_65 = arith.subi %select_n3A_8, %sub3A_64 : i32
    %add3A_66 = arith.constant 0 : i32
    %add3A_67 = arith.addi %sub3A_65, %add3A_66 : i32
    %dma_wait3A = arith.constant 0 : i32
    %dma_wait3A_68 = tpu.memref_slice %arg7[%add3A_67, %dma_wait3A] : memref<80x128xi32, #tpu.memory_space<vmem>> -> memref<1x128xi32, #tpu.memory_space<vmem>>
    %dma_wait3A_69 = tpu.memref_squeeze %dma_wait3A_68 : memref<1x128xi32, #tpu.memory_space<vmem>> -> memref<128xi32, #tpu.memory_space<vmem>>
    %dma_wait3A_70 = arith.constant 0 : i32
    %dma_wait3A_71 = arith.constant 0 : i32
    %dma_wait3A_72 = tpu.memref_slice %arg20[%dma_wait3A_70, %dma_wait3A_71] : memref<10112x32xf32, #tpu.memory_space<vmem_shared>> -> memref<10112x32xf32, #tpu.memory_space<vmem_shared>>
    tpu.wait_indirect_dma semaphore(%arg16 : memref<!tpu.dma_semaphore, #tpu.memory_space<semaphore_mem>>) src(%arg8 : memref<128x32xf32, #tpu.memory_space<vmem>>) dst(%dma_wait3A_72 : memref<10112x32xf32, #tpu.memory_space<vmem_shared>>)
    %sub3A_73 = arith.constant 4 : i32
    %sub3A_74 = arith.subi %select_n3A_8, %sub3A_73 : i32
    %add3A_75 = arith.constant 1 : i32
    %add3A_76 = arith.addi %sub3A_74, %add3A_75 : i32
    %dma_wait3A_77 = arith.constant 0 : i32
    %dma_wait3A_78 = tpu.memref_slice %arg7[%add3A_76, %dma_wait3A_77] : memref<80x128xi32, #tpu.memory_space<vmem>> -> memref<1x128xi32, #tpu.memory_space<vmem>>
    %dma_wait3A_79 = tpu.memref_squeeze %dma_wait3A_78 : memref<1x128xi32, #tpu.memory_space<vmem>> -> memref<128xi32, #tpu.memory_space<vmem>>
    %dma_wait3A_80 = arith.constant 0 : i32
    %dma_wait3A_81 = arith.constant 0 : i32
    %dma_wait3A_82 = tpu.memref_slice %arg20[%dma_wait3A_80, %dma_wait3A_81] : memref<10112x32xf32, #tpu.memory_space<vmem_shared>> -> memref<10112x32xf32, #tpu.memory_space<vmem_shared>>
    tpu.wait_indirect_dma semaphore(%arg17 : memref<!tpu.dma_semaphore, #tpu.memory_space<semaphore_mem>>) src(%arg9 : memref<128x32xf32, #tpu.memory_space<vmem>>) dst(%dma_wait3A_82 : memref<10112x32xf32, #tpu.memory_space<vmem_shared>>)
    %sub3A_83 = arith.constant 4 : i32
    %sub3A_84 = arith.subi %select_n3A_8, %sub3A_83 : i32
    %add3A_85 = arith.constant 2 : i32
    %add3A_86 = arith.addi %sub3A_84, %add3A_85 : i32
    %dma_wait3A_87 = arith.constant 0 : i32
    %dma_wait3A_88 = tpu.memref_slice %arg7[%add3A_86, %dma_wait3A_87] : memref<80x128xi32, #tpu.memory_space<vmem>> -> memref<1x128xi32, #tpu.memory_space<vmem>>
    %dma_wait3A_89 = tpu.memref_squeeze %dma_wait3A_88 : memref<1x128xi32, #tpu.memory_space<vmem>> -> memref<128xi32, #tpu.memory_space<vmem>>
    %dma_wait3A_90 = arith.constant 0 : i32
    %dma_wait3A_91 = arith.constant 0 : i32
    %dma_wait3A_92 = tpu.memref_slice %arg20[%dma_wait3A_90, %dma_wait3A_91] : memref<10112x32xf32, #tpu.memory_space<vmem_shared>> -> memref<10112x32xf32, #tpu.memory_space<vmem_shared>>
    tpu.wait_indirect_dma semaphore(%arg18 : memref<!tpu.dma_semaphore, #tpu.memory_space<semaphore_mem>>) src(%arg10 : memref<128x32xf32, #tpu.memory_space<vmem>>) dst(%dma_wait3A_92 : memref<10112x32xf32, #tpu.memory_space<vmem_shared>>)
    %sub3A_93 = arith.constant 4 : i32
    %sub3A_94 = arith.subi %select_n3A_8, %sub3A_93 : i32
    %add3A_95 = arith.constant 3 : i32
    %add3A_96 = arith.addi %sub3A_94, %add3A_95 : i32
    %dma_wait3A_97 = arith.constant 0 : i32
    %dma_wait3A_98 = tpu.memref_slice %arg7[%add3A_96, %dma_wait3A_97] : memref<80x128xi32, #tpu.memory_space<vmem>> -> memref<1x128xi32, #tpu.memory_space<vmem>>
    %dma_wait3A_99 = tpu.memref_squeeze %dma_wait3A_98 : memref<1x128xi32, #tpu.memory_space<vmem>> -> memref<128xi32, #tpu.memory_space<vmem>>
    %dma_wait3A_100 = arith.constant 0 : i32
    %dma_wait3A_101 = arith.constant 0 : i32
    %dma_wait3A_102 = tpu.memref_slice %arg20[%dma_wait3A_100, %dma_wait3A_101] : memref<10112x32xf32, #tpu.memory_space<vmem_shared>> -> memref<10112x32xf32, #tpu.memory_space<vmem_shared>>
    tpu.wait_indirect_dma semaphore(%arg19 : memref<!tpu.dma_semaphore, #tpu.memory_space<semaphore_mem>>) src(%arg11 : memref<128x32xf32, #tpu.memory_space<vmem>>) dst(%dma_wait3A_102 : memref<10112x32xf32, #tpu.memory_space<vmem_shared>>)
    %barrier3A_103 = arith.constant 0 : index
    tpu.barrier barrier_id(%barrier3A_103)
    %mul3A_104 = arith.constant 632 : i32
    %mul3A_105 = arith.muli %arg1, %mul3A_104 : i32
    %mul3A_106 = arith.constant 10112 : i32
    %mul3A_107 = arith.muli %arg0, %mul3A_106 : i32
    %mul3A_108 = arith.constant 632 : i32
    %mul3A_109 = arith.muli %arg1, %mul3A_108 : i32
    %add3A_110 = arith.addi %mul3A_107, %mul3A_109 : i32
    "tpu.region"() ({
      %run_scoped3A = tpu.sem_alloc : memref<!tpu.dma_semaphore, #tpu.memory_space<semaphore_mem>>
      %dma_start3A_226 = arith.constant 0 : i32
      %dma_start3A_227 = tpu.memref_slice %arg5[%add3A_110, %dma_start3A_226] : memref<20224x64xf32, #tpu.memory_space<hbm>> -> memref<632x32xf32, #tpu.memory_space<hbm>>
      %dma_start3A_228 = arith.constant 0 : i32
      %dma_start3A_229 = tpu.memref_slice %arg20[%mul3A_105, %dma_start3A_228] : memref<10112x32xf32, #tpu.memory_space<vmem_shared>> -> memref<632x32xf32, #tpu.memory_space<vmem_shared>>
      tpu.enqueue_dma source(%dma_start3A_229 : memref<632x32xf32, #tpu.memory_space<vmem_shared>>) target(%dma_start3A_227 : memref<632x32xf32, #tpu.memory_space<hbm>>) target_semaphore(%run_scoped3A : memref<!tpu.dma_semaphore, #tpu.memory_space<semaphore_mem>>)
      %dma_wait3A_230 = arith.constant 0 : i32
      %dma_wait3A_231 = tpu.memref_slice %arg5[%add3A_110, %dma_wait3A_230] : memref<20224x64xf32, #tpu.memory_space<hbm>> -> memref<632x32xf32, #tpu.memory_space<hbm>>
      %dma_wait3A_232 = arith.constant 0 : i32
      %dma_wait3A_233 = tpu.memref_slice %arg20[%mul3A_105, %dma_wait3A_232] : memref<10112x32xf32, #tpu.memory_space<vmem_shared>> -> memref<632x32xf32, #tpu.memory_space<vmem_shared>>
      tpu.wait_dma2 semaphore(%run_scoped3A : memref<!tpu.dma_semaphore, #tpu.memory_space<semaphore_mem>>) src(%dma_wait3A_233 : memref<632x32xf32, #tpu.memory_space<vmem_shared>>) dst(%dma_wait3A_231 : memref<632x32xf32, #tpu.memory_space<hbm>>)
      tpu.yield
    }) : () -> ()
    %barrier3A_111 = arith.constant 0 : index
    tpu.barrier barrier_id(%barrier3A_111)
    %eq3A_112 = arith.constant 0 : i32
    %eq3A_113 = arith.cmpi eq, %arg1, %eq3A_112 : i32
    %convert_element_type3A_114 = arith.extui %eq3A_113 : i1 to i32
    %cond3A_115 = arith.constant 0 : i32
    %cond3A_116 = arith.cmpi ne, %convert_element_type3A_114, %cond3A_115 : i32
    scf.if %cond3A_116 {
      "tpu.region"() ({
        %run_scoped3A = tpu.sem_alloc : memref<!tpu.dma_semaphore, #tpu.memory_space<semaphore_mem>>
        %dma_start3A_226 = arith.constant 0 : i32
        %dma_start3A_227 = arith.constant 0 : i32
        %dma_start3A_228 = tpu.memref_slice %arg20[%dma_start3A_226, %dma_start3A_227] : memref<10112x32xf32, #tpu.memory_space<vmem_shared>> -> memref<10000x32xf32, #tpu.memory_space<vmem_shared>>
        %dma_start3A_229 = arith.constant 0 : i32
        %dma_start3A_230 = arith.constant 32 : i32
        %dma_start3A_231 = tpu.memref_slice %arg2[%dma_start3A_229, %dma_start3A_230] : memref<10000x64xf32, #tpu.memory_space<hbm>> -> memref<10000x32xf32, #tpu.memory_space<hbm>>
        tpu.enqueue_dma source(%dma_start3A_231 : memref<10000x32xf32, #tpu.memory_space<hbm>>) target(%dma_start3A_228 : memref<10000x32xf32, #tpu.memory_space<vmem_shared>>) target_semaphore(%run_scoped3A : memref<!tpu.dma_semaphore, #tpu.memory_space<semaphore_mem>>)
        %dma_wait3A_232 = arith.constant 0 : i32
        %dma_wait3A_233 = arith.constant 0 : i32
        %dma_wait3A_234 = tpu.memref_slice %arg20[%dma_wait3A_232, %dma_wait3A_233] : memref<10112x32xf32, #tpu.memory_space<vmem_shared>> -> memref<10000x32xf32, #tpu.memory_space<vmem_shared>>
        %dma_wait3A_235 = arith.constant 0 : i32
        %dma_wait3A_236 = arith.constant 32 : i32
        %dma_wait3A_237 = tpu.memref_slice %arg2[%dma_wait3A_235, %dma_wait3A_236] : memref<10000x64xf32, #tpu.memory_space<hbm>> -> memref<10000x32xf32, #tpu.memory_space<hbm>>
        tpu.wait_dma2 semaphore(%run_scoped3A : memref<!tpu.dma_semaphore, #tpu.memory_space<semaphore_mem>>) src(%dma_wait3A_237 : memref<10000x32xf32, #tpu.memory_space<hbm>>) dst(%dma_wait3A_234 : memref<10000x32xf32, #tpu.memory_space<vmem_shared>>)
        tpu.yield
      }) : () -> ()
    } else {
    }
    %eq3A_117 = arith.constant 1 : i32
    %eq3A_118 = arith.cmpi eq, %arg1, %eq3A_117 : i32
    %convert_element_type3A_119 = arith.extui %eq3A_118 : i1 to i32
    %cond3A_120 = arith.constant 0 : i32
    %cond3A_121 = arith.cmpi ne, %convert_element_type3A_119, %cond3A_120 : i32
    scf.if %cond3A_121 {
      "tpu.region"() ({
        %run_scoped3A = tpu.sem_alloc : memref<!tpu.dma_semaphore, #tpu.memory_space<semaphore_mem>>
        %dma_start3A_226 = arith.constant 0 : i32
        %dma_start3A_227 = arith.constant 32 : i32
        %dma_start3A_228 = tpu.memref_slice %arg2[%dma_start3A_226, %dma_start3A_227] : memref<10000x64xf32, #tpu.memory_space<hbm>> -> memref<10000x32xf32, #tpu.memory_space<hbm>>
        tpu.enqueue_dma source(%dma_start3A_228 : memref<10000x32xf32, #tpu.memory_space<hbm>>) target(%arg21 : memref<10000x32xf32, #tpu.memory_space<vmem_shared>>) target_semaphore(%run_scoped3A : memref<!tpu.dma_semaphore, #tpu.memory_space<semaphore_mem>>)
        %dma_wait3A_229 = arith.constant 0 : i32
        %dma_wait3A_230 = arith.constant 32 : i32
        %dma_wait3A_231 = tpu.memref_slice %arg2[%dma_wait3A_229, %dma_wait3A_230] : memref<10000x64xf32, #tpu.memory_space<hbm>> -> memref<10000x32xf32, #tpu.memory_space<hbm>>
        tpu.wait_dma2 semaphore(%run_scoped3A : memref<!tpu.dma_semaphore, #tpu.memory_space<semaphore_mem>>) src(%dma_wait3A_231 : memref<10000x32xf32, #tpu.memory_space<hbm>>) dst(%arg21 : memref<10000x32xf32, #tpu.memory_space<vmem_shared>>)
        tpu.yield
      }) : () -> ()
    } else {
    }
    %barrier3A_122 = arith.constant 0 : index
    tpu.barrier barrier_id(%barrier3A_122)
    %dma_start3A_123 = arith.constant 0 : i32
    %dma_start3A_124 = arith.constant 0 : i32
    %dma_start3A_125 = tpu.memref_slice %arg6[%dma_start3A_123, %dma_start3A_124] : memref<80x128xi32, #tpu.memory_space<vmem>> -> memref<1x128xi32, #tpu.memory_space<vmem>>
    %dma_start3A_126 = tpu.memref_squeeze %dma_start3A_125 : memref<1x128xi32, #tpu.memory_space<vmem>> -> memref<128xi32, #tpu.memory_space<vmem>>
    %dma_start3A_127 = arith.constant 0 : i32
    %dma_start3A_128 = arith.constant 0 : i32
    %dma_start3A_129 = tpu.memref_slice %arg21[%dma_start3A_127, %dma_start3A_128] : memref<10000x32xf32, #tpu.memory_space<vmem_shared>> -> memref<10000x32xf32, #tpu.memory_space<vmem_shared>>
    tpu.enqueue_indirect_dma source(%dma_start3A_129 : memref<10000x32xf32, #tpu.memory_space<vmem_shared>>) target(%arg8 : memref<128x32xf32, #tpu.memory_space<vmem>>) offsets(%dma_start3A_126 : memref<128xi32, #tpu.memory_space<vmem>>) semaphore(%arg12 : memref<!tpu.dma_semaphore, #tpu.memory_space<semaphore_mem>>)
    %dma_start3A_130 = arith.constant 1 : i32
    %dma_start3A_131 = arith.constant 0 : i32
    %dma_start3A_132 = tpu.memref_slice %arg6[%dma_start3A_130, %dma_start3A_131] : memref<80x128xi32, #tpu.memory_space<vmem>> -> memref<1x128xi32, #tpu.memory_space<vmem>>
    %dma_start3A_133 = tpu.memref_squeeze %dma_start3A_132 : memref<1x128xi32, #tpu.memory_space<vmem>> -> memref<128xi32, #tpu.memory_space<vmem>>
    %dma_start3A_134 = arith.constant 0 : i32
    %dma_start3A_135 = arith.constant 0 : i32
    %dma_start3A_136 = tpu.memref_slice %arg21[%dma_start3A_134, %dma_start3A_135] : memref<10000x32xf32, #tpu.memory_space<vmem_shared>> -> memref<10000x32xf32, #tpu.memory_space<vmem_shared>>
    tpu.enqueue_indirect_dma source(%dma_start3A_136 : memref<10000x32xf32, #tpu.memory_space<vmem_shared>>) target(%arg9 : memref<128x32xf32, #tpu.memory_space<vmem>>) offsets(%dma_start3A_133 : memref<128xi32, #tpu.memory_space<vmem>>) semaphore(%arg13 : memref<!tpu.dma_semaphore, #tpu.memory_space<semaphore_mem>>)
    %dma_start3A_137 = arith.constant 2 : i32
    %dma_start3A_138 = arith.constant 0 : i32
    %dma_start3A_139 = tpu.memref_slice %arg6[%dma_start3A_137, %dma_start3A_138] : memref<80x128xi32, #tpu.memory_space<vmem>> -> memref<1x128xi32, #tpu.memory_space<vmem>>
    %dma_start3A_140 = tpu.memref_squeeze %dma_start3A_139 : memref<1x128xi32, #tpu.memory_space<vmem>> -> memref<128xi32, #tpu.memory_space<vmem>>
    %dma_start3A_141 = arith.constant 0 : i32
    %dma_start3A_142 = arith.constant 0 : i32
    %dma_start3A_143 = tpu.memref_slice %arg21[%dma_start3A_141, %dma_start3A_142] : memref<10000x32xf32, #tpu.memory_space<vmem_shared>> -> memref<10000x32xf32, #tpu.memory_space<vmem_shared>>
    tpu.enqueue_indirect_dma source(%dma_start3A_143 : memref<10000x32xf32, #tpu.memory_space<vmem_shared>>) target(%arg10 : memref<128x32xf32, #tpu.memory_space<vmem>>) offsets(%dma_start3A_140 : memref<128xi32, #tpu.memory_space<vmem>>) semaphore(%arg14 : memref<!tpu.dma_semaphore, #tpu.memory_space<semaphore_mem>>)
    %jit3A_144 = arith.constant 4 : i32
    %div3A_145 = arith.divsi %select_n3A_8, %jit3A_144 : i32
    %sign3A_146 = arith.constant 0 : i32
    %sign3A_147 = arith.cmpi sgt, %select_n3A_8, %sign3A_146 : i32
    %sign3A_148 = arith.extui %sign3A_147 : i1 to i32
    %sign3A_149 = arith.constant 0 : i32
    %sign3A_150 = arith.cmpi slt, %select_n3A_8, %sign3A_149 : i32
    %sign3A_151 = arith.extui %sign3A_150 : i1 to i32
    %sign3A_152 = arith.subi %sign3A_148, %sign3A_151 : i32
    %sign3A_153 = arith.constant 0 : i32
    %sign3A_154 = arith.cmpi sgt, %jit3A_144, %sign3A_153 : i32
    %sign3A_155 = arith.extui %sign3A_154 : i1 to i32
    %sign3A_156 = arith.constant 0 : i32
    %sign3A_157 = arith.cmpi slt, %jit3A_144, %sign3A_156 : i32
    %sign3A_158 = arith.extui %sign3A_157 : i1 to i32
    %sign3A_159 = arith.subi %sign3A_155, %sign3A_158 : i32
    %ne3A_160 = arith.cmpi ne, %sign3A_152, %sign3A_159 : i32
    %rem3A_161 = arith.remsi %select_n3A_8, %jit3A_144 : i32
    %ne3A_162 = arith.constant 0 : i32
    %ne3A_163 = arith.cmpi ne, %rem3A_161, %ne3A_162 : i32
    %and3A_164 = arith.andi %ne3A_160, %ne3A_163 : i1
    %sub3A_165 = arith.constant 1 : i32
    %sub3A_166 = arith.subi %div3A_145, %sub3A_165 : i32
    %select_n3A_167 = arith.select %and3A_164, %sub3A_166, %div3A_145 : i32
    %while3A_168 = arith.constant 0 : i32
    %while3A_169 = arith.constant 0 : i32
    %while3A_170 = arith.subi %select_n3A_167, %while3A_169 : i32
    %while3A_171 = arith.addi %while3A_169, %while3A_170 : i32
    %while3A_172 = arith.constant 1 : i32
    %while3A_173 = arith.divsi %while3A_170, %while3A_172 : i32
    %while3A_174 = arith.muli %while3A_173, %while3A_172 : i32
    %while3A_175 = arith.addi %while3A_169, %while3A_174 : i32
    %while3A_176 = arith.constant 1 : i32
    scf.for %while3A_226 = %while3A_169 to %while3A_175 step %while3A_176  : i32 {
      %mul3A_227 = arith.constant 4 : i32
      %mul3A_228 = arith.muli %while3A_226, %mul3A_227 : i32
      %add3A_229 = arith.constant 0 : i32
      %add3A_230 = arith.addi %mul3A_228, %add3A_229 : i32
      %dma_wait3A_231 = arith.constant 0 : i32
      %dma_wait3A_232 = tpu.memref_slice %arg6[%add3A_230, %dma_wait3A_231] : memref<80x128xi32, #tpu.memory_space<vmem>> -> memref<1x128xi32, #tpu.memory_space<vmem>>
      %dma_wait3A_233 = tpu.memref_squeeze %dma_wait3A_232 : memref<1x128xi32, #tpu.memory_space<vmem>> -> memref<128xi32, #tpu.memory_space<vmem>>
      %dma_wait3A_234 = arith.constant 0 : i32
      %dma_wait3A_235 = arith.constant 0 : i32
      %dma_wait3A_236 = tpu.memref_slice %arg21[%dma_wait3A_234, %dma_wait3A_235] : memref<10000x32xf32, #tpu.memory_space<vmem_shared>> -> memref<10000x32xf32, #tpu.memory_space<vmem_shared>>
      tpu.wait_indirect_dma semaphore(%arg12 : memref<!tpu.dma_semaphore, #tpu.memory_space<semaphore_mem>>) src(%dma_wait3A_236 : memref<10000x32xf32, #tpu.memory_space<vmem_shared>>) dst(%arg8 : memref<128x32xf32, #tpu.memory_space<vmem>>)
      %dma_start3A_237 = arith.constant 0 : i32
      %dma_start3A_238 = tpu.memref_slice %arg7[%add3A_230, %dma_start3A_237] : memref<80x128xi32, #tpu.memory_space<vmem>> -> memref<1x128xi32, #tpu.memory_space<vmem>>
      %dma_start3A_239 = tpu.memref_squeeze %dma_start3A_238 : memref<1x128xi32, #tpu.memory_space<vmem>> -> memref<128xi32, #tpu.memory_space<vmem>>
      %dma_start3A_240 = arith.constant 0 : i32
      %dma_start3A_241 = arith.constant 0 : i32
      %dma_start3A_242 = tpu.memref_slice %arg20[%dma_start3A_240, %dma_start3A_241] : memref<10112x32xf32, #tpu.memory_space<vmem_shared>> -> memref<10112x32xf32, #tpu.memory_space<vmem_shared>>
      tpu.enqueue_indirect_dma source(%arg8 : memref<128x32xf32, #tpu.memory_space<vmem>>) target(%dma_start3A_242 : memref<10112x32xf32, #tpu.memory_space<vmem_shared>>) offsets(%dma_start3A_239 : memref<128xi32, #tpu.memory_space<vmem>>) semaphore(%arg16 : memref<!tpu.dma_semaphore, #tpu.memory_space<semaphore_mem>>) {add = true}
      %add3A_243 = arith.constant 4 : i32
      %add3A_244 = arith.addi %add3A_230, %add3A_243 : i32
      %sub3A_245 = arith.constant 1 : i32
      %sub3A_246 = arith.subi %add3A_244, %sub3A_245 : i32
      %lt3A = arith.cmpi slt, %sub3A_246, %select_n3A_8 : i32
      %convert_element_type3A_247 = arith.extui %lt3A : i1 to i32
      %cond3A_248 = arith.constant 0 : i32
      %cond3A_249 = arith.cmpi ne, %convert_element_type3A_247, %cond3A_248 : i32
      scf.if %cond3A_249 {
        %ge3A = arith.constant 1 : i32
        %ge3A_316 = arith.cmpi sge, %add3A_230, %ge3A : i32
        %convert_element_type3A_317 = arith.extui %ge3A_316 : i1 to i32
        %cond3A_318 = arith.constant 0 : i32
        %cond3A_319 = arith.cmpi ne, %convert_element_type3A_317, %cond3A_318 : i32
        scf.if %cond3A_319 {
          %sub3A_326 = arith.constant 1 : i32
          %sub3A_327 = arith.subi %add3A_230, %sub3A_326 : i32
          %dma_wait3A_328 = arith.constant 0 : i32
          %dma_wait3A_329 = tpu.memref_slice %arg7[%sub3A_327, %dma_wait3A_328] : memref<80x128xi32, #tpu.memory_space<vmem>> -> memref<1x128xi32, #tpu.memory_space<vmem>>
          %dma_wait3A_330 = tpu.memref_squeeze %dma_wait3A_329 : memref<1x128xi32, #tpu.memory_space<vmem>> -> memref<128xi32, #tpu.memory_space<vmem>>
          %dma_wait3A_331 = arith.constant 0 : i32
          %dma_wait3A_332 = arith.constant 0 : i32
          %dma_wait3A_333 = tpu.memref_slice %arg20[%dma_wait3A_331, %dma_wait3A_332] : memref<10112x32xf32, #tpu.memory_space<vmem_shared>> -> memref<10112x32xf32, #tpu.memory_space<vmem_shared>>
          tpu.wait_indirect_dma semaphore(%arg19 : memref<!tpu.dma_semaphore, #tpu.memory_space<semaphore_mem>>) src(%arg11 : memref<128x32xf32, #tpu.memory_space<vmem>>) dst(%dma_wait3A_333 : memref<10112x32xf32, #tpu.memory_space<vmem_shared>>)
        } else {
        }
        %dma_start3A_320 = arith.constant 0 : i32
        %dma_start3A_321 = tpu.memref_slice %arg6[%sub3A_246, %dma_start3A_320] : memref<80x128xi32, #tpu.memory_space<vmem>> -> memref<1x128xi32, #tpu.memory_space<vmem>>
        %dma_start3A_322 = tpu.memref_squeeze %dma_start3A_321 : memref<1x128xi32, #tpu.memory_space<vmem>> -> memref<128xi32, #tpu.memory_space<vmem>>
        %dma_start3A_323 = arith.constant 0 : i32
        %dma_start3A_324 = arith.constant 0 : i32
        %dma_start3A_325 = tpu.memref_slice %arg21[%dma_start3A_323, %dma_start3A_324] : memref<10000x32xf32, #tpu.memory_space<vmem_shared>> -> memref<10000x32xf32, #tpu.memory_space<vmem_shared>>
        tpu.enqueue_indirect_dma source(%dma_start3A_325 : memref<10000x32xf32, #tpu.memory_space<vmem_shared>>) target(%arg11 : memref<128x32xf32, #tpu.memory_space<vmem>>) offsets(%dma_start3A_322 : memref<128xi32, #tpu.memory_space<vmem>>) semaphore(%arg15 : memref<!tpu.dma_semaphore, #tpu.memory_space<semaphore_mem>>)
      } else {
      }
      %add3A_250 = arith.constant 1 : i32
      %add3A_251 = arith.addi %mul3A_228, %add3A_250 : i32
      %dma_wait3A_252 = arith.constant 0 : i32
      %dma_wait3A_253 = tpu.memref_slice %arg6[%add3A_251, %dma_wait3A_252] : memref<80x128xi32, #tpu.memory_space<vmem>> -> memref<1x128xi32, #tpu.memory_space<vmem>>
      %dma_wait3A_254 = tpu.memref_squeeze %dma_wait3A_253 : memref<1x128xi32, #tpu.memory_space<vmem>> -> memref<128xi32, #tpu.memory_space<vmem>>
      %dma_wait3A_255 = arith.constant 0 : i32
      %dma_wait3A_256 = arith.constant 0 : i32
      %dma_wait3A_257 = tpu.memref_slice %arg21[%dma_wait3A_255, %dma_wait3A_256] : memref<10000x32xf32, #tpu.memory_space<vmem_shared>> -> memref<10000x32xf32, #tpu.memory_space<vmem_shared>>
      tpu.wait_indirect_dma semaphore(%arg13 : memref<!tpu.dma_semaphore, #tpu.memory_space<semaphore_mem>>) src(%dma_wait3A_257 : memref<10000x32xf32, #tpu.memory_space<vmem_shared>>) dst(%arg9 : memref<128x32xf32, #tpu.memory_space<vmem>>)
      %dma_start3A_258 = arith.constant 0 : i32
      %dma_start3A_259 = tpu.memref_slice %arg7[%add3A_251, %dma_start3A_258] : memref<80x128xi32, #tpu.memory_space<vmem>> -> memref<1x128xi32, #tpu.memory_space<vmem>>
      %dma_start3A_260 = tpu.memref_squeeze %dma_start3A_259 : memref<1x128xi32, #tpu.memory_space<vmem>> -> memref<128xi32, #tpu.memory_space<vmem>>
      %dma_start3A_261 = arith.constant 0 : i32
      %dma_start3A_262 = arith.constant 0 : i32
      %dma_start3A_263 = tpu.memref_slice %arg20[%dma_start3A_261, %dma_start3A_262] : memref<10112x32xf32, #tpu.memory_space<vmem_shared>> -> memref<10112x32xf32, #tpu.memory_space<vmem_shared>>
      tpu.enqueue_indirect_dma source(%arg9 : memref<128x32xf32, #tpu.memory_space<vmem>>) target(%dma_start3A_263 : memref<10112x32xf32, #tpu.memory_space<vmem_shared>>) offsets(%dma_start3A_260 : memref<128xi32, #tpu.memory_space<vmem>>) semaphore(%arg17 : memref<!tpu.dma_semaphore, #tpu.memory_space<semaphore_mem>>) {add = true}
      %add3A_264 = arith.constant 4 : i32
      %add3A_265 = arith.addi %add3A_251, %add3A_264 : i32
      %sub3A_266 = arith.constant 1 : i32
      %sub3A_267 = arith.subi %add3A_265, %sub3A_266 : i32
      %lt3A_268 = arith.cmpi slt, %sub3A_267, %select_n3A_8 : i32
      %convert_element_type3A_269 = arith.extui %lt3A_268 : i1 to i32
      %cond3A_270 = arith.constant 0 : i32
      %cond3A_271 = arith.cmpi ne, %convert_element_type3A_269, %cond3A_270 : i32
      scf.if %cond3A_271 {
        %ge3A = arith.constant 1 : i32
        %ge3A_316 = arith.cmpi sge, %add3A_251, %ge3A : i32
        %convert_element_type3A_317 = arith.extui %ge3A_316 : i1 to i32
        %cond3A_318 = arith.constant 0 : i32
        %cond3A_319 = arith.cmpi ne, %convert_element_type3A_317, %cond3A_318 : i32
        scf.if %cond3A_319 {
          %sub3A_326 = arith.constant 1 : i32
          %sub3A_327 = arith.subi %add3A_251, %sub3A_326 : i32
          %dma_wait3A_328 = arith.constant 0 : i32
          %dma_wait3A_329 = tpu.memref_slice %arg7[%sub3A_327, %dma_wait3A_328] : memref<80x128xi32, #tpu.memory_space<vmem>> -> memref<1x128xi32, #tpu.memory_space<vmem>>
          %dma_wait3A_330 = tpu.memref_squeeze %dma_wait3A_329 : memref<1x128xi32, #tpu.memory_space<vmem>> -> memref<128xi32, #tpu.memory_space<vmem>>
          %dma_wait3A_331 = arith.constant 0 : i32
          %dma_wait3A_332 = arith.constant 0 : i32
          %dma_wait3A_333 = tpu.memref_slice %arg20[%dma_wait3A_331, %dma_wait3A_332] : memref<10112x32xf32, #tpu.memory_space<vmem_shared>> -> memref<10112x32xf32, #tpu.memory_space<vmem_shared>>
          tpu.wait_indirect_dma semaphore(%arg16 : memref<!tpu.dma_semaphore, #tpu.memory_space<semaphore_mem>>) src(%arg8 : memref<128x32xf32, #tpu.memory_space<vmem>>) dst(%dma_wait3A_333 : memref<10112x32xf32, #tpu.memory_space<vmem_shared>>)
        } else {
        }
        %dma_start3A_320 = arith.constant 0 : i32
        %dma_start3A_321 = tpu.memref_slice %arg6[%sub3A_267, %dma_start3A_320] : memref<80x128xi32, #tpu.memory_space<vmem>> -> memref<1x128xi32, #tpu.memory_space<vmem>>
        %dma_start3A_322 = tpu.memref_squeeze %dma_start3A_321 : memref<1x128xi32, #tpu.memory_space<vmem>> -> memref<128xi32, #tpu.memory_space<vmem>>
        %dma_start3A_323 = arith.constant 0 : i32
        %dma_start3A_324 = arith.constant 0 : i32
        %dma_start3A_325 = tpu.memref_slice %arg21[%dma_start3A_323, %dma_start3A_324] : memref<10000x32xf32, #tpu.memory_space<vmem_shared>> -> memref<10000x32xf32, #tpu.memory_space<vmem_shared>>
        tpu.enqueue_indirect_dma source(%dma_start3A_325 : memref<10000x32xf32, #tpu.memory_space<vmem_shared>>) target(%arg8 : memref<128x32xf32, #tpu.memory_space<vmem>>) offsets(%dma_start3A_322 : memref<128xi32, #tpu.memory_space<vmem>>) semaphore(%arg12 : memref<!tpu.dma_semaphore, #tpu.memory_space<semaphore_mem>>)
      } else {
      }
      %add3A_272 = arith.constant 2 : i32
      %add3A_273 = arith.addi %mul3A_228, %add3A_272 : i32
      %dma_wait3A_274 = arith.constant 0 : i32
      %dma_wait3A_275 = tpu.memref_slice %arg6[%add3A_273, %dma_wait3A_274] : memref<80x128xi32, #tpu.memory_space<vmem>> -> memref<1x128xi32, #tpu.memory_space<vmem>>
      %dma_wait3A_276 = tpu.memref_squeeze %dma_wait3A_275 : memref<1x128xi32, #tpu.memory_space<vmem>> -> memref<128xi32, #tpu.memory_space<vmem>>
      %dma_wait3A_277 = arith.constant 0 : i32
      %dma_wait3A_278 = arith.constant 0 : i32
      %dma_wait3A_279 = tpu.memref_slice %arg21[%dma_wait3A_277, %dma_wait3A_278] : memref<10000x32xf32, #tpu.memory_space<vmem_shared>> -> memref<10000x32xf32, #tpu.memory_space<vmem_shared>>
      tpu.wait_indirect_dma semaphore(%arg14 : memref<!tpu.dma_semaphore, #tpu.memory_space<semaphore_mem>>) src(%dma_wait3A_279 : memref<10000x32xf32, #tpu.memory_space<vmem_shared>>) dst(%arg10 : memref<128x32xf32, #tpu.memory_space<vmem>>)
      %dma_start3A_280 = arith.constant 0 : i32
      %dma_start3A_281 = tpu.memref_slice %arg7[%add3A_273, %dma_start3A_280] : memref<80x128xi32, #tpu.memory_space<vmem>> -> memref<1x128xi32, #tpu.memory_space<vmem>>
      %dma_start3A_282 = tpu.memref_squeeze %dma_start3A_281 : memref<1x128xi32, #tpu.memory_space<vmem>> -> memref<128xi32, #tpu.memory_space<vmem>>
      %dma_start3A_283 = arith.constant 0 : i32
      %dma_start3A_284 = arith.constant 0 : i32
      %dma_start3A_285 = tpu.memref_slice %arg20[%dma_start3A_283, %dma_start3A_284] : memref<10112x32xf32, #tpu.memory_space<vmem_shared>> -> memref<10112x32xf32, #tpu.memory_space<vmem_shared>>
      tpu.enqueue_indirect_dma source(%arg10 : memref<128x32xf32, #tpu.memory_space<vmem>>) target(%dma_start3A_285 : memref<10112x32xf32, #tpu.memory_space<vmem_shared>>) offsets(%dma_start3A_282 : memref<128xi32, #tpu.memory_space<vmem>>) semaphore(%arg18 : memref<!tpu.dma_semaphore, #tpu.memory_space<semaphore_mem>>) {add = true}
      %add3A_286 = arith.constant 4 : i32
      %add3A_287 = arith.addi %add3A_273, %add3A_286 : i32
      %sub3A_288 = arith.constant 1 : i32
      %sub3A_289 = arith.subi %add3A_287, %sub3A_288 : i32
      %lt3A_290 = arith.cmpi slt, %sub3A_289, %select_n3A_8 : i32
      %convert_element_type3A_291 = arith.extui %lt3A_290 : i1 to i32
      %cond3A_292 = arith.constant 0 : i32
      %cond3A_293 = arith.cmpi ne, %convert_element_type3A_291, %cond3A_292 : i32
      scf.if %cond3A_293 {
        %ge3A = arith.constant 1 : i32
        %ge3A_316 = arith.cmpi sge, %add3A_273, %ge3A : i32
        %convert_element_type3A_317 = arith.extui %ge3A_316 : i1 to i32
        %cond3A_318 = arith.constant 0 : i32
        %cond3A_319 = arith.cmpi ne, %convert_element_type3A_317, %cond3A_318 : i32
        scf.if %cond3A_319 {
          %sub3A_326 = arith.constant 1 : i32
          %sub3A_327 = arith.subi %add3A_273, %sub3A_326 : i32
          %dma_wait3A_328 = arith.constant 0 : i32
          %dma_wait3A_329 = tpu.memref_slice %arg7[%sub3A_327, %dma_wait3A_328] : memref<80x128xi32, #tpu.memory_space<vmem>> -> memref<1x128xi32, #tpu.memory_space<vmem>>
          %dma_wait3A_330 = tpu.memref_squeeze %dma_wait3A_329 : memref<1x128xi32, #tpu.memory_space<vmem>> -> memref<128xi32, #tpu.memory_space<vmem>>
          %dma_wait3A_331 = arith.constant 0 : i32
          %dma_wait3A_332 = arith.constant 0 : i32
          %dma_wait3A_333 = tpu.memref_slice %arg20[%dma_wait3A_331, %dma_wait3A_332] : memref<10112x32xf32, #tpu.memory_space<vmem_shared>> -> memref<10112x32xf32, #tpu.memory_space<vmem_shared>>
          tpu.wait_indirect_dma semaphore(%arg17 : memref<!tpu.dma_semaphore, #tpu.memory_space<semaphore_mem>>) src(%arg9 : memref<128x32xf32, #tpu.memory_space<vmem>>) dst(%dma_wait3A_333 : memref<10112x32xf32, #tpu.memory_space<vmem_shared>>)
        } else {
        }
        %dma_start3A_320 = arith.constant 0 : i32
        %dma_start3A_321 = tpu.memref_slice %arg6[%sub3A_289, %dma_start3A_320] : memref<80x128xi32, #tpu.memory_space<vmem>> -> memref<1x128xi32, #tpu.memory_space<vmem>>
        %dma_start3A_322 = tpu.memref_squeeze %dma_start3A_321 : memref<1x128xi32, #tpu.memory_space<vmem>> -> memref<128xi32, #tpu.memory_space<vmem>>
        %dma_start3A_323 = arith.constant 0 : i32
        %dma_start3A_324 = arith.constant 0 : i32
        %dma_start3A_325 = tpu.memref_slice %arg21[%dma_start3A_323, %dma_start3A_324] : memref<10000x32xf32, #tpu.memory_space<vmem_shared>> -> memref<10000x32xf32, #tpu.memory_space<vmem_shared>>
        tpu.enqueue_indirect_dma source(%dma_start3A_325 : memref<10000x32xf32, #tpu.memory_space<vmem_shared>>) target(%arg9 : memref<128x32xf32, #tpu.memory_space<vmem>>) offsets(%dma_start3A_322 : memref<128xi32, #tpu.memory_space<vmem>>) semaphore(%arg13 : memref<!tpu.dma_semaphore, #tpu.memory_space<semaphore_mem>>)
      } else {
      }
      %add3A_294 = arith.constant 3 : i32
      %add3A_295 = arith.addi %mul3A_228, %add3A_294 : i32
      %dma_wait3A_296 = arith.constant 0 : i32
      %dma_wait3A_297 = tpu.memref_slice %arg6[%add3A_295, %dma_wait3A_296] : memref<80x128xi32, #tpu.memory_space<vmem>> -> memref<1x128xi32, #tpu.memory_space<vmem>>
      %dma_wait3A_298 = tpu.memref_squeeze %dma_wait3A_297 : memref<1x128xi32, #tpu.memory_space<vmem>> -> memref<128xi32, #tpu.memory_space<vmem>>
      %dma_wait3A_299 = arith.constant 0 : i32
      %dma_wait3A_300 = arith.constant 0 : i32
      %dma_wait3A_301 = tpu.memref_slice %arg21[%dma_wait3A_299, %dma_wait3A_300] : memref<10000x32xf32, #tpu.memory_space<vmem_shared>> -> memref<10000x32xf32, #tpu.memory_space<vmem_shared>>
      tpu.wait_indirect_dma semaphore(%arg15 : memref<!tpu.dma_semaphore, #tpu.memory_space<semaphore_mem>>) src(%dma_wait3A_301 : memref<10000x32xf32, #tpu.memory_space<vmem_shared>>) dst(%arg11 : memref<128x32xf32, #tpu.memory_space<vmem>>)
      %dma_start3A_302 = arith.constant 0 : i32
      %dma_start3A_303 = tpu.memref_slice %arg7[%add3A_295, %dma_start3A_302] : memref<80x128xi32, #tpu.memory_space<vmem>> -> memref<1x128xi32, #tpu.memory_space<vmem>>
      %dma_start3A_304 = tpu.memref_squeeze %dma_start3A_303 : memref<1x128xi32, #tpu.memory_space<vmem>> -> memref<128xi32, #tpu.memory_space<vmem>>
      %dma_start3A_305 = arith.constant 0 : i32
      %dma_start3A_306 = arith.constant 0 : i32
      %dma_start3A_307 = tpu.memref_slice %arg20[%dma_start3A_305, %dma_start3A_306] : memref<10112x32xf32, #tpu.memory_space<vmem_shared>> -> memref<10112x32xf32, #tpu.memory_space<vmem_shared>>
      tpu.enqueue_indirect_dma source(%arg11 : memref<128x32xf32, #tpu.memory_space<vmem>>) target(%dma_start3A_307 : memref<10112x32xf32, #tpu.memory_space<vmem_shared>>) offsets(%dma_start3A_304 : memref<128xi32, #tpu.memory_space<vmem>>) semaphore(%arg19 : memref<!tpu.dma_semaphore, #tpu.memory_space<semaphore_mem>>) {add = true}
      %add3A_308 = arith.constant 4 : i32
      %add3A_309 = arith.addi %add3A_295, %add3A_308 : i32
      %sub3A_310 = arith.constant 1 : i32
      %sub3A_311 = arith.subi %add3A_309, %sub3A_310 : i32
      %lt3A_312 = arith.cmpi slt, %sub3A_311, %select_n3A_8 : i32
      %convert_element_type3A_313 = arith.extui %lt3A_312 : i1 to i32
      %cond3A_314 = arith.constant 0 : i32
      %cond3A_315 = arith.cmpi ne, %convert_element_type3A_313, %cond3A_314 : i32
      scf.if %cond3A_315 {
        %ge3A = arith.constant 1 : i32
        %ge3A_316 = arith.cmpi sge, %add3A_295, %ge3A : i32
        %convert_element_type3A_317 = arith.extui %ge3A_316 : i1 to i32
        %cond3A_318 = arith.constant 0 : i32
        %cond3A_319 = arith.cmpi ne, %convert_element_type3A_317, %cond3A_318 : i32
        scf.if %cond3A_319 {
          %sub3A_326 = arith.constant 1 : i32
          %sub3A_327 = arith.subi %add3A_295, %sub3A_326 : i32
          %dma_wait3A_328 = arith.constant 0 : i32
          %dma_wait3A_329 = tpu.memref_slice %arg7[%sub3A_327, %dma_wait3A_328] : memref<80x128xi32, #tpu.memory_space<vmem>> -> memref<1x128xi32, #tpu.memory_space<vmem>>
          %dma_wait3A_330 = tpu.memref_squeeze %dma_wait3A_329 : memref<1x128xi32, #tpu.memory_space<vmem>> -> memref<128xi32, #tpu.memory_space<vmem>>
          %dma_wait3A_331 = arith.constant 0 : i32
          %dma_wait3A_332 = arith.constant 0 : i32
          %dma_wait3A_333 = tpu.memref_slice %arg20[%dma_wait3A_331, %dma_wait3A_332] : memref<10112x32xf32, #tpu.memory_space<vmem_shared>> -> memref<10112x32xf32, #tpu.memory_space<vmem_shared>>
          tpu.wait_indirect_dma semaphore(%arg18 : memref<!tpu.dma_semaphore, #tpu.memory_space<semaphore_mem>>) src(%arg10 : memref<128x32xf32, #tpu.memory_space<vmem>>) dst(%dma_wait3A_333 : memref<10112x32xf32, #tpu.memory_space<vmem_shared>>)
        } else {
        }
        %dma_start3A_320 = arith.constant 0 : i32
        %dma_start3A_321 = tpu.memref_slice %arg6[%sub3A_311, %dma_start3A_320] : memref<80x128xi32, #tpu.memory_space<vmem>> -> memref<1x128xi32, #tpu.memory_space<vmem>>
        %dma_start3A_322 = tpu.memref_squeeze %dma_start3A_321 : memref<1x128xi32, #tpu.memory_space<vmem>> -> memref<128xi32, #tpu.memory_space<vmem>>
        %dma_start3A_323 = arith.constant 0 : i32
        %dma_start3A_324 = arith.constant 0 : i32
        %dma_start3A_325 = tpu.memref_slice %arg21[%dma_start3A_323, %dma_start3A_324] : memref<10000x32xf32, #tpu.memory_space<vmem_shared>> -> memref<10000x32xf32, #tpu.memory_space<vmem_shared>>
        tpu.enqueue_indirect_dma source(%dma_start3A_325 : memref<10000x32xf32, #tpu.memory_space<vmem_shared>>) target(%arg10 : memref<128x32xf32, #tpu.memory_space<vmem>>) offsets(%dma_start3A_322 : memref<128xi32, #tpu.memory_space<vmem>>) semaphore(%arg14 : memref<!tpu.dma_semaphore, #tpu.memory_space<semaphore_mem>>)
      } else {
      }
    }
    %while3A_177 = arith.constant 1 : i32
    scf.for %while3A_226 = %while3A_175 to %while3A_171 step %while3A_177  : i32 {
      %mul3A_227 = arith.constant 4 : i32
      %mul3A_228 = arith.muli %while3A_226, %mul3A_227 : i32
      %add3A_229 = arith.constant 0 : i32
      %add3A_230 = arith.addi %mul3A_228, %add3A_229 : i32
      %dma_wait3A_231 = arith.constant 0 : i32
      %dma_wait3A_232 = tpu.memref_slice %arg6[%add3A_230, %dma_wait3A_231] : memref<80x128xi32, #tpu.memory_space<vmem>> -> memref<1x128xi32, #tpu.memory_space<vmem>>
      %dma_wait3A_233 = tpu.memref_squeeze %dma_wait3A_232 : memref<1x128xi32, #tpu.memory_space<vmem>> -> memref<128xi32, #tpu.memory_space<vmem>>
      %dma_wait3A_234 = arith.constant 0 : i32
      %dma_wait3A_235 = arith.constant 0 : i32
      %dma_wait3A_236 = tpu.memref_slice %arg21[%dma_wait3A_234, %dma_wait3A_235] : memref<10000x32xf32, #tpu.memory_space<vmem_shared>> -> memref<10000x32xf32, #tpu.memory_space<vmem_shared>>
      tpu.wait_indirect_dma semaphore(%arg12 : memref<!tpu.dma_semaphore, #tpu.memory_space<semaphore_mem>>) src(%dma_wait3A_236 : memref<10000x32xf32, #tpu.memory_space<vmem_shared>>) dst(%arg8 : memref<128x32xf32, #tpu.memory_space<vmem>>)
      %dma_start3A_237 = arith.constant 0 : i32
      %dma_start3A_238 = tpu.memref_slice %arg7[%add3A_230, %dma_start3A_237] : memref<80x128xi32, #tpu.memory_space<vmem>> -> memref<1x128xi32, #tpu.memory_space<vmem>>
      %dma_start3A_239 = tpu.memref_squeeze %dma_start3A_238 : memref<1x128xi32, #tpu.memory_space<vmem>> -> memref<128xi32, #tpu.memory_space<vmem>>
      %dma_start3A_240 = arith.constant 0 : i32
      %dma_start3A_241 = arith.constant 0 : i32
      %dma_start3A_242 = tpu.memref_slice %arg20[%dma_start3A_240, %dma_start3A_241] : memref<10112x32xf32, #tpu.memory_space<vmem_shared>> -> memref<10112x32xf32, #tpu.memory_space<vmem_shared>>
      tpu.enqueue_indirect_dma source(%arg8 : memref<128x32xf32, #tpu.memory_space<vmem>>) target(%dma_start3A_242 : memref<10112x32xf32, #tpu.memory_space<vmem_shared>>) offsets(%dma_start3A_239 : memref<128xi32, #tpu.memory_space<vmem>>) semaphore(%arg16 : memref<!tpu.dma_semaphore, #tpu.memory_space<semaphore_mem>>) {add = true}
      %add3A_243 = arith.constant 4 : i32
      %add3A_244 = arith.addi %add3A_230, %add3A_243 : i32
      %sub3A_245 = arith.constant 1 : i32
      %sub3A_246 = arith.subi %add3A_244, %sub3A_245 : i32
      %lt3A = arith.cmpi slt, %sub3A_246, %select_n3A_8 : i32
      %convert_element_type3A_247 = arith.extui %lt3A : i1 to i32
      %cond3A_248 = arith.constant 0 : i32
      %cond3A_249 = arith.cmpi ne, %convert_element_type3A_247, %cond3A_248 : i32
      scf.if %cond3A_249 {
        %ge3A = arith.constant 1 : i32
        %ge3A_316 = arith.cmpi sge, %add3A_230, %ge3A : i32
        %convert_element_type3A_317 = arith.extui %ge3A_316 : i1 to i32
        %cond3A_318 = arith.constant 0 : i32
        %cond3A_319 = arith.cmpi ne, %convert_element_type3A_317, %cond3A_318 : i32
        scf.if %cond3A_319 {
          %sub3A_326 = arith.constant 1 : i32
          %sub3A_327 = arith.subi %add3A_230, %sub3A_326 : i32
          %dma_wait3A_328 = arith.constant 0 : i32
          %dma_wait3A_329 = tpu.memref_slice %arg7[%sub3A_327, %dma_wait3A_328] : memref<80x128xi32, #tpu.memory_space<vmem>> -> memref<1x128xi32, #tpu.memory_space<vmem>>
          %dma_wait3A_330 = tpu.memref_squeeze %dma_wait3A_329 : memref<1x128xi32, #tpu.memory_space<vmem>> -> memref<128xi32, #tpu.memory_space<vmem>>
          %dma_wait3A_331 = arith.constant 0 : i32
          %dma_wait3A_332 = arith.constant 0 : i32
          %dma_wait3A_333 = tpu.memref_slice %arg20[%dma_wait3A_331, %dma_wait3A_332] : memref<10112x32xf32, #tpu.memory_space<vmem_shared>> -> memref<10112x32xf32, #tpu.memory_space<vmem_shared>>
          tpu.wait_indirect_dma semaphore(%arg19 : memref<!tpu.dma_semaphore, #tpu.memory_space<semaphore_mem>>) src(%arg11 : memref<128x32xf32, #tpu.memory_space<vmem>>) dst(%dma_wait3A_333 : memref<10112x32xf32, #tpu.memory_space<vmem_shared>>)
        } else {
        }
        %dma_start3A_320 = arith.constant 0 : i32
        %dma_start3A_321 = tpu.memref_slice %arg6[%sub3A_246, %dma_start3A_320] : memref<80x128xi32, #tpu.memory_space<vmem>> -> memref<1x128xi32, #tpu.memory_space<vmem>>
        %dma_start3A_322 = tpu.memref_squeeze %dma_start3A_321 : memref<1x128xi32, #tpu.memory_space<vmem>> -> memref<128xi32, #tpu.memory_space<vmem>>
        %dma_start3A_323 = arith.constant 0 : i32
        %dma_start3A_324 = arith.constant 0 : i32
        %dma_start3A_325 = tpu.memref_slice %arg21[%dma_start3A_323, %dma_start3A_324] : memref<10000x32xf32, #tpu.memory_space<vmem_shared>> -> memref<10000x32xf32, #tpu.memory_space<vmem_shared>>
        tpu.enqueue_indirect_dma source(%dma_start3A_325 : memref<10000x32xf32, #tpu.memory_space<vmem_shared>>) target(%arg11 : memref<128x32xf32, #tpu.memory_space<vmem>>) offsets(%dma_start3A_322 : memref<128xi32, #tpu.memory_space<vmem>>) semaphore(%arg15 : memref<!tpu.dma_semaphore, #tpu.memory_space<semaphore_mem>>)
      } else {
      }
      %add3A_250 = arith.constant 1 : i32
      %add3A_251 = arith.addi %mul3A_228, %add3A_250 : i32
      %dma_wait3A_252 = arith.constant 0 : i32
      %dma_wait3A_253 = tpu.memref_slice %arg6[%add3A_251, %dma_wait3A_252] : memref<80x128xi32, #tpu.memory_space<vmem>> -> memref<1x128xi32, #tpu.memory_space<vmem>>
      %dma_wait3A_254 = tpu.memref_squeeze %dma_wait3A_253 : memref<1x128xi32, #tpu.memory_space<vmem>> -> memref<128xi32, #tpu.memory_space<vmem>>
      %dma_wait3A_255 = arith.constant 0 : i32
      %dma_wait3A_256 = arith.constant 0 : i32
      %dma_wait3A_257 = tpu.memref_slice %arg21[%dma_wait3A_255, %dma_wait3A_256] : memref<10000x32xf32, #tpu.memory_space<vmem_shared>> -> memref<10000x32xf32, #tpu.memory_space<vmem_shared>>
      tpu.wait_indirect_dma semaphore(%arg13 : memref<!tpu.dma_semaphore, #tpu.memory_space<semaphore_mem>>) src(%dma_wait3A_257 : memref<10000x32xf32, #tpu.memory_space<vmem_shared>>) dst(%arg9 : memref<128x32xf32, #tpu.memory_space<vmem>>)
      %dma_start3A_258 = arith.constant 0 : i32
      %dma_start3A_259 = tpu.memref_slice %arg7[%add3A_251, %dma_start3A_258] : memref<80x128xi32, #tpu.memory_space<vmem>> -> memref<1x128xi32, #tpu.memory_space<vmem>>
      %dma_start3A_260 = tpu.memref_squeeze %dma_start3A_259 : memref<1x128xi32, #tpu.memory_space<vmem>> -> memref<128xi32, #tpu.memory_space<vmem>>
      %dma_start3A_261 = arith.constant 0 : i32
      %dma_start3A_262 = arith.constant 0 : i32
      %dma_start3A_263 = tpu.memref_slice %arg20[%dma_start3A_261, %dma_start3A_262] : memref<10112x32xf32, #tpu.memory_space<vmem_shared>> -> memref<10112x32xf32, #tpu.memory_space<vmem_shared>>
      tpu.enqueue_indirect_dma source(%arg9 : memref<128x32xf32, #tpu.memory_space<vmem>>) target(%dma_start3A_263 : memref<10112x32xf32, #tpu.memory_space<vmem_shared>>) offsets(%dma_start3A_260 : memref<128xi32, #tpu.memory_space<vmem>>) semaphore(%arg17 : memref<!tpu.dma_semaphore, #tpu.memory_space<semaphore_mem>>) {add = true}
      %add3A_264 = arith.constant 4 : i32
      %add3A_265 = arith.addi %add3A_251, %add3A_264 : i32
      %sub3A_266 = arith.constant 1 : i32
      %sub3A_267 = arith.subi %add3A_265, %sub3A_266 : i32
      %lt3A_268 = arith.cmpi slt, %sub3A_267, %select_n3A_8 : i32
      %convert_element_type3A_269 = arith.extui %lt3A_268 : i1 to i32
      %cond3A_270 = arith.constant 0 : i32
      %cond3A_271 = arith.cmpi ne, %convert_element_type3A_269, %cond3A_270 : i32
      scf.if %cond3A_271 {
        %ge3A = arith.constant 1 : i32
        %ge3A_316 = arith.cmpi sge, %add3A_251, %ge3A : i32
        %convert_element_type3A_317 = arith.extui %ge3A_316 : i1 to i32
        %cond3A_318 = arith.constant 0 : i32
        %cond3A_319 = arith.cmpi ne, %convert_element_type3A_317, %cond3A_318 : i32
        scf.if %cond3A_319 {
          %sub3A_326 = arith.constant 1 : i32
          %sub3A_327 = arith.subi %add3A_251, %sub3A_326 : i32
          %dma_wait3A_328 = arith.constant 0 : i32
          %dma_wait3A_329 = tpu.memref_slice %arg7[%sub3A_327, %dma_wait3A_328] : memref<80x128xi32, #tpu.memory_space<vmem>> -> memref<1x128xi32, #tpu.memory_space<vmem>>
          %dma_wait3A_330 = tpu.memref_squeeze %dma_wait3A_329 : memref<1x128xi32, #tpu.memory_space<vmem>> -> memref<128xi32, #tpu.memory_space<vmem>>
          %dma_wait3A_331 = arith.constant 0 : i32
          %dma_wait3A_332 = arith.constant 0 : i32
          %dma_wait3A_333 = tpu.memref_slice %arg20[%dma_wait3A_331, %dma_wait3A_332] : memref<10112x32xf32, #tpu.memory_space<vmem_shared>> -> memref<10112x32xf32, #tpu.memory_space<vmem_shared>>
          tpu.wait_indirect_dma semaphore(%arg16 : memref<!tpu.dma_semaphore, #tpu.memory_space<semaphore_mem>>) src(%arg8 : memref<128x32xf32, #tpu.memory_space<vmem>>) dst(%dma_wait3A_333 : memref<10112x32xf32, #tpu.memory_space<vmem_shared>>)
        } else {
        }
        %dma_start3A_320 = arith.constant 0 : i32
        %dma_start3A_321 = tpu.memref_slice %arg6[%sub3A_267, %dma_start3A_320] : memref<80x128xi32, #tpu.memory_space<vmem>> -> memref<1x128xi32, #tpu.memory_space<vmem>>
        %dma_start3A_322 = tpu.memref_squeeze %dma_start3A_321 : memref<1x128xi32, #tpu.memory_space<vmem>> -> memref<128xi32, #tpu.memory_space<vmem>>
        %dma_start3A_323 = arith.constant 0 : i32
        %dma_start3A_324 = arith.constant 0 : i32
        %dma_start3A_325 = tpu.memref_slice %arg21[%dma_start3A_323, %dma_start3A_324] : memref<10000x32xf32, #tpu.memory_space<vmem_shared>> -> memref<10000x32xf32, #tpu.memory_space<vmem_shared>>
        tpu.enqueue_indirect_dma source(%dma_start3A_325 : memref<10000x32xf32, #tpu.memory_space<vmem_shared>>) target(%arg8 : memref<128x32xf32, #tpu.memory_space<vmem>>) offsets(%dma_start3A_322 : memref<128xi32, #tpu.memory_space<vmem>>) semaphore(%arg12 : memref<!tpu.dma_semaphore, #tpu.memory_space<semaphore_mem>>)
      } else {
      }
      %add3A_272 = arith.constant 2 : i32
      %add3A_273 = arith.addi %mul3A_228, %add3A_272 : i32
      %dma_wait3A_274 = arith.constant 0 : i32
      %dma_wait3A_275 = tpu.memref_slice %arg6[%add3A_273, %dma_wait3A_274] : memref<80x128xi32, #tpu.memory_space<vmem>> -> memref<1x128xi32, #tpu.memory_space<vmem>>
      %dma_wait3A_276 = tpu.memref_squeeze %dma_wait3A_275 : memref<1x128xi32, #tpu.memory_space<vmem>> -> memref<128xi32, #tpu.memory_space<vmem>>
      %dma_wait3A_277 = arith.constant 0 : i32
      %dma_wait3A_278 = arith.constant 0 : i32
      %dma_wait3A_279 = tpu.memref_slice %arg21[%dma_wait3A_277, %dma_wait3A_278] : memref<10000x32xf32, #tpu.memory_space<vmem_shared>> -> memref<10000x32xf32, #tpu.memory_space<vmem_shared>>
      tpu.wait_indirect_dma semaphore(%arg14 : memref<!tpu.dma_semaphore, #tpu.memory_space<semaphore_mem>>) src(%dma_wait3A_279 : memref<10000x32xf32, #tpu.memory_space<vmem_shared>>) dst(%arg10 : memref<128x32xf32, #tpu.memory_space<vmem>>)
      %dma_start3A_280 = arith.constant 0 : i32
      %dma_start3A_281 = tpu.memref_slice %arg7[%add3A_273, %dma_start3A_280] : memref<80x128xi32, #tpu.memory_space<vmem>> -> memref<1x128xi32, #tpu.memory_space<vmem>>
      %dma_start3A_282 = tpu.memref_squeeze %dma_start3A_281 : memref<1x128xi32, #tpu.memory_space<vmem>> -> memref<128xi32, #tpu.memory_space<vmem>>
      %dma_start3A_283 = arith.constant 0 : i32
      %dma_start3A_284 = arith.constant 0 : i32
      %dma_start3A_285 = tpu.memref_slice %arg20[%dma_start3A_283, %dma_start3A_284] : memref<10112x32xf32, #tpu.memory_space<vmem_shared>> -> memref<10112x32xf32, #tpu.memory_space<vmem_shared>>
      tpu.enqueue_indirect_dma source(%arg10 : memref<128x32xf32, #tpu.memory_space<vmem>>) target(%dma_start3A_285 : memref<10112x32xf32, #tpu.memory_space<vmem_shared>>) offsets(%dma_start3A_282 : memref<128xi32, #tpu.memory_space<vmem>>) semaphore(%arg18 : memref<!tpu.dma_semaphore, #tpu.memory_space<semaphore_mem>>) {add = true}
      %add3A_286 = arith.constant 4 : i32
      %add3A_287 = arith.addi %add3A_273, %add3A_286 : i32
      %sub3A_288 = arith.constant 1 : i32
      %sub3A_289 = arith.subi %add3A_287, %sub3A_288 : i32
      %lt3A_290 = arith.cmpi slt, %sub3A_289, %select_n3A_8 : i32
      %convert_element_type3A_291 = arith.extui %lt3A_290 : i1 to i32
      %cond3A_292 = arith.constant 0 : i32
      %cond3A_293 = arith.cmpi ne, %convert_element_type3A_291, %cond3A_292 : i32
      scf.if %cond3A_293 {
        %ge3A = arith.constant 1 : i32
        %ge3A_316 = arith.cmpi sge, %add3A_273, %ge3A : i32
        %convert_element_type3A_317 = arith.extui %ge3A_316 : i1 to i32
        %cond3A_318 = arith.constant 0 : i32
        %cond3A_319 = arith.cmpi ne, %convert_element_type3A_317, %cond3A_318 : i32
        scf.if %cond3A_319 {
          %sub3A_326 = arith.constant 1 : i32
          %sub3A_327 = arith.subi %add3A_273, %sub3A_326 : i32
          %dma_wait3A_328 = arith.constant 0 : i32
          %dma_wait3A_329 = tpu.memref_slice %arg7[%sub3A_327, %dma_wait3A_328] : memref<80x128xi32, #tpu.memory_space<vmem>> -> memref<1x128xi32, #tpu.memory_space<vmem>>
          %dma_wait3A_330 = tpu.memref_squeeze %dma_wait3A_329 : memref<1x128xi32, #tpu.memory_space<vmem>> -> memref<128xi32, #tpu.memory_space<vmem>>
          %dma_wait3A_331 = arith.constant 0 : i32
          %dma_wait3A_332 = arith.constant 0 : i32
          %dma_wait3A_333 = tpu.memref_slice %arg20[%dma_wait3A_331, %dma_wait3A_332] : memref<10112x32xf32, #tpu.memory_space<vmem_shared>> -> memref<10112x32xf32, #tpu.memory_space<vmem_shared>>
          tpu.wait_indirect_dma semaphore(%arg17 : memref<!tpu.dma_semaphore, #tpu.memory_space<semaphore_mem>>) src(%arg9 : memref<128x32xf32, #tpu.memory_space<vmem>>) dst(%dma_wait3A_333 : memref<10112x32xf32, #tpu.memory_space<vmem_shared>>)
        } else {
        }
        %dma_start3A_320 = arith.constant 0 : i32
        %dma_start3A_321 = tpu.memref_slice %arg6[%sub3A_289, %dma_start3A_320] : memref<80x128xi32, #tpu.memory_space<vmem>> -> memref<1x128xi32, #tpu.memory_space<vmem>>
        %dma_start3A_322 = tpu.memref_squeeze %dma_start3A_321 : memref<1x128xi32, #tpu.memory_space<vmem>> -> memref<128xi32, #tpu.memory_space<vmem>>
        %dma_start3A_323 = arith.constant 0 : i32
        %dma_start3A_324 = arith.constant 0 : i32
        %dma_start3A_325 = tpu.memref_slice %arg21[%dma_start3A_323, %dma_start3A_324] : memref<10000x32xf32, #tpu.memory_space<vmem_shared>> -> memref<10000x32xf32, #tpu.memory_space<vmem_shared>>
        tpu.enqueue_indirect_dma source(%dma_start3A_325 : memref<10000x32xf32, #tpu.memory_space<vmem_shared>>) target(%arg9 : memref<128x32xf32, #tpu.memory_space<vmem>>) offsets(%dma_start3A_322 : memref<128xi32, #tpu.memory_space<vmem>>) semaphore(%arg13 : memref<!tpu.dma_semaphore, #tpu.memory_space<semaphore_mem>>)
      } else {
      }
      %add3A_294 = arith.constant 3 : i32
      %add3A_295 = arith.addi %mul3A_228, %add3A_294 : i32
      %dma_wait3A_296 = arith.constant 0 : i32
      %dma_wait3A_297 = tpu.memref_slice %arg6[%add3A_295, %dma_wait3A_296] : memref<80x128xi32, #tpu.memory_space<vmem>> -> memref<1x128xi32, #tpu.memory_space<vmem>>
      %dma_wait3A_298 = tpu.memref_squeeze %dma_wait3A_297 : memref<1x128xi32, #tpu.memory_space<vmem>> -> memref<128xi32, #tpu.memory_space<vmem>>
      %dma_wait3A_299 = arith.constant 0 : i32
      %dma_wait3A_300 = arith.constant 0 : i32
      %dma_wait3A_301 = tpu.memref_slice %arg21[%dma_wait3A_299, %dma_wait3A_300] : memref<10000x32xf32, #tpu.memory_space<vmem_shared>> -> memref<10000x32xf32, #tpu.memory_space<vmem_shared>>
      tpu.wait_indirect_dma semaphore(%arg15 : memref<!tpu.dma_semaphore, #tpu.memory_space<semaphore_mem>>) src(%dma_wait3A_301 : memref<10000x32xf32, #tpu.memory_space<vmem_shared>>) dst(%arg11 : memref<128x32xf32, #tpu.memory_space<vmem>>)
      %dma_start3A_302 = arith.constant 0 : i32
      %dma_start3A_303 = tpu.memref_slice %arg7[%add3A_295, %dma_start3A_302] : memref<80x128xi32, #tpu.memory_space<vmem>> -> memref<1x128xi32, #tpu.memory_space<vmem>>
      %dma_start3A_304 = tpu.memref_squeeze %dma_start3A_303 : memref<1x128xi32, #tpu.memory_space<vmem>> -> memref<128xi32, #tpu.memory_space<vmem>>
      %dma_start3A_305 = arith.constant 0 : i32
      %dma_start3A_306 = arith.constant 0 : i32
      %dma_start3A_307 = tpu.memref_slice %arg20[%dma_start3A_305, %dma_start3A_306] : memref<10112x32xf32, #tpu.memory_space<vmem_shared>> -> memref<10112x32xf32, #tpu.memory_space<vmem_shared>>
      tpu.enqueue_indirect_dma source(%arg11 : memref<128x32xf32, #tpu.memory_space<vmem>>) target(%dma_start3A_307 : memref<10112x32xf32, #tpu.memory_space<vmem_shared>>) offsets(%dma_start3A_304 : memref<128xi32, #tpu.memory_space<vmem>>) semaphore(%arg19 : memref<!tpu.dma_semaphore, #tpu.memory_space<semaphore_mem>>) {add = true}
      %add3A_308 = arith.constant 4 : i32
      %add3A_309 = arith.addi %add3A_295, %add3A_308 : i32
      %sub3A_310 = arith.constant 1 : i32
      %sub3A_311 = arith.subi %add3A_309, %sub3A_310 : i32
      %lt3A_312 = arith.cmpi slt, %sub3A_311, %select_n3A_8 : i32
      %convert_element_type3A_313 = arith.extui %lt3A_312 : i1 to i32
      %cond3A_314 = arith.constant 0 : i32
      %cond3A_315 = arith.cmpi ne, %convert_element_type3A_313, %cond3A_314 : i32
      scf.if %cond3A_315 {
        %ge3A = arith.constant 1 : i32
        %ge3A_316 = arith.cmpi sge, %add3A_295, %ge3A : i32
        %convert_element_type3A_317 = arith.extui %ge3A_316 : i1 to i32
        %cond3A_318 = arith.constant 0 : i32
        %cond3A_319 = arith.cmpi ne, %convert_element_type3A_317, %cond3A_318 : i32
        scf.if %cond3A_319 {
          %sub3A_326 = arith.constant 1 : i32
          %sub3A_327 = arith.subi %add3A_295, %sub3A_326 : i32
          %dma_wait3A_328 = arith.constant 0 : i32
          %dma_wait3A_329 = tpu.memref_slice %arg7[%sub3A_327, %dma_wait3A_328] : memref<80x128xi32, #tpu.memory_space<vmem>> -> memref<1x128xi32, #tpu.memory_space<vmem>>
          %dma_wait3A_330 = tpu.memref_squeeze %dma_wait3A_329 : memref<1x128xi32, #tpu.memory_space<vmem>> -> memref<128xi32, #tpu.memory_space<vmem>>
          %dma_wait3A_331 = arith.constant 0 : i32
          %dma_wait3A_332 = arith.constant 0 : i32
          %dma_wait3A_333 = tpu.memref_slice %arg20[%dma_wait3A_331, %dma_wait3A_332] : memref<10112x32xf32, #tpu.memory_space<vmem_shared>> -> memref<10112x32xf32, #tpu.memory_space<vmem_shared>>
          tpu.wait_indirect_dma semaphore(%arg18 : memref<!tpu.dma_semaphore, #tpu.memory_space<semaphore_mem>>) src(%arg10 : memref<128x32xf32, #tpu.memory_space<vmem>>) dst(%dma_wait3A_333 : memref<10112x32xf32, #tpu.memory_space<vmem_shared>>)
        } else {
        }
        %dma_start3A_320 = arith.constant 0 : i32
        %dma_start3A_321 = tpu.memref_slice %arg6[%sub3A_311, %dma_start3A_320] : memref<80x128xi32, #tpu.memory_space<vmem>> -> memref<1x128xi32, #tpu.memory_space<vmem>>
        %dma_start3A_322 = tpu.memref_squeeze %dma_start3A_321 : memref<1x128xi32, #tpu.memory_space<vmem>> -> memref<128xi32, #tpu.memory_space<vmem>>
        %dma_start3A_323 = arith.constant 0 : i32
        %dma_start3A_324 = arith.constant 0 : i32
        %dma_start3A_325 = tpu.memref_slice %arg21[%dma_start3A_323, %dma_start3A_324] : memref<10000x32xf32, #tpu.memory_space<vmem_shared>> -> memref<10000x32xf32, #tpu.memory_space<vmem_shared>>
        tpu.enqueue_indirect_dma source(%dma_start3A_325 : memref<10000x32xf32, #tpu.memory_space<vmem_shared>>) target(%arg10 : memref<128x32xf32, #tpu.memory_space<vmem>>) offsets(%dma_start3A_322 : memref<128xi32, #tpu.memory_space<vmem>>) semaphore(%arg14 : memref<!tpu.dma_semaphore, #tpu.memory_space<semaphore_mem>>)
      } else {
      }
    }
    %sub3A_178 = arith.constant 4 : i32
    %sub3A_179 = arith.subi %select_n3A_8, %sub3A_178 : i32
    %add3A_180 = arith.constant 0 : i32
    %add3A_181 = arith.addi %sub3A_179, %add3A_180 : i32
    %dma_wait3A_182 = arith.constant 0 : i32
    %dma_wait3A_183 = tpu.memref_slice %arg7[%add3A_181, %dma_wait3A_182] : memref<80x128xi32, #tpu.memory_space<vmem>> -> memref<1x128xi32, #tpu.memory_space<vmem>>
    %dma_wait3A_184 = tpu.memref_squeeze %dma_wait3A_183 : memref<1x128xi32, #tpu.memory_space<vmem>> -> memref<128xi32, #tpu.memory_space<vmem>>
    %dma_wait3A_185 = arith.constant 0 : i32
    %dma_wait3A_186 = arith.constant 0 : i32
    %dma_wait3A_187 = tpu.memref_slice %arg20[%dma_wait3A_185, %dma_wait3A_186] : memref<10112x32xf32, #tpu.memory_space<vmem_shared>> -> memref<10112x32xf32, #tpu.memory_space<vmem_shared>>
    tpu.wait_indirect_dma semaphore(%arg16 : memref<!tpu.dma_semaphore, #tpu.memory_space<semaphore_mem>>) src(%arg8 : memref<128x32xf32, #tpu.memory_space<vmem>>) dst(%dma_wait3A_187 : memref<10112x32xf32, #tpu.memory_space<vmem_shared>>)
    %sub3A_188 = arith.constant 4 : i32
    %sub3A_189 = arith.subi %select_n3A_8, %sub3A_188 : i32
    %add3A_190 = arith.constant 1 : i32
    %add3A_191 = arith.addi %sub3A_189, %add3A_190 : i32
    %dma_wait3A_192 = arith.constant 0 : i32
    %dma_wait3A_193 = tpu.memref_slice %arg7[%add3A_191, %dma_wait3A_192] : memref<80x128xi32, #tpu.memory_space<vmem>> -> memref<1x128xi32, #tpu.memory_space<vmem>>
    %dma_wait3A_194 = tpu.memref_squeeze %dma_wait3A_193 : memref<1x128xi32, #tpu.memory_space<vmem>> -> memref<128xi32, #tpu.memory_space<vmem>>
    %dma_wait3A_195 = arith.constant 0 : i32
    %dma_wait3A_196 = arith.constant 0 : i32
    %dma_wait3A_197 = tpu.memref_slice %arg20[%dma_wait3A_195, %dma_wait3A_196] : memref<10112x32xf32, #tpu.memory_space<vmem_shared>> -> memref<10112x32xf32, #tpu.memory_space<vmem_shared>>
    tpu.wait_indirect_dma semaphore(%arg17 : memref<!tpu.dma_semaphore, #tpu.memory_space<semaphore_mem>>) src(%arg9 : memref<128x32xf32, #tpu.memory_space<vmem>>) dst(%dma_wait3A_197 : memref<10112x32xf32, #tpu.memory_space<vmem_shared>>)
    %sub3A_198 = arith.constant 4 : i32
    %sub3A_199 = arith.subi %select_n3A_8, %sub3A_198 : i32
    %add3A_200 = arith.constant 2 : i32
    %add3A_201 = arith.addi %sub3A_199, %add3A_200 : i32
    %dma_wait3A_202 = arith.constant 0 : i32
    %dma_wait3A_203 = tpu.memref_slice %arg7[%add3A_201, %dma_wait3A_202] : memref<80x128xi32, #tpu.memory_space<vmem>> -> memref<1x128xi32, #tpu.memory_space<vmem>>
    %dma_wait3A_204 = tpu.memref_squeeze %dma_wait3A_203 : memref<1x128xi32, #tpu.memory_space<vmem>> -> memref<128xi32, #tpu.memory_space<vmem>>
    %dma_wait3A_205 = arith.constant 0 : i32
    %dma_wait3A_206 = arith.constant 0 : i32
    %dma_wait3A_207 = tpu.memref_slice %arg20[%dma_wait3A_205, %dma_wait3A_206] : memref<10112x32xf32, #tpu.memory_space<vmem_shared>> -> memref<10112x32xf32, #tpu.memory_space<vmem_shared>>
    tpu.wait_indirect_dma semaphore(%arg18 : memref<!tpu.dma_semaphore, #tpu.memory_space<semaphore_mem>>) src(%arg10 : memref<128x32xf32, #tpu.memory_space<vmem>>) dst(%dma_wait3A_207 : memref<10112x32xf32, #tpu.memory_space<vmem_shared>>)
    %sub3A_208 = arith.constant 4 : i32
    %sub3A_209 = arith.subi %select_n3A_8, %sub3A_208 : i32
    %add3A_210 = arith.constant 3 : i32
    %add3A_211 = arith.addi %sub3A_209, %add3A_210 : i32
    %dma_wait3A_212 = arith.constant 0 : i32
    %dma_wait3A_213 = tpu.memref_slice %arg7[%add3A_211, %dma_wait3A_212] : memref<80x128xi32, #tpu.memory_space<vmem>> -> memref<1x128xi32, #tpu.memory_space<vmem>>
    %dma_wait3A_214 = tpu.memref_squeeze %dma_wait3A_213 : memref<1x128xi32, #tpu.memory_space<vmem>> -> memref<128xi32, #tpu.memory_space<vmem>>
    %dma_wait3A_215 = arith.constant 0 : i32
    %dma_wait3A_216 = arith.constant 0 : i32
    %dma_wait3A_217 = tpu.memref_slice %arg20[%dma_wait3A_215, %dma_wait3A_216] : memref<10112x32xf32, #tpu.memory_space<vmem_shared>> -> memref<10112x32xf32, #tpu.memory_space<vmem_shared>>
    tpu.wait_indirect_dma semaphore(%arg19 : memref<!tpu.dma_semaphore, #tpu.memory_space<semaphore_mem>>) src(%arg11 : memref<128x32xf32, #tpu.memory_space<vmem>>) dst(%dma_wait3A_217 : memref<10112x32xf32, #tpu.memory_space<vmem_shared>>)
    %barrier3A_218 = arith.constant 0 : index
    tpu.barrier barrier_id(%barrier3A_218)
    %mul3A_219 = arith.constant 632 : i32
    %mul3A_220 = arith.muli %arg1, %mul3A_219 : i32
    %mul3A_221 = arith.constant 10112 : i32
    %mul3A_222 = arith.muli %arg0, %mul3A_221 : i32
    %mul3A_223 = arith.constant 632 : i32
    %mul3A_224 = arith.muli %arg1, %mul3A_223 : i32
    %add3A_225 = arith.addi %mul3A_222, %mul3A_224 : i32
    "tpu.region"() ({
      %run_scoped3A = tpu.sem_alloc : memref<!tpu.dma_semaphore, #tpu.memory_space<semaphore_mem>>
      %dma_start3A_226 = arith.constant 32 : i32
      %dma_start3A_227 = tpu.memref_slice %arg5[%add3A_225, %dma_start3A_226] : memref<20224x64xf32, #tpu.memory_space<hbm>> -> memref<632x32xf32, #tpu.memory_space<hbm>>
      %dma_start3A_228 = arith.constant 0 : i32
      %dma_start3A_229 = tpu.memref_slice %arg20[%mul3A_220, %dma_start3A_228] : memref<10112x32xf32, #tpu.memory_space<vmem_shared>> -> memref<632x32xf32, #tpu.memory_space<vmem_shared>>
      tpu.enqueue_dma source(%dma_start3A_229 : memref<632x32xf32, #tpu.memory_space<vmem_shared>>) target(%dma_start3A_227 : memref<632x32xf32, #tpu.memory_space<hbm>>) target_semaphore(%run_scoped3A : memref<!tpu.dma_semaphore, #tpu.memory_space<semaphore_mem>>)
      %dma_wait3A_230 = arith.constant 32 : i32
      %dma_wait3A_231 = tpu.memref_slice %arg5[%add3A_225, %dma_wait3A_230] : memref<20224x64xf32, #tpu.memory_space<hbm>> -> memref<632x32xf32, #tpu.memory_space<hbm>>
      %dma_wait3A_232 = arith.constant 0 : i32
      %dma_wait3A_233 = tpu.memref_slice %arg20[%mul3A_220, %dma_wait3A_232] : memref<10112x32xf32, #tpu.memory_space<vmem_shared>> -> memref<632x32xf32, #tpu.memory_space<vmem_shared>>
      tpu.wait_dma2 semaphore(%run_scoped3A : memref<!tpu.dma_semaphore, #tpu.memory_space<semaphore_mem>>) src(%dma_wait3A_233 : memref<632x32xf32, #tpu.memory_space<vmem_shared>>) dst(%dma_wait3A_231 : memref<632x32xf32, #tpu.memory_space<hbm>>)
      tpu.yield
    }) : () -> ()
    return
  }
}

module attributes {stable_mosaic.version = 14 : i64} {
  func.func @_s1_body(%arg0: i32, %arg1: memref<1000x128xf32, #tpu.memory_space<vmem>>, %arg2: memref<1000x16xf32, #tpu.memory_space<vmem>>, %arg3: memref<1000x16xf32, #tpu.memory_space<vmem>>, %arg4: memref<128x64xf32, #tpu.memory_space<vmem>>, %arg5: memref<1000x64xf32, #tpu.memory_space<vmem>>) attributes {dimension_semantics = [#tpu.dimension_semantics<arbitrary>], iteration_bounds = array<i64: 10>, scalar_prefetch = 0 : i64, scratch_operands = 0 : i64, tpu.core_type = #tpu.core_type<tc>, window_params = [{transform_indices = @transform_0, window_bounds = array<i64: 1000, 128>}, {transform_indices = @transform_1, window_bounds = array<i64: 1000, 16>}, {transform_indices = @transform_2, window_bounds = array<i64: 1000, 16>}, {pipeline_mode = #tpu.pipeline_mode<synchronous>, transform_indices = @transform_3, window_bounds = array<i64: 128, 64>}, {transform_indices = @transform_4, window_bounds = array<i64: 1000, 64>}]} {
    %get3A = arith.constant 0 : index
    %get3A_0 = arith.constant 0 : index
    %get3A_1 = vector.load %arg1[%get3A, %get3A_0] : memref<1000x128xf32, #tpu.memory_space<vmem>>, vector<1000x128xf32>
    %get3A_2 = arith.constant 0 : index
    %get3A_3 = arith.constant 0 : index
    %get3A_4 = vector.load %arg4[%get3A_2, %get3A_3] : memref<128x64xf32, #tpu.memory_space<vmem>>, vector<128x64xf32>
    %dot_general3A = arith.constant dense<0.000000e+00> : vector<1000x64xf32>
    %dot_general3A_5 = tpu.matmul %get3A_1, %get3A_4, %dot_general3A {dimension_numbers = #tpu.dot_dimension_numbers<[1], [0], [0], [1], [0, 0, 1, 1], [], []>, transpose_lhs_hint = false} : vector<1000x128xf32>, vector<128x64xf32>, vector<1000x64xf32> -> vector<1000x64xf32>
    %get3A_6 = arith.constant 0 : index
    %get3A_7 = arith.constant 0 : index
    %get3A_8 = vector.load %arg2[%get3A_6, %get3A_7] : memref<1000x16xf32, #tpu.memory_space<vmem>>, vector<1000x1xf32>
    %get3A_9 = arith.constant 0 : index
    %get3A_10 = arith.constant 0 : index
    %get3A_11 = vector.load %arg3[%get3A_9, %get3A_10] : memref<1000x16xf32, #tpu.memory_space<vmem>>, vector<1000x1xf32>
    %add3A = arith.addf %get3A_8, %get3A_11 : vector<1000x1xf32>
    %add3A_12 = arith.constant 1.000000e+00 : f32
    %add3A_13 = vector.broadcast %add3A_12 : f32 to vector<1000x1xf32>
    %add3A_14 = arith.addf %add3A, %add3A_13 : vector<1000x1xf32>
    %rsqrt3A = math.rsqrt %add3A_14 : vector<1000x1xf32>
    %mul3A = vector.broadcast %rsqrt3A : vector<1000x1xf32> to vector<1000x64xf32>
    %mul3A_15 = arith.mulf %dot_general3A_5, %mul3A : vector<1000x64xf32>
    %swap3A = arith.constant 0 : index
    %swap3A_16 = arith.constant 0 : index
    %swap3A_17 = vector.load %arg5[%swap3A, %swap3A_16] : memref<1000x64xf32, #tpu.memory_space<vmem>>, vector<1000x64xf32>
    tpu.vector_store %arg5[%swap3A, %swap3A_16], %mul3A_15 {strides = array<i32>} : memref<1000x64xf32, #tpu.memory_space<vmem>>, vector<1000x64xf32>,
    return
  }
  func.func @transform_0(%arg0: i32) -> (i32, i32) {
    %c0_i32 = arith.constant 0 : i32
    %c0_i32_0 = arith.constant 0 : i32
    return %arg0, %c0_i32 : i32, i32
  }
  func.func @transform_1(%arg0: i32) -> (i32, i32) {
    %c0_i32 = arith.constant 0 : i32
    %c0_i32_0 = arith.constant 0 : i32
    return %arg0, %c0_i32 : i32, i32
  }
  func.func @transform_2(%arg0: i32) -> (i32, i32) {
    %c0_i32 = arith.constant 0 : i32
    %c0_i32_0 = arith.constant 0 : i32
    return %arg0, %c0_i32 : i32, i32
  }
  func.func @transform_3(%arg0: i32) -> (i32, i32) {
    %c0_i32 = arith.constant 0 : i32
    %c0_i32_0 = arith.constant 0 : i32
    %c0_i32_1 = arith.constant 0 : i32
    return %c0_i32, %c0_i32_0 : i32, i32
  }
  func.func @transform_4(%arg0: i32) -> (i32, i32) {
    %c0_i32 = arith.constant 0 : i32
    %c0_i32_0 = arith.constant 0 : i32
    return %arg0, %c0_i32 : i32, i32
  }
}

module attributes {stable_mosaic.version = 14 : i64} {
  func.func @_s2_body(%arg0: i32, %arg1: memref<1000x64xf32, #tpu.memory_space<vmem>>, %arg2: memref<1000x64xf32, #tpu.memory_space<vmem>>, %arg3: memref<1000x64xf32, #tpu.memory_space<vmem>>, %arg4: memref<1000x16xf32, #tpu.memory_space<vmem>>, %arg5: memref<1000x16xf32, #tpu.memory_space<vmem>>, %arg6: memref<64x64xf32, #tpu.memory_space<vmem>>, %arg7: memref<1x64xf32, #tpu.memory_space<vmem>>, %arg8: memref<1000x64xf32, #tpu.memory_space<vmem>>) attributes {dimension_semantics = [#tpu.dimension_semantics<arbitrary>], iteration_bounds = array<i64: 10>, scalar_prefetch = 0 : i64, scratch_operands = 0 : i64, tpu.core_type = #tpu.core_type<tc>, window_params = [{transform_indices = @transform_0, window_bounds = array<i64: 1000, 64>}, {transform_indices = @transform_1, window_bounds = array<i64: 1000, 64>}, {transform_indices = @transform_2, window_bounds = array<i64: 1000, 64>}, {transform_indices = @transform_3, window_bounds = array<i64: 1000, 16>}, {transform_indices = @transform_4, window_bounds = array<i64: 1000, 16>}, {pipeline_mode = #tpu.pipeline_mode<synchronous>, transform_indices = @transform_5, window_bounds = array<i64: 64, 64>}, {pipeline_mode = #tpu.pipeline_mode<synchronous>, transform_indices = @transform_6, window_bounds = array<i64: 1, 64>}, {transform_indices = @transform_7, window_bounds = array<i64: 1000, 64>}]} {
    %get3A = arith.constant 0 : index
    %get3A_0 = arith.constant 0 : index
    %get3A_1 = vector.load %arg4[%get3A, %get3A_0] : memref<1000x16xf32, #tpu.memory_space<vmem>>, vector<1000x1xf32>
    %get3A_2 = arith.constant 0 : index
    %get3A_3 = arith.constant 0 : index
    %get3A_4 = vector.load %arg5[%get3A_2, %get3A_3] : memref<1000x16xf32, #tpu.memory_space<vmem>>, vector<1000x1xf32>
    %add3A = arith.addf %get3A_1, %get3A_4 : vector<1000x1xf32>
    %add3A_5 = arith.constant 1.000000e+00 : f32
    %add3A_6 = vector.broadcast %add3A_5 : f32 to vector<1000x1xf32>
    %add3A_7 = arith.addf %add3A, %add3A_6 : vector<1000x1xf32>
    %rsqrt3A = math.rsqrt %add3A_7 : vector<1000x1xf32>
    %get3A_8 = arith.constant 0 : index
    %get3A_9 = arith.constant 0 : index
    %get3A_10 = vector.load %arg1[%get3A_8, %get3A_9] : memref<1000x64xf32, #tpu.memory_space<vmem>>, vector<1000x64xf32>
    %get3A_11 = arith.constant 0 : index
    %get3A_12 = arith.constant 0 : index
    %get3A_13 = vector.load %arg2[%get3A_11, %get3A_12] : memref<1000x64xf32, #tpu.memory_space<vmem>>, vector<1000x64xf32>
    %add3A_14 = arith.addf %get3A_10, %get3A_13 : vector<1000x64xf32>
    %get3A_15 = arith.constant 0 : index
    %get3A_16 = arith.constant 0 : index
    %get3A_17 = vector.load %arg3[%get3A_15, %get3A_16] : memref<1000x64xf32, #tpu.memory_space<vmem>>, vector<1000x64xf32>
    %sub3A = arith.subf %add3A_14, %get3A_17 : vector<1000x64xf32>
    %mul3A = vector.broadcast %rsqrt3A : vector<1000x1xf32> to vector<1000x64xf32>
    %mul3A_18 = arith.mulf %mul3A, %sub3A : vector<1000x64xf32>
    %get3A_19 = arith.constant 0 : index
    %get3A_20 = arith.constant 0 : index
    %get3A_21 = vector.load %arg7[%get3A_19, %get3A_20] : memref<1x64xf32, #tpu.memory_space<vmem>>, vector<1x64xf32>
    %add3A_22 = vector.broadcast %get3A_21 : vector<1x64xf32> to vector<1000x64xf32>
    %add3A_23 = arith.addf %mul3A_18, %add3A_22 : vector<1000x64xf32>
    %max3A = arith.constant 0.000000e+00 : f32
    %max3A_24 = vector.broadcast %max3A : f32 to vector<1000x64xf32>
    %max3A_25 = arith.maximumf %add3A_23, %max3A_24 : vector<1000x64xf32>
    %get3A_26 = arith.constant 0 : index
    %get3A_27 = arith.constant 0 : index
    %get3A_28 = vector.load %arg6[%get3A_26, %get3A_27] : memref<64x64xf32, #tpu.memory_space<vmem>>, vector<64x64xf32>
    %dot_general3A = arith.constant dense<0.000000e+00> : vector<1000x64xf32>
    %dot_general3A_29 = tpu.matmul %max3A_25, %get3A_28, %dot_general3A {dimension_numbers = #tpu.dot_dimension_numbers<[1], [0], [0], [1], [0, 0, 1, 1], [], []>, transpose_lhs_hint = false} : vector<1000x64xf32>, vector<64x64xf32>, vector<1000x64xf32> -> vector<1000x64xf32>
    %mul3A_30 = vector.broadcast %rsqrt3A : vector<1000x1xf32> to vector<1000x64xf32>
    %mul3A_31 = arith.mulf %dot_general3A_29, %mul3A_30 : vector<1000x64xf32>
    %swap3A = arith.constant 0 : index
    %swap3A_32 = arith.constant 0 : index
    %swap3A_33 = vector.load %arg8[%swap3A, %swap3A_32] : memref<1000x64xf32, #tpu.memory_space<vmem>>, vector<1000x64xf32>
    tpu.vector_store %arg8[%swap3A, %swap3A_32], %mul3A_31 {strides = array<i32>} : memref<1000x64xf32, #tpu.memory_space<vmem>>, vector<1000x64xf32>,
    return
  }
  func.func @transform_0(%arg0: i32) -> (i32, i32) {
    %c0_i32 = arith.constant 0 : i32
    %c0_i32_0 = arith.constant 0 : i32
    return %arg0, %c0_i32 : i32, i32
  }
  func.func @transform_1(%arg0: i32) -> (i32, i32) {
    %c0_i32 = arith.constant 0 : i32
    %c0_i32_0 = arith.constant 0 : i32
    return %arg0, %c0_i32 : i32, i32
  }
  func.func @transform_2(%arg0: i32) -> (i32, i32) {
    %c0_i32 = arith.constant 0 : i32
    %c0_i32_0 = arith.constant 0 : i32
    return %arg0, %c0_i32 : i32, i32
  }
  func.func @transform_3(%arg0: i32) -> (i32, i32) {
    %c0_i32 = arith.constant 0 : i32
    %c0_i32_0 = arith.constant 0 : i32
    return %arg0, %c0_i32 : i32, i32
  }
  func.func @transform_4(%arg0: i32) -> (i32, i32) {
    %c0_i32 = arith.constant 0 : i32
    %c0_i32_0 = arith.constant 0 : i32
    return %arg0, %c0_i32 : i32, i32
  }
  func.func @transform_5(%arg0: i32) -> (i32, i32) {
    %c0_i32 = arith.constant 0 : i32
    %c0_i32_0 = arith.constant 0 : i32
    %c0_i32_1 = arith.constant 0 : i32
    return %c0_i32, %c0_i32_0 : i32, i32
  }
  func.func @transform_6(%arg0: i32) -> (i32, i32) {
    %c0_i32 = arith.constant 0 : i32
    %c0_i32_0 = arith.constant 0 : i32
    %c0_i32_1 = arith.constant 0 : i32
    return %c0_i32, %c0_i32_0 : i32, i32
  }
  func.func @transform_7(%arg0: i32) -> (i32, i32) {
    %c0_i32 = arith.constant 0 : i32
    %c0_i32_0 = arith.constant 0 : i32
    return %arg0, %c0_i32 : i32, i32
  }
}

module attributes {stable_mosaic.version = 14 : i64} {
  func.func @_s3_body(%arg0: i32, %arg1: memref<1000x64xf32, #tpu.memory_space<vmem>>, %arg2: memref<1000x64xf32, #tpu.memory_space<vmem>>, %arg3: memref<1000x64xf32, #tpu.memory_space<vmem>>, %arg4: memref<1000x16xf32, #tpu.memory_space<vmem>>, %arg5: memref<1000x16xf32, #tpu.memory_space<vmem>>, %arg6: memref<1x64xf32, #tpu.memory_space<vmem>>, %arg7: memref<1x1x1000xi32, #tpu.memory_space<vmem>>, %arg8: memref<64x10xf32, #tpu.memory_space<vmem>>, %arg9: memref<1x10xf32, #tpu.memory_space<vmem>>, %arg10: memref<64x10xf32, #tpu.memory_space<vmem>>, %arg11: memref<64x64xf32, #tpu.memory_space<vmem>>, %arg12: memref<64x128xf32, #tpu.memory_space<vmem>>) attributes {dimension_semantics = [#tpu.dimension_semantics<arbitrary>], iteration_bounds = array<i64: 10>, scalar_prefetch = 0 : i64, scratch_operands = 2 : i64, tpu.core_type = #tpu.core_type<tc>, window_params = [{transform_indices = @transform_0, window_bounds = array<i64: 1000, 64>}, {transform_indices = @transform_1, window_bounds = array<i64: 1000, 64>}, {transform_indices = @transform_2, window_bounds = array<i64: 1000, 64>}, {transform_indices = @transform_3, window_bounds = array<i64: 1000, 16>}, {transform_indices = @transform_4, window_bounds = array<i64: 1000, 16>}, {pipeline_mode = #tpu.pipeline_mode<synchronous>, transform_indices = @transform_5, window_bounds = array<i64: 1, 64>}, {transform_indices = @transform_6, window_bounds = array<i64: 1, 1, 1000>}, {pipeline_mode = #tpu.pipeline_mode<synchronous>, transform_indices = @transform_7, window_bounds = array<i64: 64, 10>}, {pipeline_mode = #tpu.pipeline_mode<synchronous>, transform_indices = @transform_8, window_bounds = array<i64: 1, 10>}, {pipeline_mode = #tpu.pipeline_mode<synchronous>, transform_indices = @transform_9, window_bounds = array<i64: 64, 10>}]} {
    %eq3A = arith.constant 0 : i32
    %eq3A_0 = arith.cmpi eq, %arg0, %eq3A : i32
    %convert_element_type3A = arith.extui %eq3A_0 : i1 to i32
    %cond3A = arith.constant 0 : i32
    %cond3A_1 = arith.cmpi ne, %convert_element_type3A, %cond3A : i32
    scf.if %cond3A_1 {
      %broadcast_in_dim3A_60 = arith.constant 0.000000e+00 : f32
      %broadcast_in_dim3A_61 = vector.broadcast %broadcast_in_dim3A_60 : f32 to vector<64x64xf32>
      %swap3A_62 = arith.constant 0 : index
      %swap3A_63 = arith.constant 0 : index
      %swap3A_64 = vector.load %arg11[%swap3A_62, %swap3A_63] : memref<64x64xf32, #tpu.memory_space<vmem>>, vector<64x64xf32>
      tpu.vector_store %arg11[%swap3A_62, %swap3A_63], %broadcast_in_dim3A_61 {strides = array<i32>} : memref<64x64xf32, #tpu.memory_space<vmem>>, vector<64x64xf32>,
      %broadcast_in_dim3A_65 = arith.constant 0.000000e+00 : f32
      %broadcast_in_dim3A_66 = vector.broadcast %broadcast_in_dim3A_65 : f32 to vector<64x128xf32>
      %swap3A_67 = arith.constant 0 : index
      %swap3A_68 = arith.constant 0 : index
      %swap3A_69 = vector.load %arg12[%swap3A_67, %swap3A_68] : memref<64x128xf32, #tpu.memory_space<vmem>>, vector<64x128xf32>
      tpu.vector_store %arg12[%swap3A_67, %swap3A_68], %broadcast_in_dim3A_66 {strides = array<i32>} : memref<64x128xf32, #tpu.memory_space<vmem>>, vector<64x128xf32>,
    } else {
    }
    %get3A = arith.constant 0 : index
    %get3A_2 = arith.constant 0 : index
    %get3A_3 = vector.load %arg4[%get3A, %get3A_2] : memref<1000x16xf32, #tpu.memory_space<vmem>>, vector<1000x1xf32>
    %get3A_4 = arith.constant 0 : index
    %get3A_5 = arith.constant 0 : index
    %get3A_6 = vector.load %arg5[%get3A_4, %get3A_5] : memref<1000x16xf32, #tpu.memory_space<vmem>>, vector<1000x1xf32>
    %add3A = arith.addf %get3A_3, %get3A_6 : vector<1000x1xf32>
    %add3A_7 = arith.constant 1.000000e+00 : f32
    %add3A_8 = vector.broadcast %add3A_7 : f32 to vector<1000x1xf32>
    %add3A_9 = arith.addf %add3A, %add3A_8 : vector<1000x1xf32>
    %rsqrt3A = math.rsqrt %add3A_9 : vector<1000x1xf32>
    %get3A_10 = arith.constant 0 : index
    %get3A_11 = arith.constant 0 : index
    %get3A_12 = vector.load %arg1[%get3A_10, %get3A_11] : memref<1000x64xf32, #tpu.memory_space<vmem>>, vector<1000x64xf32>
    %get3A_13 = arith.constant 0 : index
    %get3A_14 = arith.constant 0 : index
    %get3A_15 = vector.load %arg2[%get3A_13, %get3A_14] : memref<1000x64xf32, #tpu.memory_space<vmem>>, vector<1000x64xf32>
    %add3A_16 = arith.addf %get3A_12, %get3A_15 : vector<1000x64xf32>
    %get3A_17 = arith.constant 0 : index
    %get3A_18 = arith.constant 0 : index
    %get3A_19 = vector.load %arg3[%get3A_17, %get3A_18] : memref<1000x64xf32, #tpu.memory_space<vmem>>, vector<1000x64xf32>
    %sub3A = arith.subf %add3A_16, %get3A_19 : vector<1000x64xf32>
    %mul3A = vector.broadcast %rsqrt3A : vector<1000x1xf32> to vector<1000x64xf32>
    %mul3A_20 = arith.mulf %mul3A, %sub3A : vector<1000x64xf32>
    %get3A_21 = arith.constant 0 : index
    %get3A_22 = arith.constant 0 : index
    %get3A_23 = vector.load %arg6[%get3A_21, %get3A_22] : memref<1x64xf32, #tpu.memory_space<vmem>>, vector<1x64xf32>
    %add3A_24 = vector.broadcast %get3A_23 : vector<1x64xf32> to vector<1000x64xf32>
    %add3A_25 = arith.addf %mul3A_20, %add3A_24 : vector<1000x64xf32>
    %max3A = arith.constant 0.000000e+00 : f32
    %max3A_26 = vector.broadcast %max3A : f32 to vector<1000x64xf32>
    %max3A_27 = arith.maximumf %add3A_25, %max3A_26 : vector<1000x64xf32>
    %get3A_28 = arith.constant 0 : index
    %get3A_29 = arith.constant 0 : index
    %get3A_30 = arith.constant 0 : index
    %get3A_31 = vector.load %arg7[%get3A_28, %get3A_29, %get3A_30] : memref<1x1x1000xi32, #tpu.memory_space<vmem>>, vector<1x1x1000xi32>
    %get3A_32 = vector.shape_cast %get3A_31 : vector<1x1x1000xi32> to vector<1x1000xi32>
    %iota3A = tpu.iota {dimensions = array<i32: 0>} : vector<64x1000xi32>
    %eq3A_33 = vector.broadcast %get3A_32 : vector<1x1000xi32> to vector<64x1000xi32>
    %eq3A_34 = arith.cmpi eq, %iota3A, %eq3A_33 : vector<64x1000xi32>
    %jit3A = arith.constant 1.000000e+00 : f32
    %jit3A_35 = arith.constant 0.000000e+00 : f32
    %broadcast_in_dim3A = vector.broadcast %jit3A : f32 to vector<64x1000xf32>
    %broadcast_in_dim3A_36 = vector.broadcast %jit3A_35 : f32 to vector<64x1000xf32>
    %select_n3A = arith.select %eq3A_34, %broadcast_in_dim3A, %broadcast_in_dim3A_36 : vector<64x1000xi1>, vector<64x1000xf32>
    %get3A_37 = arith.constant 0 : index
    %get3A_38 = arith.constant 0 : index
    %get3A_39 = vector.load %arg11[%get3A_37, %get3A_38] : memref<64x64xf32, #tpu.memory_space<vmem>>, vector<64x64xf32>
    %dot_general3A = arith.constant dense<0.000000e+00> : vector<64x64xf32>
    %dot_general3A_40 = tpu.matmul %select_n3A, %max3A_27, %dot_general3A {dimension_numbers = #tpu.dot_dimension_numbers<[1], [0], [0], [1], [0, 0, 1, 1], [], []>, transpose_lhs_hint = false} : vector<64x1000xf32>, vector<1000x64xf32>, vector<64x64xf32> -> vector<64x64xf32>
    %add3A_41 = arith.addf %get3A_39, %dot_general3A_40 : vector<64x64xf32>
    %swap3A = arith.constant 0 : index
    %swap3A_42 = arith.constant 0 : index
    %swap3A_43 = vector.load %arg11[%swap3A, %swap3A_42] : memref<64x64xf32, #tpu.memory_space<vmem>>, vector<64x64xf32>
    tpu.vector_store %arg11[%swap3A, %swap3A_42], %add3A_41 {strides = array<i32>} : memref<64x64xf32, #tpu.memory_space<vmem>>, vector<64x64xf32>,
    %get3A_44 = arith.constant 0 : index
    %get3A_45 = arith.constant 0 : index
    %get3A_46 = vector.load %arg12[%get3A_44, %get3A_45] : memref<64x128xf32, #tpu.memory_space<vmem>>, vector<64x128xf32>
    %reduce_sum3A = arith.constant dense<0.000000e+00> : vector<64xf32>
    %reduce_sum3A_47 = vector.multi_reduction <add>, %select_n3A, %reduce_sum3A [1] : vector<64x1000xf32> to vector<64xf32>
    %broadcast_in_dim3A_48 = vector.shape_cast %reduce_sum3A_47 : vector<64xf32> to vector<64x1xf32>
    %broadcast_in_dim3A_49 = vector.shape_cast %broadcast_in_dim3A_48 : vector<64x1xf32> to vector<64x1xf32>
    %broadcast_in_dim3A_50 = vector.broadcast %broadcast_in_dim3A_49 : vector<64x1xf32> to vector<64x128xf32>
    %add3A_51 = arith.addf %get3A_46, %broadcast_in_dim3A_50 : vector<64x128xf32>
    %swap3A_52 = arith.constant 0 : index
    %swap3A_53 = arith.constant 0 : index
    %swap3A_54 = vector.load %arg12[%swap3A_52, %swap3A_53] : memref<64x128xf32, #tpu.memory_space<vmem>>, vector<64x128xf32>
    tpu.vector_store %arg12[%swap3A_52, %swap3A_53], %add3A_51 {strides = array<i32>} : memref<64x128xf32, #tpu.memory_space<vmem>>, vector<64x128xf32>,
    %eq3A_55 = arith.constant 9 : i32
    %eq3A_56 = arith.cmpi eq, %arg0, %eq3A_55 : i32
    %convert_element_type3A_57 = arith.extui %eq3A_56 : i1 to i32
    %cond3A_58 = arith.constant 0 : i32
    %cond3A_59 = arith.cmpi ne, %convert_element_type3A_57, %cond3A_58 : i32
    scf.if %cond3A_59 {
      %get3A_60 = arith.constant 0 : index
      %get3A_61 = arith.constant 0 : index
      %get3A_62 = vector.load %arg12[%get3A_60, %get3A_61] : memref<64x128xf32, #tpu.memory_space<vmem>>, vector<64x1xf32>
      %get3A_63 = arith.constant 0 : index
      %get3A_64 = arith.constant 0 : index
      %get3A_65 = vector.load %arg11[%get3A_63, %get3A_64] : memref<64x64xf32, #tpu.memory_space<vmem>>, vector<64x64xf32>
      %max3A_66 = arith.constant 1.000000e+00 : f32
      %max3A_67 = vector.broadcast %max3A_66 : f32 to vector<64x1xf32>
      %max3A_68 = arith.maximumf %get3A_62, %max3A_67 : vector<64x1xf32>
      %div3A = vector.broadcast %max3A_68 : vector<64x1xf32> to vector<64x64xf32>
      %div3A_69 = arith.divf %get3A_65, %div3A : vector<64x64xf32>
      %get3A_70 = arith.constant 0 : index
      %get3A_71 = arith.constant 0 : index
      %get3A_72 = vector.load %arg8[%get3A_70, %get3A_71] : memref<64x10xf32, #tpu.memory_space<vmem>>, vector<64x10xf32>
      %dot_general3A_73 = arith.constant dense<0.000000e+00> : vector<64x10xf32>
      %dot_general3A_74 = tpu.matmul %div3A_69, %get3A_72, %dot_general3A_73 {dimension_numbers = #tpu.dot_dimension_numbers<[1], [0], [0], [1], [0, 0, 1, 1], [], []>, transpose_lhs_hint = false} : vector<64x64xf32>, vector<64x10xf32>, vector<64x10xf32> -> vector<64x10xf32>
      %get3A_75 = arith.constant 0 : index
      %get3A_76 = arith.constant 0 : index
      %get3A_77 = vector.load %arg9[%get3A_75, %get3A_76] : memref<1x10xf32, #tpu.memory_space<vmem>>, vector<1x10xf32>
      %add3A_78 = vector.broadcast %get3A_77 : vector<1x10xf32> to vector<64x10xf32>
      %add3A_79 = arith.addf %dot_general3A_74, %add3A_78 : vector<64x10xf32>
      %reduce_max3A = arith.constant dense<0xFF800000> : vector<64xf32>
      %reduce_max3A_80 = vector.multi_reduction <maximumf>, %add3A_79, %reduce_max3A [1] : vector<64x10xf32> to vector<64xf32>
      %broadcast_in_dim3A_81 = vector.shape_cast %reduce_max3A_80 : vector<64xf32> to vector<64x1xf32>
      %sub3A_82 = vector.broadcast %broadcast_in_dim3A_81 : vector<64x1xf32> to vector<64x10xf32>
      %sub3A_83 = arith.subf %add3A_79, %sub3A_82 : vector<64x10xf32>
      %exp3A = math.exp %sub3A_83 : vector<64x10xf32>
      %reduce_sum3A_84 = arith.constant dense<0.000000e+00> : vector<64xf32>
      %reduce_sum3A_85 = vector.multi_reduction <add>, %exp3A, %reduce_sum3A_84 [1] : vector<64x10xf32> to vector<64xf32>
      %broadcast_in_dim3A_86 = vector.shape_cast %reduce_sum3A_85 : vector<64xf32> to vector<64x1xf32>
      %log3A = math.log %broadcast_in_dim3A_86 : vector<64x1xf32>
      %sub3A_87 = vector.broadcast %log3A : vector<64x1xf32> to vector<64x10xf32>
      %sub3A_88 = arith.subf %sub3A_83, %sub3A_87 : vector<64x10xf32>
      %swap3A_89 = arith.constant 0 : index
      %swap3A_90 = arith.constant 0 : index
      %swap3A_91 = vector.load %arg10[%swap3A_89, %swap3A_90] : memref<64x10xf32, #tpu.memory_space<vmem>>, vector<64x10xf32>
      tpu.vector_store %arg10[%swap3A_89, %swap3A_90], %sub3A_88 {strides = array<i32>} : memref<64x10xf32, #tpu.memory_space<vmem>>, vector<64x10xf32>,
    } else {
    }
    return
  }
  func.func @transform_0(%arg0: i32) -> (i32, i32) {
    %c0_i32 = arith.constant 0 : i32
    %c0_i32_0 = arith.constant 0 : i32
    return %arg0, %c0_i32 : i32, i32
  }
  func.func @transform_1(%arg0: i32) -> (i32, i32) {
    %c0_i32 = arith.constant 0 : i32
    %c0_i32_0 = arith.constant 0 : i32
    return %arg0, %c0_i32 : i32, i32
  }
  func.func @transform_2(%arg0: i32) -> (i32, i32) {
    %c0_i32 = arith.constant 0 : i32
    %c0_i32_0 = arith.constant 0 : i32
    return %arg0, %c0_i32 : i32, i32
  }
  func.func @transform_3(%arg0: i32) -> (i32, i32) {
    %c0_i32 = arith.constant 0 : i32
    %c0_i32_0 = arith.constant 0 : i32
    return %arg0, %c0_i32 : i32, i32
  }
  func.func @transform_4(%arg0: i32) -> (i32, i32) {
    %c0_i32 = arith.constant 0 : i32
    %c0_i32_0 = arith.constant 0 : i32
    return %arg0, %c0_i32 : i32, i32
  }
  func.func @transform_5(%arg0: i32) -> (i32, i32) {
    %c0_i32 = arith.constant 0 : i32
    %c0_i32_0 = arith.constant 0 : i32
    %c0_i32_1 = arith.constant 0 : i32
    return %c0_i32, %c0_i32_0 : i32, i32
  }
  func.func @transform_6(%arg0: i32) -> (i32, i32, i32) {
    %c0_i32 = arith.constant 0 : i32
    %c0_i32_0 = arith.constant 0 : i32
    %c0_i32_1 = arith.constant 0 : i32
    return %arg0, %c0_i32, %c0_i32_0 : i32, i32, i32
  }
  func.func @transform_7(%arg0: i32) -> (i32, i32) {
    %c0_i32 = arith.constant 0 : i32
    %c0_i32_0 = arith.constant 0 : i32
    %c0_i32_1 = arith.constant 0 : i32
    return %c0_i32, %c0_i32_0 : i32, i32
  }
  func.func @transform_8(%arg0: i32) -> (i32, i32) {
    %c0_i32 = arith.constant 0 : i32
    %c0_i32_0 = arith.constant 0 : i32
    %c0_i32_1 = arith.constant 0 : i32
    return %c0_i32, %c0_i32_0 : i32, i32
  }
  func.func @transform_9(%arg0: i32) -> (i32, i32) {
    %c0_i32 = arith.constant 0 : i32
    %c0_i32_0 = arith.constant 0 : i32
    %c0_i32_1 = arith.constant 0 : i32
    return %c0_i32, %c0_i32_0 : i32, i32
  }
}

</mosaic_0001>

<sc_bundles>
// kernel: kernel.11.cloned.1.call-start
scs
__scs_entry_jumppad:
0x0: {  	(pc) =	sbr.rel $0x88, $3  }
0x1: {  	(tag) =	ssettag $0x0;
	lr =	simm.s32 $0x1  }
0x2: {  	[smem:$0x3F98] =	sst lr;
	_ =	strace $0xD0000000  }
0x3: {  	_ = 	snop  }
0x4: {  	_ = 	snop  }
0x5: {  	_ = 	snop  }
0x6: {  	_ = 	snop  }
0x7: {  	_ = 	snop  }
__scs_overlays_trampoline_lowered:
0x8: {  	[smem:$0x3FA7] =	sst s0  }
0x9: {  	[smem:$0x3FA8] =	sst s1  }
0xa: {  	[smem:$0x3FA9] =	sst s2  }
0xb: {  	[smem:$0x3FAA] =	sst s3  }
0xc: {  	[smem:$0x3FAB] =	sst s4  }
0xd: {  	[smem:$0x3FAC] =	sst s5  }
0xe: {  	[smem:$0x3FAD] =	sst s6  }
0xf: {  	[smem:$0x3FAE] =	sst s7  }
0x10: {  	[smem:$0x3FAF] =	sst s8  }
0x11: {  	[smem:$0x3FB0] =	sst s9;
	s0 =	simm.s32 @!p0 $0x0  }
0x12: {  	s1 =	sld [smem:$0x3F96];
	s0 =	simm.s32 @p0 $0x1  }
0x13: {  	[smem:$0x3FB1] =	sst s0;
	s0 =	simm.s32 @!p1 $0x0  }
0x14: {  	s2 =	sld [smem:$0x3F95];
	s0 =	simm.s32 @p1 $0x1  }
0x15: {  	[smem:$0x3FB2] =	sst s0;
	s0 =	simm.s32 @!p2 $0x0  }
0x16: {  	s3 =	sld [smem:$0x3FDB];
	s0 =	simm.s32 @p2 $0x1  }
0x17: {  	s4 =	simm.s32 $0x1BF5;
	[smem:$0x3FB4] =	sst s0  }
0x18: {  	s0 =	sld [smem:$0x3F97];
	_ =	swait.ge [sflag:s4], $0x0  }
0x19: {  	s7 =	sld [smem:$0x3F98]  }
0x1a: {  	s8 =	sadd.s32 $0xFFFFE003, lr  }
0x1b: {  	s9 =	sadd.s32 $0xFFFFFEF7, lr;
	s5 =	simm.s32 $0xFFFFFFFF;
	p2 =	slt.u32 s8, $0xFFFFF086  }
0x1c: {  	p1 =	slt.u32 s9, $0xF7A;
	s5 =	simm.s32 @!p2 $0x0  }
0x1d: {  	s5 =	simm.s32 @p1 $0x1;
	p0 =	seq.s32 s7, s2  }
0x1e: {  	s7 =	smul.u32 @!p0 $0xF7A, s2;
	p2 =	seq.s32 @!p0 s5, $0x0  }
0x1f: {  	s9 =	smul.u32 $0xF7A, s1;
	s8 =	simm.s32 @!p0 $0x1BF5;
	p2 =	por !p2, p0  }
0x20: {  	[sflag:s8] =	ssyncset.s32 @!p0 $0xFFFFF086;
	s6 =	sadd.s32 @!p0 s3, s7;
	s7 =	simm.s32 @!p0 $0x108  }
0x21: {  	s3 =	sadd.s32 s3, s9;
	s6 =	sadd.s32 @!p0 $0x88, s6;
	s7 =	simm.s32 @p2 $0x1082  }
0x22: {  	[simem:s7], [sflag:s8] =	dma.local @!p0 [hbm:s6], $0xF7A  }
0x23: {  	s9 =	sor.u32 $0xD0000000, s2;
	s6 =	simm.s32 $0x108;
	_ =	swait.ge @!p0 [sflag:s8], $0x0  }
0x24: {  	s3 =	sadd.s32 $0x88, s3;
	s6 =	simm.s32 @!p1 $0x1082;
	[sflag:s4] =	ssyncset.s32 $0xFFFFF086  }
0x25: {  	[simem:s6], [sflag:s4] =	dma.local [hbm:s3], $0xF7A  }
0x26: {  	[smem:$0x3F98] =	sst s1;
	(tag) =	ssettag s2;
	_ =	strace s9  }
0x27: {  	s1 =	sld [smem:$0x3FA8]  }
0x28: {  	s2 =	sld [smem:$0x3FA9]  }
0x29: {  	s4 =	sld [smem:$0x3FAB]  }
0x2a: {  	p0 =	seq.s32 s5, $0x0;
	s5 =	sld [smem:$0x3FAC]  }
0x2b: {  	s6 =	sld [smem:$0x3FAD]  }
0x2c: {  	s7 =	sld [smem:$0x3FAE]  }
0x2d: {  	s3 =	simm.s32 $0x108;
	s8 =	sld [smem:$0x3FAF]  }
0x2e: {  	s3 =	simm.s32 @!p0 $0x1082;
	s9 =	sld [smem:$0x3FB0]  }
0x2f: {  	lr =	sadd.s32 s0, s3;
	s0 =	sld [smem:$0x3FA7]  }
0x30: {  	s3 =	sld [smem:$0x3FAA]  }
0x31: {  	[smem:$0x3FB3] =	sst s10  }
0x32: {  	s10 =	sld [smem:$0x3FB1];
	_ =	sdelay $0x3  }
0x33: {  	p0 =	seq.s32 s10, $0x1;
	s10 =	sld [smem:$0x3FB3];
	_ =	sdelay $0x3  }
0x34: {  	[smem:$0x3FB3] =	sst s10  }
0x35: {  	s10 =	sld [smem:$0x3FB2];
	_ =	sdelay $0x3  }
0x36: {  	p1 =	seq.s32 s10, $0x1;
	s10 =	sld [smem:$0x3FB3];
	_ =	sdelay $0x3  }
0x37: {  	[smem:$0x3FB3] =	sst s10  }
0x38: {  	s10 =	sld [smem:$0x3FB4]  }
0x39: {  	_ = 	snop;
	(pc) =	sbr.ind lr, $3  }
0x3a: {  	_ = 	snop  }
0x3b: {  	_ = 	snop  }
0x3c: {  	p2 =	seq.s32 s10, $0x1;
	s10 =	sld [smem:$0x3FB3]  }
0x3d: {  	_ =	shalt  }
0x3e: {  	_ =	shalt  }
0x3f: {  	_ =	shalt  }
0x40: {  	_ =	shalt  }
0x41: {  	_ =	shalt  }
0x42: {  	_ =	shalt  }
0x43: {  	_ =	shalt  }
0x44: {  	_ =	shalt  }
0x45: {  	_ =	shalt  }
0x46: {  	_ =	shalt  }
0x47: {  	_ =	shalt  }
0x48: {  	_ =	shalt  }
0x49: {  	_ =	shalt  }
0x4a: {  	_ =	shalt  }
0x4b: {  	_ =	shalt  }
0x4c: {  	_ =	shalt  }
0x4d: {  	_ =	shalt  }
0x4e: {  	_ =	shalt  }
0x4f: {  	_ =	shalt  }
0x50: {  	_ =	shalt  }
0x51: {  	_ =	shalt  }
0x52: {  	_ =	shalt  }
0x53: {  	_ =	shalt  }
0x54: {  	_ =	shalt  }
0x55: {  	_ =	shalt  }
0x56: {  	_ =	shalt  }
0x57: {  	_ =	shalt  }
0x58: {  	_ =	shalt  }
0x59: {  	_ =	shalt  }
0x5a: {  	_ =	shalt  }
0x5b: {  	_ =	shalt  }
0x5c: {  	_ =	shalt  }
0x5d: {  	_ =	shalt  }
0x5e: {  	_ =	shalt  }
0x5f: {  	_ =	shalt  }
0x60: {  	_ =	shalt  }
0x61: {  	_ =	shalt  }
0x62: {  	_ =	shalt  }
0x63: {  	_ =	shalt  }
0x64: {  	_ =	shalt  }
0x65: {  	_ =	shalt  }
0x66: {  	_ =	shalt  }
0x67: {  	_ =	shalt  }
0x68: {  	_ =	shalt  }
0x69: {  	_ =	shalt  }
0x6a: {  	_ =	shalt  }
0x6b: {  	_ =	shalt  }
0x6c: {  	_ =	shalt  }
0x6d: {  	_ =	shalt  }
0x6e: {  	_ =	shalt  }
0x6f: {  	_ =	shalt  }
0x70: {  	_ =	shalt  }
0x71: {  	_ =	shalt  }
0x72: {  	_ =	shalt  }
0x73: {  	_ =	shalt  }
0x74: {  	_ =	shalt  }
0x75: {  	_ =	shalt  }
0x76: {  	_ =	shalt  }
0x77: {  	_ =	shalt  }
0x78: {  	_ =	shalt  }
0x79: {  	_ =	shalt  }
0x7a: {  	_ =	shalt  }
0x7b: {  	_ =	shalt  }
0x7c: {  	_ =	shalt  }
0x7d: {  	_ =	shalt  }
0x7e: {  	_ =	shalt  }
0x7f: {  	_ =	shalt  }
0x80: {  	_ =	shalt  }
0x81: {  	_ =	shalt  }
0x82: {  	_ =	shalt  }
0x83: {  	_ =	shalt  }
0x84: {  	_ =	shalt  }
0x85: {  	_ =	shalt  }
0x86: {  	_ =	shalt  }
0x87: {  	_ =	shalt  }
.Lfunc_end0:
.L_simem_size_0:
called_computation.1_lowered:
.L_overlay_start_0:
0x88: {  	s2 =	sld [smem:$0x3FD9]  }
0x89: {  	s3 =	sld [smem:$0x3FFE];
	_ =	sdelay $0x1  }
0x8a: {  	s1 =	srdreg.scid  }
0x8b: {  	s0 =	sand.u32 $0x1, s1  }
0x8c: {  	s16 =	sshll.u32 s0, $0xA;
	s2 =	sadd.s32 s3, s2  }
0x8d: {  	s2 =	sadd.s32 s2, s16  }
0x8e: {  	[smem:$0x3FBF] =	sst s2  }
0x8f: {  	_ = 	snop  }
0x90: {  	(tm) =	ssettm $0x1  }
0x91: {  	s17 =	sld [smem:$0x3FFB];
	_ =	sdelay $0x3  }
0x92: {  	_ =	strace s17  }
0x93: {  	s2 =	sld [smem:$0x3FFC];
	_ =	sdelay $0x3  }
0x94: {  	_ =	strace s2  }
0x95: {  	s2 =	sld [smem:$0x3FFD];
	_ =	sdelay $0x3  }
0x96: {  	_ =	strace s2  }
0x97: {  	_ =	strace $0x8FFFFFFF  }
0x98: {  	s18 =	sld [smem:$0x3FDB];
	_ =	sdelay $0x1  }
0x99: {  	s19 =	simm.s32 $_scs_section_size  }
0x9a: {  	s4 =	simm.s32 $_size__tile_overlayer_lowered;
	s5 =	simm.s32 $_tile_overlayer_lowered  }
0x9b: {  	s22 =	simm.s32 $0x1BFF;
	s21 =	sshll.u32 s5, $0x1;
	s2 =	sadd.s32 s19, s18  }
0x9c: {  	s6 =	simm.s32 $0x0;
	s20 =	sshll.u32 s4, $0x1;
	s4 =	sadd.s32 s21, s2  }
0x9d: {  	[timem:s6], [sflag:s22] =	dma.local [hbm:s4], s20  }
0x9e: {  	_ =	swait.ge [sflag:s22], s20  }
0x9f: {  	s3 =	ssub.s32 $0x0, s20;
	[sflag:s22] =	ssyncset.done $0x0  }
0xa0: {  	[sflag:s22] =	ssyncadd.s32 s3;
	_ =	sdelay $0x1  }
0xa1: {  	s23 =	simm.s32 $0x1B8B  }
0xa2: {  	_ =	swait.ge [sflag:s23], $0x1  }
0xa3: {  	[sflag:s23] =	ssyncset.done $0x0  }
0xa4: {  	s25 =	simm.s32 $0x1B8E;
	s24 =	sld [smem:$0x3FFE];
	[sflag:s23] =	ssyncadd.s32 $0xFFFFFFFF  }
0xa5: {  	s26 =	simm.s32 $execute0_lowered;
	[smem:$0x3FD2] =	sst s25  }
0xa6: {  	s4 =	sshll.u32 s26, $0x1;
	_ =	strace $0x80000049;
	[dreg:$0x1] =	wrdreg $0xFFFFFFFF  }
0xa7: {  	s28 =	simm.s32 $_size_execute0_lowered;
	s2 =	sadd.s32 s2, s4;
	[dreg:$0x0] =	wrdreg $0x0  }
0xa8: {  	s4 =	sshll.u32 s28, $0x1;
	[dreg:$0x2] =	wrdreg s2  }
0xa9: {  	[dreg:$0x3] =	wrdreg s4  }
0xaa: {  	[dreg:$0x4] =	wrdreg $0xC0  }
0xab: {  	_ =	task [dreg:s6], $0x5FFFF  }
0xac: {  	[dreg:$0x1] =	wrdreg $0xFFFFFFFF  }
0xad: {  	[dreg:$0x0] =	wrdreg $0x60  }
0xae: {  	[dreg:$0x2] =	wrdreg s24  }
0xaf: {  	[dreg:$0x3] =	wrdreg $0x90000  }
0xb0: {  	[dreg:$0x4] =	wrdreg $0xDF000  }
0xb1: {  	[dreg:$0x5] =	wrdreg $0x9  }
0xb2: {  	_ =	task.clear_ibuf [dreg:s6], $0x6FFFF;
	_ =	strace $0x90000049  }
0xb3: {  	s29 =	simm.s32 $0x9;
	_ =	strace $0x8000004B  }
0xb4: {  	_ =	swait.ge [sflag:s29], $0x1  }
0xb5: {  	[sflag:s29] =	ssyncadd.s32 $0xFFFFFFFF  }
0xb6: {  	_ =	strace $0x9000004B  }
0xb7: {  	_ =	sfence  }
0xb8: {  	s30 =	sld [smem:$0x0];
	_ =	sdelay $0x2  }
0xb9: {  	s31 =	sshll.u32 s1, $0xD;
	s1 =	sshrl.u32 s1, $0x2  }
0xba: {  	s3 =	sand.u32 $0x4000, s31;
	s1 =	sadd.s32 s1, s30  }
0xbb: {  	s0 =	sor.u32 s3, s0;
	s1 =	sshll.u32 s1, $0x11  }
0xbc: {  	s0 =	sor.u32 s1, s0  }
0xbd: {  	s0 =	sadd.s32 $0x8F2B, s0  }
0xbe: {  	[sflag:s0] =	ssyncadd.remote.s32 $0x1  }
0xbf: {  	_ =	sfence.sel $0xFFFF  }
0xc0: {  	[dreg:$0x0] =	wrdreg $0xFFFFFFFF;
	(pc) =	sbr.abs _section_cstart, $3  }
0xc1: {  	[dreg:$0x1] =	wrdreg $0xFFFFFFFF  }
0xc2: {  	_ =	task.clear_ibuf [dreg:s6], $0x2FFFF;
	_ =	strace $0x9FFFFFFF  }
0xc3: {  	(tm) =	ssettm $0x7FFFFFFF  }
tec
execute0_lowered:
.L_overlay_start_1:
0x0: {  	(tag) =	ssettag $0x1  }
0x1: {  	s0 =	rddreg [dreg:$0x0]  }
0x2: {  	s1 =	srdreg.scid;
	s2 =	rddreg [dreg:$0x1]  }
0x3: {  	s8 =	stileid.u32;
	s3 =	rddreg [dreg:$0x2];
	s7 =	simm.s32 $0x0  }
0x4: {  	s13 =	simm.s32 $0x9;
	s14 =	simm.s32 $0x2800;
	s16 =	simm.s32 $0x1  }
0x5: {  	s29 =	simm.s32 $0x100;
	s31 =	simm.s32 $0x180;
	s28 =	simm.s32 $0x2  }
0x6: {  	s30 =	simm.s32 $0x5;
	s15 =	simm.s32 $0x6;
	s5 =	smul.u32 $0x50, s8  }
0x7: {  	s1 =	sand.u32 $0x1, s1;
	s6 =	smul.u32 $0x278, s8;
	[smem:$0x7FF] =	sst s7  }
0x8: {  	s18 =	sadd.s32 $0x9BA00, s0;
	s20 =	smul.u32 $0x13C00, s8;
	p0 =	sne.s32 s8, $0x0  }
0x9: {  	s10 =	sadd.s32 $0x9BA04, s0;
	p1 =	seq.s32 s8, $0x1;
	s4 =	smul.u32 $0x500, s1  }
0xa: {  	s26 =	sshrl.u32 s3, $0x3;
	s7 =	simm.s32 $0x0;
	s17 =	smul.u32 $0x2780, s1  }
0xb: {  	_ =	strace $0x8000004A;
	[dreg:$0x4] =	wrdreg s18;
	s1 =	ssub.s32 $0x2, s1  }
0xc: {  	[dreg:$0xb] =	wrdreg s26;
	s18 =	simm.s32 $0x8;
	s26 =	simm.s32 $0x8000  }
0xd: {  	s19 =	sshrl.u32 s1, $0x1;
	s22 =	sshrl.u32 s20, $0x2;
	s20 =	simm.s32 $0x80  }
0xe: {  	s4 =	sadd.s32 s5, s4;
	s5 =	sadd.s32 s6, s17;
	s1 =	ssub.s32 s1, s19  }
0xf: {  	s17 =	simm.s32 $0x4;
	s19 =	simm.s32 $0x2900;
	s6 =	simm.s32 $0x300  }
0x10: {  	s4 =	sshll.u32 s4, $0x4;
	s5 =	sshll.u32 s5, $0x3;
	s25 =	smax.u32 s1, $0x1  }
0x11: {  	s1 =	simm.s32 $0x3;
	s4 =	sadd.s32 s4, s0;
	s5 =	sadd.s32 s5, s0  }
0x12: {  	[dreg:$0xa] =	wrdreg s25;
	s0 =	simm.s32 $0x280;
	s21 =	sadd.s32 $0x1C400, s4  }
.Ltmp0:
0x13: {  	s4 =	sadd.s32 $0x3600, s4;
	[dreg:$0x5] =	wrdreg s21;
	(pc) =	sbr.rel .LBB2_1-.Ltmp0, $4  }
0x14: {  	s23 =	sadd.s32 $0xAF400, s5;
	s24 =	sadd.s32 $0xAF404, s5;
	[dreg:$0x6] =	wrdreg s4  }
0x15: {  	s5 =	simm.s32 $0x2980;
	[dreg:$0x7] =	wrdreg s23;
	s4 =	sadd.s32 s22, s2  }
0x16: {  	[dreg:$0x9] =	wrdreg s24;
	s21 =	simm.s32 $0x5000;
	s22 =	simm.s32 $0x6000  }
0x17: {  	s24 =	simm.s32 $0x7000;
	[dreg:$0x8] =	wrdreg s4;
	s4 =	simm.s32 $0x7  }
.LBB2_12:
0x18: {  	_ =	swait.ge [sflag:s30], $0x1000  }
0x19: {  	[sflag:s30] =	ssyncset.done $0x0  }
0x1a: {  	[sflag:s30] =	ssyncadd.s32 $0xFFFFF000  }
0x1b: {  	_ =	swait.ge [sflag:s15], $0x1000  }
0x1c: {  	[sflag:s15] =	ssyncset.done $0x0  }
0x1d: {  	[sflag:s15] =	ssyncadd.s32 $0xFFFFF000  }
0x1e: {  	_ =	swait.ge [sflag:s4], $0x1000  }
0x1f: {  	[sflag:s4] =	ssyncset.done $0x0  }
0x20: {  	[sflag:s4] =	ssyncadd.s32 $0xFFFFF000  }
0x21: {  	_ =	swait.ge [sflag:s18], $0x1000  }
0x22: {  	[sflag:s18] =	ssyncset.done $0x0  }
0x23: {  	[sflag:s18] =	ssyncadd.s32 $0xFFFFF000  }
0x24: {  	[bflag:$0x0] =	sbarrier.arrive $0xFFFF  }
0x25: {  	s11 =	rddreg [dreg:$0x9]  }
0x26: {  	[hbm:s11@s18], [sflag:s8] =	dma.strided [spmem:s9@s17], $0x9E0, s16, $0x4   }
0x27: {  	_ =	swait.ge [sflag:s13], $0x9E0  }
0x28: {  	s7 =	sadd.s32 $0x1, s7;
	s25 =	rddreg [dreg:$0xa]  }
0x29: {  	p2 =	sne.s32 s7, s25  }
.Ltmp1:
0x2a: {  	_ = 	snop;
	(pc) =	sbr.rel @!p2 .LBB2_13-.Ltmp1, $3  }
0x2b: {  	_ =	sdelay $0x1  }
0x2c: {  	[sflag:s13] =	ssyncset.done $0x0  }
0x2d: {  	s29 =	simm.s32 $0x100;
	s31 =	simm.s32 $0x180;
	[sflag:s13] =	ssyncadd.s32 $0xFFFFF620  }
.LBB2_1:
0x2e: {  	s8 =	simm.s32 $0x0;
	s9 =	rddreg [dreg:$0x5]  }
0x2f: {  	[tilespmem:s8], [sflag:$0x9] =	stream.linear.gather [hbm4b:s9+s8], $0x2800, $0x38;
	[tilespmem:$0x12D20] =	vst v63  }
0x30: {  	_ =	swait.ge [sflag:s13], $0x2800  }
0x31: {  	[sflag:s13] =	ssyncset.done $0x0  }
.Ltmp2:
0x32: {  	s25 =	rddreg [dreg:$0x6];
	[sflag:s13] =	ssyncadd.s32 $0xFFFFD800;
	(pc) =	sbr.rel @p1 .LBB2_4-.Ltmp2, $4  }
0x33: {  	[tilespmem:s14], [sflag:$0x9] =	stream.linear.gather [hbm4b:s25+s8], $0x2800, $0x38;
	[tilespmem:$0x12D20] =	vst v63  }
0x34: {  	_ =	swait.ge [sflag:s13], $0x2800  }
0x35: {  	[sflag:s13] =	ssyncset.done $0x0  }
0x36: {  	[sflag:s13] =	ssyncadd.s32 $0xFFFFD800  }
.Ltmp3:
0x37: {  	(pc) =	sbr.rel @p0 .LBB2_6-.Ltmp3, $2  }
0x38: {  	_ =	sdelay $0x2  }
0x39: {  	p2 =	por $0x0, $0x0  }
.Ltmp4:
0x3a: {  	(pc) =	sbr.rel .LBB2_5-.Ltmp4, $3  }
0x3b: {  	_ =	sdelay $0x1  }
0x3c: {  	s8 =	sshrl.u32 s2, $0x3;
	s9 =	rddreg [dreg:$0x4];
	s11 =	simm.s32 $0x1C09  }
0x3d: {  	[spmem:s8@s17], [sflag:s11] =	dma.strided [hbm:s9@s18], $0x9C40, s16, $0x4   }
.LBB2_4:
0x3e: {  	s8 =	rddreg [dreg:$0x4]  }
0x3f: {  	s9 =	rddreg [dreg:$0xb];
	s11 =	simm.s32 $0x1C49  }
0x40: {  	[spmem:s9@s17], [sflag:s11] =	dma.strided [hbm:s8@s18], $0x9C40, s16, $0x4   }
.LBB2_5:
0x41: {  	_ =	swait.ge [sflag:s13], $0x9C40  }
0x42: {  	[sflag:s13] =	ssyncset.done $0x0  }
0x43: {  	p2 =	por p0, p0;
	[sflag:s13] =	ssyncadd.s32 $0xFFFF63C0  }
.LBB2_6:
0x44: {  	[bflag:$0x0] =	sbarrier.arrive $0xFFFF;
	s8 =	simm.s32 $0x0  }
0x45: {  	[tilespmem:s21], [sflag:$0x1] =	stream.indirect.gather [spmem:s3], $0x20, s8, s20, $0xb8;
	[tilespmem:$0x12D20] =	vst v63  }
0x46: {  	_ = 	snop  }
0x47: {  	[tilespmem:s22], [sflag:$0x2] =	stream.indirect.gather [spmem:s3], $0x20, s20, s20, $0xb8;
	[tilespmem:$0x12D20] =	vst v63  }
0x48: {  	_ = 	snop  }
0x49: {  	[tilespmem:s24], [sflag:$0x3] =	stream.indirect.gather [spmem:s3], $0x20, s29, s20, $0xb8;
	[tilespmem:$0x12D20] =	vst v63  }
0x4a: {  	_ =	swait.ge [sflag:s16], $0x1000  }
0x4b: {  	[sflag:s16] =	ssyncset.done $0x0  }
0x4c: {  	[sflag:s16] =	ssyncadd.s32 $0xFFFFF000  }
0x4d: {  	[spmem:s2] =	stream.indirect.scatter.add.f32 [tilespmem:s21], [sflag:$0x5], $0x20, s14, s20, $0xb8;
	[tilespmem:$0x12D20] =	vst v63  }
0x4e: {  	_ = 	snop  }
0x4f: {  	[tilespmem:s26], [sflag:$0x4] =	stream.indirect.gather [spmem:s3], $0x20, s31, s20, $0xb8;
	[tilespmem:$0x12D20] =	vst v63  }
0x50: {  	_ =	swait.ge [sflag:s28], $0x1000  }
0x51: {  	[sflag:s28] =	ssyncset.done $0x0  }
0x52: {  	s9 =	simm.s32 $0x2880;
	[sflag:s28] =	ssyncadd.s32 $0xFFFFF000  }
0x53: {  	[spmem:s2] =	stream.indirect.scatter.add.f32 [tilespmem:s22], [sflag:$0x6], $0x20, s9, s20, $0xb8;
	[tilespmem:$0x12D20] =	vst v63  }
0x54: {  	_ =	swait.ge [sflag:s30], $0x1000  }
0x55: {  	[sflag:s30] =	ssyncset.done $0x0  }
0x56: {  	s25 =	simm.s32 $0x200;
	[sflag:s30] =	ssyncadd.s32 $0xFFFFF000  }
0x57: {  	[tilespmem:s21], [sflag:$0x1] =	stream.indirect.gather [spmem:s3], $0x20, s25, s20, $0xb8;
	[tilespmem:$0x12D20] =	vst v63  }
0x58: {  	_ =	swait.ge [sflag:s1], $0x1000  }
0x59: {  	[sflag:s1] =	ssyncset.done $0x0  }
0x5a: {  	[sflag:s1] =	ssyncadd.s32 $0xFFFFF000  }
0x5b: {  	[spmem:s2] =	stream.indirect.scatter.add.f32 [tilespmem:s24], [sflag:$0x7], $0x20, s19, s20, $0xb8;
	[tilespmem:$0x12D20] =	vst v63  }
0x5c: {  	_ =	swait.ge [sflag:s15], $0x1000  }
0x5d: {  	[sflag:s15] =	ssyncset.done $0x0  }
0x5e: {  	[sflag:s15] =	ssyncadd.s32 $0xFFFFF000  }
0x5f: {  	[tilespmem:s22], [sflag:$0x2] =	stream.indirect.gather [spmem:s3], $0x20, s0, s20, $0xb8;
	[tilespmem:$0x12D20] =	vst v63  }
0x60: {  	_ =	swait.ge [sflag:s17], $0x1000  }
0x61: {  	[sflag:s17] =	ssyncset.done $0x0  }
0x62: {  	[sflag:s17] =	ssyncadd.s32 $0xFFFFF000  }
0x63: {  	[spmem:s2] =	stream.indirect.scatter.add.f32 [tilespmem:s26], [sflag:$0x8], $0x20, s5, s20, $0xb8;
	[tilespmem:$0x12D20] =	vst v63  }
0x64: {  	_ =	swait.ge [sflag:s4], $0x1000  }
0x65: {  	[sflag:s4] =	ssyncset.done $0x0  }
0x66: {  	[sflag:s4] =	ssyncadd.s32 $0xFFFFF000  }
0x67: {  	[tilespmem:s24], [sflag:$0x3] =	stream.indirect.gather [spmem:s3], $0x20, s6, s20, $0xb8;
	[tilespmem:$0x12D20] =	vst v63  }
.LBB2_7:
0x68: {  	_ =	swait.ge [sflag:s16], $0x1000  }
0x69: {  	s9 =	sshra.s32 s8, $0x2;
	[sflag:s16] =	ssyncset.done $0x0  }
0x6a: {  	s11 =	sadd.s32 $0x2A00, s9;
	[sflag:s16] =	ssyncadd.s32 $0xFFFFF000  }
0x6b: {  	[spmem:s2] =	stream.indirect.scatter.add.f32 [tilespmem:s21], [sflag:$0x5], $0x20, s11, s20, $0xb8;
	[tilespmem:$0x12D20] =	vst v63  }
0x6c: {  	_ =	swait.ge [sflag:s18], $0x1000  }
0x6d: {  	[sflag:s18] =	ssyncset.done $0x0  }
0x6e: {  	s12 =	sadd.s32 $0x380, s9;
	[sflag:s18] =	ssyncadd.s32 $0xFFFFF000  }
0x6f: {  	[tilespmem:s26], [sflag:$0x4] =	stream.indirect.gather [spmem:s3], $0x20, s12, s20, $0xb8;
	[tilespmem:$0x12D20] =	vst v63  }
0x70: {  	_ =	swait.ge [sflag:s28], $0x1000  }
0x71: {  	p3 =	seq.s32 s8, $0x9000;
	[sflag:s28] =	ssyncset.done $0x0  }
0x72: {  	s23 =	sadd.s32 $0x2A80, s9;
	s11 =	simm.s32 @p3 $0x3;
	[sflag:s28] =	ssyncadd.s32 $0xFFFFF000  }
0x73: {  	[spmem:s2] =	stream.indirect.scatter.add.f32 [tilespmem:s22], [sflag:$0x6], $0x20, s23, s20, $0xb8;
	[tilespmem:$0x12D20] =	vst v63  }
0x74: {  	_ =	swait.ge @p3 [sflag:s11], $0x1000  }
0x75: {  	[sflag:s11] =	ssyncset.done @p3 $0x0  }
0x76: {  	[sflag:s11] =	ssyncadd.s32 @p3 $0xFFFFF000;
	s11 =	sshra.s32 @p3 s8, $0x2  }
0x77: {  	s12 =	simm.s32 @p3 $0x80;
	s23 =	simm.s32 @p3 $0x7000;
	s11 =	sadd.s32 @p3 $0x2B00, s11  }
0x78: {  	[spmem:s2] =	stream.indirect.scatter.add.f32 @p3 [tilespmem:s23], [sflag:$0x7], $0x20, s11, s12, $0xb8;
	[tilespmem:$0x12D20] =	vst v63  }
0x79: {  	s11 =	simm.s32 @!p3 $0x5  }
0x7a: {  	_ =	swait.ge @!p3 [sflag:s11], $0x1000  }
0x7b: {  	[sflag:s11] =	ssyncset.done @!p3 $0x0  }
0x7c: {  	[sflag:s11] =	ssyncadd.s32 @!p3 $0xFFFFF000;
	s11 =	sshra.s32 @!p3 s8, $0x2  }
0x7d: {  	s25 =	simm.s32 @!p3 $0x5000;
	s23 =	simm.s32 @!p3 $0x80;
	s12 =	sadd.s32 @!p3 $0x400, s11  }
0x7e: {  	[tilespmem:s25], [sflag:$0x1] =	stream.indirect.gather @!p3 [spmem:s3], $0x20, s12, s23, $0xb8;
	[tilespmem:$0x12D20] =	vst v63  }
0x7f: {  	s12 =	simm.s32 @!p3 $0x3  }
0x80: {  	_ =	swait.ge @!p3 [sflag:s12], $0x1000  }
0x81: {  	[sflag:s12] =	ssyncset.done @!p3 $0x0  }
0x82: {  	s25 =	simm.s32 @!p3 $0x7000;
	[sflag:s12] =	ssyncadd.s32 @!p3 $0xFFFFF000;
	s12 =	sadd.s32 @!p3 $0x2B00, s11  }
0x83: {  	[spmem:s2] =	stream.indirect.scatter.add.f32 @!p3 [tilespmem:s25], [sflag:$0x7], $0x20, s12, s23, $0xb8;
	[tilespmem:$0x12D20] =	vst v63  }
0x84: {  	s12 =	simm.s32 @!p3 $0x6  }
0x85: {  	_ =	swait.ge @!p3 [sflag:s12], $0x1000  }
0x86: {  	[sflag:s12] =	ssyncset.done @!p3 $0x0  }
0x87: {  	s11 =	sadd.s32 @!p3 $0x480, s11;
	[sflag:s12] =	ssyncadd.s32 @!p3 $0xFFFFF000;
	s12 =	simm.s32 @!p3 $0x6000  }
0x88: {  	[tilespmem:s12], [sflag:$0x2] =	stream.indirect.gather @!p3 [spmem:s3], $0x20, s11, s23, $0xb8;
	[tilespmem:$0x12D20] =	vst v63  }
.Ltmp5:
0x89: {  	_ = 	snop;
	(pc) =	sbr.rel @p3 .LBB2_9-.Ltmp5, $4  }
0x8a: {  	_ =	swait.ge [sflag:s17], $0x1000  }
0x8b: {  	[sflag:s17] =	ssyncset.done $0x0  }
0x8c: {  	s25 =	sadd.s32 $0x2B80, s9;
	[sflag:s17] =	ssyncadd.s32 $0xFFFFF000  }
0x8d: {  	[spmem:s2] =	stream.indirect.scatter.add.f32 [tilespmem:s26], [sflag:$0x8], $0x20, s25, s20, $0xb8;
	[tilespmem:$0x12D20] =	vst v63  }
.Ltmp6:
0x8e: {  	(pc) =	sbr.rel .LBB2_7-.Ltmp6, $4  }
0x8f: {  	_ =	swait.ge [sflag:s4], $0x1000  }
0x90: {  	[sflag:s4] =	ssyncset.done $0x0  }
0x91: {  	s9 =	sadd.s32 $0x500, s9;
	s8 =	sadd.s32 $0x800, s8;
	[sflag:s4] =	ssyncadd.s32 $0xFFFFF000  }
0x92: {  	[tilespmem:s24], [sflag:$0x3] =	stream.indirect.gather [spmem:s3], $0x20, s9, s20, $0xb8;
	[tilespmem:$0x12D20] =	vst v63  }
.LBB2_9:
0x93: {  	_ =	swait.ge [sflag:s30], $0x1000  }
0x94: {  	[sflag:s30] =	ssyncset.done $0x0  }
0x95: {  	[sflag:s30] =	ssyncadd.s32 $0xFFFFF000  }
0x96: {  	_ =	swait.ge [sflag:s15], $0x1000  }
0x97: {  	[sflag:s15] =	ssyncset.done $0x0  }
0x98: {  	[sflag:s15] =	ssyncadd.s32 $0xFFFFF000  }
0x99: {  	_ =	swait.ge [sflag:s4], $0x1000  }
0x9a: {  	[sflag:s4] =	ssyncset.done $0x0  }
0x9b: {  	[sflag:s4] =	ssyncadd.s32 $0xFFFFF000  }
0x9c: {  	_ =	swait.ge [sflag:s18], $0x1000  }
0x9d: {  	[sflag:s18] =	ssyncset.done $0x0  }
0x9e: {  	[sflag:s18] =	ssyncadd.s32 $0xFFFFF000  }
0x9f: {  	s8 =	stileid.u32;
	[bflag:$0x0] =	sbarrier.arrive $0xFFFF  }
0xa0: {  	s8 =	sshll.u32 s8, $0x6;
	s9 =	rddreg [dreg:$0x8]  }
0xa1: {  	s8 =	sor.u32 $0x1C09, s8;
	s11 =	rddreg [dreg:$0x7];
	s9 =	sshrl.u32 s9, $0x3  }
0xa2: {  	[hbm:s11@s18], [sflag:s8] =	dma.strided [spmem:s9@s17], $0x9E0, s16, $0x4   }
0xa3: {  	_ =	swait.ge [sflag:s13], $0x9E0  }
0xa4: {  	[sflag:s13] =	ssyncset.done $0x0  }
0xa5: {  	s12 =	simm.s32 @!p0 $0x1;
	s23 =	simm.s32 @!p0 $0x4;
	[sflag:s13] =	ssyncadd.s32 $0xFFFFF620  }
0xa6: {  	s25 =	simm.s32 @!p0 $0x8;
	s11 =	sshrl.u32 @!p0 s2, $0x3;
	[bflag:$0x0] =	sbarrier.arrive $0xFFFF  }
0xa7: {  	[spmem:s11@s23], [sflag:s8] =	dma.strided @!p0 [hbm:s10@s25], $0x9C40, s12, $0x4   }
0xa8: {  	s11 =	simm.s32 @!p0 $0x9  }
0xa9: {  	_ =	swait.ge @!p0 [sflag:s11], $0x9C40  }
0xaa: {  	s12 =	simm.s32 @p2 $0x1;
	s23 =	simm.s32 @p2 $0x4;
	[sflag:s11] =	ssyncset.done @!p0 $0x0  }
0xab: {  	s25 =	simm.s32 @p2 $0x8;
	[sflag:s11] =	ssyncadd.s32 @!p0 $0xFFFF63C0;
	s11 =	sshrl.u32 @p2 s3, $0x3  }
0xac: {  	[spmem:s11@s23], [sflag:s8] =	dma.strided @p2 [hbm:s10@s25], $0x9C40, s12, $0x4   }
0xad: {  	s11 =	simm.s32 @p2 $0x9  }
0xae: {  	_ =	swait.ge @p2 [sflag:s11], $0x9C40  }
0xaf: {  	[sflag:s11] =	ssyncset.done @p2 $0x0  }
0xb0: {  	[sflag:s11] =	ssyncadd.s32 @p2 $0xFFFF63C0  }
0xb1: {  	s11 =	simm.s32 $0x0;
	[bflag:$0x0] =	sbarrier.arrive $0xFFFF  }
0xb2: {  	[tilespmem:s21], [sflag:$0x1] =	stream.indirect.gather [spmem:s3], $0x20, s11, s20, $0xb8;
	[tilespmem:$0x12D20] =	vst v63  }
0xb3: {  	_ = 	snop  }
0xb4: {  	[tilespmem:s22], [sflag:$0x2] =	stream.indirect.gather [spmem:s3], $0x20, s20, s20, $0xb8;
	[tilespmem:$0x12D20] =	vst v63  }
0xb5: {  	_ = 	snop  }
0xb6: {  	[tilespmem:s24], [sflag:$0x3] =	stream.indirect.gather [spmem:s3], $0x20, s29, s20, $0xb8;
	[tilespmem:$0x12D20] =	vst v63  }
0xb7: {  	_ =	swait.ge [sflag:s16], $0x1000  }
0xb8: {  	[sflag:s16] =	ssyncset.done $0x0  }
0xb9: {  	[sflag:s16] =	ssyncadd.s32 $0xFFFFF000  }
0xba: {  	[spmem:s2] =	stream.indirect.scatter.add.f32 [tilespmem:s21], [sflag:$0x5], $0x20, s14, s20, $0xb8;
	[tilespmem:$0x12D20] =	vst v63  }
0xbb: {  	_ = 	snop  }
0xbc: {  	[tilespmem:s26], [sflag:$0x4] =	stream.indirect.gather [spmem:s3], $0x20, s31, s20, $0xb8;
	[tilespmem:$0x12D20] =	vst v63  }
0xbd: {  	_ =	swait.ge [sflag:s28], $0x1000  }
0xbe: {  	[sflag:s28] =	ssyncset.done $0x0  }
0xbf: {  	s29 =	simm.s32 $0x2880;
	[sflag:s28] =	ssyncadd.s32 $0xFFFFF000  }
0xc0: {  	[spmem:s2] =	stream.indirect.scatter.add.f32 [tilespmem:s22], [sflag:$0x6], $0x20, s29, s20, $0xb8;
	[tilespmem:$0x12D20] =	vst v63  }
0xc1: {  	_ =	swait.ge [sflag:s30], $0x1000  }
0xc2: {  	[sflag:s30] =	ssyncset.done $0x0  }
0xc3: {  	s31 =	simm.s32 $0x200;
	[sflag:s30] =	ssyncadd.s32 $0xFFFFF000  }
0xc4: {  	[tilespmem:s21], [sflag:$0x1] =	stream.indirect.gather [spmem:s3], $0x20, s31, s20, $0xb8;
	[tilespmem:$0x12D20] =	vst v63  }
0xc5: {  	_ =	swait.ge [sflag:s1], $0x1000  }
0xc6: {  	[sflag:s1] =	ssyncset.done $0x0  }
0xc7: {  	[sflag:s1] =	ssyncadd.s32 $0xFFFFF000  }
0xc8: {  	[spmem:s2] =	stream.indirect.scatter.add.f32 [tilespmem:s24], [sflag:$0x7], $0x20, s19, s20, $0xb8;
	[tilespmem:$0x12D20] =	vst v63  }
0xc9: {  	_ =	swait.ge [sflag:s15], $0x1000  }
0xca: {  	[sflag:s15] =	ssyncset.done $0x0  }
0xcb: {  	[sflag:s15] =	ssyncadd.s32 $0xFFFFF000  }
0xcc: {  	[tilespmem:s22], [sflag:$0x2] =	stream.indirect.gather [spmem:s3], $0x20, s0, s20, $0xb8;
	[tilespmem:$0x12D20] =	vst v63  }
0xcd: {  	_ =	swait.ge [sflag:s17], $0x1000  }
0xce: {  	[sflag:s17] =	ssyncset.done $0x0  }
0xcf: {  	[sflag:s17] =	ssyncadd.s32 $0xFFFFF000  }
0xd0: {  	[spmem:s2] =	stream.indirect.scatter.add.f32 [tilespmem:s26], [sflag:$0x8], $0x20, s5, s20, $0xb8;
	[tilespmem:$0x12D20] =	vst v63  }
0xd1: {  	_ =	swait.ge [sflag:s4], $0x1000  }
0xd2: {  	[sflag:s4] =	ssyncset.done $0x0  }
0xd3: {  	[sflag:s4] =	ssyncadd.s32 $0xFFFFF000  }
0xd4: {  	[tilespmem:s24], [sflag:$0x3] =	stream.indirect.gather [spmem:s3], $0x20, s6, s20, $0xb8;
	[tilespmem:$0x12D20] =	vst v63  }
.LBB2_10:
0xd5: {  	_ =	swait.ge [sflag:s16], $0x1000  }
0xd6: {  	s12 =	sshra.s32 s11, $0x2;
	[sflag:s16] =	ssyncset.done $0x0  }
0xd7: {  	s23 =	sadd.s32 $0x2A00, s12;
	[sflag:s16] =	ssyncadd.s32 $0xFFFFF000  }
0xd8: {  	[spmem:s2] =	stream.indirect.scatter.add.f32 [tilespmem:s21], [sflag:$0x5], $0x20, s23, s20, $0xb8;
	[tilespmem:$0x12D20] =	vst v63  }
0xd9: {  	_ =	swait.ge [sflag:s18], $0x1000  }
0xda: {  	[sflag:s18] =	ssyncset.done $0x0  }
0xdb: {  	s25 =	sadd.s32 $0x380, s12;
	[sflag:s18] =	ssyncadd.s32 $0xFFFFF000  }
0xdc: {  	[tilespmem:s26], [sflag:$0x4] =	stream.indirect.gather [spmem:s3], $0x20, s25, s20, $0xb8;
	[tilespmem:$0x12D20] =	vst v63  }
0xdd: {  	_ =	swait.ge [sflag:s28], $0x1000  }
0xde: {  	p2 =	seq.s32 s11, $0x9000;
	[sflag:s28] =	ssyncset.done $0x0  }
0xdf: {  	s29 =	sadd.s32 $0x2A80, s12;
	s23 =	simm.s32 @p2 $0x3;
	[sflag:s28] =	ssyncadd.s32 $0xFFFFF000  }
0xe0: {  	[spmem:s2] =	stream.indirect.scatter.add.f32 [tilespmem:s22], [sflag:$0x6], $0x20, s29, s20, $0xb8;
	[tilespmem:$0x12D20] =	vst v63  }
0xe1: {  	_ =	swait.ge @p2 [sflag:s23], $0x1000  }
0xe2: {  	[sflag:s23] =	ssyncset.done @p2 $0x0  }
0xe3: {  	[sflag:s23] =	ssyncadd.s32 @p2 $0xFFFFF000;
	s23 =	sshra.s32 @p2 s11, $0x2  }
0xe4: {  	s25 =	simm.s32 @p2 $0x80;
	s29 =	simm.s32 @p2 $0x7000;
	s23 =	sadd.s32 @p2 $0x2B00, s23  }
0xe5: {  	[spmem:s2] =	stream.indirect.scatter.add.f32 @p2 [tilespmem:s29], [sflag:$0x7], $0x20, s23, s25, $0xb8;
	[tilespmem:$0x12D20] =	vst v63  }
0xe6: {  	s23 =	simm.s32 @!p2 $0x5  }
0xe7: {  	_ =	swait.ge @!p2 [sflag:s23], $0x1000  }
0xe8: {  	[sflag:s23] =	ssyncset.done @!p2 $0x0  }
0xe9: {  	[sflag:s23] =	ssyncadd.s32 @!p2 $0xFFFFF000;
	s23 =	sshra.s32 @!p2 s11, $0x2  }
0xea: {  	s31 =	simm.s32 @!p2 $0x5000;
	s29 =	simm.s32 @!p2 $0x80;
	s25 =	sadd.s32 @!p2 $0x400, s23  }
0xeb: {  	[tilespmem:s31], [sflag:$0x1] =	stream.indirect.gather @!p2 [spmem:s3], $0x20, s25, s29, $0xb8;
	[tilespmem:$0x12D20] =	vst v63  }
0xec: {  	s25 =	simm.s32 @!p2 $0x3  }
0xed: {  	_ =	swait.ge @!p2 [sflag:s25], $0x1000  }
0xee: {  	[sflag:s25] =	ssyncset.done @!p2 $0x0  }
0xef: {  	s31 =	simm.s32 @!p2 $0x7000;
	[sflag:s25] =	ssyncadd.s32 @!p2 $0xFFFFF000;
	s25 =	sadd.s32 @!p2 $0x2B00, s23  }
0xf0: {  	[spmem:s2] =	stream.indirect.scatter.add.f32 @!p2 [tilespmem:s31], [sflag:$0x7], $0x20, s25, s29, $0xb8;
	[tilespmem:$0x12D20] =	vst v63  }
0xf1: {  	s25 =	simm.s32 @!p2 $0x6  }
0xf2: {  	_ =	swait.ge @!p2 [sflag:s25], $0x1000  }
0xf3: {  	[sflag:s25] =	ssyncset.done @!p2 $0x0  }
0xf4: {  	s23 =	sadd.s32 @!p2 $0x480, s23;
	[sflag:s25] =	ssyncadd.s32 @!p2 $0xFFFFF000;
	s25 =	simm.s32 @!p2 $0x6000  }
0xf5: {  	[tilespmem:s25], [sflag:$0x2] =	stream.indirect.gather @!p2 [spmem:s3], $0x20, s23, s29, $0xb8;
	[tilespmem:$0x12D20] =	vst v63  }
.Ltmp7:
0xf6: {  	_ = 	snop;
	(pc) =	sbr.rel @p2 .LBB2_12-.Ltmp7, $4  }
0xf7: {  	_ =	swait.ge [sflag:s17], $0x1000  }
0xf8: {  	[sflag:s17] =	ssyncset.done $0x0  }
0xf9: {  	s31 =	sadd.s32 $0x2B80, s12;
	[sflag:s17] =	ssyncadd.s32 $0xFFFFF000  }
0xfa: {  	[spmem:s2] =	stream.indirect.scatter.add.f32 [tilespmem:s26], [sflag:$0x8], $0x20, s31, s20, $0xb8;
	[tilespmem:$0x12D20] =	vst v63  }
.Ltmp8:
0xfb: {  	(pc) =	sbr.rel .LBB2_10-.Ltmp8, $4  }
0xfc: {  	_ =	swait.ge [sflag:s4], $0x1000  }
0xfd: {  	[sflag:s4] =	ssyncset.done $0x0  }
0xfe: {  	s12 =	sadd.s32 $0x500, s12;
	s11 =	sadd.s32 $0x800, s11;
	[sflag:s4] =	ssyncadd.s32 $0xFFFFF000  }
0xff: {  	[tilespmem:s24], [sflag:$0x3] =	stream.indirect.gather [spmem:s3], $0x20, s12, s20, $0xb8;
	[tilespmem:$0x12D20] =	vst v63  }
.LBB2_13:
0x100: {  	_ =	sfence.sel $0x180000  }
0x101: {  	[bflag:$0x0] =	sbarrier.arrive $0xFFFF  }
0x102: {  	_ =	strace $0x9000004A  }
0x103: {  	s0 =	stileid.u32;
	[bflag:$0x2] =	sbarrier.arrive $0xFFFF  }
0x104: {  	p0 =	sne.s32 s0, $0x0;
	s0 =	rddreg [dreg:$0x3]  }
0x105: {  	s0 =	sadd.s32 @!p0 $0x100000, s0  }
0x106: {  	[sflag:s0] =	ssyncadd.tile.s32 @!p0 $0x1;
	_ =	shalt  }
.Lfunc_end2:
_tile_overlayer_lowered:
.L_overlay_start_2:
0x107: {  	(tag) =	ssettag $0x2  }
0x108: {  	s0 =	rddreg [dreg:$0x0];
	s2 =	stileid.u32  }
0x109: {  	s1 =	rddreg [dreg:$0x1];
	p0 =	sne.s32 s2, $0x0  }
0x10a: {  	s3 =	rddreg [dreg:$0x2];
	[bflag:$0x3] =	sbarrier.arrive $0xFFFF;
	s2 =	simm.s32 @!p0 $0x1C09  }
0x10b: {  	[timem:s3], [sflag:s2] =	dma.local @!p0 [hbm:s0], s1  }
0x10c: {  	s0 =	simm.s32 @!p0 $0x9  }
0x10d: {  	_ =	swait.ge @!p0 [sflag:s0], s1  }
0x10e: {  	s1 =	ssub.s32 @!p0 $0x0, s1;
	[sflag:s0] =	ssyncset.done @!p0 $0x0  }
0x10f: {  	[sflag:s0] =	ssyncadd.s32 @!p0 s1  }
0x110: {  	[bflag:$0x3] =	sbarrier.arrive $0xFFFF  }
0x111: {  	_ =	shalt  }

// kernel: kernel.14.cloned.1.call-start
scs
__scs_entry_jumppad:
0x0: {  	(pc) =	sbr.rel $0x88, $3  }
0x1: {  	(tag) =	ssettag $0x0;
	lr =	simm.s32 $0x1  }
0x2: {  	[smem:$0x3F98] =	sst lr;
	_ =	strace $0xD0000000  }
0x3: {  	_ = 	snop  }
0x4: {  	_ = 	snop  }
0x5: {  	_ = 	snop  }
0x6: {  	_ = 	snop  }
0x7: {  	_ = 	snop  }
__scs_overlays_trampoline_lowered:
0x8: {  	[smem:$0x3FA7] =	sst s0  }
0x9: {  	[smem:$0x3FA8] =	sst s1  }
0xa: {  	[smem:$0x3FA9] =	sst s2  }
0xb: {  	[smem:$0x3FAA] =	sst s3  }
0xc: {  	[smem:$0x3FAB] =	sst s4  }
0xd: {  	[smem:$0x3FAC] =	sst s5  }
0xe: {  	[smem:$0x3FAD] =	sst s6  }
0xf: {  	[smem:$0x3FAE] =	sst s7  }
0x10: {  	[smem:$0x3FAF] =	sst s8  }
0x11: {  	[smem:$0x3FB0] =	sst s9;
	s0 =	simm.s32 @!p0 $0x0  }
0x12: {  	s1 =	sld [smem:$0x3F96];
	s0 =	simm.s32 @p0 $0x1  }
0x13: {  	[smem:$0x3FB1] =	sst s0;
	s0 =	simm.s32 @!p1 $0x0  }
0x14: {  	s2 =	sld [smem:$0x3F95];
	s0 =	simm.s32 @p1 $0x1  }
0x15: {  	[smem:$0x3FB2] =	sst s0;
	s0 =	simm.s32 @!p2 $0x0  }
0x16: {  	s3 =	sld [smem:$0x3FDB];
	s0 =	simm.s32 @p2 $0x1  }
0x17: {  	s4 =	simm.s32 $0x1BF5;
	[smem:$0x3FB4] =	sst s0  }
0x18: {  	s0 =	sld [smem:$0x3F97];
	_ =	swait.ge [sflag:s4], $0x0  }
0x19: {  	s7 =	sld [smem:$0x3F98]  }
0x1a: {  	s8 =	sadd.s32 $0xFFFFE003, lr  }
0x1b: {  	s9 =	sadd.s32 $0xFFFFFEF7, lr;
	s5 =	simm.s32 $0xFFFFFFFF;
	p2 =	slt.u32 s8, $0xFFFFF086  }
0x1c: {  	p1 =	slt.u32 s9, $0xF7A;
	s5 =	simm.s32 @!p2 $0x0  }
0x1d: {  	s5 =	simm.s32 @p1 $0x1;
	p0 =	seq.s32 s7, s2  }
0x1e: {  	s7 =	smul.u32 @!p0 $0xF7A, s2;
	p2 =	seq.s32 @!p0 s5, $0x0  }
0x1f: {  	s9 =	smul.u32 $0xF7A, s1;
	s8 =	simm.s32 @!p0 $0x1BF5;
	p2 =	por !p2, p0  }
0x20: {  	[sflag:s8] =	ssyncset.s32 @!p0 $0xFFFFF086;
	s6 =	sadd.s32 @!p0 s3, s7;
	s7 =	simm.s32 @!p0 $0x108  }
0x21: {  	s3 =	sadd.s32 s3, s9;
	s6 =	sadd.s32 @!p0 $0x88, s6;
	s7 =	simm.s32 @p2 $0x1082  }
0x22: {  	[simem:s7], [sflag:s8] =	dma.local @!p0 [hbm:s6], $0xF7A  }
0x23: {  	s9 =	sor.u32 $0xD0000000, s2;
	s6 =	simm.s32 $0x108;
	_ =	swait.ge @!p0 [sflag:s8], $0x0  }
0x24: {  	s3 =	sadd.s32 $0x88, s3;
	s6 =	simm.s32 @!p1 $0x1082;
	[sflag:s4] =	ssyncset.s32 $0xFFFFF086  }
0x25: {  	[simem:s6], [sflag:s4] =	dma.local [hbm:s3], $0xF7A  }
0x26: {  	[smem:$0x3F98] =	sst s1;
	(tag) =	ssettag s2;
	_ =	strace s9  }
0x27: {  	s1 =	sld [smem:$0x3FA8]  }
0x28: {  	s2 =	sld [smem:$0x3FA9]  }
0x29: {  	s4 =	sld [smem:$0x3FAB]  }
0x2a: {  	p0 =	seq.s32 s5, $0x0;
	s5 =	sld [smem:$0x3FAC]  }
0x2b: {  	s6 =	sld [smem:$0x3FAD]  }
0x2c: {  	s7 =	sld [smem:$0x3FAE]  }
0x2d: {  	s3 =	simm.s32 $0x108;
	s8 =	sld [smem:$0x3FAF]  }
0x2e: {  	s3 =	simm.s32 @!p0 $0x1082;
	s9 =	sld [smem:$0x3FB0]  }
0x2f: {  	lr =	sadd.s32 s0, s3;
	s0 =	sld [smem:$0x3FA7]  }
0x30: {  	s3 =	sld [smem:$0x3FAA]  }
0x31: {  	[smem:$0x3FB3] =	sst s10  }
0x32: {  	s10 =	sld [smem:$0x3FB1];
	_ =	sdelay $0x3  }
0x33: {  	p0 =	seq.s32 s10, $0x1;
	s10 =	sld [smem:$0x3FB3];
	_ =	sdelay $0x3  }
0x34: {  	[smem:$0x3FB3] =	sst s10  }
0x35: {  	s10 =	sld [smem:$0x3FB2];
	_ =	sdelay $0x3  }
0x36: {  	p1 =	seq.s32 s10, $0x1;
	s10 =	sld [smem:$0x3FB3];
	_ =	sdelay $0x3  }
0x37: {  	[smem:$0x3FB3] =	sst s10  }
0x38: {  	s10 =	sld [smem:$0x3FB4]  }
0x39: {  	_ = 	snop;
	(pc) =	sbr.ind lr, $3  }
0x3a: {  	_ = 	snop  }
0x3b: {  	_ = 	snop  }
0x3c: {  	p2 =	seq.s32 s10, $0x1;
	s10 =	sld [smem:$0x3FB3]  }
0x3d: {  	_ =	shalt  }
0x3e: {  	_ =	shalt  }
0x3f: {  	_ =	shalt  }
0x40: {  	_ =	shalt  }
0x41: {  	_ =	shalt  }
0x42: {  	_ =	shalt  }
0x43: {  	_ =	shalt  }
0x44: {  	_ =	shalt  }
0x45: {  	_ =	shalt  }
0x46: {  	_ =	shalt  }
0x47: {  	_ =	shalt  }
0x48: {  	_ =	shalt  }
0x49: {  	_ =	shalt  }
0x4a: {  	_ =	shalt  }
0x4b: {  	_ =	shalt  }
0x4c: {  	_ =	shalt  }
0x4d: {  	_ =	shalt  }
0x4e: {  	_ =	shalt  }
0x4f: {  	_ =	shalt  }
0x50: {  	_ =	shalt  }
0x51: {  	_ =	shalt  }
0x52: {  	_ =	shalt  }
0x53: {  	_ =	shalt  }
0x54: {  	_ =	shalt  }
0x55: {  	_ =	shalt  }
0x56: {  	_ =	shalt  }
0x57: {  	_ =	shalt  }
0x58: {  	_ =	shalt  }
0x59: {  	_ =	shalt  }
0x5a: {  	_ =	shalt  }
0x5b: {  	_ =	shalt  }
0x5c: {  	_ =	shalt  }
0x5d: {  	_ =	shalt  }
0x5e: {  	_ =	shalt  }
0x5f: {  	_ =	shalt  }
0x60: {  	_ =	shalt  }
0x61: {  	_ =	shalt  }
0x62: {  	_ =	shalt  }
0x63: {  	_ =	shalt  }
0x64: {  	_ =	shalt  }
0x65: {  	_ =	shalt  }
0x66: {  	_ =	shalt  }
0x67: {  	_ =	shalt  }
0x68: {  	_ =	shalt  }
0x69: {  	_ =	shalt  }
0x6a: {  	_ =	shalt  }
0x6b: {  	_ =	shalt  }
0x6c: {  	_ =	shalt  }
0x6d: {  	_ =	shalt  }
0x6e: {  	_ =	shalt  }
0x6f: {  	_ =	shalt  }
0x70: {  	_ =	shalt  }
0x71: {  	_ =	shalt  }
0x72: {  	_ =	shalt  }
0x73: {  	_ =	shalt  }
0x74: {  	_ =	shalt  }
0x75: {  	_ =	shalt  }
0x76: {  	_ =	shalt  }
0x77: {  	_ =	shalt  }
0x78: {  	_ =	shalt  }
0x79: {  	_ =	shalt  }
0x7a: {  	_ =	shalt  }
0x7b: {  	_ =	shalt  }
0x7c: {  	_ =	shalt  }
0x7d: {  	_ =	shalt  }
0x7e: {  	_ =	shalt  }
0x7f: {  	_ =	shalt  }
0x80: {  	_ =	shalt  }
0x81: {  	_ =	shalt  }
0x82: {  	_ =	shalt  }
0x83: {  	_ =	shalt  }
0x84: {  	_ =	shalt  }
0x85: {  	_ =	shalt  }
0x86: {  	_ =	shalt  }
0x87: {  	_ =	shalt  }
.Lfunc_end0:
.L_simem_size_0:
called_computation.2_lowered:
.L_overlay_start_0:
0x88: {  	s2 =	sld [smem:$0x3FD9]  }
0x89: {  	s3 =	sld [smem:$0x3FFE];
	_ =	sdelay $0x1  }
0x8a: {  	s1 =	srdreg.scid  }
0x8b: {  	s0 =	sand.u32 $0x1, s1  }
0x8c: {  	s16 =	sshll.u32 s0, $0xA;
	s2 =	sadd.s32 s3, s2  }
0x8d: {  	s2 =	sadd.s32 s2, s16  }
0x8e: {  	[smem:$0x3FBF] =	sst s2  }
0x8f: {  	_ = 	snop  }
0x90: {  	(tm) =	ssettm $0x1  }
0x91: {  	s17 =	sld [smem:$0x3FFB];
	_ =	sdelay $0x3  }
0x92: {  	_ =	strace s17  }
0x93: {  	s2 =	sld [smem:$0x3FFC];
	_ =	sdelay $0x3  }
0x94: {  	_ =	strace s2  }
0x95: {  	s2 =	sld [smem:$0x3FFD];
	_ =	sdelay $0x3  }
0x96: {  	_ =	strace s2  }
0x97: {  	_ =	strace $0x8FFFFFFF  }
0x98: {  	s18 =	sld [smem:$0x3FDB];
	_ =	sdelay $0x1  }
0x99: {  	s19 =	simm.s32 $_scs_section_size  }
0x9a: {  	s4 =	simm.s32 $_size__tile_overlayer_lowered;
	s5 =	simm.s32 $_tile_overlayer_lowered  }
0x9b: {  	s22 =	simm.s32 $0x1BFF;
	s21 =	sshll.u32 s5, $0x1;
	s2 =	sadd.s32 s19, s18  }
0x9c: {  	s6 =	simm.s32 $0x0;
	s20 =	sshll.u32 s4, $0x1;
	s4 =	sadd.s32 s21, s2  }
0x9d: {  	[timem:s6], [sflag:s22] =	dma.local [hbm:s4], s20  }
0x9e: {  	_ =	swait.ge [sflag:s22], s20  }
0x9f: {  	s3 =	ssub.s32 $0x0, s20;
	[sflag:s22] =	ssyncset.done $0x0  }
0xa0: {  	[sflag:s22] =	ssyncadd.s32 s3;
	_ =	sdelay $0x1  }
0xa1: {  	s23 =	simm.s32 $0x1B8B  }
0xa2: {  	_ =	swait.ge [sflag:s23], $0x1  }
0xa3: {  	[sflag:s23] =	ssyncset.done $0x0  }
0xa4: {  	s25 =	simm.s32 $0x1B8E;
	s24 =	sld [smem:$0x3FFE];
	[sflag:s23] =	ssyncadd.s32 $0xFFFFFFFF  }
0xa5: {  	s26 =	simm.s32 $execute0_lowered;
	[smem:$0x3FD2] =	sst s25  }
0xa6: {  	s4 =	sshll.u32 s26, $0x1;
	_ =	strace $0x8000004C;
	[dreg:$0x1] =	wrdreg $0xFFFFFFFF  }
0xa7: {  	s28 =	simm.s32 $_size_execute0_lowered;
	s2 =	sadd.s32 s2, s4;
	[dreg:$0x0] =	wrdreg $0x0  }
0xa8: {  	s4 =	sshll.u32 s28, $0x1;
	[dreg:$0x2] =	wrdreg s2  }
0xa9: {  	[dreg:$0x3] =	wrdreg s4  }
0xaa: {  	[dreg:$0x4] =	wrdreg $0xC0  }
0xab: {  	_ =	task [dreg:s6], $0x5FFFF  }
0xac: {  	[dreg:$0x1] =	wrdreg $0xFFFFFFFF  }
0xad: {  	[dreg:$0x0] =	wrdreg $0x60  }
0xae: {  	[dreg:$0x2] =	wrdreg s24  }
0xaf: {  	[dreg:$0x3] =	wrdreg $0x90000  }
0xb0: {  	[dreg:$0x4] =	wrdreg $0xDF000  }
0xb1: {  	[dreg:$0x5] =	wrdreg $0x9  }
0xb2: {  	_ =	task.clear_ibuf [dreg:s6], $0x6FFFF;
	_ =	strace $0x9000004C  }
0xb3: {  	s29 =	simm.s32 $0x9;
	_ =	strace $0x8000004E  }
0xb4: {  	_ =	swait.ge [sflag:s29], $0x1  }
0xb5: {  	[sflag:s29] =	ssyncadd.s32 $0xFFFFFFFF  }
0xb6: {  	_ =	strace $0x9000004E  }
0xb7: {  	_ =	sfence  }
0xb8: {  	s30 =	sld [smem:$0x0];
	_ =	sdelay $0x2  }
0xb9: {  	s31 =	sshll.u32 s1, $0xD;
	s1 =	sshrl.u32 s1, $0x2  }
0xba: {  	s3 =	sand.u32 $0x4000, s31;
	s1 =	sadd.s32 s1, s30  }
0xbb: {  	s0 =	sor.u32 s3, s0;
	s1 =	sshll.u32 s1, $0x11  }
0xbc: {  	s0 =	sor.u32 s1, s0  }
0xbd: {  	s0 =	sadd.s32 $0x8F2B, s0  }
0xbe: {  	[sflag:s0] =	ssyncadd.remote.s32 $0x1  }
0xbf: {  	_ =	sfence.sel $0xFFFF  }
0xc0: {  	[dreg:$0x0] =	wrdreg $0xFFFFFFFF;
	(pc) =	sbr.abs _section_cstart, $3  }
0xc1: {  	[dreg:$0x1] =	wrdreg $0xFFFFFFFF  }
0xc2: {  	_ =	task.clear_ibuf [dreg:s6], $0x2FFFF;
	_ =	strace $0x9FFFFFFF  }
0xc3: {  	(tm) =	ssettm $0x7FFFFFFF  }
tec
execute0_lowered:
.L_overlay_start_1:
0x0: {  	(tag) =	ssettag $0x1  }
0x1: {  	s0 =	rddreg [dreg:$0x0]  }
0x2: {  	s1 =	srdreg.scid;
	s2 =	rddreg [dreg:$0x1]  }
0x3: {  	s8 =	stileid.u32;
	s3 =	rddreg [dreg:$0x2];
	s7 =	simm.s32 $0x0  }
0x4: {  	s13 =	simm.s32 $0x9;
	s14 =	simm.s32 $0x2800;
	s16 =	simm.s32 $0x1  }
0x5: {  	s29 =	simm.s32 $0x100;
	s31 =	simm.s32 $0x180;
	s28 =	simm.s32 $0x2  }
0x6: {  	s30 =	simm.s32 $0x5;
	s15 =	simm.s32 $0x6;
	s5 =	smul.u32 $0x50, s8  }
0x7: {  	s1 =	sand.u32 $0x1, s1;
	s6 =	smul.u32 $0x278, s8;
	[smem:$0x7FF] =	sst s7  }
0x8: {  	s18 =	sadd.s32 $0x74800, s0;
	s20 =	smul.u32 $0x13C00, s8;
	p0 =	sne.s32 s8, $0x0  }
0x9: {  	s10 =	sadd.s32 $0x74804, s0;
	p1 =	seq.s32 s8, $0x1;
	s4 =	smul.u32 $0x500, s1  }
0xa: {  	s26 =	sshrl.u32 s3, $0x3;
	s7 =	simm.s32 $0x0;
	s17 =	smul.u32 $0x2780, s1  }
0xb: {  	_ =	strace $0x8000004D;
	[dreg:$0x4] =	wrdreg s18;
	s1 =	ssub.s32 $0x2, s1  }
0xc: {  	[dreg:$0xb] =	wrdreg s26;
	s18 =	simm.s32 $0x8;
	s26 =	simm.s32 $0x8000  }
0xd: {  	s19 =	sshrl.u32 s1, $0x1;
	s22 =	sshrl.u32 s20, $0x2;
	s20 =	simm.s32 $0x80  }
0xe: {  	s4 =	sadd.s32 s5, s4;
	s5 =	sadd.s32 s6, s17;
	s1 =	ssub.s32 s1, s19  }
0xf: {  	s17 =	simm.s32 $0x4;
	s19 =	simm.s32 $0x2900;
	s6 =	simm.s32 $0x300  }
0x10: {  	s4 =	sshll.u32 s4, $0x4;
	s5 =	sshll.u32 s5, $0x3;
	s25 =	smax.u32 s1, $0x1  }
0x11: {  	s1 =	simm.s32 $0x3;
	s4 =	sadd.s32 s4, s0;
	s5 =	sadd.s32 s5, s0  }
0x12: {  	[dreg:$0xa] =	wrdreg s25;
	s0 =	simm.s32 $0x280;
	s21 =	sadd.s32 $0x1C400, s4  }
.Ltmp0:
0x13: {  	s4 =	sadd.s32 $0x3600, s4;
	[dreg:$0x5] =	wrdreg s21;
	(pc) =	sbr.rel .LBB2_1-.Ltmp0, $4  }
0x14: {  	s23 =	sadd.s32 $0x88200, s5;
	s24 =	sadd.s32 $0x88204, s5;
	[dreg:$0x6] =	wrdreg s4  }
0x15: {  	s5 =	simm.s32 $0x2980;
	[dreg:$0x7] =	wrdreg s23;
	s4 =	sadd.s32 s22, s2  }
0x16: {  	[dreg:$0x9] =	wrdreg s24;
	s21 =	simm.s32 $0x5000;
	s22 =	simm.s32 $0x6000  }
0x17: {  	s24 =	simm.s32 $0x7000;
	[dreg:$0x8] =	wrdreg s4;
	s4 =	simm.s32 $0x7  }
.LBB2_12:
0x18: {  	_ =	swait.ge [sflag:s30], $0x1000  }
0x19: {  	[sflag:s30] =	ssyncset.done $0x0  }
0x1a: {  	[sflag:s30] =	ssyncadd.s32 $0xFFFFF000  }
0x1b: {  	_ =	swait.ge [sflag:s15], $0x1000  }
0x1c: {  	[sflag:s15] =	ssyncset.done $0x0  }
0x1d: {  	[sflag:s15] =	ssyncadd.s32 $0xFFFFF000  }
0x1e: {  	_ =	swait.ge [sflag:s4], $0x1000  }
0x1f: {  	[sflag:s4] =	ssyncset.done $0x0  }
0x20: {  	[sflag:s4] =	ssyncadd.s32 $0xFFFFF000  }
0x21: {  	_ =	swait.ge [sflag:s18], $0x1000  }
0x22: {  	[sflag:s18] =	ssyncset.done $0x0  }
0x23: {  	[sflag:s18] =	ssyncadd.s32 $0xFFFFF000  }
0x24: {  	[bflag:$0x0] =	sbarrier.arrive $0xFFFF  }
0x25: {  	s11 =	rddreg [dreg:$0x9]  }
0x26: {  	[hbm:s11@s18], [sflag:s8] =	dma.strided [spmem:s9@s17], $0x9E0, s16, $0x4   }
0x27: {  	_ =	swait.ge [sflag:s13], $0x9E0  }
0x28: {  	s7 =	sadd.s32 $0x1, s7;
	s25 =	rddreg [dreg:$0xa]  }
0x29: {  	p2 =	sne.s32 s7, s25  }
.Ltmp1:
0x2a: {  	_ = 	snop;
	(pc) =	sbr.rel @!p2 .LBB2_13-.Ltmp1, $3  }
0x2b: {  	_ =	sdelay $0x1  }
0x2c: {  	[sflag:s13] =	ssyncset.done $0x0  }
0x2d: {  	s29 =	simm.s32 $0x100;
	s31 =	simm.s32 $0x180;
	[sflag:s13] =	ssyncadd.s32 $0xFFFFF620  }
.LBB2_1:
0x2e: {  	s8 =	simm.s32 $0x0;
	s9 =	rddreg [dreg:$0x5]  }
0x2f: {  	[tilespmem:s8], [sflag:$0x9] =	stream.linear.gather [hbm4b:s9+s8], $0x2800, $0x38;
	[tilespmem:$0x12D20] =	vst v63  }
0x30: {  	_ =	swait.ge [sflag:s13], $0x2800  }
0x31: {  	[sflag:s13] =	ssyncset.done $0x0  }
.Ltmp2:
0x32: {  	s25 =	rddreg [dreg:$0x6];
	[sflag:s13] =	ssyncadd.s32 $0xFFFFD800;
	(pc) =	sbr.rel @p1 .LBB2_4-.Ltmp2, $4  }
0x33: {  	[tilespmem:s14], [sflag:$0x9] =	stream.linear.gather [hbm4b:s25+s8], $0x2800, $0x38;
	[tilespmem:$0x12D20] =	vst v63  }
0x34: {  	_ =	swait.ge [sflag:s13], $0x2800  }
0x35: {  	[sflag:s13] =	ssyncset.done $0x0  }
0x36: {  	[sflag:s13] =	ssyncadd.s32 $0xFFFFD800  }
.Ltmp3:
0x37: {  	(pc) =	sbr.rel @p0 .LBB2_6-.Ltmp3, $2  }
0x38: {  	_ =	sdelay $0x2  }
0x39: {  	p2 =	por $0x0, $0x0  }
.Ltmp4:
0x3a: {  	(pc) =	sbr.rel .LBB2_5-.Ltmp4, $3  }
0x3b: {  	_ =	sdelay $0x1  }
0x3c: {  	s8 =	sshrl.u32 s2, $0x3;
	s9 =	rddreg [dreg:$0x4];
	s11 =	simm.s32 $0x1C09  }
0x3d: {  	[spmem:s8@s17], [sflag:s11] =	dma.strided [hbm:s9@s18], $0x9C40, s16, $0x4   }
.LBB2_4:
0x3e: {  	s8 =	rddreg [dreg:$0x4]  }
0x3f: {  	s9 =	rddreg [dreg:$0xb];
	s11 =	simm.s32 $0x1C49  }
0x40: {  	[spmem:s9@s17], [sflag:s11] =	dma.strided [hbm:s8@s18], $0x9C40, s16, $0x4   }
.LBB2_5:
0x41: {  	_ =	swait.ge [sflag:s13], $0x9C40  }
0x42: {  	[sflag:s13] =	ssyncset.done $0x0  }
0x43: {  	p2 =	por p0, p0;
	[sflag:s13] =	ssyncadd.s32 $0xFFFF63C0  }
.LBB2_6:
0x44: {  	[bflag:$0x0] =	sbarrier.arrive $0xFFFF;
	s8 =	simm.s32 $0x0  }
0x45: {  	[tilespmem:s21], [sflag:$0x1] =	stream.indirect.gather [spmem:s3], $0x20, s8, s20, $0xb8;
	[tilespmem:$0x12D20] =	vst v63  }
0x46: {  	_ = 	snop  }
0x47: {  	[tilespmem:s22], [sflag:$0x2] =	stream.indirect.gather [spmem:s3], $0x20, s20, s20, $0xb8;
	[tilespmem:$0x12D20] =	vst v63  }
0x48: {  	_ = 	snop  }
0x49: {  	[tilespmem:s24], [sflag:$0x3] =	stream.indirect.gather [spmem:s3], $0x20, s29, s20, $0xb8;
	[tilespmem:$0x12D20] =	vst v63  }
0x4a: {  	_ =	swait.ge [sflag:s16], $0x1000  }
0x4b: {  	[sflag:s16] =	ssyncset.done $0x0  }
0x4c: {  	[sflag:s16] =	ssyncadd.s32 $0xFFFFF000  }
0x4d: {  	[spmem:s2] =	stream.indirect.scatter.add.f32 [tilespmem:s21], [sflag:$0x5], $0x20, s14, s20, $0xb8;
	[tilespmem:$0x12D20] =	vst v63  }
0x4e: {  	_ = 	snop  }
0x4f: {  	[tilespmem:s26], [sflag:$0x4] =	stream.indirect.gather [spmem:s3], $0x20, s31, s20, $0xb8;
	[tilespmem:$0x12D20] =	vst v63  }
0x50: {  	_ =	swait.ge [sflag:s28], $0x1000  }
0x51: {  	[sflag:s28] =	ssyncset.done $0x0  }
0x52: {  	s9 =	simm.s32 $0x2880;
	[sflag:s28] =	ssyncadd.s32 $0xFFFFF000  }
0x53: {  	[spmem:s2] =	stream.indirect.scatter.add.f32 [tilespmem:s22], [sflag:$0x6], $0x20, s9, s20, $0xb8;
	[tilespmem:$0x12D20] =	vst v63  }
0x54: {  	_ =	swait.ge [sflag:s30], $0x1000  }
0x55: {  	[sflag:s30] =	ssyncset.done $0x0  }
0x56: {  	s25 =	simm.s32 $0x200;
	[sflag:s30] =	ssyncadd.s32 $0xFFFFF000  }
0x57: {  	[tilespmem:s21], [sflag:$0x1] =	stream.indirect.gather [spmem:s3], $0x20, s25, s20, $0xb8;
	[tilespmem:$0x12D20] =	vst v63  }
0x58: {  	_ =	swait.ge [sflag:s1], $0x1000  }
0x59: {  	[sflag:s1] =	ssyncset.done $0x0  }
0x5a: {  	[sflag:s1] =	ssyncadd.s32 $0xFFFFF000  }
0x5b: {  	[spmem:s2] =	stream.indirect.scatter.add.f32 [tilespmem:s24], [sflag:$0x7], $0x20, s19, s20, $0xb8;
	[tilespmem:$0x12D20] =	vst v63  }
0x5c: {  	_ =	swait.ge [sflag:s15], $0x1000  }
0x5d: {  	[sflag:s15] =	ssyncset.done $0x0  }
0x5e: {  	[sflag:s15] =	ssyncadd.s32 $0xFFFFF000  }
0x5f: {  	[tilespmem:s22], [sflag:$0x2] =	stream.indirect.gather [spmem:s3], $0x20, s0, s20, $0xb8;
	[tilespmem:$0x12D20] =	vst v63  }
0x60: {  	_ =	swait.ge [sflag:s17], $0x1000  }
0x61: {  	[sflag:s17] =	ssyncset.done $0x0  }
0x62: {  	[sflag:s17] =	ssyncadd.s32 $0xFFFFF000  }
0x63: {  	[spmem:s2] =	stream.indirect.scatter.add.f32 [tilespmem:s26], [sflag:$0x8], $0x20, s5, s20, $0xb8;
	[tilespmem:$0x12D20] =	vst v63  }
0x64: {  	_ =	swait.ge [sflag:s4], $0x1000  }
0x65: {  	[sflag:s4] =	ssyncset.done $0x0  }
0x66: {  	[sflag:s4] =	ssyncadd.s32 $0xFFFFF000  }
0x67: {  	[tilespmem:s24], [sflag:$0x3] =	stream.indirect.gather [spmem:s3], $0x20, s6, s20, $0xb8;
	[tilespmem:$0x12D20] =	vst v63  }
.LBB2_7:
0x68: {  	_ =	swait.ge [sflag:s16], $0x1000  }
0x69: {  	s9 =	sshra.s32 s8, $0x2;
	[sflag:s16] =	ssyncset.done $0x0  }
0x6a: {  	s11 =	sadd.s32 $0x2A00, s9;
	[sflag:s16] =	ssyncadd.s32 $0xFFFFF000  }
0x6b: {  	[spmem:s2] =	stream.indirect.scatter.add.f32 [tilespmem:s21], [sflag:$0x5], $0x20, s11, s20, $0xb8;
	[tilespmem:$0x12D20] =	vst v63  }
0x6c: {  	_ =	swait.ge [sflag:s18], $0x1000  }
0x6d: {  	[sflag:s18] =	ssyncset.done $0x0  }
0x6e: {  	s12 =	sadd.s32 $0x380, s9;
	[sflag:s18] =	ssyncadd.s32 $0xFFFFF000  }
0x6f: {  	[tilespmem:s26], [sflag:$0x4] =	stream.indirect.gather [spmem:s3], $0x20, s12, s20, $0xb8;
	[tilespmem:$0x12D20] =	vst v63  }
0x70: {  	_ =	swait.ge [sflag:s28], $0x1000  }
0x71: {  	p3 =	seq.s32 s8, $0x9000;
	[sflag:s28] =	ssyncset.done $0x0  }
0x72: {  	s23 =	sadd.s32 $0x2A80, s9;
	s11 =	simm.s32 @p3 $0x3;
	[sflag:s28] =	ssyncadd.s32 $0xFFFFF000  }
0x73: {  	[spmem:s2] =	stream.indirect.scatter.add.f32 [tilespmem:s22], [sflag:$0x6], $0x20, s23, s20, $0xb8;
	[tilespmem:$0x12D20] =	vst v63  }
0x74: {  	_ =	swait.ge @p3 [sflag:s11], $0x1000  }
0x75: {  	[sflag:s11] =	ssyncset.done @p3 $0x0  }
0x76: {  	[sflag:s11] =	ssyncadd.s32 @p3 $0xFFFFF000;
	s11 =	sshra.s32 @p3 s8, $0x2  }
0x77: {  	s12 =	simm.s32 @p3 $0x80;
	s23 =	simm.s32 @p3 $0x7000;
	s11 =	sadd.s32 @p3 $0x2B00, s11  }
0x78: {  	[spmem:s2] =	stream.indirect.scatter.add.f32 @p3 [tilespmem:s23], [sflag:$0x7], $0x20, s11, s12, $0xb8;
	[tilespmem:$0x12D20] =	vst v63  }
0x79: {  	s11 =	simm.s32 @!p3 $0x5  }
0x7a: {  	_ =	swait.ge @!p3 [sflag:s11], $0x1000  }
0x7b: {  	[sflag:s11] =	ssyncset.done @!p3 $0x0  }
0x7c: {  	[sflag:s11] =	ssyncadd.s32 @!p3 $0xFFFFF000;
	s11 =	sshra.s32 @!p3 s8, $0x2  }
0x7d: {  	s25 =	simm.s32 @!p3 $0x5000;
	s23 =	simm.s32 @!p3 $0x80;
	s12 =	sadd.s32 @!p3 $0x400, s11  }
0x7e: {  	[tilespmem:s25], [sflag:$0x1] =	stream.indirect.gather @!p3 [spmem:s3], $0x20, s12, s23, $0xb8;
	[tilespmem:$0x12D20] =	vst v63  }
0x7f: {  	s12 =	simm.s32 @!p3 $0x3  }
0x80: {  	_ =	swait.ge @!p3 [sflag:s12], $0x1000  }
0x81: {  	[sflag:s12] =	ssyncset.done @!p3 $0x0  }
0x82: {  	s25 =	simm.s32 @!p3 $0x7000;
	[sflag:s12] =	ssyncadd.s32 @!p3 $0xFFFFF000;
	s12 =	sadd.s32 @!p3 $0x2B00, s11  }
0x83: {  	[spmem:s2] =	stream.indirect.scatter.add.f32 @!p3 [tilespmem:s25], [sflag:$0x7], $0x20, s12, s23, $0xb8;
	[tilespmem:$0x12D20] =	vst v63  }
0x84: {  	s12 =	simm.s32 @!p3 $0x6  }
0x85: {  	_ =	swait.ge @!p3 [sflag:s12], $0x1000  }
0x86: {  	[sflag:s12] =	ssyncset.done @!p3 $0x0  }
0x87: {  	s11 =	sadd.s32 @!p3 $0x480, s11;
	[sflag:s12] =	ssyncadd.s32 @!p3 $0xFFFFF000;
	s12 =	simm.s32 @!p3 $0x6000  }
0x88: {  	[tilespmem:s12], [sflag:$0x2] =	stream.indirect.gather @!p3 [spmem:s3], $0x20, s11, s23, $0xb8;
	[tilespmem:$0x12D20] =	vst v63  }
.Ltmp5:
0x89: {  	_ = 	snop;
	(pc) =	sbr.rel @p3 .LBB2_9-.Ltmp5, $4  }
0x8a: {  	_ =	swait.ge [sflag:s17], $0x1000  }
0x8b: {  	[sflag:s17] =	ssyncset.done $0x0  }
0x8c: {  	s25 =	sadd.s32 $0x2B80, s9;
	[sflag:s17] =	ssyncadd.s32 $0xFFFFF000  }
0x8d: {  	[spmem:s2] =	stream.indirect.scatter.add.f32 [tilespmem:s26], [sflag:$0x8], $0x20, s25, s20, $0xb8;
	[tilespmem:$0x12D20] =	vst v63  }
.Ltmp6:
0x8e: {  	(pc) =	sbr.rel .LBB2_7-.Ltmp6, $4  }
0x8f: {  	_ =	swait.ge [sflag:s4], $0x1000  }
0x90: {  	[sflag:s4] =	ssyncset.done $0x0  }
0x91: {  	s9 =	sadd.s32 $0x500, s9;
	s8 =	sadd.s32 $0x800, s8;
	[sflag:s4] =	ssyncadd.s32 $0xFFFFF000  }
0x92: {  	[tilespmem:s24], [sflag:$0x3] =	stream.indirect.gather [spmem:s3], $0x20, s9, s20, $0xb8;
	[tilespmem:$0x12D20] =	vst v63  }
.LBB2_9:
0x93: {  	_ =	swait.ge [sflag:s30], $0x1000  }
0x94: {  	[sflag:s30] =	ssyncset.done $0x0  }
0x95: {  	[sflag:s30] =	ssyncadd.s32 $0xFFFFF000  }
0x96: {  	_ =	swait.ge [sflag:s15], $0x1000  }
0x97: {  	[sflag:s15] =	ssyncset.done $0x0  }
0x98: {  	[sflag:s15] =	ssyncadd.s32 $0xFFFFF000  }
0x99: {  	_ =	swait.ge [sflag:s4], $0x1000  }
0x9a: {  	[sflag:s4] =	ssyncset.done $0x0  }
0x9b: {  	[sflag:s4] =	ssyncadd.s32 $0xFFFFF000  }
0x9c: {  	_ =	swait.ge [sflag:s18], $0x1000  }
0x9d: {  	[sflag:s18] =	ssyncset.done $0x0  }
0x9e: {  	[sflag:s18] =	ssyncadd.s32 $0xFFFFF000  }
0x9f: {  	s8 =	stileid.u32;
	[bflag:$0x0] =	sbarrier.arrive $0xFFFF  }
0xa0: {  	s8 =	sshll.u32 s8, $0x6;
	s9 =	rddreg [dreg:$0x8]  }
0xa1: {  	s8 =	sor.u32 $0x1C09, s8;
	s11 =	rddreg [dreg:$0x7];
	s9 =	sshrl.u32 s9, $0x3  }
0xa2: {  	[hbm:s11@s18], [sflag:s8] =	dma.strided [spmem:s9@s17], $0x9E0, s16, $0x4   }
0xa3: {  	_ =	swait.ge [sflag:s13], $0x9E0  }
0xa4: {  	[sflag:s13] =	ssyncset.done $0x0  }
0xa5: {  	s12 =	simm.s32 @!p0 $0x1;
	s23 =	simm.s32 @!p0 $0x4;
	[sflag:s13] =	ssyncadd.s32 $0xFFFFF620  }
0xa6: {  	s25 =	simm.s32 @!p0 $0x8;
	s11 =	sshrl.u32 @!p0 s2, $0x3;
	[bflag:$0x0] =	sbarrier.arrive $0xFFFF  }
0xa7: {  	[spmem:s11@s23], [sflag:s8] =	dma.strided @!p0 [hbm:s10@s25], $0x9C40, s12, $0x4   }
0xa8: {  	s11 =	simm.s32 @!p0 $0x9  }
0xa9: {  	_ =	swait.ge @!p0 [sflag:s11], $0x9C40  }
0xaa: {  	s12 =	simm.s32 @p2 $0x1;
	s23 =	simm.s32 @p2 $0x4;
	[sflag:s11] =	ssyncset.done @!p0 $0x0  }
0xab: {  	s25 =	simm.s32 @p2 $0x8;
	[sflag:s11] =	ssyncadd.s32 @!p0 $0xFFFF63C0;
	s11 =	sshrl.u32 @p2 s3, $0x3  }
0xac: {  	[spmem:s11@s23], [sflag:s8] =	dma.strided @p2 [hbm:s10@s25], $0x9C40, s12, $0x4   }
0xad: {  	s11 =	simm.s32 @p2 $0x9  }
0xae: {  	_ =	swait.ge @p2 [sflag:s11], $0x9C40  }
0xaf: {  	[sflag:s11] =	ssyncset.done @p2 $0x0  }
0xb0: {  	[sflag:s11] =	ssyncadd.s32 @p2 $0xFFFF63C0  }
0xb1: {  	s11 =	simm.s32 $0x0;
	[bflag:$0x0] =	sbarrier.arrive $0xFFFF  }
0xb2: {  	[tilespmem:s21], [sflag:$0x1] =	stream.indirect.gather [spmem:s3], $0x20, s11, s20, $0xb8;
	[tilespmem:$0x12D20] =	vst v63  }
0xb3: {  	_ = 	snop  }
0xb4: {  	[tilespmem:s22], [sflag:$0x2] =	stream.indirect.gather [spmem:s3], $0x20, s20, s20, $0xb8;
	[tilespmem:$0x12D20] =	vst v63  }
0xb5: {  	_ = 	snop  }
0xb6: {  	[tilespmem:s24], [sflag:$0x3] =	stream.indirect.gather [spmem:s3], $0x20, s29, s20, $0xb8;
	[tilespmem:$0x12D20] =	vst v63  }
0xb7: {  	_ =	swait.ge [sflag:s16], $0x1000  }
0xb8: {  	[sflag:s16] =	ssyncset.done $0x0  }
0xb9: {  	[sflag:s16] =	ssyncadd.s32 $0xFFFFF000  }
0xba: {  	[spmem:s2] =	stream.indirect.scatter.add.f32 [tilespmem:s21], [sflag:$0x5], $0x20, s14, s20, $0xb8;
	[tilespmem:$0x12D20] =	vst v63  }
0xbb: {  	_ = 	snop  }
0xbc: {  	[tilespmem:s26], [sflag:$0x4] =	stream.indirect.gather [spmem:s3], $0x20, s31, s20, $0xb8;
	[tilespmem:$0x12D20] =	vst v63  }
0xbd: {  	_ =	swait.ge [sflag:s28], $0x1000  }
0xbe: {  	[sflag:s28] =	ssyncset.done $0x0  }
0xbf: {  	s29 =	simm.s32 $0x2880;
	[sflag:s28] =	ssyncadd.s32 $0xFFFFF000  }
0xc0: {  	[spmem:s2] =	stream.indirect.scatter.add.f32 [tilespmem:s22], [sflag:$0x6], $0x20, s29, s20, $0xb8;
	[tilespmem:$0x12D20] =	vst v63  }
0xc1: {  	_ =	swait.ge [sflag:s30], $0x1000  }
0xc2: {  	[sflag:s30] =	ssyncset.done $0x0  }
0xc3: {  	s31 =	simm.s32 $0x200;
	[sflag:s30] =	ssyncadd.s32 $0xFFFFF000  }
0xc4: {  	[tilespmem:s21], [sflag:$0x1] =	stream.indirect.gather [spmem:s3], $0x20, s31, s20, $0xb8;
	[tilespmem:$0x12D20] =	vst v63  }
0xc5: {  	_ =	swait.ge [sflag:s1], $0x1000  }
0xc6: {  	[sflag:s1] =	ssyncset.done $0x0  }
0xc7: {  	[sflag:s1] =	ssyncadd.s32 $0xFFFFF000  }
0xc8: {  	[spmem:s2] =	stream.indirect.scatter.add.f32 [tilespmem:s24], [sflag:$0x7], $0x20, s19, s20, $0xb8;
	[tilespmem:$0x12D20] =	vst v63  }
0xc9: {  	_ =	swait.ge [sflag:s15], $0x1000  }
0xca: {  	[sflag:s15] =	ssyncset.done $0x0  }
0xcb: {  	[sflag:s15] =	ssyncadd.s32 $0xFFFFF000  }
0xcc: {  	[tilespmem:s22], [sflag:$0x2] =	stream.indirect.gather [spmem:s3], $0x20, s0, s20, $0xb8;
	[tilespmem:$0x12D20] =	vst v63  }
0xcd: {  	_ =	swait.ge [sflag:s17], $0x1000  }
0xce: {  	[sflag:s17] =	ssyncset.done $0x0  }
0xcf: {  	[sflag:s17] =	ssyncadd.s32 $0xFFFFF000  }
0xd0: {  	[spmem:s2] =	stream.indirect.scatter.add.f32 [tilespmem:s26], [sflag:$0x8], $0x20, s5, s20, $0xb8;
	[tilespmem:$0x12D20] =	vst v63  }
0xd1: {  	_ =	swait.ge [sflag:s4], $0x1000  }
0xd2: {  	[sflag:s4] =	ssyncset.done $0x0  }
0xd3: {  	[sflag:s4] =	ssyncadd.s32 $0xFFFFF000  }
0xd4: {  	[tilespmem:s24], [sflag:$0x3] =	stream.indirect.gather [spmem:s3], $0x20, s6, s20, $0xb8;
	[tilespmem:$0x12D20] =	vst v63  }
.LBB2_10:
0xd5: {  	_ =	swait.ge [sflag:s16], $0x1000  }
0xd6: {  	s12 =	sshra.s32 s11, $0x2;
	[sflag:s16] =	ssyncset.done $0x0  }
0xd7: {  	s23 =	sadd.s32 $0x2A00, s12;
	[sflag:s16] =	ssyncadd.s32 $0xFFFFF000  }
0xd8: {  	[spmem:s2] =	stream.indirect.scatter.add.f32 [tilespmem:s21], [sflag:$0x5], $0x20, s23, s20, $0xb8;
	[tilespmem:$0x12D20] =	vst v63  }
0xd9: {  	_ =	swait.ge [sflag:s18], $0x1000  }
0xda: {  	[sflag:s18] =	ssyncset.done $0x0  }
0xdb: {  	s25 =	sadd.s32 $0x380, s12;
	[sflag:s18] =	ssyncadd.s32 $0xFFFFF000  }
0xdc: {  	[tilespmem:s26], [sflag:$0x4] =	stream.indirect.gather [spmem:s3], $0x20, s25, s20, $0xb8;
	[tilespmem:$0x12D20] =	vst v63  }
0xdd: {  	_ =	swait.ge [sflag:s28], $0x1000  }
0xde: {  	p2 =	seq.s32 s11, $0x9000;
	[sflag:s28] =	ssyncset.done $0x0  }
0xdf: {  	s29 =	sadd.s32 $0x2A80, s12;
	s23 =	simm.s32 @p2 $0x3;
	[sflag:s28] =	ssyncadd.s32 $0xFFFFF000  }
0xe0: {  	[spmem:s2] =	stream.indirect.scatter.add.f32 [tilespmem:s22], [sflag:$0x6], $0x20, s29, s20, $0xb8;
	[tilespmem:$0x12D20] =	vst v63  }
0xe1: {  	_ =	swait.ge @p2 [sflag:s23], $0x1000  }
0xe2: {  	[sflag:s23] =	ssyncset.done @p2 $0x0  }
0xe3: {  	[sflag:s23] =	ssyncadd.s32 @p2 $0xFFFFF000;
	s23 =	sshra.s32 @p2 s11, $0x2  }
0xe4: {  	s25 =	simm.s32 @p2 $0x80;
	s29 =	simm.s32 @p2 $0x7000;
	s23 =	sadd.s32 @p2 $0x2B00, s23  }
0xe5: {  	[spmem:s2] =	stream.indirect.scatter.add.f32 @p2 [tilespmem:s29], [sflag:$0x7], $0x20, s23, s25, $0xb8;
	[tilespmem:$0x12D20] =	vst v63  }
0xe6: {  	s23 =	simm.s32 @!p2 $0x5  }
0xe7: {  	_ =	swait.ge @!p2 [sflag:s23], $0x1000  }
0xe8: {  	[sflag:s23] =	ssyncset.done @!p2 $0x0  }
0xe9: {  	[sflag:s23] =	ssyncadd.s32 @!p2 $0xFFFFF000;
	s23 =	sshra.s32 @!p2 s11, $0x2  }
0xea: {  	s31 =	simm.s32 @!p2 $0x5000;
	s29 =	simm.s32 @!p2 $0x80;
	s25 =	sadd.s32 @!p2 $0x400, s23  }
0xeb: {  	[tilespmem:s31], [sflag:$0x1] =	stream.indirect.gather @!p2 [spmem:s3], $0x20, s25, s29, $0xb8;
	[tilespmem:$0x12D20] =	vst v63  }
0xec: {  	s25 =	simm.s32 @!p2 $0x3  }
0xed: {  	_ =	swait.ge @!p2 [sflag:s25], $0x1000  }
0xee: {  	[sflag:s25] =	ssyncset.done @!p2 $0x0  }
0xef: {  	s31 =	simm.s32 @!p2 $0x7000;
	[sflag:s25] =	ssyncadd.s32 @!p2 $0xFFFFF000;
	s25 =	sadd.s32 @!p2 $0x2B00, s23  }
0xf0: {  	[spmem:s2] =	stream.indirect.scatter.add.f32 @!p2 [tilespmem:s31], [sflag:$0x7], $0x20, s25, s29, $0xb8;
	[tilespmem:$0x12D20] =	vst v63  }
0xf1: {  	s25 =	simm.s32 @!p2 $0x6  }
0xf2: {  	_ =	swait.ge @!p2 [sflag:s25], $0x1000  }
0xf3: {  	[sflag:s25] =	ssyncset.done @!p2 $0x0  }
0xf4: {  	s23 =	sadd.s32 @!p2 $0x480, s23;
	[sflag:s25] =	ssyncadd.s32 @!p2 $0xFFFFF000;
	s25 =	simm.s32 @!p2 $0x6000  }
0xf5: {  	[tilespmem:s25], [sflag:$0x2] =	stream.indirect.gather @!p2 [spmem:s3], $0x20, s23, s29, $0xb8;
	[tilespmem:$0x12D20] =	vst v63  }
.Ltmp7:
0xf6: {  	_ = 	snop;
	(pc) =	sbr.rel @p2 .LBB2_12-.Ltmp7, $4  }
0xf7: {  	_ =	swait.ge [sflag:s17], $0x1000  }
0xf8: {  	[sflag:s17] =	ssyncset.done $0x0  }
0xf9: {  	s31 =	sadd.s32 $0x2B80, s12;
	[sflag:s17] =	ssyncadd.s32 $0xFFFFF000  }
0xfa: {  	[spmem:s2] =	stream.indirect.scatter.add.f32 [tilespmem:s26], [sflag:$0x8], $0x20, s31, s20, $0xb8;
	[tilespmem:$0x12D20] =	vst v63  }
.Ltmp8:
0xfb: {  	(pc) =	sbr.rel .LBB2_10-.Ltmp8, $4  }
0xfc: {  	_ =	swait.ge [sflag:s4], $0x1000  }
0xfd: {  	[sflag:s4] =	ssyncset.done $0x0  }
0xfe: {  	s12 =	sadd.s32 $0x500, s12;
	s11 =	sadd.s32 $0x800, s11;
	[sflag:s4] =	ssyncadd.s32 $0xFFFFF000  }
0xff: {  	[tilespmem:s24], [sflag:$0x3] =	stream.indirect.gather [spmem:s3], $0x20, s12, s20, $0xb8;
	[tilespmem:$0x12D20] =	vst v63  }
.LBB2_13:
0x100: {  	_ =	sfence.sel $0x180000  }
0x101: {  	[bflag:$0x0] =	sbarrier.arrive $0xFFFF  }
0x102: {  	_ =	strace $0x9000004D  }
0x103: {  	s0 =	stileid.u32;
	[bflag:$0x2] =	sbarrier.arrive $0xFFFF  }
0x104: {  	p0 =	sne.s32 s0, $0x0;
	s0 =	rddreg [dreg:$0x3]  }
0x105: {  	s0 =	sadd.s32 @!p0 $0x100000, s0  }
0x106: {  	[sflag:s0] =	ssyncadd.tile.s32 @!p0 $0x1;
	_ =	shalt  }
.Lfunc_end2:
_tile_overlayer_lowered:
.L_overlay_start_2:
0x107: {  	(tag) =	ssettag $0x2  }
0x108: {  	s0 =	rddreg [dreg:$0x0];
	s2 =	stileid.u32  }
0x109: {  	s1 =	rddreg [dreg:$0x1];
	p0 =	sne.s32 s2, $0x0  }
0x10a: {  	s3 =	rddreg [dreg:$0x2];
	[bflag:$0x3] =	sbarrier.arrive $0xFFFF;
	s2 =	simm.s32 @!p0 $0x1C09  }
0x10b: {  	[timem:s3], [sflag:s2] =	dma.local @!p0 [hbm:s0], s1  }
0x10c: {  	s0 =	simm.s32 @!p0 $0x9  }
0x10d: {  	_ =	swait.ge @!p0 [sflag:s0], s1  }
0x10e: {  	s1 =	ssub.s32 @!p0 $0x0, s1;
	[sflag:s0] =	ssyncset.done @!p0 $0x0  }
0x10f: {  	[sflag:s0] =	ssyncadd.s32 @!p0 s1  }
0x110: {  	[bflag:$0x3] =	sbarrier.arrive $0xFFFF  }
0x111: {  	_ =	shalt  }

// kernel: kernel.8.cloned.1.call-start
scs
__scs_entry_jumppad:
0x0: {  	(pc) =	sbr.rel $0x88, $3  }
0x1: {  	(tag) =	ssettag $0x0;
	lr =	simm.s32 $0x1  }
0x2: {  	[smem:$0x3F98] =	sst lr;
	_ =	strace $0xD0000000  }
0x3: {  	_ = 	snop  }
0x4: {  	_ = 	snop  }
0x5: {  	_ = 	snop  }
0x6: {  	_ = 	snop  }
0x7: {  	_ = 	snop  }
__scs_overlays_trampoline_lowered:
0x8: {  	[smem:$0x3FA7] =	sst s0  }
0x9: {  	[smem:$0x3FA8] =	sst s1  }
0xa: {  	[smem:$0x3FA9] =	sst s2  }
0xb: {  	[smem:$0x3FAA] =	sst s3  }
0xc: {  	[smem:$0x3FAB] =	sst s4  }
0xd: {  	[smem:$0x3FAC] =	sst s5  }
0xe: {  	[smem:$0x3FAD] =	sst s6  }
0xf: {  	[smem:$0x3FAE] =	sst s7  }
0x10: {  	[smem:$0x3FAF] =	sst s8  }
0x11: {  	[smem:$0x3FB0] =	sst s9;
	s0 =	simm.s32 @!p0 $0x0  }
0x12: {  	s1 =	sld [smem:$0x3F96];
	s0 =	simm.s32 @p0 $0x1  }
0x13: {  	[smem:$0x3FB1] =	sst s0;
	s0 =	simm.s32 @!p1 $0x0  }
0x14: {  	s2 =	sld [smem:$0x3F95];
	s0 =	simm.s32 @p1 $0x1  }
0x15: {  	[smem:$0x3FB2] =	sst s0;
	s0 =	simm.s32 @!p2 $0x0  }
0x16: {  	s3 =	sld [smem:$0x3FDB];
	s0 =	simm.s32 @p2 $0x1  }
0x17: {  	s4 =	simm.s32 $0x1BF5;
	[smem:$0x3FB4] =	sst s0  }
0x18: {  	s0 =	sld [smem:$0x3F97];
	_ =	swait.ge [sflag:s4], $0x0  }
0x19: {  	s7 =	sld [smem:$0x3F98]  }
0x1a: {  	s8 =	sadd.s32 $0xFFFFE003, lr  }
0x1b: {  	s9 =	sadd.s32 $0xFFFFFEF7, lr;
	s5 =	simm.s32 $0xFFFFFFFF;
	p2 =	slt.u32 s8, $0xFFFFF086  }
0x1c: {  	p1 =	slt.u32 s9, $0xF7A;
	s5 =	simm.s32 @!p2 $0x0  }
0x1d: {  	s5 =	simm.s32 @p1 $0x1;
	p0 =	seq.s32 s7, s2  }
0x1e: {  	s7 =	smul.u32 @!p0 $0xF7A, s2;
	p2 =	seq.s32 @!p0 s5, $0x0  }
0x1f: {  	s9 =	smul.u32 $0xF7A, s1;
	s8 =	simm.s32 @!p0 $0x1BF5;
	p2 =	por !p2, p0  }
0x20: {  	[sflag:s8] =	ssyncset.s32 @!p0 $0xFFFFF086;
	s6 =	sadd.s32 @!p0 s3, s7;
	s7 =	simm.s32 @!p0 $0x108  }
0x21: {  	s3 =	sadd.s32 s3, s9;
	s6 =	sadd.s32 @!p0 $0x88, s6;
	s7 =	simm.s32 @p2 $0x1082  }
0x22: {  	[simem:s7], [sflag:s8] =	dma.local @!p0 [hbm:s6], $0xF7A  }
0x23: {  	s9 =	sor.u32 $0xD0000000, s2;
	s6 =	simm.s32 $0x108;
	_ =	swait.ge @!p0 [sflag:s8], $0x0  }
0x24: {  	s3 =	sadd.s32 $0x88, s3;
	s6 =	simm.s32 @!p1 $0x1082;
	[sflag:s4] =	ssyncset.s32 $0xFFFFF086  }
0x25: {  	[simem:s6], [sflag:s4] =	dma.local [hbm:s3], $0xF7A  }
0x26: {  	[smem:$0x3F98] =	sst s1;
	(tag) =	ssettag s2;
	_ =	strace s9  }
0x27: {  	s1 =	sld [smem:$0x3FA8]  }
0x28: {  	s2 =	sld [smem:$0x3FA9]  }
0x29: {  	s4 =	sld [smem:$0x3FAB]  }
0x2a: {  	p0 =	seq.s32 s5, $0x0;
	s5 =	sld [smem:$0x3FAC]  }
0x2b: {  	s6 =	sld [smem:$0x3FAD]  }
0x2c: {  	s7 =	sld [smem:$0x3FAE]  }
0x2d: {  	s3 =	simm.s32 $0x108;
	s8 =	sld [smem:$0x3FAF]  }
0x2e: {  	s3 =	simm.s32 @!p0 $0x1082;
	s9 =	sld [smem:$0x3FB0]  }
0x2f: {  	lr =	sadd.s32 s0, s3;
	s0 =	sld [smem:$0x3FA7]  }
0x30: {  	s3 =	sld [smem:$0x3FAA]  }
0x31: {  	[smem:$0x3FB3] =	sst s10  }
0x32: {  	s10 =	sld [smem:$0x3FB1];
	_ =	sdelay $0x3  }
0x33: {  	p0 =	seq.s32 s10, $0x1;
	s10 =	sld [smem:$0x3FB3];
	_ =	sdelay $0x3  }
0x34: {  	[smem:$0x3FB3] =	sst s10  }
0x35: {  	s10 =	sld [smem:$0x3FB2];
	_ =	sdelay $0x3  }
0x36: {  	p1 =	seq.s32 s10, $0x1;
	s10 =	sld [smem:$0x3FB3];
	_ =	sdelay $0x3  }
0x37: {  	[smem:$0x3FB3] =	sst s10  }
0x38: {  	s10 =	sld [smem:$0x3FB4]  }
0x39: {  	_ = 	snop;
	(pc) =	sbr.ind lr, $3  }
0x3a: {  	_ = 	snop  }
0x3b: {  	_ = 	snop  }
0x3c: {  	p2 =	seq.s32 s10, $0x1;
	s10 =	sld [smem:$0x3FB3]  }
0x3d: {  	_ =	shalt  }
0x3e: {  	_ =	shalt  }
0x3f: {  	_ =	shalt  }
0x40: {  	_ =	shalt  }
0x41: {  	_ =	shalt  }
0x42: {  	_ =	shalt  }
0x43: {  	_ =	shalt  }
0x44: {  	_ =	shalt  }
0x45: {  	_ =	shalt  }
0x46: {  	_ =	shalt  }
0x47: {  	_ =	shalt  }
0x48: {  	_ =	shalt  }
0x49: {  	_ =	shalt  }
0x4a: {  	_ =	shalt  }
0x4b: {  	_ =	shalt  }
0x4c: {  	_ =	shalt  }
0x4d: {  	_ =	shalt  }
0x4e: {  	_ =	shalt  }
0x4f: {  	_ =	shalt  }
0x50: {  	_ =	shalt  }
0x51: {  	_ =	shalt  }
0x52: {  	_ =	shalt  }
0x53: {  	_ =	shalt  }
0x54: {  	_ =	shalt  }
0x55: {  	_ =	shalt  }
0x56: {  	_ =	shalt  }
0x57: {  	_ =	shalt  }
0x58: {  	_ =	shalt  }
0x59: {  	_ =	shalt  }
0x5a: {  	_ =	shalt  }
0x5b: {  	_ =	shalt  }
0x5c: {  	_ =	shalt  }
0x5d: {  	_ =	shalt  }
0x5e: {  	_ =	shalt  }
0x5f: {  	_ =	shalt  }
0x60: {  	_ =	shalt  }
0x61: {  	_ =	shalt  }
0x62: {  	_ =	shalt  }
0x63: {  	_ =	shalt  }
0x64: {  	_ =	shalt  }
0x65: {  	_ =	shalt  }
0x66: {  	_ =	shalt  }
0x67: {  	_ =	shalt  }
0x68: {  	_ =	shalt  }
0x69: {  	_ =	shalt  }
0x6a: {  	_ =	shalt  }
0x6b: {  	_ =	shalt  }
0x6c: {  	_ =	shalt  }
0x6d: {  	_ =	shalt  }
0x6e: {  	_ =	shalt  }
0x6f: {  	_ =	shalt  }
0x70: {  	_ =	shalt  }
0x71: {  	_ =	shalt  }
0x72: {  	_ =	shalt  }
0x73: {  	_ =	shalt  }
0x74: {  	_ =	shalt  }
0x75: {  	_ =	shalt  }
0x76: {  	_ =	shalt  }
0x77: {  	_ =	shalt  }
0x78: {  	_ =	shalt  }
0x79: {  	_ =	shalt  }
0x7a: {  	_ =	shalt  }
0x7b: {  	_ =	shalt  }
0x7c: {  	_ =	shalt  }
0x7d: {  	_ =	shalt  }
0x7e: {  	_ =	shalt  }
0x7f: {  	_ =	shalt  }
0x80: {  	_ =	shalt  }
0x81: {  	_ =	shalt  }
0x82: {  	_ =	shalt  }
0x83: {  	_ =	shalt  }
0x84: {  	_ =	shalt  }
0x85: {  	_ =	shalt  }
0x86: {  	_ =	shalt  }
0x87: {  	_ =	shalt  }
.Lfunc_end0:
.L_simem_size_0:
called_computation_lowered:
.L_overlay_start_0:
0x88: {  	s2 =	sld [smem:$0x3FD9]  }
0x89: {  	s3 =	sld [smem:$0x3FFE];
	_ =	sdelay $0x1  }
0x8a: {  	s1 =	srdreg.scid  }
0x8b: {  	s0 =	sand.u32 $0x1, s1  }
0x8c: {  	s17 =	sshll.u32 s0, $0xA;
	s2 =	sadd.s32 s3, s2  }
0x8d: {  	s2 =	sadd.s32 s2, s17  }
0x8e: {  	[smem:$0x3FBF] =	sst s2  }
0x8f: {  	_ = 	snop  }
0x90: {  	s2 =	sld [smem:$0x3FD0];
	(tm) =	ssettm $0x1  }
0x91: {  	s18 =	sld [smem:$0x3FFB];
	_ =	sdelay $0x3  }
0x92: {  	_ =	strace s18  }
0x93: {  	s3 =	sld [smem:$0x3FFC];
	_ =	sdelay $0x3  }
0x94: {  	_ =	strace s3  }
0x95: {  	s3 =	sld [smem:$0x3FFD];
	_ =	sdelay $0x3  }
0x96: {  	_ =	strace s3  }
0x97: {  	_ =	strace $0x8FFFFFFF  }
0x98: {  	s19 =	sld [smem:$0x3FDB];
	_ =	sdelay $0x1  }
0x99: {  	s4 =	simm.s32 $_scs_section_size  }
0x9a: {  	s5 =	simm.s32 $_size__tile_overlayer_lowered;
	s6 =	simm.s32 $_tile_overlayer_lowered  }
0x9b: {  	s22 =	simm.s32 $0x1BFF;
	s21 =	sshll.u32 s6, $0x1;
	s3 =	sadd.s32 s4, s19  }
0x9c: {  	s7 =	simm.s32 $0x0;
	s20 =	sshll.u32 s5, $0x1;
	s5 =	sadd.s32 s21, s3  }
0x9d: {  	[timem:s7], [sflag:s22] =	dma.local [hbm:s5], s20  }
0x9e: {  	_ =	swait.ge [sflag:s22], s20  }
0x9f: {  	s4 =	ssub.s32 $0x0, s20;
	[sflag:s22] =	ssyncset.done $0x0  }
0xa0: {  	[sflag:s22] =	ssyncadd.s32 s4;
	_ =	sdelay $0x1  }
0xa1: {  	s23 =	simm.s32 $0x1B8B  }
0xa2: {  	_ =	swait.ge [sflag:s23], $0x1  }
0xa3: {  	[sflag:s23] =	ssyncset.done $0x0  }
0xa4: {  	s25 =	simm.s32 $0x1B8E;
	s24 =	sld [smem:$0x3FFE];
	[sflag:s23] =	ssyncadd.s32 $0xFFFFFFFF  }
0xa5: {  	s26 =	simm.s32 $execute0_lowered;
	[smem:$0x3FD2] =	sst s25  }
0xa6: {  	s5 =	sshll.u32 s26, $0x1;
	_ =	strace $0x80000046;
	[dreg:$0x1] =	wrdreg $0xFFFFFFFF  }
0xa7: {  	s28 =	simm.s32 $_size_execute0_lowered;
	s3 =	sadd.s32 s3, s5;
	[dreg:$0x0] =	wrdreg $0x0  }
0xa8: {  	s5 =	sshll.u32 s28, $0x1;
	[dreg:$0x2] =	wrdreg s3  }
0xa9: {  	[dreg:$0x3] =	wrdreg s5  }
0xaa: {  	[dreg:$0x4] =	wrdreg $0xC0  }
0xab: {  	_ =	task [dreg:s7], $0x5FFFF  }
0xac: {  	[dreg:$0x1] =	wrdreg $0xFFFFFFFF  }
0xad: {  	[dreg:$0x0] =	wrdreg $0x60  }
0xae: {  	[dreg:$0x2] =	wrdreg s24  }
0xaf: {  	[dreg:$0x3] =	wrdreg s2  }
0xb0: {  	[dreg:$0x4] =	wrdreg $0x30000  }
0xb1: {  	[dreg:$0x5] =	wrdreg $0x9  }
0xb2: {  	_ =	task.clear_ibuf [dreg:s7], $0x6FFFF;
	_ =	strace $0x90000046  }
0xb3: {  	s29 =	simm.s32 $0x9;
	_ =	strace $0x80000048  }
0xb4: {  	_ =	swait.ge [sflag:s29], $0x1  }
0xb5: {  	[sflag:s29] =	ssyncadd.s32 $0xFFFFFFFF  }
0xb6: {  	_ =	strace $0x90000048  }
0xb7: {  	_ =	sfence  }
0xb8: {  	s30 =	sld [smem:$0x0];
	_ =	sdelay $0x2  }
0xb9: {  	s31 =	sshll.u32 s1, $0xD;
	s1 =	sshrl.u32 s1, $0x2  }
0xba: {  	s3 =	sand.u32 $0x4000, s31;
	s1 =	sadd.s32 s1, s30  }
0xbb: {  	s0 =	sor.u32 s3, s0;
	s1 =	sshll.u32 s1, $0x11  }
0xbc: {  	s0 =	sor.u32 s1, s0  }
0xbd: {  	s0 =	sadd.s32 $0x8F2B, s0  }
0xbe: {  	[sflag:s0] =	ssyncadd.remote.s32 $0x1  }
0xbf: {  	_ =	sfence.sel $0xFFFF  }
0xc0: {  	[dreg:$0x0] =	wrdreg $0xFFFFFFFF;
	(pc) =	sbr.abs _section_cstart, $3  }
0xc1: {  	[dreg:$0x1] =	wrdreg $0xFFFFFFFF  }
0xc2: {  	_ =	task.clear_ibuf [dreg:s7], $0x2FFFF;
	_ =	strace $0x9FFFFFFF  }
0xc3: {  	(tm) =	ssettm $0x7FFFFFFF  }
tec
execute0_lowered:
.L_overlay_start_1:
0x0: {  	(tag) =	ssettag $0x1  }
0x1: {  	s6 =	rddreg [dreg:$0x0]  }
0x2: {  	s2 =	rddreg [dreg:$0x1]  }
0x3: {  	s0 =	srdreg.scid;
	s3 =	rddreg [dreg:$0x2]  }
0x4: {  	s4 =	simm.s32 $0x0;
	s13 =	simm.s32 $0x80;
	s14 =	simm.s32 $0x100  }
0x5: {  	s15 =	simm.s32 $0x180;
	s16 =	simm.s32 $0x200;
	s17 =	simm.s32 $0x280  }
0x6: {  	s18 =	simm.s32 $0x300;
	s5 =	sand.u32 $0x1, s0;
	s0 =	stileid.u32  }
0x7: {  	s19 =	simm.s32 $0x380;
	s20 =	simm.s32 $0x1;
	s8 =	smul.u32 $0x2780, s0  }
0x8: {  	s21 =	simm.s32 $0x0;
	[smem:$0x7FF] =	sst s4;
	s9 =	smul.u32 $0x4F0, s0  }
0x9: {  	s1 =	sshll.u32 s5, $0x4;
	s10 =	smul.u32 $0x4F00, s5;
	s5 =	ssub.s32 $0x2, s5  }
0xa: {  	s31 =	sshll.u32 s0, $0x6;
	s1 =	sor.u32 s0, s1;
	s30 =	sshrl.u32 s5, $0x1  }
0xb: {  	s7 =	smul.u32 $0x500, s1;
	s1 =	rddreg [dreg:$0x3];
	_ =	strace $0x80000047  }
0xc: {  	s11 =	sshrl.u32 s8, $0x3;
	s9 =	sadd.s32 s9, s10;
	s10 =	ssub.s32 s5, s30  }
0xd: {  	s12 =	sadd.s32 s8, s3;
	s11 =	sadd.s32 s11, s6;
	s9 =	sadd.s32 s9, s6  }
0xe: {  	s7 =	sadd.s32 s7, s6;
	s5 =	sadd.s32 $0xD600, s11;
	s6 =	sor.u32 $0x1C02, s31  }
0xf: {  	s8 =	sadd.s32 $0x12600, s9;
	s9 =	smax.u32 s10, $0x1;
	s10 =	sshrl.u32 s12, $0x3  }
0x10: {  	s11 =	simm.s32 $0x2;
	s12 =	simm.s32 $0x2800;
	s7 =	sadd.s32 $0x3600, s7  }
.LBB2_1:
0x11: {  	[spmem:s10], [sflag:s6] =	dma.local [hbm:s5], $0x4F0  }
0x12: {  	_ =	swait.ge [sflag:s11], $0x4F0  }
0x13: {  	[sflag:s11] =	ssyncset.done $0x0  }
0x14: {  	[sflag:s11] =	ssyncadd.s32 $0xFFFFFB10  }
0x15: {  	[tilespmem:s4], [sflag:$0x2] =	stream.linear.gather [hbm4b:s7+s4], $0x2800, $0x38;
	[tilespmem:$0x5780] =	vst v63  }
0x16: {  	_ =	swait.ge [sflag:s11], $0x2800  }
0x17: {  	[sflag:s11] =	ssyncset.done $0x0  }
0x18: {  	[sflag:s11] =	ssyncadd.s32 $0xFFFFD800  }
0x19: {  	[tilespmem:s12], [sflag:$0x2] =	stream.linear.gather [hbm4b:s2+s4], $0x800, $0x38;
	[tilespmem:$0x5780] =	vst v63  }
0x1a: {  	_ =	swait.ge [sflag:s11], $0x800  }
0x1b: {  	[sflag:s11] =	ssyncset.done $0x0  }
0x1c: {  	[sflag:s11] =	ssyncadd.s32 $0xFFFFF800  }
0x1d: {  	[bflag:$0x0] =	sbarrier.arrive $0xFFFF  }
0x1e: {  	[spmem:s3] =	stream.indirect.scatter.add.f32 [tilespmem:s12], [sflag:$0x1], $0x10, s4, s13, $0xb8;
	[tilespmem:$0x5780] =	vst v63  }
0x1f: {  	_ = 	snop  }
0x20: {  	[spmem:s3] =	stream.indirect.scatter.add.f32 [tilespmem:s12], [sflag:$0x1], $0x10, s13, s13, $0xb8;
	[tilespmem:$0x5780] =	vst v63  }
0x21: {  	_ = 	snop  }
0x22: {  	[spmem:s3] =	stream.indirect.scatter.add.f32 [tilespmem:s12], [sflag:$0x1], $0x10, s14, s13, $0xb8;
	[tilespmem:$0x5780] =	vst v63  }
0x23: {  	_ = 	snop  }
0x24: {  	[spmem:s3] =	stream.indirect.scatter.add.f32 [tilespmem:s12], [sflag:$0x1], $0x10, s15, s13, $0xb8;
	[tilespmem:$0x5780] =	vst v63  }
0x25: {  	_ = 	snop  }
0x26: {  	[spmem:s3] =	stream.indirect.scatter.add.f32 [tilespmem:s12], [sflag:$0x1], $0x10, s16, s13, $0xb8;
	[tilespmem:$0x5780] =	vst v63  }
0x27: {  	_ = 	snop  }
0x28: {  	[spmem:s3] =	stream.indirect.scatter.add.f32 [tilespmem:s12], [sflag:$0x1], $0x10, s17, s13, $0xb8;
	[tilespmem:$0x5780] =	vst v63  }
0x29: {  	_ = 	snop  }
0x2a: {  	[spmem:s3] =	stream.indirect.scatter.add.f32 [tilespmem:s12], [sflag:$0x1], $0x10, s18, s13, $0xb8;
	[tilespmem:$0x5780] =	vst v63  }
0x2b: {  	_ = 	snop  }
0x2c: {  	[spmem:s3] =	stream.indirect.scatter.add.f32 [tilespmem:s12], [sflag:$0x1], $0x10, s19, s13, $0xb8;
	[tilespmem:$0x5780] =	vst v63  }
0x2d: {  	s22 =	simm.s32 $0x400  }
0x2e: {  	[spmem:s3] =	stream.indirect.scatter.add.f32 [tilespmem:s12], [sflag:$0x1], $0x10, s22, s13, $0xb8;
	[tilespmem:$0x5780] =	vst v63  }
0x2f: {  	s24 =	simm.s32 $0x480  }
0x30: {  	[spmem:s3] =	stream.indirect.scatter.add.f32 [tilespmem:s12], [sflag:$0x1], $0x10, s24, s13, $0xb8;
	[tilespmem:$0x5780] =	vst v63  }
0x31: {  	s25 =	simm.s32 $0x500  }
0x32: {  	[spmem:s3] =	stream.indirect.scatter.add.f32 [tilespmem:s12], [sflag:$0x1], $0x10, s25, s13, $0xb8;
	[tilespmem:$0x5780] =	vst v63  }
0x33: {  	s26 =	simm.s32 $0x580  }
0x34: {  	[spmem:s3] =	stream.indirect.scatter.add.f32 [tilespmem:s12], [sflag:$0x1], $0x10, s26, s13, $0xb8;
	[tilespmem:$0x5780] =	vst v63  }
0x35: {  	s28 =	simm.s32 $0x600  }
0x36: {  	[spmem:s3] =	stream.indirect.scatter.add.f32 [tilespmem:s12], [sflag:$0x1], $0x10, s28, s13, $0xb8;
	[tilespmem:$0x5780] =	vst v63  }
0x37: {  	s29 =	simm.s32 $0x680  }
0x38: {  	[spmem:s3] =	stream.indirect.scatter.add.f32 [tilespmem:s12], [sflag:$0x1], $0x10, s29, s13, $0xb8;
	[tilespmem:$0x5780] =	vst v63  }
0x39: {  	s30 =	simm.s32 $0x700  }
0x3a: {  	[spmem:s3] =	stream.indirect.scatter.add.f32 [tilespmem:s12], [sflag:$0x1], $0x10, s30, s13, $0xb8;
	[tilespmem:$0x5780] =	vst v63  }
0x3b: {  	s31 =	simm.s32 $0x780  }
0x3c: {  	[spmem:s3] =	stream.indirect.scatter.add.f32 [tilespmem:s12], [sflag:$0x1], $0x10, s31, s13, $0xb8;
	[tilespmem:$0x5780] =	vst v63  }
0x3d: {  	_ =	swait.ge [sflag:s20], $0x800  }
0x3e: {  	[sflag:s20] =	ssyncset.done $0x0  }
0x3f: {  	[sflag:s20] =	ssyncadd.s32 $0xFFFFF800  }
0x40: {  	_ =	swait.ge [sflag:s20], $0x800  }
0x41: {  	[sflag:s20] =	ssyncset.done $0x0  }
0x42: {  	[sflag:s20] =	ssyncadd.s32 $0xFFFFF800  }
0x43: {  	_ =	swait.ge [sflag:s20], $0x800  }
0x44: {  	[sflag:s20] =	ssyncset.done $0x0  }
0x45: {  	[sflag:s20] =	ssyncadd.s32 $0xFFFFF800  }
0x46: {  	_ =	swait.ge [sflag:s20], $0x800  }
0x47: {  	[sflag:s20] =	ssyncset.done $0x0  }
0x48: {  	[sflag:s20] =	ssyncadd.s32 $0xFFFFF800  }
0x49: {  	_ =	swait.ge [sflag:s20], $0x800  }
0x4a: {  	[sflag:s20] =	ssyncset.done $0x0  }
0x4b: {  	[sflag:s20] =	ssyncadd.s32 $0xFFFFF800  }
0x4c: {  	_ =	swait.ge [sflag:s20], $0x800  }
0x4d: {  	[sflag:s20] =	ssyncset.done $0x0  }
0x4e: {  	[sflag:s20] =	ssyncadd.s32 $0xFFFFF800  }
0x4f: {  	_ =	swait.ge [sflag:s20], $0x800  }
0x50: {  	[sflag:s20] =	ssyncset.done $0x0  }
0x51: {  	[sflag:s20] =	ssyncadd.s32 $0xFFFFF800  }
0x52: {  	_ =	swait.ge [sflag:s20], $0x800  }
0x53: {  	s24 =	simm.s32 $0x400;
	s25 =	simm.s32 $0x2000;
	[sflag:s20] =	ssyncset.done $0x0  }
.LBB2_2:
0x54: {  	s26 =	sadd.s32 $0x400, s24  }
0x55: {  	[sflag:s20] =	ssyncadd.s32 $0xFFFFF800;
	s23 =	smov.u32 s25;
	s22 =	sadd.s32 $0x1000, s25  }
0x56: {  	[spmem:s3] =	stream.indirect.scatter.add.f32 [tilespmem:s12], [sflag:$0x1], $0x10, s26, s13, $0xb8;
	[tilespmem:$0x5780] =	vst v63  }
0x57: {  	p0 =	sne.s32 s25, $0x8000;
	s25 =	sadd.s32 $0x480, s24  }
0x58: {  	[spmem:s3] =	stream.indirect.scatter.add.f32 [tilespmem:s12], [sflag:$0x1], $0x10, s25, s13, $0xb8;
	[tilespmem:$0x5780] =	vst v63  }
0x59: {  	s25 =	sadd.s32 $0x500, s24  }
0x5a: {  	[spmem:s3] =	stream.indirect.scatter.add.f32 [tilespmem:s12], [sflag:$0x1], $0x10, s25, s13, $0xb8;
	[tilespmem:$0x5780] =	vst v63  }
0x5b: {  	s25 =	sadd.s32 $0x580, s24  }
0x5c: {  	[spmem:s3] =	stream.indirect.scatter.add.f32 [tilespmem:s12], [sflag:$0x1], $0x10, s25, s13, $0xb8;
	[tilespmem:$0x5780] =	vst v63  }
0x5d: {  	s25 =	sadd.s32 $0x600, s24  }
0x5e: {  	[spmem:s3] =	stream.indirect.scatter.add.f32 [tilespmem:s12], [sflag:$0x1], $0x10, s25, s13, $0xb8;
	[tilespmem:$0x5780] =	vst v63  }
0x5f: {  	s25 =	sadd.s32 $0x680, s24  }
0x60: {  	[spmem:s3] =	stream.indirect.scatter.add.f32 [tilespmem:s12], [sflag:$0x1], $0x10, s25, s13, $0xb8;
	[tilespmem:$0x5780] =	vst v63  }
0x61: {  	s25 =	sadd.s32 $0x700, s24  }
0x62: {  	[spmem:s3] =	stream.indirect.scatter.add.f32 [tilespmem:s12], [sflag:$0x1], $0x10, s25, s13, $0xb8;
	[tilespmem:$0x5780] =	vst v63  }
0x63: {  	s24 =	sadd.s32 $0x780, s24  }
0x64: {  	[spmem:s3] =	stream.indirect.scatter.add.f32 [tilespmem:s12], [sflag:$0x1], $0x10, s24, s13, $0xb8;
	[tilespmem:$0x5780] =	vst v63  }
0x65: {  	_ =	swait.ge [sflag:s20], $0x800  }
0x66: {  	[sflag:s20] =	ssyncset.done $0x0  }
0x67: {  	[sflag:s20] =	ssyncadd.s32 $0xFFFFF800  }
0x68: {  	_ =	swait.ge [sflag:s20], $0x800  }
0x69: {  	[sflag:s20] =	ssyncset.done $0x0  }
0x6a: {  	[sflag:s20] =	ssyncadd.s32 $0xFFFFF800  }
0x6b: {  	_ =	swait.ge [sflag:s20], $0x800  }
0x6c: {  	[sflag:s20] =	ssyncset.done $0x0  }
0x6d: {  	[sflag:s20] =	ssyncadd.s32 $0xFFFFF800  }
0x6e: {  	_ =	swait.ge [sflag:s20], $0x800  }
0x6f: {  	[sflag:s20] =	ssyncset.done $0x0  }
0x70: {  	[sflag:s20] =	ssyncadd.s32 $0xFFFFF800  }
0x71: {  	_ =	swait.ge [sflag:s20], $0x800  }
0x72: {  	[sflag:s20] =	ssyncset.done $0x0  }
0x73: {  	[sflag:s20] =	ssyncadd.s32 $0xFFFFF800  }
0x74: {  	_ =	swait.ge [sflag:s20], $0x800  }
0x75: {  	[sflag:s20] =	ssyncset.done $0x0  }
0x76: {  	[sflag:s20] =	ssyncadd.s32 $0xFFFFF800  }
.Ltmp0:
0x77: {  	_ =	swait.ge [sflag:s20], $0x800;
	(pc) =	sbr.rel @p0 .LBB2_2-.Ltmp0, $4  }
0x78: {  	[sflag:s20] =	ssyncset.done $0x0  }
0x79: {  	[sflag:s20] =	ssyncadd.s32 $0xFFFFF800  }
0x7a: {  	_ =	swait.ge [sflag:s20], $0x800  }
0x7b: {  	s25 =	smov.u32 s22;
	s24 =	sshra.s32 s23, $0x2;
	[sflag:s20] =	ssyncset.done $0x0  }
0x7c: {  	s22 =	sadd.s32 $0x400, s24;
	[sflag:s20] =	ssyncadd.s32 $0xFFFFF800  }
0x7d: {  	[spmem:s3] =	stream.indirect.scatter.add.f32 [tilespmem:s12], [sflag:$0x1], $0x10, s22, s13, $0xb8;
	[tilespmem:$0x5780] =	vst v63  }
0x7e: {  	s23 =	sadd.s32 $0x480, s24  }
0x7f: {  	[spmem:s3] =	stream.indirect.scatter.add.f32 [tilespmem:s12], [sflag:$0x1], $0x10, s23, s13, $0xb8;
	[tilespmem:$0x5780] =	vst v63  }
0x80: {  	s25 =	sadd.s32 $0x500, s24  }
0x81: {  	[spmem:s3] =	stream.indirect.scatter.add.f32 [tilespmem:s12], [sflag:$0x1], $0x10, s25, s13, $0xb8;
	[tilespmem:$0x5780] =	vst v63  }
0x82: {  	s26 =	sadd.s32 $0x580, s24  }
0x83: {  	[spmem:s3] =	stream.indirect.scatter.add.f32 [tilespmem:s12], [sflag:$0x1], $0x10, s26, s13, $0xb8;
	[tilespmem:$0x5780] =	vst v63  }
0x84: {  	s28 =	sadd.s32 $0x600, s24  }
0x85: {  	[spmem:s3] =	stream.indirect.scatter.add.f32 [tilespmem:s12], [sflag:$0x1], $0x10, s28, s13, $0xb8;
	[tilespmem:$0x5780] =	vst v63  }
0x86: {  	s29 =	sadd.s32 $0x680, s24  }
0x87: {  	[spmem:s3] =	stream.indirect.scatter.add.f32 [tilespmem:s12], [sflag:$0x1], $0x10, s29, s13, $0xb8;
	[tilespmem:$0x5780] =	vst v63  }
0x88: {  	s30 =	sadd.s32 $0x700, s24  }
0x89: {  	[spmem:s3] =	stream.indirect.scatter.add.f32 [tilespmem:s12], [sflag:$0x1], $0x10, s30, s13, $0xb8;
	[tilespmem:$0x5780] =	vst v63  }
0x8a: {  	s31 =	sadd.s32 $0x780, s24  }
0x8b: {  	[spmem:s3] =	stream.indirect.scatter.add.f32 [tilespmem:s12], [sflag:$0x1], $0x10, s31, s13, $0xb8;
	[tilespmem:$0x5780] =	vst v63  }
0x8c: {  	_ =	swait.ge [sflag:s20], $0x800  }
0x8d: {  	[sflag:s20] =	ssyncset.done $0x0  }
0x8e: {  	[sflag:s20] =	ssyncadd.s32 $0xFFFFF800  }
0x8f: {  	_ =	swait.ge [sflag:s20], $0x800  }
0x90: {  	[sflag:s20] =	ssyncset.done $0x0  }
0x91: {  	[sflag:s20] =	ssyncadd.s32 $0xFFFFF800  }
0x92: {  	_ =	swait.ge [sflag:s20], $0x800  }
0x93: {  	[sflag:s20] =	ssyncset.done $0x0  }
0x94: {  	[sflag:s20] =	ssyncadd.s32 $0xFFFFF800  }
0x95: {  	_ =	swait.ge [sflag:s20], $0x800  }
0x96: {  	[sflag:s20] =	ssyncset.done $0x0  }
0x97: {  	[sflag:s20] =	ssyncadd.s32 $0xFFFFF800  }
0x98: {  	_ =	swait.ge [sflag:s20], $0x800  }
0x99: {  	[sflag:s20] =	ssyncset.done $0x0  }
0x9a: {  	[sflag:s20] =	ssyncadd.s32 $0xFFFFF800  }
0x9b: {  	_ =	swait.ge [sflag:s20], $0x800  }
0x9c: {  	[sflag:s20] =	ssyncset.done $0x0  }
0x9d: {  	[sflag:s20] =	ssyncadd.s32 $0xFFFFF800  }
0x9e: {  	_ =	swait.ge [sflag:s20], $0x800  }
0x9f: {  	[sflag:s20] =	ssyncset.done $0x0  }
0xa0: {  	[sflag:s20] =	ssyncadd.s32 $0xFFFFF800  }
0xa1: {  	_ =	swait.ge [sflag:s20], $0x800  }
0xa2: {  	[sflag:s20] =	ssyncset.done $0x0  }
0xa3: {  	[sflag:s20] =	ssyncadd.s32 $0xFFFFF800  }
0xa4: {  	_ =	swait.ge [sflag:s20], $0x800  }
0xa5: {  	[sflag:s20] =	ssyncset.done $0x0  }
0xa6: {  	[sflag:s20] =	ssyncadd.s32 $0xFFFFF800  }
0xa7: {  	_ =	swait.ge [sflag:s20], $0x800  }
0xa8: {  	[sflag:s20] =	ssyncset.done $0x0  }
0xa9: {  	[sflag:s20] =	ssyncadd.s32 $0xFFFFF800  }
0xaa: {  	_ =	swait.ge [sflag:s20], $0x800  }
0xab: {  	[sflag:s20] =	ssyncset.done $0x0  }
0xac: {  	[sflag:s20] =	ssyncadd.s32 $0xFFFFF800  }
0xad: {  	_ =	swait.ge [sflag:s20], $0x800  }
0xae: {  	[sflag:s20] =	ssyncset.done $0x0  }
0xaf: {  	[sflag:s20] =	ssyncadd.s32 $0xFFFFF800  }
0xb0: {  	_ =	swait.ge [sflag:s20], $0x800  }
0xb1: {  	[sflag:s20] =	ssyncset.done $0x0  }
0xb2: {  	[sflag:s20] =	ssyncadd.s32 $0xFFFFF800  }
0xb3: {  	_ =	swait.ge [sflag:s20], $0x800  }
0xb4: {  	[sflag:s20] =	ssyncset.done $0x0  }
0xb5: {  	[sflag:s20] =	ssyncadd.s32 $0xFFFFF800  }
0xb6: {  	_ =	swait.ge [sflag:s20], $0x800  }
0xb7: {  	[sflag:s20] =	ssyncset.done $0x0  }
0xb8: {  	[sflag:s20] =	ssyncadd.s32 $0xFFFFF800  }
0xb9: {  	_ =	swait.ge [sflag:s20], $0x800  }
0xba: {  	s21 =	sadd.s32 $0x1, s21;
	[sflag:s20] =	ssyncset.done $0x0  }
0xbb: {  	p0 =	sne.s32 s21, s9;
	[sflag:s20] =	ssyncadd.s32 $0xFFFFF800  }
.Ltmp1:
0xbc: {  	[bflag:$0x0] =	sbarrier.arrive $0xFFFF;
	(pc) =	sbr.rel @p0 .LBB2_1-.Ltmp1, $4  }
0xbd: {  	[hbm:s8], [sflag:s6] =	dma.local [spmem:s10], $0x4F0  }
0xbe: {  	_ =	swait.ge [sflag:s11], $0x4F0  }
0xbf: {  	[sflag:s11] =	ssyncset.done $0x0  }
0xc0: {  	[sflag:s11] =	ssyncadd.s32 $0xFFFFFB10  }
0xc1: {  	_ =	sfence.sel $0x180000  }
0xc2: {  	[bflag:$0x0] =	sbarrier.arrive $0xFFFF  }
0xc3: {  	p0 =	sne.s32 s0, $0x0;
	_ =	strace $0x90000047  }
0xc4: {  	s0 =	sadd.s32 @!p0 $0x100000, s1;
	[bflag:$0x2] =	sbarrier.arrive $0xFFFF  }
0xc5: {  	[sflag:s0] =	ssyncadd.tile.s32 @!p0 $0x1;
	_ =	shalt  }
.Lfunc_end2:
_tile_overlayer_lowered:
.L_overlay_start_2:
0xc6: {  	(tag) =	ssettag $0x2  }
0xc7: {  	s0 =	rddreg [dreg:$0x0];
	s2 =	stileid.u32  }
0xc8: {  	s1 =	rddreg [dreg:$0x1];
	p0 =	sne.s32 s2, $0x0  }
0xc9: {  	s3 =	rddreg [dreg:$0x2];
	[bflag:$0x3] =	sbarrier.arrive $0xFFFF;
	s2 =	simm.s32 @!p0 $0x1C02  }
0xca: {  	[timem:s3], [sflag:s2] =	dma.local @!p0 [hbm:s0], s1  }
0xcb: {  	s0 =	simm.s32 @!p0 $0x2  }
0xcc: {  	_ =	swait.ge @!p0 [sflag:s0], s1  }
0xcd: {  	s1 =	ssub.s32 @!p0 $0x0, s1;
	[sflag:s0] =	ssyncset.done @!p0 $0x0  }
0xce: {  	[sflag:s0] =	ssyncadd.s32 @!p0 s1  }
0xcf: {  	[bflag:$0x3] =	sbarrier.arrive $0xFFFF  }
0xd0: {  	_ =	shalt  }

</sc_bundles>
